<compile_context>
chip_gen: v7x
topology: tpu7x:2x2x1
jax: 0.10.2.dev20260603
libtpu: 0.0.44.dev20260713+nightly
codegen_flags: <defaults>
</compile_context>

<pallas_src>
import jax
import jax.numpy as jnp
from jax import lax
from jax.experimental import pallas as pl
from jax.experimental.pallas import tpu as pltpu
from jax.experimental.pallas import tpu_sc as plsc

PR, PC = 5, 5
NR, NC = 128, 128
NB = 40
ALPHA = 15.0
Q = PR * PC
W1C = NC * PC
NBP = 48

_KS = 16

L = 16
NWORK = 32
CPW = NC // 2
RPW = PR
WCW = CPW * PC
HC = CPW // 2

TN = NR - _KS
TROWS = TN * PR


def _splat(v):
    return jnp.full((L,), v, jnp.int32)


def _sc_body(wd_h, big_h, bnd_h, out_h,
             w1b, u1f, dvb, nsb, npb, vxb, vyb, uxb, uyb,
             s1b, accb, cb, bndb, cidx, sems, osem):
    wid = lax.axis_index("s") * 2 + lax.axis_index("c")
    iota = lax.iota(jnp.int32, L)

    pltpu.sync_copy(bnd_h, bndb)

    ii = wid // 2
    jh = wid % 2
    r0 = ii * PR
    c0 = ii * NC + jh * CPW
    w0 = jh * WCW

    cp_w1 = pltpu.async_copy(wd_h.at[pl.ds(r0, RPW), pl.ds(w0, WCW)],
                             w1b, sems.at[0])
    cp_ns = pltpu.async_copy(big_h.at[pl.ds(0, Q), pl.ds(c0, HC)],
                             nsb, sems.at[1])
    cp_np = pltpu.async_copy(big_h.at[pl.ds(Q, Q), pl.ds(c0, HC)],
                             npb, sems.at[2])
    cp_vx = pltpu.async_copy(big_h.at[pl.ds(2 * Q, NB), pl.ds(c0, CPW)],
                             vxb, sems.at[3])
    cp_vy = pltpu.async_copy(big_h.at[pl.ds(2 * Q + NB, NB), pl.ds(c0, CPW)],
                             vyb, sems.at[4])
    cp_s1 = pltpu.async_copy(big_h.at[pl.ds(2 * Q + 2 * NB, 1),
                                      pl.ds(c0, CPW)], s1b, sems.at[5])
    cp_dv = pltpu.async_copy(wd_h.at[pl.ds(_KS * PR + r0, RPW),
                                     pl.ds(w0, WCW)], dvb, sems.at[6])

    @plsc.parallel_loop(0, WCW // L, 1, unroll=2)
    def cidx_ch(ch):
        cidx[pl.ds(ch * L, L)] = (ch * L + iota) // PC

    cp_w1.wait()
    for h in range(2):
        if h == 0:
            cp_ns.wait()
            cp_np.wait()
        else:
            cp_ns2.wait()
            cp_np2.wait()

        @plsc.parallel_loop(0, HC // L, 1, unroll=2)
        def build_ch(ch):
            gch = h * (HC // L) + ch
            jjv = gch * L + iota
            a = jnp.zeros((L,), jnp.float32)
            for q in range(Q):
                rowv = _splat(q % PR)
                colv = jjv * PC + (q // PR)
                val = plsc.load_gather(w1b, [rowv, colv])
                u1f[pl.ds(q * CPW + gch * L, L)] = val
                a = a + (nsb[q, pl.ds(ch * L, L)] - val) * npb[q, pl.ds(ch * L, L)]
            accb[pl.ds(gch * L, L)] = a
            cb[pl.ds(gch * L, L)] = jnp.zeros((L,), jnp.float32)

        if h == 0:
            cp_ns2 = pltpu.async_copy(big_h.at[pl.ds(0, Q),
                                               pl.ds(c0 + HC, HC)],
                                      nsb, sems.at[1])
            cp_np2 = pltpu.async_copy(big_h.at[pl.ds(Q, Q),
                                               pl.ds(c0 + HC, HC)],
                                      npb, sems.at[2])

    def bld_row(b, _):
        ox0 = plsc.load_gather(bndb, [_splat(0), _splat(b)]) * CPW
        ox1 = plsc.load_gather(bndb, [_splat(1), _splat(b)]) * CPW
        oy0 = plsc.load_gather(bndb, [_splat(2), _splat(b)]) * CPW
        oy1 = plsc.load_gather(bndb, [_splat(3), _splat(b)]) * CPW

        @plsc.parallel_loop(0, CPW // L, 1, unroll=4)
        def bld_ch(ch):
            colv = ch * L + iota
            sl = pl.ds(ch * L, L)
            uxb[b, sl] = (plsc.load_gather(u1f, [ox0 + colv])
                          - plsc.load_gather(u1f, [ox1 + colv]))
            uyb[b, sl] = (plsc.load_gather(u1f, [oy0 + colv])
                          - plsc.load_gather(u1f, [oy1 + colv]))
        return 0
    lax.fori_loop(0, NB, bld_row, 0, unroll=False)

    cp_vx.wait()
    cp_vy.wait()
    cp_s1.wait()

    def fp(it, _):
        @plsc.parallel_loop(0, CPW // L, 1, unroll=2)
        def ch_body(ch):
            sl = pl.ds(ch * L, L)
            cv = cb[sl]
            def row(b, carry):
                f, s = carry
                uxv = uxb[b, sl]
                uyv = uyb[b, sl]
                vxv = vxb[b, sl]
                vyv = vyb[b, sl]
                ucx = uxv + cv * vxv
                ucy = uyv + cv * vyv
                u2 = ucx * ucx + ucy * ucy + 1e-4
                ib = plsc.bitcast(u2, jnp.int32)
                y = plsc.bitcast(jnp.int32(0x5F3759DF) - (ib >> 1),
                                 jnp.float32)
                y = y * (1.5 - (0.5 * u2) * y * y)
                f = f + (vxv * vxv + vyv * vyv) * y
                s = s + (uxv * vxv + uyv * vyv) * y
                return f, s
            z = jnp.zeros((L,), jnp.float32)
            f, s = lax.fori_loop(0, NB, row, (z, z), unroll=False)
            cb[sl] = (accb[sl] - ALPHA * s) / (ALPHA * f + s1b[0, sl])
        return 0
    lax.fori_loop(0, 6, fp, 0, unroll=False)

    cp_dv.wait()
    for rl in range(RPW):

        @plsc.parallel_loop(0, WCW // L, 1, unroll=4)
        def out_ch(ch):
            sl = pl.ds(ch * L, L)
            cg = plsc.load_gather(cb, [cidx[sl]])
            w1b[rl, sl] = w1b[rl, sl] + cg * dvb[rl, sl]

    pltpu.async_copy(w1b, out_h.at[pl.ds(r0, RPW), pl.ds(w0, WCW)],
                     osem).wait()


def _make_sc():
    mesh = plsc.VectorSubcoreMesh(core_axis_name="c", subcore_axis_name="s",
                                  num_cores=2, num_subcores=16)
    return pl.kernel(
        _sc_body,
        out_type=jax.ShapeDtypeStruct((_KS * PR, W1C), jnp.float32),
        mesh=mesh,
        compiler_params=pltpu.CompilerParams(use_tc_tiling_on_sc=False,
                                             needs_layout_passes=False),
        scratch_types=[
            pltpu.VMEM((RPW, WCW), jnp.float32),
            pltpu.VMEM((Q * CPW,), jnp.float32),
            pltpu.VMEM((RPW, WCW), jnp.float32),
            pltpu.VMEM((Q, HC), jnp.float32),
            pltpu.VMEM((Q, HC), jnp.float32),
            pltpu.VMEM((NB, CPW), jnp.float32),
            pltpu.VMEM((NB, CPW), jnp.float32),
            pltpu.VMEM((NB, CPW), jnp.float32),
            pltpu.VMEM((NB, CPW), jnp.float32),
            pltpu.VMEM((1, CPW), jnp.float32),
            pltpu.VMEM((CPW,), jnp.float32),
            pltpu.VMEM((CPW,), jnp.float32),
            pltpu.VMEM((4, NBP), jnp.int32),
            pltpu.VMEM((WCW,), jnp.int32),
            pltpu.SemaphoreType.DMA((7,)),
            pltpu.SemaphoreType.DMA,
        ],
    )


BI = 16
NSTEP = TN // BI
OFF = _KS // BI
BC = BI * NC
BR = BI * PR


def _tc_body(w1r, nsr, npr, vxr, vyr, dvr, s1r, sxr, syr, outr, uscr, cscr):
    cidx = lax.broadcasted_iota(jnp.int32, (W1C, NC), 0)
    jidx = lax.broadcasted_iota(jnp.int32, (W1C, NC), 1)
    w1v = w1r[...]
    for g in range(PC):
        csel = (cidx == jidx * PC + g).astype(jnp.float32)
        ag = jnp.dot(w1v, csel, preferred_element_type=jnp.float32)
        for il in range(BI):
            uscr[pl.ds(g * PR, PR), pl.ds(il * NC, NC)] = (
                ag[il * PR:(il + 1) * PR, :])

    uall = uscr[...]
    acc = jnp.sum((nsr[...] - uall) * npr[...], axis=0, keepdims=True)

    ux = jnp.dot(sxr[...], uall, preferred_element_type=jnp.float32)
    uy = jnp.dot(syr[...], uall, preferred_element_type=jnp.float32)

    vxv = vxr[...]
    vyv = vyr[...]
    a1 = vxv * vxv + vyv * vyv
    c1 = ux * vxv + uy * vyv
    s1v = s1r[...].reshape(1, BC)

    c = jnp.zeros((1, BC), jnp.float32)
    for _ in range(6):
        ucx = ux + c * vxv
        ucy = uy + c * vyv
        rb = lax.rsqrt(ucx * ucx + ucy * ucy + 1e-4)
        firs = jnp.sum(a1 * rb, axis=0, keepdims=True)
        sec = jnp.sum(c1 * rb, axis=0, keepdims=True)
        c = (acc - ALPHA * sec) / (ALPHA * firs + s1v)

    for il in range(BI):
        cscr[il, :] = c[0, il * NC:(il + 1) * NC]
    brow = (lax.broadcasted_iota(jnp.int32, (BR, BI), 0) // PR
            == lax.broadcasted_iota(jnp.int32, (BR, BI), 1)
            ).astype(jnp.float32)
    bcol = (lax.broadcasted_iota(jnp.int32, (NC, W1C), 1) // PC
            == lax.broadcasted_iota(jnp.int32, (NC, W1C), 0)
            ).astype(jnp.float32)
    dc = jnp.dot(jnp.dot(brow, cscr[...], preferred_element_type=jnp.float32),
                 bcol, preferred_element_type=jnp.float32)
    outr[...] = w1v + dc * dvr[...]


def _make_tc():
    return pl.pallas_call(
        _tc_body,
        grid=(NSTEP,),
        in_specs=[
            pl.BlockSpec((BR, W1C), lambda i: (OFF + i, 0)),
            pl.BlockSpec((Q, BC), lambda i: (0, OFF + i)),
            pl.BlockSpec((Q, BC), lambda i: (0, OFF + i)),
            pl.BlockSpec((NB, BC), lambda i: (0, OFF + i)),
            pl.BlockSpec((NB, BC), lambda i: (0, OFF + i)),
            pl.BlockSpec((BR, W1C), lambda i: (OFF + i, 0)),
            pl.BlockSpec((BC,), lambda i: (OFF + i,)),
            pl.BlockSpec((NB, Q), lambda i: (0, 0)),
            pl.BlockSpec((NB, Q), lambda i: (0, 0)),
        ],
        out_specs=pl.BlockSpec((BR, W1C), lambda i: (i, 0)),
        out_shape=jax.ShapeDtypeStruct((TN * PR, W1C), jnp.float32),
        scratch_shapes=[pltpu.VMEM((Q, BC), jnp.float32),
                        pltpu.VMEM((BI, NC), jnp.float32)],
        compiler_params=pltpu.CompilerParams(
            dimension_semantics=("arbitrary",),
            vmem_limit_bytes=110 * 1024 * 1024),
    )


def kernel(w1, noise_ch, nphi, vx, vy, dv1, s1, bnd_idx, bnd_idy):
    bnd = jnp.pad(jnp.concatenate([bnd_idx.astype(jnp.int32).T,
                                   bnd_idy.astype(jnp.int32).T], axis=0),
                  ((0, 0), (0, NBP - NB)))

    r0 = _KS * PR
    c0 = _KS * NC
    wd = jnp.concatenate([w1[:r0], dv1[:r0]], axis=0)
    big = jnp.concatenate([noise_ch[:, :c0], nphi[:, :c0], vx[:, :c0],
                           vy[:, :c0], s1[None, :c0]], axis=0)
    sc_out = _make_sc()(wd, big, bnd)
    qio = jnp.arange(Q, dtype=jnp.int32)[None, :]
    sx = ((qio == bnd[0, :NB, None]).astype(jnp.float32)
          - (qio == bnd[1, :NB, None]).astype(jnp.float32))
    sy = ((qio == bnd[2, :NB, None]).astype(jnp.float32)
          - (qio == bnd[3, :NB, None]).astype(jnp.float32))
    tc_out = _make_tc()(w1, noise_ch, nphi, vx, vy, dv1, s1, sx, sy)
    return jnp.concatenate([sc_out, tc_out], axis=0)

# --- scband reference (transcript-rebuilt; emitter-appended) ---
"""Pipeline reference for scband-mgmc-14087492730919 (READ-ONLY COPY).

The authoritative reference and input builder live on the scoring server;
editing this copy changes nothing except your own understanding.
"""

import jax, jax.numpy as jnp
import numpy as np

PR, PC = 5, 5
NR, NC = 128, 128
NB = 40
ALPHA = 15.0


def setup_inputs(seed: int = 0) -> dict:
    key = jax.random.key(seed)
    ks = jax.random.split(key, 9)
    w1 = jax.random.normal(ks[0], (NR * PR, NC * PC), dtype=jnp.float32)
    noise_ch = jax.random.normal(ks[1], (PR * PC, NR * NC), dtype=jnp.float32)
    nphi = jax.random.uniform(ks[2], (PR * PC, NR * NC), dtype=jnp.float32)
    vx = jax.random.normal(ks[3], (NB, NR * NC), dtype=jnp.float32)
    vy = jax.random.normal(ks[4], (NB, NR * NC), dtype=jnp.float32)
    dv1 = jax.random.uniform(ks[5], (NR * PR, NC * PC), dtype=jnp.float32)
    s1 = jax.random.uniform(ks[6], (NR * NC,), dtype=jnp.float32) + 1.0
    bnd_idx = jax.random.randint(ks[7], (NB, 2), 0, PR * PC).astype(jnp.int64)
    bnd_idy = jax.random.randint(ks[8], (NB, 2), 0, PR * PC).astype(jnp.int64)
    return {"w1": w1, "noise_ch": noise_ch, "nphi": nphi, "vx": vx, "vy": vy,
            "dv1": dv1, "s1": s1, "bnd_idx": bnd_idx, "bnd_idy": bnd_idy}


def _to_patch_cols(w1):
    # Faithful port of the torch loop:
    # U1ch[:, ii*nc:(ii+1)*nc] = w1[ii*pr:(ii+1)*pr, :].T.reshape(-1, pr*pc).T
    blocks = []
    for ii in range(NR):
        blk = w1[ii * PR:(ii + 1) * PR, :]              # [PR, NC*PC]
        blocks.append(blk.T.reshape(NC, PR * PC).T)      # [PR*PC, NC]
    return jnp.concatenate(blocks, axis=1)               # [PR*PC, NR*NC]


def reference(w1, noise_ch, nphi, vx, vy, dv1, s1, bnd_idx, bnd_idy):
    # Port of MGMC.MMC_fix (the core subdomain solve) followed by the
    # w1 + du1 update from MMC_DDM.
    U1ch = _to_patch_cols(w1)
    zbar = noise_ch - U1ch
    zstar = jnp.sum(zbar * nphi, axis=0) / s1
    ux = U1ch[bnd_idx[:, 0], :] - U1ch[bnd_idx[:, 1], :]
    uy = U1ch[bnd_idy[:, 0], :] - U1ch[bnd_idy[:, 1], :]
    c = jnp.zeros((1, ux.shape[1]), dtype=w1.dtype)
    A1 = vx ** 2 + vy ** 2
    a = jnp.ones((ux.shape[0], 1), dtype=w1.dtype)
    C1 = ux * vx + uy * vy
    for _ in range(6):
        tmpc = a @ c
        ucx = ux + tmpc * vx
        ucy = uy + tmpc * vy
        B1 = jnp.sqrt(ucx ** 2 + ucy ** 2 + 0.0001)
        firs = jnp.sum(A1 / B1, axis=0)
        sec = jnp.sum(C1 / B1, axis=0)
        c = ((s1 * zstar - ALPHA * sec) / (ALPHA * firs + s1))[None, :]
    dc1 = jnp.kron(c.T.reshape(NR, NC), jnp.ones((PR, PC), dtype=w1.dtype))
    du1 = dc1 * dv1
    return w1 + du1

if __name__ == "__main__":
    import jax
    _d = setup_inputs()
    print(jax.jit(kernel)(*tuple(_d.values())))

</pallas_src>

<mosaic_0001>
#map = affine_map<(d0, d1) -> (0, 0)>
module attributes {stable_mosaic.version = 14 : i64} {
  func.func @_sc_body(%arg0: i32, %arg1: i32, %arg2: memref<160x640xf32, #tpu.memory_space<hbm>>, %arg3: memref<131x2048xf32, #tpu.memory_space<hbm>>, %arg4: memref<4x48xi32, #tpu.memory_space<hbm>>, %arg5: memref<80x640xf32, #tpu.memory_space<hbm>>, %arg6: memref<5x320xf32, #tpu.memory_space<vmem>>, %arg7: memref<1600xf32, #tpu.memory_space<vmem>>, %arg8: memref<5x320xf32, #tpu.memory_space<vmem>>, %arg9: memref<25x32xf32, #tpu.memory_space<vmem>>, %arg10: memref<25x32xf32, #tpu.memory_space<vmem>>, %arg11: memref<40x64xf32, #tpu.memory_space<vmem>>, %arg12: memref<40x64xf32, #tpu.memory_space<vmem>>, %arg13: memref<40x64xf32, #tpu.memory_space<vmem>>, %arg14: memref<40x64xf32, #tpu.memory_space<vmem>>, %arg15: memref<1x64xf32, #tpu.memory_space<vmem>>, %arg16: memref<64xf32, #tpu.memory_space<vmem>>, %arg17: memref<64xf32, #tpu.memory_space<vmem>>, %arg18: memref<4x48xi32, #tpu.memory_space<vmem>>, %arg19: memref<320xi32, #tpu.memory_space<vmem>>, %arg20: memref<7x!tpu.dma_semaphore, #tpu.memory_space<semaphore_mem>>, %arg21: memref<!tpu.dma_semaphore, #tpu.memory_space<semaphore_mem>>) attributes {dimension_semantics = [#tpu.dimension_semantics<core_parallel>, #tpu.dimension_semantics<subcore_parallel>], iteration_bounds = array<i64: 2, 16>, scalar_prefetch = 0 : i64, scratch_operands = 16 : i64, tpu.core_type = #tpu.core_type<sc_vector_subcore>, window_params = [{transform_indices = #map}, {transform_indices = #map}, {transform_indices = #map}, {transform_indices = #map}]} {
    %mul3A = arith.constant 2 : i32
    %mul3A_0 = arith.muli %arg1, %mul3A : i32
    %add3A = arith.addi %mul3A_0, %arg0 : i32
    %iota3A = tpu.iota {dimensions = array<i32: 0>} : vector<16xi32>
    "tpu.region"() ({
      %run_scoped3A = tpu.sem_alloc : memref<!tpu.dma_semaphore, #tpu.memory_space<semaphore_mem>>
      tpu.enqueue_dma source(%arg4 : memref<4x48xi32, #tpu.memory_space<hbm>>) target(%arg18 : memref<4x48xi32, #tpu.memory_space<vmem>>) target_semaphore(%run_scoped3A : memref<!tpu.dma_semaphore, #tpu.memory_space<semaphore_mem>>)
      tpu.wait_dma2 semaphore(%run_scoped3A : memref<!tpu.dma_semaphore, #tpu.memory_space<semaphore_mem>>) src(%arg4 : memref<4x48xi32, #tpu.memory_space<hbm>>) dst(%arg18 : memref<4x48xi32, #tpu.memory_space<vmem>>)
      tpu.yield
    }) : () -> ()
    %jit3A = arith.constant 2 : i32
    %div3A = arith.divsi %add3A, %jit3A : i32
    %sign3A = arith.constant 0 : i32
    %sign3A_1 = arith.cmpi sgt, %add3A, %sign3A : i32
    %sign3A_2 = arith.extui %sign3A_1 : i1 to i32
    %sign3A_3 = arith.constant 0 : i32
    %sign3A_4 = arith.cmpi slt, %add3A, %sign3A_3 : i32
    %sign3A_5 = arith.extui %sign3A_4 : i1 to i32
    %sign3A_6 = arith.subi %sign3A_2, %sign3A_5 : i32
    %sign3A_7 = arith.constant 0 : i32
    %sign3A_8 = arith.cmpi sgt, %jit3A, %sign3A_7 : i32
    %sign3A_9 = arith.extui %sign3A_8 : i1 to i32
    %sign3A_10 = arith.constant 0 : i32
    %sign3A_11 = arith.cmpi slt, %jit3A, %sign3A_10 : i32
    %sign3A_12 = arith.extui %sign3A_11 : i1 to i32
    %sign3A_13 = arith.subi %sign3A_9, %sign3A_12 : i32
    %ne3A = arith.cmpi ne, %sign3A_6, %sign3A_13 : i32
    %rem3A = arith.remsi %add3A, %jit3A : i32
    %ne3A_14 = arith.constant 0 : i32
    %ne3A_15 = arith.cmpi ne, %rem3A, %ne3A_14 : i32
    %and3A = arith.andi %ne3A, %ne3A_15 : i1
    %sub3A = arith.constant 1 : i32
    %sub3A_16 = arith.subi %div3A, %sub3A : i32
    %select_n3A = arith.select %and3A, %sub3A_16, %div3A : i32
    %jit3A_17 = arith.constant 2 : i32
    %eq3A = arith.constant 0 : i32
    %eq3A_18 = arith.cmpi eq, %jit3A_17, %eq3A : i32
    %jit3A_19 = arith.constant 1 : i32
    %select_n3A_20 = arith.select %eq3A_18, %jit3A_19, %jit3A_17 : i32
    %rem3A_21 = arith.remsi %add3A, %select_n3A_20 : i32
    %ne3A_22 = arith.constant 0 : i32
    %ne3A_23 = arith.cmpi ne, %rem3A_21, %ne3A_22 : i32
    %lt3A = arith.constant 0 : i32
    %lt3A_24 = arith.cmpi slt, %rem3A_21, %lt3A : i32
    %lt3A_25 = arith.constant 0 : i32
    %lt3A_26 = arith.cmpi slt, %select_n3A_20, %lt3A_25 : i32
    %ne3A_27 = arith.xori %lt3A_24, %lt3A_26 : i1
    %and3A_28 = arith.andi %ne3A_27, %ne3A_23 : i1
    %add3A_29 = arith.addi %rem3A_21, %select_n3A_20 : i32
    %select_n3A_30 = arith.select %and3A_28, %add3A_29, %rem3A_21 : i32
    %mul3A_31 = arith.constant 5 : i32
    %mul3A_32 = arith.muli %select_n3A, %mul3A_31 : i32
    %mul3A_33 = arith.constant 128 : i32
    %mul3A_34 = arith.muli %select_n3A, %mul3A_33 : i32
    %mul3A_35 = arith.constant 64 : i32
    %mul3A_36 = arith.muli %select_n3A_30, %mul3A_35 : i32
    %add3A_37 = arith.addi %mul3A_34, %mul3A_36 : i32
    %mul3A_38 = arith.constant 320 : i32
    %mul3A_39 = arith.muli %select_n3A_30, %mul3A_38 : i32
    %dma_start3A = arith.constant 0 : i32
    %dma_start3A_40 = tpu.memref_slice %arg2[%mul3A_32, %mul3A_39] : memref<160x640xf32, #tpu.memory_space<hbm>> -> memref<5x320xf32, #tpu.memory_space<hbm>>
    %dma_start3A_41 = tpu.memref_slice %arg20[%dma_start3A] : memref<7x!tpu.dma_semaphore, #tpu.memory_space<semaphore_mem>> -> memref<1x!tpu.dma_semaphore, #tpu.memory_space<semaphore_mem>>
    %dma_start3A_42 = tpu.memref_squeeze %dma_start3A_41 : memref<1x!tpu.dma_semaphore, #tpu.memory_space<semaphore_mem>> -> memref<!tpu.dma_semaphore, #tpu.memory_space<semaphore_mem>>
    %dma_start3A_43 = tpu.memref_slice %arg2[%mul3A_32, %mul3A_39] : memref<160x640xf32, #tpu.memory_space<hbm>> -> memref<5x320xf32, #tpu.memory_space<hbm>>
    tpu.enqueue_dma source(%dma_start3A_43 : memref<5x320xf32, #tpu.memory_space<hbm>>) target(%arg6 : memref<5x320xf32, #tpu.memory_space<vmem>>) target_semaphore(%dma_start3A_42 : memref<!tpu.dma_semaphore, #tpu.memory_space<semaphore_mem>>)
    %dma_start3A_44 = arith.constant 1 : i32
    %dma_start3A_45 = arith.constant 0 : i32
    %dma_start3A_46 = tpu.memref_slice %arg3[%dma_start3A_45, %add3A_37] : memref<131x2048xf32, #tpu.memory_space<hbm>> -> memref<25x32xf32, #tpu.memory_space<hbm>>
    %dma_start3A_47 = tpu.memref_slice %arg20[%dma_start3A_44] : memref<7x!tpu.dma_semaphore, #tpu.memory_space<semaphore_mem>> -> memref<1x!tpu.dma_semaphore, #tpu.memory_space<semaphore_mem>>
    %dma_start3A_48 = tpu.memref_squeeze %dma_start3A_47 : memref<1x!tpu.dma_semaphore, #tpu.memory_space<semaphore_mem>> -> memref<!tpu.dma_semaphore, #tpu.memory_space<semaphore_mem>>
    %dma_start3A_49 = arith.constant 0 : i32
    %dma_start3A_50 = tpu.memref_slice %arg3[%dma_start3A_49, %add3A_37] : memref<131x2048xf32, #tpu.memory_space<hbm>> -> memref<25x32xf32, #tpu.memory_space<hbm>>
    tpu.enqueue_dma source(%dma_start3A_50 : memref<25x32xf32, #tpu.memory_space<hbm>>) target(%arg9 : memref<25x32xf32, #tpu.memory_space<vmem>>) target_semaphore(%dma_start3A_48 : memref<!tpu.dma_semaphore, #tpu.memory_space<semaphore_mem>>)
    %dma_start3A_51 = arith.constant 2 : i32
    %dma_start3A_52 = arith.constant 25 : i32
    %dma_start3A_53 = tpu.memref_slice %arg3[%dma_start3A_52, %add3A_37] : memref<131x2048xf32, #tpu.memory_space<hbm>> -> memref<25x32xf32, #tpu.memory_space<hbm>>
    %dma_start3A_54 = tpu.memref_slice %arg20[%dma_start3A_51] : memref<7x!tpu.dma_semaphore, #tpu.memory_space<semaphore_mem>> -> memref<1x!tpu.dma_semaphore, #tpu.memory_space<semaphore_mem>>
    %dma_start3A_55 = tpu.memref_squeeze %dma_start3A_54 : memref<1x!tpu.dma_semaphore, #tpu.memory_space<semaphore_mem>> -> memref<!tpu.dma_semaphore, #tpu.memory_space<semaphore_mem>>
    %dma_start3A_56 = arith.constant 25 : i32
    %dma_start3A_57 = tpu.memref_slice %arg3[%dma_start3A_56, %add3A_37] : memref<131x2048xf32, #tpu.memory_space<hbm>> -> memref<25x32xf32, #tpu.memory_space<hbm>>
    tpu.enqueue_dma source(%dma_start3A_57 : memref<25x32xf32, #tpu.memory_space<hbm>>) target(%arg10 : memref<25x32xf32, #tpu.memory_space<vmem>>) target_semaphore(%dma_start3A_55 : memref<!tpu.dma_semaphore, #tpu.memory_space<semaphore_mem>>)
    %dma_start3A_58 = arith.constant 3 : i32
    %dma_start3A_59 = arith.constant 50 : i32
    %dma_start3A_60 = tpu.memref_slice %arg3[%dma_start3A_59, %add3A_37] : memref<131x2048xf32, #tpu.memory_space<hbm>> -> memref<40x64xf32, #tpu.memory_space<hbm>>
    %dma_start3A_61 = tpu.memref_slice %arg20[%dma_start3A_58] : memref<7x!tpu.dma_semaphore, #tpu.memory_space<semaphore_mem>> -> memref<1x!tpu.dma_semaphore, #tpu.memory_space<semaphore_mem>>
    %dma_start3A_62 = tpu.memref_squeeze %dma_start3A_61 : memref<1x!tpu.dma_semaphore, #tpu.memory_space<semaphore_mem>> -> memref<!tpu.dma_semaphore, #tpu.memory_space<semaphore_mem>>
    %dma_start3A_63 = arith.constant 50 : i32
    %dma_start3A_64 = tpu.memref_slice %arg3[%dma_start3A_63, %add3A_37] : memref<131x2048xf32, #tpu.memory_space<hbm>> -> memref<40x64xf32, #tpu.memory_space<hbm>>
    tpu.enqueue_dma source(%dma_start3A_64 : memref<40x64xf32, #tpu.memory_space<hbm>>) target(%arg11 : memref<40x64xf32, #tpu.memory_space<vmem>>) target_semaphore(%dma_start3A_62 : memref<!tpu.dma_semaphore, #tpu.memory_space<semaphore_mem>>)
    %dma_start3A_65 = arith.constant 4 : i32
    %dma_start3A_66 = arith.constant 90 : i32
    %dma_start3A_67 = tpu.memref_slice %arg3[%dma_start3A_66, %add3A_37] : memref<131x2048xf32, #tpu.memory_space<hbm>> -> memref<40x64xf32, #tpu.memory_space<hbm>>
    %dma_start3A_68 = tpu.memref_slice %arg20[%dma_start3A_65] : memref<7x!tpu.dma_semaphore, #tpu.memory_space<semaphore_mem>> -> memref<1x!tpu.dma_semaphore, #tpu.memory_space<semaphore_mem>>
    %dma_start3A_69 = tpu.memref_squeeze %dma_start3A_68 : memref<1x!tpu.dma_semaphore, #tpu.memory_space<semaphore_mem>> -> memref<!tpu.dma_semaphore, #tpu.memory_space<semaphore_mem>>
    %dma_start3A_70 = arith.constant 90 : i32
    %dma_start3A_71 = tpu.memref_slice %arg3[%dma_start3A_70, %add3A_37] : memref<131x2048xf32, #tpu.memory_space<hbm>> -> memref<40x64xf32, #tpu.memory_space<hbm>>
    tpu.enqueue_dma source(%dma_start3A_71 : memref<40x64xf32, #tpu.memory_space<hbm>>) target(%arg12 : memref<40x64xf32, #tpu.memory_space<vmem>>) target_semaphore(%dma_start3A_69 : memref<!tpu.dma_semaphore, #tpu.memory_space<semaphore_mem>>)
    %dma_start3A_72 = arith.constant 5 : i32
    %dma_start3A_73 = arith.constant 130 : i32
    %dma_start3A_74 = tpu.memref_slice %arg3[%dma_start3A_73, %add3A_37] : memref<131x2048xf32, #tpu.memory_space<hbm>> -> memref<1x64xf32, #tpu.memory_space<hbm>>
    %dma_start3A_75 = tpu.memref_slice %arg20[%dma_start3A_72] : memref<7x!tpu.dma_semaphore, #tpu.memory_space<semaphore_mem>> -> memref<1x!tpu.dma_semaphore, #tpu.memory_space<semaphore_mem>>
    %dma_start3A_76 = tpu.memref_squeeze %dma_start3A_75 : memref<1x!tpu.dma_semaphore, #tpu.memory_space<semaphore_mem>> -> memref<!tpu.dma_semaphore, #tpu.memory_space<semaphore_mem>>
    %dma_start3A_77 = arith.constant 130 : i32
    %dma_start3A_78 = tpu.memref_slice %arg3[%dma_start3A_77, %add3A_37] : memref<131x2048xf32, #tpu.memory_space<hbm>> -> memref<1x64xf32, #tpu.memory_space<hbm>>
    tpu.enqueue_dma source(%dma_start3A_78 : memref<1x64xf32, #tpu.memory_space<hbm>>) target(%arg15 : memref<1x64xf32, #tpu.memory_space<vmem>>) target_semaphore(%dma_start3A_76 : memref<!tpu.dma_semaphore, #tpu.memory_space<semaphore_mem>>)
    %add3A_79 = arith.constant 80 : i32
    %add3A_80 = arith.addi %add3A_79, %mul3A_32 : i32
    %dma_start3A_81 = arith.constant 6 : i32
    %dma_start3A_82 = tpu.memref_slice %arg2[%add3A_80, %mul3A_39] : memref<160x640xf32, #tpu.memory_space<hbm>> -> memref<5x320xf32, #tpu.memory_space<hbm>>
    %dma_start3A_83 = tpu.memref_slice %arg20[%dma_start3A_81] : memref<7x!tpu.dma_semaphore, #tpu.memory_space<semaphore_mem>> -> memref<1x!tpu.dma_semaphore, #tpu.memory_space<semaphore_mem>>
    %dma_start3A_84 = tpu.memref_squeeze %dma_start3A_83 : memref<1x!tpu.dma_semaphore, #tpu.memory_space<semaphore_mem>> -> memref<!tpu.dma_semaphore, #tpu.memory_space<semaphore_mem>>
    %dma_start3A_85 = tpu.memref_slice %arg2[%add3A_80, %mul3A_39] : memref<160x640xf32, #tpu.memory_space<hbm>> -> memref<5x320xf32, #tpu.memory_space<hbm>>
    tpu.enqueue_dma source(%dma_start3A_85 : memref<5x320xf32, #tpu.memory_space<hbm>>) target(%arg8 : memref<5x320xf32, #tpu.memory_space<vmem>>) target_semaphore(%dma_start3A_84 : memref<!tpu.dma_semaphore, #tpu.memory_space<semaphore_mem>>)
    %parallel_loop3A = arith.constant 0 : i32
    %parallel_loop3A_86 = arith.constant 20 : i32
    %parallel_loop3A_87 = arith.constant 1 : i32
    scf.for %parallel_loop3A_202 = %parallel_loop3A to %parallel_loop3A_86 step %parallel_loop3A_87  : i32 {
      %parallel_loop3A_203 = arith.constant 16 : i32
      %parallel_loop3A_204 = arith.muli %parallel_loop3A_202, %parallel_loop3A_203 : i32
      %parallel_loop3A_205 = vector.broadcast %parallel_loop3A_204 : i32 to vector<16xi32>
      %parallel_loop3A_206 = arith.addi %parallel_loop3A_205, %iota3A : vector<16xi32>
      %parallel_loop3A_207 = arith.constant 5 : i32
      %parallel_loop3A_208 = vector.broadcast %parallel_loop3A_207 : i32 to vector<16xi32>
      %parallel_loop3A_209 = arith.divsi %parallel_loop3A_206, %parallel_loop3A_208 : vector<16xi32>
      %parallel_loop3A_210 = arith.constant 0 : i32
      %parallel_loop3A_211 = vector.broadcast %parallel_loop3A_210 : i32 to vector<16xi32>
      %parallel_loop3A_212 = arith.cmpi sgt, %parallel_loop3A_206, %parallel_loop3A_211 : vector<16xi32>
      %parallel_loop3A_213 = arith.extui %parallel_loop3A_212 : vector<16xi1> to vector<16xi32>
      %parallel_loop3A_214 = arith.constant 0 : i32
      %parallel_loop3A_215 = vector.broadcast %parallel_loop3A_214 : i32 to vector<16xi32>
      %parallel_loop3A_216 = arith.cmpi slt, %parallel_loop3A_206, %parallel_loop3A_215 : vector<16xi32>
      %parallel_loop3A_217 = arith.extui %parallel_loop3A_216 : vector<16xi1> to vector<16xi32>
      %parallel_loop3A_218 = arith.subi %parallel_loop3A_213, %parallel_loop3A_217 : vector<16xi32>
      %parallel_loop3A_219 = arith.constant 0 : i32
      %parallel_loop3A_220 = arith.cmpi sgt, %parallel_loop3A_207, %parallel_loop3A_219 : i32
      %parallel_loop3A_221 = arith.extui %parallel_loop3A_220 : i1 to i32
      %parallel_loop3A_222 = arith.constant 0 : i32
      %parallel_loop3A_223 = arith.cmpi slt, %parallel_loop3A_207, %parallel_loop3A_222 : i32
      %parallel_loop3A_224 = arith.extui %parallel_loop3A_223 : i1 to i32
      %parallel_loop3A_225 = arith.subi %parallel_loop3A_221, %parallel_loop3A_224 : i32
      %parallel_loop3A_226 = vector.broadcast %parallel_loop3A_225 : i32 to vector<16xi32>
      %parallel_loop3A_227 = arith.cmpi ne, %parallel_loop3A_218, %parallel_loop3A_226 : vector<16xi32>
      %parallel_loop3A_228 = vector.broadcast %parallel_loop3A_207 : i32 to vector<16xi32>
      %parallel_loop3A_229 = arith.remsi %parallel_loop3A_206, %parallel_loop3A_228 : vector<16xi32>
      %parallel_loop3A_230 = arith.constant 0 : i32
      %parallel_loop3A_231 = vector.broadcast %parallel_loop3A_230 : i32 to vector<16xi32>
      %parallel_loop3A_232 = arith.cmpi ne, %parallel_loop3A_229, %parallel_loop3A_231 : vector<16xi32>
      %parallel_loop3A_233 = arith.andi %parallel_loop3A_227, %parallel_loop3A_232 : vector<16xi1>
      %parallel_loop3A_234 = arith.constant 1 : i32
      %parallel_loop3A_235 = vector.broadcast %parallel_loop3A_234 : i32 to vector<16xi32>
      %parallel_loop3A_236 = arith.subi %parallel_loop3A_209, %parallel_loop3A_235 : vector<16xi32>
      %parallel_loop3A_237 = arith.select %parallel_loop3A_233, %parallel_loop3A_236, %parallel_loop3A_209 : vector<16xi1>, vector<16xi32>
      %parallel_loop3A_238 = arith.constant 16 : i32
      %parallel_loop3A_239 = arith.muli %parallel_loop3A_202, %parallel_loop3A_238 : i32
      %parallel_loop3A_240 = arith.index_cast %parallel_loop3A_239 : i32 to index
      %parallel_loop3A_241 = tpu.vector_load %arg19[%parallel_loop3A_240] {strides = array<i32>} : memref<320xi32, #tpu.memory_space<vmem>>, vector<16xi32>,
      tpu.vector_store %arg19[%parallel_loop3A_240], %parallel_loop3A_237 {strides = array<i32>} : memref<320xi32, #tpu.memory_space<vmem>>, vector<16xi32>,
    } {sc.loop_unroll_factor = 2 : i64, sc.parallel_access}
    %dma_wait3A = arith.constant 0 : i32
    %dma_wait3A_88 = tpu.memref_slice %arg2[%mul3A_32, %mul3A_39] : memref<160x640xf32, #tpu.memory_space<hbm>> -> memref<5x320xf32, #tpu.memory_space<hbm>>
    %dma_wait3A_89 = tpu.memref_slice %arg20[%dma_wait3A] : memref<7x!tpu.dma_semaphore, #tpu.memory_space<semaphore_mem>> -> memref<1x!tpu.dma_semaphore, #tpu.memory_space<semaphore_mem>>
    %dma_wait3A_90 = tpu.memref_squeeze %dma_wait3A_89 : memref<1x!tpu.dma_semaphore, #tpu.memory_space<semaphore_mem>> -> memref<!tpu.dma_semaphore, #tpu.memory_space<semaphore_mem>>
    %dma_wait3A_91 = tpu.memref_slice %arg2[%mul3A_32, %mul3A_39] : memref<160x640xf32, #tpu.memory_space<hbm>> -> memref<5x320xf32, #tpu.memory_space<hbm>>
    tpu.wait_dma2 semaphore(%dma_wait3A_90 : memref<!tpu.dma_semaphore, #tpu.memory_space<semaphore_mem>>) src(%dma_wait3A_91 : memref<5x320xf32, #tpu.memory_space<hbm>>) dst(%arg6 : memref<5x320xf32, #tpu.memory_space<vmem>>)
    %dma_wait3A_92 = arith.constant 1 : i32
    %dma_wait3A_93 = arith.constant 0 : i32
    %dma_wait3A_94 = tpu.memref_slice %arg3[%dma_wait3A_93, %add3A_37] : memref<131x2048xf32, #tpu.memory_space<hbm>> -> memref<25x32xf32, #tpu.memory_space<hbm>>
    %dma_wait3A_95 = tpu.memref_slice %arg20[%dma_wait3A_92] : memref<7x!tpu.dma_semaphore, #tpu.memory_space<semaphore_mem>> -> memref<1x!tpu.dma_semaphore, #tpu.memory_space<semaphore_mem>>
    %dma_wait3A_96 = tpu.memref_squeeze %dma_wait3A_95 : memref<1x!tpu.dma_semaphore, #tpu.memory_space<semaphore_mem>> -> memref<!tpu.dma_semaphore, #tpu.memory_space<semaphore_mem>>
    %dma_wait3A_97 = arith.constant 0 : i32
    %dma_wait3A_98 = tpu.memref_slice %arg3[%dma_wait3A_97, %add3A_37] : memref<131x2048xf32, #tpu.memory_space<hbm>> -> memref<25x32xf32, #tpu.memory_space<hbm>>
    tpu.wait_dma2 semaphore(%dma_wait3A_96 : memref<!tpu.dma_semaphore, #tpu.memory_space<semaphore_mem>>) src(%dma_wait3A_98 : memref<25x32xf32, #tpu.memory_space<hbm>>) dst(%arg9 : memref<25x32xf32, #tpu.memory_space<vmem>>)
    %dma_wait3A_99 = arith.constant 2 : i32
    %dma_wait3A_100 = arith.constant 25 : i32
    %dma_wait3A_101 = tpu.memref_slice %arg3[%dma_wait3A_100, %add3A_37] : memref<131x2048xf32, #tpu.memory_space<hbm>> -> memref<25x32xf32, #tpu.memory_space<hbm>>
    %dma_wait3A_102 = tpu.memref_slice %arg20[%dma_wait3A_99] : memref<7x!tpu.dma_semaphore, #tpu.memory_space<semaphore_mem>> -> memref<1x!tpu.dma_semaphore, #tpu.memory_space<semaphore_mem>>
    %dma_wait3A_103 = tpu.memref_squeeze %dma_wait3A_102 : memref<1x!tpu.dma_semaphore, #tpu.memory_space<semaphore_mem>> -> memref<!tpu.dma_semaphore, #tpu.memory_space<semaphore_mem>>
    %dma_wait3A_104 = arith.constant 25 : i32
    %dma_wait3A_105 = tpu.memref_slice %arg3[%dma_wait3A_104, %add3A_37] : memref<131x2048xf32, #tpu.memory_space<hbm>> -> memref<25x32xf32, #tpu.memory_space<hbm>>
    tpu.wait_dma2 semaphore(%dma_wait3A_103 : memref<!tpu.dma_semaphore, #tpu.memory_space<semaphore_mem>>) src(%dma_wait3A_105 : memref<25x32xf32, #tpu.memory_space<hbm>>) dst(%arg10 : memref<25x32xf32, #tpu.memory_space<vmem>>)
    %parallel_loop3A_106 = arith.constant 0 : i32
    %parallel_loop3A_107 = arith.constant 2 : i32
    %parallel_loop3A_108 = arith.constant 1 : i32
    scf.for %parallel_loop3A_202 = %parallel_loop3A_106 to %parallel_loop3A_107 step %parallel_loop3A_108  : i32 {
      %parallel_loop3A_203 = arith.constant 0 : i32
      %parallel_loop3A_204 = arith.addi %parallel_loop3A_203, %parallel_loop3A_202 : i32
      %parallel_loop3A_205 = arith.constant 16 : i32
      %parallel_loop3A_206 = arith.muli %parallel_loop3A_204, %parallel_loop3A_205 : i32
      %parallel_loop3A_207 = vector.broadcast %parallel_loop3A_206 : i32 to vector<16xi32>
      %parallel_loop3A_208 = arith.addi %parallel_loop3A_207, %iota3A : vector<16xi32>
      %parallel_loop3A_209 = arith.constant 0.000000e+00 : f32
      %parallel_loop3A_210 = vector.broadcast %parallel_loop3A_209 : f32 to vector<16xf32>
      %parallel_loop3A_211 = arith.constant 0 : i32
      %parallel_loop3A_212 = vector.broadcast %parallel_loop3A_211 : i32 to vector<16xi32>
      %parallel_loop3A_213 = arith.constant 5 : i32
      %parallel_loop3A_214 = vector.broadcast %parallel_loop3A_213 : i32 to vector<16xi32>
      %parallel_loop3A_215 = arith.muli %parallel_loop3A_208, %parallel_loop3A_214 : vector<16xi32>
      %parallel_loop3A_216 = arith.constant 0 : i32
      %parallel_loop3A_217 = vector.broadcast %parallel_loop3A_216 : i32 to vector<16xi32>
      %parallel_loop3A_218 = arith.addi %parallel_loop3A_215, %parallel_loop3A_217 : vector<16xi32>
      %parallel_loop3A_219 = tpu.vector_load_idx %arg6[%parallel_loop3A_212, %parallel_loop3A_218] : memref<5x320xf32, #tpu.memory_space<vmem>>[vector<16xi32>, vector<16xi32>], vector<16xf32>,
      %parallel_loop3A_220 = arith.constant 16 : i32
      %parallel_loop3A_221 = arith.muli %parallel_loop3A_204, %parallel_loop3A_220 : i32
      %parallel_loop3A_222 = arith.constant 0 : i32
      %parallel_loop3A_223 = arith.addi %parallel_loop3A_222, %parallel_loop3A_221 : i32
      %parallel_loop3A_224 = arith.index_cast %parallel_loop3A_223 : i32 to index
      %parallel_loop3A_225 = tpu.vector_load %arg7[%parallel_loop3A_224] {strides = array<i32>} : memref<1600xf32, #tpu.memory_space<vmem>>, vector<16xf32>,
      tpu.vector_store %arg7[%parallel_loop3A_224], %parallel_loop3A_219 {strides = array<i32>} : memref<1600xf32, #tpu.memory_space<vmem>>, vector<16xf32>,
      %parallel_loop3A_226 = arith.constant 16 : i32
      %parallel_loop3A_227 = arith.muli %parallel_loop3A_202, %parallel_loop3A_226 : i32
      %parallel_loop3A_228 = arith.constant 0 : i32
      %parallel_loop3A_229 = arith.index_cast %parallel_loop3A_228 : i32 to index
      %parallel_loop3A_230 = arith.index_cast %parallel_loop3A_227 : i32 to index
      %parallel_loop3A_231 = tpu.vector_load %arg9[%parallel_loop3A_229, %parallel_loop3A_230] {strides = array<i32>} : memref<25x32xf32, #tpu.memory_space<vmem>>, vector<16xf32>,
      %parallel_loop3A_232 = arith.subf %parallel_loop3A_231, %parallel_loop3A_219 : vector<16xf32>
      %parallel_loop3A_233 = arith.constant 16 : i32
      %parallel_loop3A_234 = arith.muli %parallel_loop3A_202, %parallel_loop3A_233 : i32
      %parallel_loop3A_235 = arith.constant 0 : i32
      %parallel_loop3A_236 = arith.index_cast %parallel_loop3A_235 : i32 to index
      %parallel_loop3A_237 = arith.index_cast %parallel_loop3A_234 : i32 to index
      %parallel_loop3A_238 = tpu.vector_load %arg10[%parallel_loop3A_236, %parallel_loop3A_237] {strides = array<i32>} : memref<25x32xf32, #tpu.memory_space<vmem>>, vector<16xf32>,
      %parallel_loop3A_239 = arith.mulf %parallel_loop3A_232, %parallel_loop3A_238 : vector<16xf32>
      %parallel_loop3A_240 = arith.addf %parallel_loop3A_210, %parallel_loop3A_239 : vector<16xf32>
      %parallel_loop3A_241 = arith.constant 1 : i32
      %parallel_loop3A_242 = vector.broadcast %parallel_loop3A_241 : i32 to vector<16xi32>
      %parallel_loop3A_243 = arith.constant 5 : i32
      %parallel_loop3A_244 = vector.broadcast %parallel_loop3A_243 : i32 to vector<16xi32>
      %parallel_loop3A_245 = arith.muli %parallel_loop3A_208, %parallel_loop3A_244 : vector<16xi32>
      %parallel_loop3A_246 = arith.constant 0 : i32
      %parallel_loop3A_247 = vector.broadcast %parallel_loop3A_246 : i32 to vector<16xi32>
      %parallel_loop3A_248 = arith.addi %parallel_loop3A_245, %parallel_loop3A_247 : vector<16xi32>
      %parallel_loop3A_249 = tpu.vector_load_idx %arg6[%parallel_loop3A_242, %parallel_loop3A_248] : memref<5x320xf32, #tpu.memory_space<vmem>>[vector<16xi32>, vector<16xi32>], vector<16xf32>,
      %parallel_loop3A_250 = arith.constant 16 : i32
      %parallel_loop3A_251 = arith.muli %parallel_loop3A_204, %parallel_loop3A_250 : i32
      %parallel_loop3A_252 = arith.constant 64 : i32
      %parallel_loop3A_253 = arith.addi %parallel_loop3A_252, %parallel_loop3A_251 : i32
      %parallel_loop3A_254 = arith.index_cast %parallel_loop3A_253 : i32 to index
      %parallel_loop3A_255 = tpu.vector_load %arg7[%parallel_loop3A_254] {strides = array<i32>} : memref<1600xf32, #tpu.memory_space<vmem>>, vector<16xf32>,
      tpu.vector_store %arg7[%parallel_loop3A_254], %parallel_loop3A_249 {strides = array<i32>} : memref<1600xf32, #tpu.memory_space<vmem>>, vector<16xf32>,
      %parallel_loop3A_256 = arith.constant 16 : i32
      %parallel_loop3A_257 = arith.muli %parallel_loop3A_202, %parallel_loop3A_256 : i32
      %parallel_loop3A_258 = arith.constant 1 : i32
      %parallel_loop3A_259 = arith.index_cast %parallel_loop3A_258 : i32 to index
      %parallel_loop3A_260 = arith.index_cast %parallel_loop3A_257 : i32 to index
      %parallel_loop3A_261 = tpu.vector_load %arg9[%parallel_loop3A_259, %parallel_loop3A_260] {strides = array<i32>} : memref<25x32xf32, #tpu.memory_space<vmem>>, vector<16xf32>,
      %parallel_loop3A_262 = arith.subf %parallel_loop3A_261, %parallel_loop3A_249 : vector<16xf32>
      %parallel_loop3A_263 = arith.constant 16 : i32
      %parallel_loop3A_264 = arith.muli %parallel_loop3A_202, %parallel_loop3A_263 : i32
      %parallel_loop3A_265 = arith.constant 1 : i32
      %parallel_loop3A_266 = arith.index_cast %parallel_loop3A_265 : i32 to index
      %parallel_loop3A_267 = arith.index_cast %parallel_loop3A_264 : i32 to index
      %parallel_loop3A_268 = tpu.vector_load %arg10[%parallel_loop3A_266, %parallel_loop3A_267] {strides = array<i32>} : memref<25x32xf32, #tpu.memory_space<vmem>>, vector<16xf32>,
      %parallel_loop3A_269 = arith.mulf %parallel_loop3A_262, %parallel_loop3A_268 : vector<16xf32>
      %parallel_loop3A_270 = arith.addf %parallel_loop3A_240, %parallel_loop3A_269 : vector<16xf32>
      %parallel_loop3A_271 = arith.constant 2 : i32
      %parallel_loop3A_272 = vector.broadcast %parallel_loop3A_271 : i32 to vector<16xi32>
      %parallel_loop3A_273 = arith.constant 5 : i32
      %parallel_loop3A_274 = vector.broadcast %parallel_loop3A_273 : i32 to vector<16xi32>
      %parallel_loop3A_275 = arith.muli %parallel_loop3A_208, %parallel_loop3A_274 : vector<16xi32>
      %parallel_loop3A_276 = arith.constant 0 : i32
      %parallel_loop3A_277 = vector.broadcast %parallel_loop3A_276 : i32 to vector<16xi32>
      %parallel_loop3A_278 = arith.addi %parallel_loop3A_275, %parallel_loop3A_277 : vector<16xi32>
      %parallel_loop3A_279 = tpu.vector_load_idx %arg6[%parallel_loop3A_272, %parallel_loop3A_278] : memref<5x320xf32, #tpu.memory_space<vmem>>[vector<16xi32>, vector<16xi32>], vector<16xf32>,
      %parallel_loop3A_280 = arith.constant 16 : i32
      %parallel_loop3A_281 = arith.muli %parallel_loop3A_204, %parallel_loop3A_280 : i32
      %parallel_loop3A_282 = arith.constant 128 : i32
      %parallel_loop3A_283 = arith.addi %parallel_loop3A_282, %parallel_loop3A_281 : i32
      %parallel_loop3A_284 = arith.index_cast %parallel_loop3A_283 : i32 to index
      %parallel_loop3A_285 = tpu.vector_load %arg7[%parallel_loop3A_284] {strides = array<i32>} : memref<1600xf32, #tpu.memory_space<vmem>>, vector<16xf32>,
      tpu.vector_store %arg7[%parallel_loop3A_284], %parallel_loop3A_279 {strides = array<i32>} : memref<1600xf32, #tpu.memory_space<vmem>>, vector<16xf32>,
      %parallel_loop3A_286 = arith.constant 16 : i32
      %parallel_loop3A_287 = arith.muli %parallel_loop3A_202, %parallel_loop3A_286 : i32
      %parallel_loop3A_288 = arith.constant 2 : i32
      %parallel_loop3A_289 = arith.index_cast %parallel_loop3A_288 : i32 to index
      %parallel_loop3A_290 = arith.index_cast %parallel_loop3A_287 : i32 to index
      %parallel_loop3A_291 = tpu.vector_load %arg9[%parallel_loop3A_289, %parallel_loop3A_290] {strides = array<i32>} : memref<25x32xf32, #tpu.memory_space<vmem>>, vector<16xf32>,
      %parallel_loop3A_292 = arith.subf %parallel_loop3A_291, %parallel_loop3A_279 : vector<16xf32>
      %parallel_loop3A_293 = arith.constant 16 : i32
      %parallel_loop3A_294 = arith.muli %parallel_loop3A_202, %parallel_loop3A_293 : i32
      %parallel_loop3A_295 = arith.constant 2 : i32
      %parallel_loop3A_296 = arith.index_cast %parallel_loop3A_295 : i32 to index
      %parallel_loop3A_297 = arith.index_cast %parallel_loop3A_294 : i32 to index
      %parallel_loop3A_298 = tpu.vector_load %arg10[%parallel_loop3A_296, %parallel_loop3A_297] {strides = array<i32>} : memref<25x32xf32, #tpu.memory_space<vmem>>, vector<16xf32>,
      %parallel_loop3A_299 = arith.mulf %parallel_loop3A_292, %parallel_loop3A_298 : vector<16xf32>
      %parallel_loop3A_300 = arith.addf %parallel_loop3A_270, %parallel_loop3A_299 : vector<16xf32>
      %parallel_loop3A_301 = arith.constant 3 : i32
      %parallel_loop3A_302 = vector.broadcast %parallel_loop3A_301 : i32 to vector<16xi32>
      %parallel_loop3A_303 = arith.constant 5 : i32
      %parallel_loop3A_304 = vector.broadcast %parallel_loop3A_303 : i32 to vector<16xi32>
      %parallel_loop3A_305 = arith.muli %parallel_loop3A_208, %parallel_loop3A_304 : vector<16xi32>
      %parallel_loop3A_306 = arith.constant 0 : i32
      %parallel_loop3A_307 = vector.broadcast %parallel_loop3A_306 : i32 to vector<16xi32>
      %parallel_loop3A_308 = arith.addi %parallel_loop3A_305, %parallel_loop3A_307 : vector<16xi32>
      %parallel_loop3A_309 = tpu.vector_load_idx %arg6[%parallel_loop3A_302, %parallel_loop3A_308] : memref<5x320xf32, #tpu.memory_space<vmem>>[vector<16xi32>, vector<16xi32>], vector<16xf32>,
      %parallel_loop3A_310 = arith.constant 16 : i32
      %parallel_loop3A_311 = arith.muli %parallel_loop3A_204, %parallel_loop3A_310 : i32
      %parallel_loop3A_312 = arith.constant 192 : i32
      %parallel_loop3A_313 = arith.addi %parallel_loop3A_312, %parallel_loop3A_311 : i32
      %parallel_loop3A_314 = arith.index_cast %parallel_loop3A_313 : i32 to index
      %parallel_loop3A_315 = tpu.vector_load %arg7[%parallel_loop3A_314] {strides = array<i32>} : memref<1600xf32, #tpu.memory_space<vmem>>, vector<16xf32>,
      tpu.vector_store %arg7[%parallel_loop3A_314], %parallel_loop3A_309 {strides = array<i32>} : memref<1600xf32, #tpu.memory_space<vmem>>, vector<16xf32>,
      %parallel_loop3A_316 = arith.constant 16 : i32
      %parallel_loop3A_317 = arith.muli %parallel_loop3A_202, %parallel_loop3A_316 : i32
      %parallel_loop3A_318 = arith.constant 3 : i32
      %parallel_loop3A_319 = arith.index_cast %parallel_loop3A_318 : i32 to index
      %parallel_loop3A_320 = arith.index_cast %parallel_loop3A_317 : i32 to index
      %parallel_loop3A_321 = tpu.vector_load %arg9[%parallel_loop3A_319, %parallel_loop3A_320] {strides = array<i32>} : memref<25x32xf32, #tpu.memory_space<vmem>>, vector<16xf32>,
      %parallel_loop3A_322 = arith.subf %parallel_loop3A_321, %parallel_loop3A_309 : vector<16xf32>
      %parallel_loop3A_323 = arith.constant 16 : i32
      %parallel_loop3A_324 = arith.muli %parallel_loop3A_202, %parallel_loop3A_323 : i32
      %parallel_loop3A_325 = arith.constant 3 : i32
      %parallel_loop3A_326 = arith.index_cast %parallel_loop3A_325 : i32 to index
      %parallel_loop3A_327 = arith.index_cast %parallel_loop3A_324 : i32 to index
      %parallel_loop3A_328 = tpu.vector_load %arg10[%parallel_loop3A_326, %parallel_loop3A_327] {strides = array<i32>} : memref<25x32xf32, #tpu.memory_space<vmem>>, vector<16xf32>,
      %parallel_loop3A_329 = arith.mulf %parallel_loop3A_322, %parallel_loop3A_328 : vector<16xf32>
      %parallel_loop3A_330 = arith.addf %parallel_loop3A_300, %parallel_loop3A_329 : vector<16xf32>
      %parallel_loop3A_331 = arith.constant 4 : i32
      %parallel_loop3A_332 = vector.broadcast %parallel_loop3A_331 : i32 to vector<16xi32>
      %parallel_loop3A_333 = arith.constant 5 : i32
      %parallel_loop3A_334 = vector.broadcast %parallel_loop3A_333 : i32 to vector<16xi32>
      %parallel_loop3A_335 = arith.muli %parallel_loop3A_208, %parallel_loop3A_334 : vector<16xi32>
      %parallel_loop3A_336 = arith.constant 0 : i32
      %parallel_loop3A_337 = vector.broadcast %parallel_loop3A_336 : i32 to vector<16xi32>
      %parallel_loop3A_338 = arith.addi %parallel_loop3A_335, %parallel_loop3A_337 : vector<16xi32>
      %parallel_loop3A_339 = tpu.vector_load_idx %arg6[%parallel_loop3A_332, %parallel_loop3A_338] : memref<5x320xf32, #tpu.memory_space<vmem>>[vector<16xi32>, vector<16xi32>], vector<16xf32>,
      %parallel_loop3A_340 = arith.constant 16 : i32
      %parallel_loop3A_341 = arith.muli %parallel_loop3A_204, %parallel_loop3A_340 : i32
      %parallel_loop3A_342 = arith.constant 256 : i32
      %parallel_loop3A_343 = arith.addi %parallel_loop3A_342, %parallel_loop3A_341 : i32
      %parallel_loop3A_344 = arith.index_cast %parallel_loop3A_343 : i32 to index
      %parallel_loop3A_345 = tpu.vector_load %arg7[%parallel_loop3A_344] {strides = array<i32>} : memref<1600xf32, #tpu.memory_space<vmem>>, vector<16xf32>,
      tpu.vector_store %arg7[%parallel_loop3A_344], %parallel_loop3A_339 {strides = array<i32>} : memref<1600xf32, #tpu.memory_space<vmem>>, vector<16xf32>,
      %parallel_loop3A_346 = arith.constant 16 : i32
      %parallel_loop3A_347 = arith.muli %parallel_loop3A_202, %parallel_loop3A_346 : i32
      %parallel_loop3A_348 = arith.constant 4 : i32
      %parallel_loop3A_349 = arith.index_cast %parallel_loop3A_348 : i32 to index
      %parallel_loop3A_350 = arith.index_cast %parallel_loop3A_347 : i32 to index
      %parallel_loop3A_351 = tpu.vector_load %arg9[%parallel_loop3A_349, %parallel_loop3A_350] {strides = array<i32>} : memref<25x32xf32, #tpu.memory_space<vmem>>, vector<16xf32>,
      %parallel_loop3A_352 = arith.subf %parallel_loop3A_351, %parallel_loop3A_339 : vector<16xf32>
      %parallel_loop3A_353 = arith.constant 16 : i32
      %parallel_loop3A_354 = arith.muli %parallel_loop3A_202, %parallel_loop3A_353 : i32
      %parallel_loop3A_355 = arith.constant 4 : i32
      %parallel_loop3A_356 = arith.index_cast %parallel_loop3A_355 : i32 to index
      %parallel_loop3A_357 = arith.index_cast %parallel_loop3A_354 : i32 to index
      %parallel_loop3A_358 = tpu.vector_load %arg10[%parallel_loop3A_356, %parallel_loop3A_357] {strides = array<i32>} : memref<25x32xf32, #tpu.memory_space<vmem>>, vector<16xf32>,
      %parallel_loop3A_359 = arith.mulf %parallel_loop3A_352, %parallel_loop3A_358 : vector<16xf32>
      %parallel_loop3A_360 = arith.addf %parallel_loop3A_330, %parallel_loop3A_359 : vector<16xf32>
      %parallel_loop3A_361 = arith.constant 0 : i32
      %parallel_loop3A_362 = vector.broadcast %parallel_loop3A_361 : i32 to vector<16xi32>
      %parallel_loop3A_363 = arith.constant 5 : i32
      %parallel_loop3A_364 = vector.broadcast %parallel_loop3A_363 : i32 to vector<16xi32>
      %parallel_loop3A_365 = arith.muli %parallel_loop3A_208, %parallel_loop3A_364 : vector<16xi32>
      %parallel_loop3A_366 = arith.constant 1 : i32
      %parallel_loop3A_367 = vector.broadcast %parallel_loop3A_366 : i32 to vector<16xi32>
      %parallel_loop3A_368 = arith.addi %parallel_loop3A_365, %parallel_loop3A_367 : vector<16xi32>
      %parallel_loop3A_369 = tpu.vector_load_idx %arg6[%parallel_loop3A_362, %parallel_loop3A_368] : memref<5x320xf32, #tpu.memory_space<vmem>>[vector<16xi32>, vector<16xi32>], vector<16xf32>,
      %parallel_loop3A_370 = arith.constant 16 : i32
      %parallel_loop3A_371 = arith.muli %parallel_loop3A_204, %parallel_loop3A_370 : i32
      %parallel_loop3A_372 = arith.constant 320 : i32
      %parallel_loop3A_373 = arith.addi %parallel_loop3A_372, %parallel_loop3A_371 : i32
      %parallel_loop3A_374 = arith.index_cast %parallel_loop3A_373 : i32 to index
      %parallel_loop3A_375 = tpu.vector_load %arg7[%parallel_loop3A_374] {strides = array<i32>} : memref<1600xf32, #tpu.memory_space<vmem>>, vector<16xf32>,
      tpu.vector_store %arg7[%parallel_loop3A_374], %parallel_loop3A_369 {strides = array<i32>} : memref<1600xf32, #tpu.memory_space<vmem>>, vector<16xf32>,
      %parallel_loop3A_376 = arith.constant 16 : i32
      %parallel_loop3A_377 = arith.muli %parallel_loop3A_202, %parallel_loop3A_376 : i32
      %parallel_loop3A_378 = arith.constant 5 : i32
      %parallel_loop3A_379 = arith.index_cast %parallel_loop3A_378 : i32 to index
      %parallel_loop3A_380 = arith.index_cast %parallel_loop3A_377 : i32 to index
      %parallel_loop3A_381 = tpu.vector_load %arg9[%parallel_loop3A_379, %parallel_loop3A_380] {strides = array<i32>} : memref<25x32xf32, #tpu.memory_space<vmem>>, vector<16xf32>,
      %parallel_loop3A_382 = arith.subf %parallel_loop3A_381, %parallel_loop3A_369 : vector<16xf32>
      %parallel_loop3A_383 = arith.constant 16 : i32
      %parallel_loop3A_384 = arith.muli %parallel_loop3A_202, %parallel_loop3A_383 : i32
      %parallel_loop3A_385 = arith.constant 5 : i32
      %parallel_loop3A_386 = arith.index_cast %parallel_loop3A_385 : i32 to index
      %parallel_loop3A_387 = arith.index_cast %parallel_loop3A_384 : i32 to index
      %parallel_loop3A_388 = tpu.vector_load %arg10[%parallel_loop3A_386, %parallel_loop3A_387] {strides = array<i32>} : memref<25x32xf32, #tpu.memory_space<vmem>>, vector<16xf32>,
      %parallel_loop3A_389 = arith.mulf %parallel_loop3A_382, %parallel_loop3A_388 : vector<16xf32>
      %parallel_loop3A_390 = arith.addf %parallel_loop3A_360, %parallel_loop3A_389 : vector<16xf32>
      %parallel_loop3A_391 = arith.constant 1 : i32
      %parallel_loop3A_392 = vector.broadcast %parallel_loop3A_391 : i32 to vector<16xi32>
      %parallel_loop3A_393 = arith.constant 5 : i32
      %parallel_loop3A_394 = vector.broadcast %parallel_loop3A_393 : i32 to vector<16xi32>
      %parallel_loop3A_395 = arith.muli %parallel_loop3A_208, %parallel_loop3A_394 : vector<16xi32>
      %parallel_loop3A_396 = arith.constant 1 : i32
      %parallel_loop3A_397 = vector.broadcast %parallel_loop3A_396 : i32 to vector<16xi32>
      %parallel_loop3A_398 = arith.addi %parallel_loop3A_395, %parallel_loop3A_397 : vector<16xi32>
      %parallel_loop3A_399 = tpu.vector_load_idx %arg6[%parallel_loop3A_392, %parallel_loop3A_398] : memref<5x320xf32, #tpu.memory_space<vmem>>[vector<16xi32>, vector<16xi32>], vector<16xf32>,
      %parallel_loop3A_400 = arith.constant 16 : i32
      %parallel_loop3A_401 = arith.muli %parallel_loop3A_204, %parallel_loop3A_400 : i32
      %parallel_loop3A_402 = arith.constant 384 : i32
      %parallel_loop3A_403 = arith.addi %parallel_loop3A_402, %parallel_loop3A_401 : i32
      %parallel_loop3A_404 = arith.index_cast %parallel_loop3A_403 : i32 to index
      %parallel_loop3A_405 = tpu.vector_load %arg7[%parallel_loop3A_404] {strides = array<i32>} : memref<1600xf32, #tpu.memory_space<vmem>>, vector<16xf32>,
      tpu.vector_store %arg7[%parallel_loop3A_404], %parallel_loop3A_399 {strides = array<i32>} : memref<1600xf32, #tpu.memory_space<vmem>>, vector<16xf32>,
      %parallel_loop3A_406 = arith.constant 16 : i32
      %parallel_loop3A_407 = arith.muli %parallel_loop3A_202, %parallel_loop3A_406 : i32
      %parallel_loop3A_408 = arith.constant 6 : i32
      %parallel_loop3A_409 = arith.index_cast %parallel_loop3A_408 : i32 to index
      %parallel_loop3A_410 = arith.index_cast %parallel_loop3A_407 : i32 to index
      %parallel_loop3A_411 = tpu.vector_load %arg9[%parallel_loop3A_409, %parallel_loop3A_410] {strides = array<i32>} : memref<25x32xf32, #tpu.memory_space<vmem>>, vector<16xf32>,
      %parallel_loop3A_412 = arith.subf %parallel_loop3A_411, %parallel_loop3A_399 : vector<16xf32>
      %parallel_loop3A_413 = arith.constant 16 : i32
      %parallel_loop3A_414 = arith.muli %parallel_loop3A_202, %parallel_loop3A_413 : i32
      %parallel_loop3A_415 = arith.constant 6 : i32
      %parallel_loop3A_416 = arith.index_cast %parallel_loop3A_415 : i32 to index
      %parallel_loop3A_417 = arith.index_cast %parallel_loop3A_414 : i32 to index
      %parallel_loop3A_418 = tpu.vector_load %arg10[%parallel_loop3A_416, %parallel_loop3A_417] {strides = array<i32>} : memref<25x32xf32, #tpu.memory_space<vmem>>, vector<16xf32>,
      %parallel_loop3A_419 = arith.mulf %parallel_loop3A_412, %parallel_loop3A_418 : vector<16xf32>
      %parallel_loop3A_420 = arith.addf %parallel_loop3A_390, %parallel_loop3A_419 : vector<16xf32>
      %parallel_loop3A_421 = arith.constant 2 : i32
      %parallel_loop3A_422 = vector.broadcast %parallel_loop3A_421 : i32 to vector<16xi32>
      %parallel_loop3A_423 = arith.constant 5 : i32
      %parallel_loop3A_424 = vector.broadcast %parallel_loop3A_423 : i32 to vector<16xi32>
      %parallel_loop3A_425 = arith.muli %parallel_loop3A_208, %parallel_loop3A_424 : vector<16xi32>
      %parallel_loop3A_426 = arith.constant 1 : i32
      %parallel_loop3A_427 = vector.broadcast %parallel_loop3A_426 : i32 to vector<16xi32>
      %parallel_loop3A_428 = arith.addi %parallel_loop3A_425, %parallel_loop3A_427 : vector<16xi32>
      %parallel_loop3A_429 = tpu.vector_load_idx %arg6[%parallel_loop3A_422, %parallel_loop3A_428] : memref<5x320xf32, #tpu.memory_space<vmem>>[vector<16xi32>, vector<16xi32>], vector<16xf32>,
      %parallel_loop3A_430 = arith.constant 16 : i32
      %parallel_loop3A_431 = arith.muli %parallel_loop3A_204, %parallel_loop3A_430 : i32
      %parallel_loop3A_432 = arith.constant 448 : i32
      %parallel_loop3A_433 = arith.addi %parallel_loop3A_432, %parallel_loop3A_431 : i32
      %parallel_loop3A_434 = arith.index_cast %parallel_loop3A_433 : i32 to index
      %parallel_loop3A_435 = tpu.vector_load %arg7[%parallel_loop3A_434] {strides = array<i32>} : memref<1600xf32, #tpu.memory_space<vmem>>, vector<16xf32>,
      tpu.vector_store %arg7[%parallel_loop3A_434], %parallel_loop3A_429 {strides = array<i32>} : memref<1600xf32, #tpu.memory_space<vmem>>, vector<16xf32>,
      %parallel_loop3A_436 = arith.constant 16 : i32
      %parallel_loop3A_437 = arith.muli %parallel_loop3A_202, %parallel_loop3A_436 : i32
      %parallel_loop3A_438 = arith.constant 7 : i32
      %parallel_loop3A_439 = arith.index_cast %parallel_loop3A_438 : i32 to index
      %parallel_loop3A_440 = arith.index_cast %parallel_loop3A_437 : i32 to index
      %parallel_loop3A_441 = tpu.vector_load %arg9[%parallel_loop3A_439, %parallel_loop3A_440] {strides = array<i32>} : memref<25x32xf32, #tpu.memory_space<vmem>>, vector<16xf32>,
      %parallel_loop3A_442 = arith.subf %parallel_loop3A_441, %parallel_loop3A_429 : vector<16xf32>
      %parallel_loop3A_443 = arith.constant 16 : i32
      %parallel_loop3A_444 = arith.muli %parallel_loop3A_202, %parallel_loop3A_443 : i32
      %parallel_loop3A_445 = arith.constant 7 : i32
      %parallel_loop3A_446 = arith.index_cast %parallel_loop3A_445 : i32 to index
      %parallel_loop3A_447 = arith.index_cast %parallel_loop3A_444 : i32 to index
      %parallel_loop3A_448 = tpu.vector_load %arg10[%parallel_loop3A_446, %parallel_loop3A_447] {strides = array<i32>} : memref<25x32xf32, #tpu.memory_space<vmem>>, vector<16xf32>,
      %parallel_loop3A_449 = arith.mulf %parallel_loop3A_442, %parallel_loop3A_448 : vector<16xf32>
      %parallel_loop3A_450 = arith.addf %parallel_loop3A_420, %parallel_loop3A_449 : vector<16xf32>
      %parallel_loop3A_451 = arith.constant 3 : i32
      %parallel_loop3A_452 = vector.broadcast %parallel_loop3A_451 : i32 to vector<16xi32>
      %parallel_loop3A_453 = arith.constant 5 : i32
      %parallel_loop3A_454 = vector.broadcast %parallel_loop3A_453 : i32 to vector<16xi32>
      %parallel_loop3A_455 = arith.muli %parallel_loop3A_208, %parallel_loop3A_454 : vector<16xi32>
      %parallel_loop3A_456 = arith.constant 1 : i32
      %parallel_loop3A_457 = vector.broadcast %parallel_loop3A_456 : i32 to vector<16xi32>
      %parallel_loop3A_458 = arith.addi %parallel_loop3A_455, %parallel_loop3A_457 : vector<16xi32>
      %parallel_loop3A_459 = tpu.vector_load_idx %arg6[%parallel_loop3A_452, %parallel_loop3A_458] : memref<5x320xf32, #tpu.memory_space<vmem>>[vector<16xi32>, vector<16xi32>], vector<16xf32>,
      %parallel_loop3A_460 = arith.constant 16 : i32
      %parallel_loop3A_461 = arith.muli %parallel_loop3A_204, %parallel_loop3A_460 : i32
      %parallel_loop3A_462 = arith.constant 512 : i32
      %parallel_loop3A_463 = arith.addi %parallel_loop3A_462, %parallel_loop3A_461 : i32
      %parallel_loop3A_464 = arith.index_cast %parallel_loop3A_463 : i32 to index
      %parallel_loop3A_465 = tpu.vector_load %arg7[%parallel_loop3A_464] {strides = array<i32>} : memref<1600xf32, #tpu.memory_space<vmem>>, vector<16xf32>,
      tpu.vector_store %arg7[%parallel_loop3A_464], %parallel_loop3A_459 {strides = array<i32>} : memref<1600xf32, #tpu.memory_space<vmem>>, vector<16xf32>,
      %parallel_loop3A_466 = arith.constant 16 : i32
      %parallel_loop3A_467 = arith.muli %parallel_loop3A_202, %parallel_loop3A_466 : i32
      %parallel_loop3A_468 = arith.constant 8 : i32
      %parallel_loop3A_469 = arith.index_cast %parallel_loop3A_468 : i32 to index
      %parallel_loop3A_470 = arith.index_cast %parallel_loop3A_467 : i32 to index
      %parallel_loop3A_471 = tpu.vector_load %arg9[%parallel_loop3A_469, %parallel_loop3A_470] {strides = array<i32>} : memref<25x32xf32, #tpu.memory_space<vmem>>, vector<16xf32>,
      %parallel_loop3A_472 = arith.subf %parallel_loop3A_471, %parallel_loop3A_459 : vector<16xf32>
      %parallel_loop3A_473 = arith.constant 16 : i32
      %parallel_loop3A_474 = arith.muli %parallel_loop3A_202, %parallel_loop3A_473 : i32
      %parallel_loop3A_475 = arith.constant 8 : i32
      %parallel_loop3A_476 = arith.index_cast %parallel_loop3A_475 : i32 to index
      %parallel_loop3A_477 = arith.index_cast %parallel_loop3A_474 : i32 to index
      %parallel_loop3A_478 = tpu.vector_load %arg10[%parallel_loop3A_476, %parallel_loop3A_477] {strides = array<i32>} : memref<25x32xf32, #tpu.memory_space<vmem>>, vector<16xf32>,
      %parallel_loop3A_479 = arith.mulf %parallel_loop3A_472, %parallel_loop3A_478 : vector<16xf32>
      %parallel_loop3A_480 = arith.addf %parallel_loop3A_450, %parallel_loop3A_479 : vector<16xf32>
      %parallel_loop3A_481 = arith.constant 4 : i32
      %parallel_loop3A_482 = vector.broadcast %parallel_loop3A_481 : i32 to vector<16xi32>
      %parallel_loop3A_483 = arith.constant 5 : i32
      %parallel_loop3A_484 = vector.broadcast %parallel_loop3A_483 : i32 to vector<16xi32>
      %parallel_loop3A_485 = arith.muli %parallel_loop3A_208, %parallel_loop3A_484 : vector<16xi32>
      %parallel_loop3A_486 = arith.constant 1 : i32
      %parallel_loop3A_487 = vector.broadcast %parallel_loop3A_486 : i32 to vector<16xi32>
      %parallel_loop3A_488 = arith.addi %parallel_loop3A_485, %parallel_loop3A_487 : vector<16xi32>
      %parallel_loop3A_489 = tpu.vector_load_idx %arg6[%parallel_loop3A_482, %parallel_loop3A_488] : memref<5x320xf32, #tpu.memory_space<vmem>>[vector<16xi32>, vector<16xi32>], vector<16xf32>,
      %parallel_loop3A_490 = arith.constant 16 : i32
      %parallel_loop3A_491 = arith.muli %parallel_loop3A_204, %parallel_loop3A_490 : i32
      %parallel_loop3A_492 = arith.constant 576 : i32
      %parallel_loop3A_493 = arith.addi %parallel_loop3A_492, %parallel_loop3A_491 : i32
      %parallel_loop3A_494 = arith.index_cast %parallel_loop3A_493 : i32 to index
      %parallel_loop3A_495 = tpu.vector_load %arg7[%parallel_loop3A_494] {strides = array<i32>} : memref<1600xf32, #tpu.memory_space<vmem>>, vector<16xf32>,
      tpu.vector_store %arg7[%parallel_loop3A_494], %parallel_loop3A_489 {strides = array<i32>} : memref<1600xf32, #tpu.memory_space<vmem>>, vector<16xf32>,
      %parallel_loop3A_496 = arith.constant 16 : i32
      %parallel_loop3A_497 = arith.muli %parallel_loop3A_202, %parallel_loop3A_496 : i32
      %parallel_loop3A_498 = arith.constant 9 : i32
      %parallel_loop3A_499 = arith.index_cast %parallel_loop3A_498 : i32 to index
      %parallel_loop3A_500 = arith.index_cast %parallel_loop3A_497 : i32 to index
      %parallel_loop3A_501 = tpu.vector_load %arg9[%parallel_loop3A_499, %parallel_loop3A_500] {strides = array<i32>} : memref<25x32xf32, #tpu.memory_space<vmem>>, vector<16xf32>,
      %parallel_loop3A_502 = arith.subf %parallel_loop3A_501, %parallel_loop3A_489 : vector<16xf32>
      %parallel_loop3A_503 = arith.constant 16 : i32
      %parallel_loop3A_504 = arith.muli %parallel_loop3A_202, %parallel_loop3A_503 : i32
      %parallel_loop3A_505 = arith.constant 9 : i32
      %parallel_loop3A_506 = arith.index_cast %parallel_loop3A_505 : i32 to index
      %parallel_loop3A_507 = arith.index_cast %parallel_loop3A_504 : i32 to index
      %parallel_loop3A_508 = tpu.vector_load %arg10[%parallel_loop3A_506, %parallel_loop3A_507] {strides = array<i32>} : memref<25x32xf32, #tpu.memory_space<vmem>>, vector<16xf32>,
      %parallel_loop3A_509 = arith.mulf %parallel_loop3A_502, %parallel_loop3A_508 : vector<16xf32>
      %parallel_loop3A_510 = arith.addf %parallel_loop3A_480, %parallel_loop3A_509 : vector<16xf32>
      %parallel_loop3A_511 = arith.constant 0 : i32
      %parallel_loop3A_512 = vector.broadcast %parallel_loop3A_511 : i32 to vector<16xi32>
      %parallel_loop3A_513 = arith.constant 5 : i32
      %parallel_loop3A_514 = vector.broadcast %parallel_loop3A_513 : i32 to vector<16xi32>
      %parallel_loop3A_515 = arith.muli %parallel_loop3A_208, %parallel_loop3A_514 : vector<16xi32>
      %parallel_loop3A_516 = arith.constant 2 : i32
      %parallel_loop3A_517 = vector.broadcast %parallel_loop3A_516 : i32 to vector<16xi32>
      %parallel_loop3A_518 = arith.addi %parallel_loop3A_515, %parallel_loop3A_517 : vector<16xi32>
      %parallel_loop3A_519 = tpu.vector_load_idx %arg6[%parallel_loop3A_512, %parallel_loop3A_518] : memref<5x320xf32, #tpu.memory_space<vmem>>[vector<16xi32>, vector<16xi32>], vector<16xf32>,
      %parallel_loop3A_520 = arith.constant 16 : i32
      %parallel_loop3A_521 = arith.muli %parallel_loop3A_204, %parallel_loop3A_520 : i32
      %parallel_loop3A_522 = arith.constant 640 : i32
      %parallel_loop3A_523 = arith.addi %parallel_loop3A_522, %parallel_loop3A_521 : i32
      %parallel_loop3A_524 = arith.index_cast %parallel_loop3A_523 : i32 to index
      %parallel_loop3A_525 = tpu.vector_load %arg7[%parallel_loop3A_524] {strides = array<i32>} : memref<1600xf32, #tpu.memory_space<vmem>>, vector<16xf32>,
      tpu.vector_store %arg7[%parallel_loop3A_524], %parallel_loop3A_519 {strides = array<i32>} : memref<1600xf32, #tpu.memory_space<vmem>>, vector<16xf32>,
      %parallel_loop3A_526 = arith.constant 16 : i32
      %parallel_loop3A_527 = arith.muli %parallel_loop3A_202, %parallel_loop3A_526 : i32
      %parallel_loop3A_528 = arith.constant 10 : i32
      %parallel_loop3A_529 = arith.index_cast %parallel_loop3A_528 : i32 to index
      %parallel_loop3A_530 = arith.index_cast %parallel_loop3A_527 : i32 to index
      %parallel_loop3A_531 = tpu.vector_load %arg9[%parallel_loop3A_529, %parallel_loop3A_530] {strides = array<i32>} : memref<25x32xf32, #tpu.memory_space<vmem>>, vector<16xf32>,
      %parallel_loop3A_532 = arith.subf %parallel_loop3A_531, %parallel_loop3A_519 : vector<16xf32>
      %parallel_loop3A_533 = arith.constant 16 : i32
      %parallel_loop3A_534 = arith.muli %parallel_loop3A_202, %parallel_loop3A_533 : i32
      %parallel_loop3A_535 = arith.constant 10 : i32
      %parallel_loop3A_536 = arith.index_cast %parallel_loop3A_535 : i32 to index
      %parallel_loop3A_537 = arith.index_cast %parallel_loop3A_534 : i32 to index
      %parallel_loop3A_538 = tpu.vector_load %arg10[%parallel_loop3A_536, %parallel_loop3A_537] {strides = array<i32>} : memref<25x32xf32, #tpu.memory_space<vmem>>, vector<16xf32>,
      %parallel_loop3A_539 = arith.mulf %parallel_loop3A_532, %parallel_loop3A_538 : vector<16xf32>
      %parallel_loop3A_540 = arith.addf %parallel_loop3A_510, %parallel_loop3A_539 : vector<16xf32>
      %parallel_loop3A_541 = arith.constant 1 : i32
      %parallel_loop3A_542 = vector.broadcast %parallel_loop3A_541 : i32 to vector<16xi32>
      %parallel_loop3A_543 = arith.constant 5 : i32
      %parallel_loop3A_544 = vector.broadcast %parallel_loop3A_543 : i32 to vector<16xi32>
      %parallel_loop3A_545 = arith.muli %parallel_loop3A_208, %parallel_loop3A_544 : vector<16xi32>
      %parallel_loop3A_546 = arith.constant 2 : i32
      %parallel_loop3A_547 = vector.broadcast %parallel_loop3A_546 : i32 to vector<16xi32>
      %parallel_loop3A_548 = arith.addi %parallel_loop3A_545, %parallel_loop3A_547 : vector<16xi32>
      %parallel_loop3A_549 = tpu.vector_load_idx %arg6[%parallel_loop3A_542, %parallel_loop3A_548] : memref<5x320xf32, #tpu.memory_space<vmem>>[vector<16xi32>, vector<16xi32>], vector<16xf32>,
      %parallel_loop3A_550 = arith.constant 16 : i32
      %parallel_loop3A_551 = arith.muli %parallel_loop3A_204, %parallel_loop3A_550 : i32
      %parallel_loop3A_552 = arith.constant 704 : i32
      %parallel_loop3A_553 = arith.addi %parallel_loop3A_552, %parallel_loop3A_551 : i32
      %parallel_loop3A_554 = arith.index_cast %parallel_loop3A_553 : i32 to index
      %parallel_loop3A_555 = tpu.vector_load %arg7[%parallel_loop3A_554] {strides = array<i32>} : memref<1600xf32, #tpu.memory_space<vmem>>, vector<16xf32>,
      tpu.vector_store %arg7[%parallel_loop3A_554], %parallel_loop3A_549 {strides = array<i32>} : memref<1600xf32, #tpu.memory_space<vmem>>, vector<16xf32>,
      %parallel_loop3A_556 = arith.constant 16 : i32
      %parallel_loop3A_557 = arith.muli %parallel_loop3A_202, %parallel_loop3A_556 : i32
      %parallel_loop3A_558 = arith.constant 11 : i32
      %parallel_loop3A_559 = arith.index_cast %parallel_loop3A_558 : i32 to index
      %parallel_loop3A_560 = arith.index_cast %parallel_loop3A_557 : i32 to index
      %parallel_loop3A_561 = tpu.vector_load %arg9[%parallel_loop3A_559, %parallel_loop3A_560] {strides = array<i32>} : memref<25x32xf32, #tpu.memory_space<vmem>>, vector<16xf32>,
      %parallel_loop3A_562 = arith.subf %parallel_loop3A_561, %parallel_loop3A_549 : vector<16xf32>
      %parallel_loop3A_563 = arith.constant 16 : i32
      %parallel_loop3A_564 = arith.muli %parallel_loop3A_202, %parallel_loop3A_563 : i32
      %parallel_loop3A_565 = arith.constant 11 : i32
      %parallel_loop3A_566 = arith.index_cast %parallel_loop3A_565 : i32 to index
      %parallel_loop3A_567 = arith.index_cast %parallel_loop3A_564 : i32 to index
      %parallel_loop3A_568 = tpu.vector_load %arg10[%parallel_loop3A_566, %parallel_loop3A_567] {strides = array<i32>} : memref<25x32xf32, #tpu.memory_space<vmem>>, vector<16xf32>,
      %parallel_loop3A_569 = arith.mulf %parallel_loop3A_562, %parallel_loop3A_568 : vector<16xf32>
      %parallel_loop3A_570 = arith.addf %parallel_loop3A_540, %parallel_loop3A_569 : vector<16xf32>
      %parallel_loop3A_571 = arith.constant 2 : i32
      %parallel_loop3A_572 = vector.broadcast %parallel_loop3A_571 : i32 to vector<16xi32>
      %parallel_loop3A_573 = arith.constant 5 : i32
      %parallel_loop3A_574 = vector.broadcast %parallel_loop3A_573 : i32 to vector<16xi32>
      %parallel_loop3A_575 = arith.muli %parallel_loop3A_208, %parallel_loop3A_574 : vector<16xi32>
      %parallel_loop3A_576 = arith.constant 2 : i32
      %parallel_loop3A_577 = vector.broadcast %parallel_loop3A_576 : i32 to vector<16xi32>
      %parallel_loop3A_578 = arith.addi %parallel_loop3A_575, %parallel_loop3A_577 : vector<16xi32>
      %parallel_loop3A_579 = tpu.vector_load_idx %arg6[%parallel_loop3A_572, %parallel_loop3A_578] : memref<5x320xf32, #tpu.memory_space<vmem>>[vector<16xi32>, vector<16xi32>], vector<16xf32>,
      %parallel_loop3A_580 = arith.constant 16 : i32
      %parallel_loop3A_581 = arith.muli %parallel_loop3A_204, %parallel_loop3A_580 : i32
      %parallel_loop3A_582 = arith.constant 768 : i32
      %parallel_loop3A_583 = arith.addi %parallel_loop3A_582, %parallel_loop3A_581 : i32
      %parallel_loop3A_584 = arith.index_cast %parallel_loop3A_583 : i32 to index
      %parallel_loop3A_585 = tpu.vector_load %arg7[%parallel_loop3A_584] {strides = array<i32>} : memref<1600xf32, #tpu.memory_space<vmem>>, vector<16xf32>,
      tpu.vector_store %arg7[%parallel_loop3A_584], %parallel_loop3A_579 {strides = array<i32>} : memref<1600xf32, #tpu.memory_space<vmem>>, vector<16xf32>,
      %parallel_loop3A_586 = arith.constant 16 : i32
      %parallel_loop3A_587 = arith.muli %parallel_loop3A_202, %parallel_loop3A_586 : i32
      %parallel_loop3A_588 = arith.constant 12 : i32
      %parallel_loop3A_589 = arith.index_cast %parallel_loop3A_588 : i32 to index
      %parallel_loop3A_590 = arith.index_cast %parallel_loop3A_587 : i32 to index
      %parallel_loop3A_591 = tpu.vector_load %arg9[%parallel_loop3A_589, %parallel_loop3A_590] {strides = array<i32>} : memref<25x32xf32, #tpu.memory_space<vmem>>, vector<16xf32>,
      %parallel_loop3A_592 = arith.subf %parallel_loop3A_591, %parallel_loop3A_579 : vector<16xf32>
      %parallel_loop3A_593 = arith.constant 16 : i32
      %parallel_loop3A_594 = arith.muli %parallel_loop3A_202, %parallel_loop3A_593 : i32
      %parallel_loop3A_595 = arith.constant 12 : i32
      %parallel_loop3A_596 = arith.index_cast %parallel_loop3A_595 : i32 to index
      %parallel_loop3A_597 = arith.index_cast %parallel_loop3A_594 : i32 to index
      %parallel_loop3A_598 = tpu.vector_load %arg10[%parallel_loop3A_596, %parallel_loop3A_597] {strides = array<i32>} : memref<25x32xf32, #tpu.memory_space<vmem>>, vector<16xf32>,
      %parallel_loop3A_599 = arith.mulf %parallel_loop3A_592, %parallel_loop3A_598 : vector<16xf32>
      %parallel_loop3A_600 = arith.addf %parallel_loop3A_570, %parallel_loop3A_599 : vector<16xf32>
      %parallel_loop3A_601 = arith.constant 3 : i32
      %parallel_loop3A_602 = vector.broadcast %parallel_loop3A_601 : i32 to vector<16xi32>
      %parallel_loop3A_603 = arith.constant 5 : i32
      %parallel_loop3A_604 = vector.broadcast %parallel_loop3A_603 : i32 to vector<16xi32>
      %parallel_loop3A_605 = arith.muli %parallel_loop3A_208, %parallel_loop3A_604 : vector<16xi32>
      %parallel_loop3A_606 = arith.constant 2 : i32
      %parallel_loop3A_607 = vector.broadcast %parallel_loop3A_606 : i32 to vector<16xi32>
      %parallel_loop3A_608 = arith.addi %parallel_loop3A_605, %parallel_loop3A_607 : vector<16xi32>
      %parallel_loop3A_609 = tpu.vector_load_idx %arg6[%parallel_loop3A_602, %parallel_loop3A_608] : memref<5x320xf32, #tpu.memory_space<vmem>>[vector<16xi32>, vector<16xi32>], vector<16xf32>,
      %parallel_loop3A_610 = arith.constant 16 : i32
      %parallel_loop3A_611 = arith.muli %parallel_loop3A_204, %parallel_loop3A_610 : i32
      %parallel_loop3A_612 = arith.constant 832 : i32
      %parallel_loop3A_613 = arith.addi %parallel_loop3A_612, %parallel_loop3A_611 : i32
      %parallel_loop3A_614 = arith.index_cast %parallel_loop3A_613 : i32 to index
      %parallel_loop3A_615 = tpu.vector_load %arg7[%parallel_loop3A_614] {strides = array<i32>} : memref<1600xf32, #tpu.memory_space<vmem>>, vector<16xf32>,
      tpu.vector_store %arg7[%parallel_loop3A_614], %parallel_loop3A_609 {strides = array<i32>} : memref<1600xf32, #tpu.memory_space<vmem>>, vector<16xf32>,
      %parallel_loop3A_616 = arith.constant 16 : i32
      %parallel_loop3A_617 = arith.muli %parallel_loop3A_202, %parallel_loop3A_616 : i32
      %parallel_loop3A_618 = arith.constant 13 : i32
      %parallel_loop3A_619 = arith.index_cast %parallel_loop3A_618 : i32 to index
      %parallel_loop3A_620 = arith.index_cast %parallel_loop3A_617 : i32 to index
      %parallel_loop3A_621 = tpu.vector_load %arg9[%parallel_loop3A_619, %parallel_loop3A_620] {strides = array<i32>} : memref<25x32xf32, #tpu.memory_space<vmem>>, vector<16xf32>,
      %parallel_loop3A_622 = arith.subf %parallel_loop3A_621, %parallel_loop3A_609 : vector<16xf32>
      %parallel_loop3A_623 = arith.constant 16 : i32
      %parallel_loop3A_624 = arith.muli %parallel_loop3A_202, %parallel_loop3A_623 : i32
      %parallel_loop3A_625 = arith.constant 13 : i32
      %parallel_loop3A_626 = arith.index_cast %parallel_loop3A_625 : i32 to index
      %parallel_loop3A_627 = arith.index_cast %parallel_loop3A_624 : i32 to index
      %parallel_loop3A_628 = tpu.vector_load %arg10[%parallel_loop3A_626, %parallel_loop3A_627] {strides = array<i32>} : memref<25x32xf32, #tpu.memory_space<vmem>>, vector<16xf32>,
      %parallel_loop3A_629 = arith.mulf %parallel_loop3A_622, %parallel_loop3A_628 : vector<16xf32>
      %parallel_loop3A_630 = arith.addf %parallel_loop3A_600, %parallel_loop3A_629 : vector<16xf32>
      %parallel_loop3A_631 = arith.constant 4 : i32
      %parallel_loop3A_632 = vector.broadcast %parallel_loop3A_631 : i32 to vector<16xi32>
      %parallel_loop3A_633 = arith.constant 5 : i32
      %parallel_loop3A_634 = vector.broadcast %parallel_loop3A_633 : i32 to vector<16xi32>
      %parallel_loop3A_635 = arith.muli %parallel_loop3A_208, %parallel_loop3A_634 : vector<16xi32>
      %parallel_loop3A_636 = arith.constant 2 : i32
      %parallel_loop3A_637 = vector.broadcast %parallel_loop3A_636 : i32 to vector<16xi32>
      %parallel_loop3A_638 = arith.addi %parallel_loop3A_635, %parallel_loop3A_637 : vector<16xi32>
      %parallel_loop3A_639 = tpu.vector_load_idx %arg6[%parallel_loop3A_632, %parallel_loop3A_638] : memref<5x320xf32, #tpu.memory_space<vmem>>[vector<16xi32>, vector<16xi32>], vector<16xf32>,
      %parallel_loop3A_640 = arith.constant 16 : i32
      %parallel_loop3A_641 = arith.muli %parallel_loop3A_204, %parallel_loop3A_640 : i32
      %parallel_loop3A_642 = arith.constant 896 : i32
      %parallel_loop3A_643 = arith.addi %parallel_loop3A_642, %parallel_loop3A_641 : i32
      %parallel_loop3A_644 = arith.index_cast %parallel_loop3A_643 : i32 to index
      %parallel_loop3A_645 = tpu.vector_load %arg7[%parallel_loop3A_644] {strides = array<i32>} : memref<1600xf32, #tpu.memory_space<vmem>>, vector<16xf32>,
      tpu.vector_store %arg7[%parallel_loop3A_644], %parallel_loop3A_639 {strides = array<i32>} : memref<1600xf32, #tpu.memory_space<vmem>>, vector<16xf32>,
      %parallel_loop3A_646 = arith.constant 16 : i32
      %parallel_loop3A_647 = arith.muli %parallel_loop3A_202, %parallel_loop3A_646 : i32
      %parallel_loop3A_648 = arith.constant 14 : i32
      %parallel_loop3A_649 = arith.index_cast %parallel_loop3A_648 : i32 to index
      %parallel_loop3A_650 = arith.index_cast %parallel_loop3A_647 : i32 to index
      %parallel_loop3A_651 = tpu.vector_load %arg9[%parallel_loop3A_649, %parallel_loop3A_650] {strides = array<i32>} : memref<25x32xf32, #tpu.memory_space<vmem>>, vector<16xf32>,
      %parallel_loop3A_652 = arith.subf %parallel_loop3A_651, %parallel_loop3A_639 : vector<16xf32>
      %parallel_loop3A_653 = arith.constant 16 : i32
      %parallel_loop3A_654 = arith.muli %parallel_loop3A_202, %parallel_loop3A_653 : i32
      %parallel_loop3A_655 = arith.constant 14 : i32
      %parallel_loop3A_656 = arith.index_cast %parallel_loop3A_655 : i32 to index
      %parallel_loop3A_657 = arith.index_cast %parallel_loop3A_654 : i32 to index
      %parallel_loop3A_658 = tpu.vector_load %arg10[%parallel_loop3A_656, %parallel_loop3A_657] {strides = array<i32>} : memref<25x32xf32, #tpu.memory_space<vmem>>, vector<16xf32>,
      %parallel_loop3A_659 = arith.mulf %parallel_loop3A_652, %parallel_loop3A_658 : vector<16xf32>
      %parallel_loop3A_660 = arith.addf %parallel_loop3A_630, %parallel_loop3A_659 : vector<16xf32>
      %parallel_loop3A_661 = arith.constant 0 : i32
      %parallel_loop3A_662 = vector.broadcast %parallel_loop3A_661 : i32 to vector<16xi32>
      %parallel_loop3A_663 = arith.constant 5 : i32
      %parallel_loop3A_664 = vector.broadcast %parallel_loop3A_663 : i32 to vector<16xi32>
      %parallel_loop3A_665 = arith.muli %parallel_loop3A_208, %parallel_loop3A_664 : vector<16xi32>
      %parallel_loop3A_666 = arith.constant 3 : i32
      %parallel_loop3A_667 = vector.broadcast %parallel_loop3A_666 : i32 to vector<16xi32>
      %parallel_loop3A_668 = arith.addi %parallel_loop3A_665, %parallel_loop3A_667 : vector<16xi32>
      %parallel_loop3A_669 = tpu.vector_load_idx %arg6[%parallel_loop3A_662, %parallel_loop3A_668] : memref<5x320xf32, #tpu.memory_space<vmem>>[vector<16xi32>, vector<16xi32>], vector<16xf32>,
      %parallel_loop3A_670 = arith.constant 16 : i32
      %parallel_loop3A_671 = arith.muli %parallel_loop3A_204, %parallel_loop3A_670 : i32
      %parallel_loop3A_672 = arith.constant 960 : i32
      %parallel_loop3A_673 = arith.addi %parallel_loop3A_672, %parallel_loop3A_671 : i32
      %parallel_loop3A_674 = arith.index_cast %parallel_loop3A_673 : i32 to index
      %parallel_loop3A_675 = tpu.vector_load %arg7[%parallel_loop3A_674] {strides = array<i32>} : memref<1600xf32, #tpu.memory_space<vmem>>, vector<16xf32>,
      tpu.vector_store %arg7[%parallel_loop3A_674], %parallel_loop3A_669 {strides = array<i32>} : memref<1600xf32, #tpu.memory_space<vmem>>, vector<16xf32>,
      %parallel_loop3A_676 = arith.constant 16 : i32
      %parallel_loop3A_677 = arith.muli %parallel_loop3A_202, %parallel_loop3A_676 : i32
      %parallel_loop3A_678 = arith.constant 15 : i32
      %parallel_loop3A_679 = arith.index_cast %parallel_loop3A_678 : i32 to index
      %parallel_loop3A_680 = arith.index_cast %parallel_loop3A_677 : i32 to index
      %parallel_loop3A_681 = tpu.vector_load %arg9[%parallel_loop3A_679, %parallel_loop3A_680] {strides = array<i32>} : memref<25x32xf32, #tpu.memory_space<vmem>>, vector<16xf32>,
      %parallel_loop3A_682 = arith.subf %parallel_loop3A_681, %parallel_loop3A_669 : vector<16xf32>
      %parallel_loop3A_683 = arith.constant 16 : i32
      %parallel_loop3A_684 = arith.muli %parallel_loop3A_202, %parallel_loop3A_683 : i32
      %parallel_loop3A_685 = arith.constant 15 : i32
      %parallel_loop3A_686 = arith.index_cast %parallel_loop3A_685 : i32 to index
      %parallel_loop3A_687 = arith.index_cast %parallel_loop3A_684 : i32 to index
      %parallel_loop3A_688 = tpu.vector_load %arg10[%parallel_loop3A_686, %parallel_loop3A_687] {strides = array<i32>} : memref<25x32xf32, #tpu.memory_space<vmem>>, vector<16xf32>,
      %parallel_loop3A_689 = arith.mulf %parallel_loop3A_682, %parallel_loop3A_688 : vector<16xf32>
      %parallel_loop3A_690 = arith.addf %parallel_loop3A_660, %parallel_loop3A_689 : vector<16xf32>
      %parallel_loop3A_691 = arith.constant 1 : i32
      %parallel_loop3A_692 = vector.broadcast %parallel_loop3A_691 : i32 to vector<16xi32>
      %parallel_loop3A_693 = arith.constant 5 : i32
      %parallel_loop3A_694 = vector.broadcast %parallel_loop3A_693 : i32 to vector<16xi32>
      %parallel_loop3A_695 = arith.muli %parallel_loop3A_208, %parallel_loop3A_694 : vector<16xi32>
      %parallel_loop3A_696 = arith.constant 3 : i32
      %parallel_loop3A_697 = vector.broadcast %parallel_loop3A_696 : i32 to vector<16xi32>
      %parallel_loop3A_698 = arith.addi %parallel_loop3A_695, %parallel_loop3A_697 : vector<16xi32>
      %parallel_loop3A_699 = tpu.vector_load_idx %arg6[%parallel_loop3A_692, %parallel_loop3A_698] : memref<5x320xf32, #tpu.memory_space<vmem>>[vector<16xi32>, vector<16xi32>], vector<16xf32>,
      %parallel_loop3A_700 = arith.constant 16 : i32
      %parallel_loop3A_701 = arith.muli %parallel_loop3A_204, %parallel_loop3A_700 : i32
      %parallel_loop3A_702 = arith.constant 1024 : i32
      %parallel_loop3A_703 = arith.addi %parallel_loop3A_702, %parallel_loop3A_701 : i32
      %parallel_loop3A_704 = arith.index_cast %parallel_loop3A_703 : i32 to index
      %parallel_loop3A_705 = tpu.vector_load %arg7[%parallel_loop3A_704] {strides = array<i32>} : memref<1600xf32, #tpu.memory_space<vmem>>, vector<16xf32>,
      tpu.vector_store %arg7[%parallel_loop3A_704], %parallel_loop3A_699 {strides = array<i32>} : memref<1600xf32, #tpu.memory_space<vmem>>, vector<16xf32>,
      %parallel_loop3A_706 = arith.constant 16 : i32
      %parallel_loop3A_707 = arith.muli %parallel_loop3A_202, %parallel_loop3A_706 : i32
      %parallel_loop3A_708 = arith.constant 16 : i32
      %parallel_loop3A_709 = arith.index_cast %parallel_loop3A_708 : i32 to index
      %parallel_loop3A_710 = arith.index_cast %parallel_loop3A_707 : i32 to index
      %parallel_loop3A_711 = tpu.vector_load %arg9[%parallel_loop3A_709, %parallel_loop3A_710] {strides = array<i32>} : memref<25x32xf32, #tpu.memory_space<vmem>>, vector<16xf32>,
      %parallel_loop3A_712 = arith.subf %parallel_loop3A_711, %parallel_loop3A_699 : vector<16xf32>
      %parallel_loop3A_713 = arith.constant 16 : i32
      %parallel_loop3A_714 = arith.muli %parallel_loop3A_202, %parallel_loop3A_713 : i32
      %parallel_loop3A_715 = arith.constant 16 : i32
      %parallel_loop3A_716 = arith.index_cast %parallel_loop3A_715 : i32 to index
      %parallel_loop3A_717 = arith.index_cast %parallel_loop3A_714 : i32 to index
      %parallel_loop3A_718 = tpu.vector_load %arg10[%parallel_loop3A_716, %parallel_loop3A_717] {strides = array<i32>} : memref<25x32xf32, #tpu.memory_space<vmem>>, vector<16xf32>,
      %parallel_loop3A_719 = arith.mulf %parallel_loop3A_712, %parallel_loop3A_718 : vector<16xf32>
      %parallel_loop3A_720 = arith.addf %parallel_loop3A_690, %parallel_loop3A_719 : vector<16xf32>
      %parallel_loop3A_721 = arith.constant 2 : i32
      %parallel_loop3A_722 = vector.broadcast %parallel_loop3A_721 : i32 to vector<16xi32>
      %parallel_loop3A_723 = arith.constant 5 : i32
      %parallel_loop3A_724 = vector.broadcast %parallel_loop3A_723 : i32 to vector<16xi32>
      %parallel_loop3A_725 = arith.muli %parallel_loop3A_208, %parallel_loop3A_724 : vector<16xi32>
      %parallel_loop3A_726 = arith.constant 3 : i32
      %parallel_loop3A_727 = vector.broadcast %parallel_loop3A_726 : i32 to vector<16xi32>
      %parallel_loop3A_728 = arith.addi %parallel_loop3A_725, %parallel_loop3A_727 : vector<16xi32>
      %parallel_loop3A_729 = tpu.vector_load_idx %arg6[%parallel_loop3A_722, %parallel_loop3A_728] : memref<5x320xf32, #tpu.memory_space<vmem>>[vector<16xi32>, vector<16xi32>], vector<16xf32>,
      %parallel_loop3A_730 = arith.constant 16 : i32
      %parallel_loop3A_731 = arith.muli %parallel_loop3A_204, %parallel_loop3A_730 : i32
      %parallel_loop3A_732 = arith.constant 1088 : i32
      %parallel_loop3A_733 = arith.addi %parallel_loop3A_732, %parallel_loop3A_731 : i32
      %parallel_loop3A_734 = arith.index_cast %parallel_loop3A_733 : i32 to index
      %parallel_loop3A_735 = tpu.vector_load %arg7[%parallel_loop3A_734] {strides = array<i32>} : memref<1600xf32, #tpu.memory_space<vmem>>, vector<16xf32>,
      tpu.vector_store %arg7[%parallel_loop3A_734], %parallel_loop3A_729 {strides = array<i32>} : memref<1600xf32, #tpu.memory_space<vmem>>, vector<16xf32>,
      %parallel_loop3A_736 = arith.constant 16 : i32
      %parallel_loop3A_737 = arith.muli %parallel_loop3A_202, %parallel_loop3A_736 : i32
      %parallel_loop3A_738 = arith.constant 17 : i32
      %parallel_loop3A_739 = arith.index_cast %parallel_loop3A_738 : i32 to index
      %parallel_loop3A_740 = arith.index_cast %parallel_loop3A_737 : i32 to index
      %parallel_loop3A_741 = tpu.vector_load %arg9[%parallel_loop3A_739, %parallel_loop3A_740] {strides = array<i32>} : memref<25x32xf32, #tpu.memory_space<vmem>>, vector<16xf32>,
      %parallel_loop3A_742 = arith.subf %parallel_loop3A_741, %parallel_loop3A_729 : vector<16xf32>
      %parallel_loop3A_743 = arith.constant 16 : i32
      %parallel_loop3A_744 = arith.muli %parallel_loop3A_202, %parallel_loop3A_743 : i32
      %parallel_loop3A_745 = arith.constant 17 : i32
      %parallel_loop3A_746 = arith.index_cast %parallel_loop3A_745 : i32 to index
      %parallel_loop3A_747 = arith.index_cast %parallel_loop3A_744 : i32 to index
      %parallel_loop3A_748 = tpu.vector_load %arg10[%parallel_loop3A_746, %parallel_loop3A_747] {strides = array<i32>} : memref<25x32xf32, #tpu.memory_space<vmem>>, vector<16xf32>,
      %parallel_loop3A_749 = arith.mulf %parallel_loop3A_742, %parallel_loop3A_748 : vector<16xf32>
      %parallel_loop3A_750 = arith.addf %parallel_loop3A_720, %parallel_loop3A_749 : vector<16xf32>
      %parallel_loop3A_751 = arith.constant 3 : i32
      %parallel_loop3A_752 = vector.broadcast %parallel_loop3A_751 : i32 to vector<16xi32>
      %parallel_loop3A_753 = arith.constant 5 : i32
      %parallel_loop3A_754 = vector.broadcast %parallel_loop3A_753 : i32 to vector<16xi32>
      %parallel_loop3A_755 = arith.muli %parallel_loop3A_208, %parallel_loop3A_754 : vector<16xi32>
      %parallel_loop3A_756 = arith.constant 3 : i32
      %parallel_loop3A_757 = vector.broadcast %parallel_loop3A_756 : i32 to vector<16xi32>
      %parallel_loop3A_758 = arith.addi %parallel_loop3A_755, %parallel_loop3A_757 : vector<16xi32>
      %parallel_loop3A_759 = tpu.vector_load_idx %arg6[%parallel_loop3A_752, %parallel_loop3A_758] : memref<5x320xf32, #tpu.memory_space<vmem>>[vector<16xi32>, vector<16xi32>], vector<16xf32>,
      %parallel_loop3A_760 = arith.constant 16 : i32
      %parallel_loop3A_761 = arith.muli %parallel_loop3A_204, %parallel_loop3A_760 : i32
      %parallel_loop3A_762 = arith.constant 1152 : i32
      %parallel_loop3A_763 = arith.addi %parallel_loop3A_762, %parallel_loop3A_761 : i32
      %parallel_loop3A_764 = arith.index_cast %parallel_loop3A_763 : i32 to index
      %parallel_loop3A_765 = tpu.vector_load %arg7[%parallel_loop3A_764] {strides = array<i32>} : memref<1600xf32, #tpu.memory_space<vmem>>, vector<16xf32>,
      tpu.vector_store %arg7[%parallel_loop3A_764], %parallel_loop3A_759 {strides = array<i32>} : memref<1600xf32, #tpu.memory_space<vmem>>, vector<16xf32>,
      %parallel_loop3A_766 = arith.constant 16 : i32
      %parallel_loop3A_767 = arith.muli %parallel_loop3A_202, %parallel_loop3A_766 : i32
      %parallel_loop3A_768 = arith.constant 18 : i32
      %parallel_loop3A_769 = arith.index_cast %parallel_loop3A_768 : i32 to index
      %parallel_loop3A_770 = arith.index_cast %parallel_loop3A_767 : i32 to index
      %parallel_loop3A_771 = tpu.vector_load %arg9[%parallel_loop3A_769, %parallel_loop3A_770] {strides = array<i32>} : memref<25x32xf32, #tpu.memory_space<vmem>>, vector<16xf32>,
      %parallel_loop3A_772 = arith.subf %parallel_loop3A_771, %parallel_loop3A_759 : vector<16xf32>
      %parallel_loop3A_773 = arith.constant 16 : i32
      %parallel_loop3A_774 = arith.muli %parallel_loop3A_202, %parallel_loop3A_773 : i32
      %parallel_loop3A_775 = arith.constant 18 : i32
      %parallel_loop3A_776 = arith.index_cast %parallel_loop3A_775 : i32 to index
      %parallel_loop3A_777 = arith.index_cast %parallel_loop3A_774 : i32 to index
      %parallel_loop3A_778 = tpu.vector_load %arg10[%parallel_loop3A_776, %parallel_loop3A_777] {strides = array<i32>} : memref<25x32xf32, #tpu.memory_space<vmem>>, vector<16xf32>,
      %parallel_loop3A_779 = arith.mulf %parallel_loop3A_772, %parallel_loop3A_778 : vector<16xf32>
      %parallel_loop3A_780 = arith.addf %parallel_loop3A_750, %parallel_loop3A_779 : vector<16xf32>
      %parallel_loop3A_781 = arith.constant 4 : i32
      %parallel_loop3A_782 = vector.broadcast %parallel_loop3A_781 : i32 to vector<16xi32>
      %parallel_loop3A_783 = arith.constant 5 : i32
      %parallel_loop3A_784 = vector.broadcast %parallel_loop3A_783 : i32 to vector<16xi32>
      %parallel_loop3A_785 = arith.muli %parallel_loop3A_208, %parallel_loop3A_784 : vector<16xi32>
      %parallel_loop3A_786 = arith.constant 3 : i32
      %parallel_loop3A_787 = vector.broadcast %parallel_loop3A_786 : i32 to vector<16xi32>
      %parallel_loop3A_788 = arith.addi %parallel_loop3A_785, %parallel_loop3A_787 : vector<16xi32>
      %parallel_loop3A_789 = tpu.vector_load_idx %arg6[%parallel_loop3A_782, %parallel_loop3A_788] : memref<5x320xf32, #tpu.memory_space<vmem>>[vector<16xi32>, vector<16xi32>], vector<16xf32>,
      %parallel_loop3A_790 = arith.constant 16 : i32
      %parallel_loop3A_791 = arith.muli %parallel_loop3A_204, %parallel_loop3A_790 : i32
      %parallel_loop3A_792 = arith.constant 1216 : i32
      %parallel_loop3A_793 = arith.addi %parallel_loop3A_792, %parallel_loop3A_791 : i32
      %parallel_loop3A_794 = arith.index_cast %parallel_loop3A_793 : i32 to index
      %parallel_loop3A_795 = tpu.vector_load %arg7[%parallel_loop3A_794] {strides = array<i32>} : memref<1600xf32, #tpu.memory_space<vmem>>, vector<16xf32>,
      tpu.vector_store %arg7[%parallel_loop3A_794], %parallel_loop3A_789 {strides = array<i32>} : memref<1600xf32, #tpu.memory_space<vmem>>, vector<16xf32>,
      %parallel_loop3A_796 = arith.constant 16 : i32
      %parallel_loop3A_797 = arith.muli %parallel_loop3A_202, %parallel_loop3A_796 : i32
      %parallel_loop3A_798 = arith.constant 19 : i32
      %parallel_loop3A_799 = arith.index_cast %parallel_loop3A_798 : i32 to index
      %parallel_loop3A_800 = arith.index_cast %parallel_loop3A_797 : i32 to index
      %parallel_loop3A_801 = tpu.vector_load %arg9[%parallel_loop3A_799, %parallel_loop3A_800] {strides = array<i32>} : memref<25x32xf32, #tpu.memory_space<vmem>>, vector<16xf32>,
      %parallel_loop3A_802 = arith.subf %parallel_loop3A_801, %parallel_loop3A_789 : vector<16xf32>
      %parallel_loop3A_803 = arith.constant 16 : i32
      %parallel_loop3A_804 = arith.muli %parallel_loop3A_202, %parallel_loop3A_803 : i32
      %parallel_loop3A_805 = arith.constant 19 : i32
      %parallel_loop3A_806 = arith.index_cast %parallel_loop3A_805 : i32 to index
      %parallel_loop3A_807 = arith.index_cast %parallel_loop3A_804 : i32 to index
      %parallel_loop3A_808 = tpu.vector_load %arg10[%parallel_loop3A_806, %parallel_loop3A_807] {strides = array<i32>} : memref<25x32xf32, #tpu.memory_space<vmem>>, vector<16xf32>,
      %parallel_loop3A_809 = arith.mulf %parallel_loop3A_802, %parallel_loop3A_808 : vector<16xf32>
      %parallel_loop3A_810 = arith.addf %parallel_loop3A_780, %parallel_loop3A_809 : vector<16xf32>
      %parallel_loop3A_811 = arith.constant 0 : i32
      %parallel_loop3A_812 = vector.broadcast %parallel_loop3A_811 : i32 to vector<16xi32>
      %parallel_loop3A_813 = arith.constant 5 : i32
      %parallel_loop3A_814 = vector.broadcast %parallel_loop3A_813 : i32 to vector<16xi32>
      %parallel_loop3A_815 = arith.muli %parallel_loop3A_208, %parallel_loop3A_814 : vector<16xi32>
      %parallel_loop3A_816 = arith.constant 4 : i32
      %parallel_loop3A_817 = vector.broadcast %parallel_loop3A_816 : i32 to vector<16xi32>
      %parallel_loop3A_818 = arith.addi %parallel_loop3A_815, %parallel_loop3A_817 : vector<16xi32>
      %parallel_loop3A_819 = tpu.vector_load_idx %arg6[%parallel_loop3A_812, %parallel_loop3A_818] : memref<5x320xf32, #tpu.memory_space<vmem>>[vector<16xi32>, vector<16xi32>], vector<16xf32>,
      %parallel_loop3A_820 = arith.constant 16 : i32
      %parallel_loop3A_821 = arith.muli %parallel_loop3A_204, %parallel_loop3A_820 : i32
      %parallel_loop3A_822 = arith.constant 1280 : i32
      %parallel_loop3A_823 = arith.addi %parallel_loop3A_822, %parallel_loop3A_821 : i32
      %parallel_loop3A_824 = arith.index_cast %parallel_loop3A_823 : i32 to index
      %parallel_loop3A_825 = tpu.vector_load %arg7[%parallel_loop3A_824] {strides = array<i32>} : memref<1600xf32, #tpu.memory_space<vmem>>, vector<16xf32>,
      tpu.vector_store %arg7[%parallel_loop3A_824], %parallel_loop3A_819 {strides = array<i32>} : memref<1600xf32, #tpu.memory_space<vmem>>, vector<16xf32>,
      %parallel_loop3A_826 = arith.constant 16 : i32
      %parallel_loop3A_827 = arith.muli %parallel_loop3A_202, %parallel_loop3A_826 : i32
      %parallel_loop3A_828 = arith.constant 20 : i32
      %parallel_loop3A_829 = arith.index_cast %parallel_loop3A_828 : i32 to index
      %parallel_loop3A_830 = arith.index_cast %parallel_loop3A_827 : i32 to index
      %parallel_loop3A_831 = tpu.vector_load %arg9[%parallel_loop3A_829, %parallel_loop3A_830] {strides = array<i32>} : memref<25x32xf32, #tpu.memory_space<vmem>>, vector<16xf32>,
      %parallel_loop3A_832 = arith.subf %parallel_loop3A_831, %parallel_loop3A_819 : vector<16xf32>
      %parallel_loop3A_833 = arith.constant 16 : i32
      %parallel_loop3A_834 = arith.muli %parallel_loop3A_202, %parallel_loop3A_833 : i32
      %parallel_loop3A_835 = arith.constant 20 : i32
      %parallel_loop3A_836 = arith.index_cast %parallel_loop3A_835 : i32 to index
      %parallel_loop3A_837 = arith.index_cast %parallel_loop3A_834 : i32 to index
      %parallel_loop3A_838 = tpu.vector_load %arg10[%parallel_loop3A_836, %parallel_loop3A_837] {strides = array<i32>} : memref<25x32xf32, #tpu.memory_space<vmem>>, vector<16xf32>,
      %parallel_loop3A_839 = arith.mulf %parallel_loop3A_832, %parallel_loop3A_838 : vector<16xf32>
      %parallel_loop3A_840 = arith.addf %parallel_loop3A_810, %parallel_loop3A_839 : vector<16xf32>
      %parallel_loop3A_841 = arith.constant 1 : i32
      %parallel_loop3A_842 = vector.broadcast %parallel_loop3A_841 : i32 to vector<16xi32>
      %parallel_loop3A_843 = arith.constant 5 : i32
      %parallel_loop3A_844 = vector.broadcast %parallel_loop3A_843 : i32 to vector<16xi32>
      %parallel_loop3A_845 = arith.muli %parallel_loop3A_208, %parallel_loop3A_844 : vector<16xi32>
      %parallel_loop3A_846 = arith.constant 4 : i32
      %parallel_loop3A_847 = vector.broadcast %parallel_loop3A_846 : i32 to vector<16xi32>
      %parallel_loop3A_848 = arith.addi %parallel_loop3A_845, %parallel_loop3A_847 : vector<16xi32>
      %parallel_loop3A_849 = tpu.vector_load_idx %arg6[%parallel_loop3A_842, %parallel_loop3A_848] : memref<5x320xf32, #tpu.memory_space<vmem>>[vector<16xi32>, vector<16xi32>], vector<16xf32>,
      %parallel_loop3A_850 = arith.constant 16 : i32
      %parallel_loop3A_851 = arith.muli %parallel_loop3A_204, %parallel_loop3A_850 : i32
      %parallel_loop3A_852 = arith.constant 1344 : i32
      %parallel_loop3A_853 = arith.addi %parallel_loop3A_852, %parallel_loop3A_851 : i32
      %parallel_loop3A_854 = arith.index_cast %parallel_loop3A_853 : i32 to index
      %parallel_loop3A_855 = tpu.vector_load %arg7[%parallel_loop3A_854] {strides = array<i32>} : memref<1600xf32, #tpu.memory_space<vmem>>, vector<16xf32>,
      tpu.vector_store %arg7[%parallel_loop3A_854], %parallel_loop3A_849 {strides = array<i32>} : memref<1600xf32, #tpu.memory_space<vmem>>, vector<16xf32>,
      %parallel_loop3A_856 = arith.constant 16 : i32
      %parallel_loop3A_857 = arith.muli %parallel_loop3A_202, %parallel_loop3A_856 : i32
      %parallel_loop3A_858 = arith.constant 21 : i32
      %parallel_loop3A_859 = arith.index_cast %parallel_loop3A_858 : i32 to index
      %parallel_loop3A_860 = arith.index_cast %parallel_loop3A_857 : i32 to index
      %parallel_loop3A_861 = tpu.vector_load %arg9[%parallel_loop3A_859, %parallel_loop3A_860] {strides = array<i32>} : memref<25x32xf32, #tpu.memory_space<vmem>>, vector<16xf32>,
      %parallel_loop3A_862 = arith.subf %parallel_loop3A_861, %parallel_loop3A_849 : vector<16xf32>
      %parallel_loop3A_863 = arith.constant 16 : i32
      %parallel_loop3A_864 = arith.muli %parallel_loop3A_202, %parallel_loop3A_863 : i32
      %parallel_loop3A_865 = arith.constant 21 : i32
      %parallel_loop3A_866 = arith.index_cast %parallel_loop3A_865 : i32 to index
      %parallel_loop3A_867 = arith.index_cast %parallel_loop3A_864 : i32 to index
      %parallel_loop3A_868 = tpu.vector_load %arg10[%parallel_loop3A_866, %parallel_loop3A_867] {strides = array<i32>} : memref<25x32xf32, #tpu.memory_space<vmem>>, vector<16xf32>,
      %parallel_loop3A_869 = arith.mulf %parallel_loop3A_862, %parallel_loop3A_868 : vector<16xf32>
      %parallel_loop3A_870 = arith.addf %parallel_loop3A_840, %parallel_loop3A_869 : vector<16xf32>
      %parallel_loop3A_871 = arith.constant 2 : i32
      %parallel_loop3A_872 = vector.broadcast %parallel_loop3A_871 : i32 to vector<16xi32>
      %parallel_loop3A_873 = arith.constant 5 : i32
      %parallel_loop3A_874 = vector.broadcast %parallel_loop3A_873 : i32 to vector<16xi32>
      %parallel_loop3A_875 = arith.muli %parallel_loop3A_208, %parallel_loop3A_874 : vector<16xi32>
      %parallel_loop3A_876 = arith.constant 4 : i32
      %parallel_loop3A_877 = vector.broadcast %parallel_loop3A_876 : i32 to vector<16xi32>
      %parallel_loop3A_878 = arith.addi %parallel_loop3A_875, %parallel_loop3A_877 : vector<16xi32>
      %parallel_loop3A_879 = tpu.vector_load_idx %arg6[%parallel_loop3A_872, %parallel_loop3A_878] : memref<5x320xf32, #tpu.memory_space<vmem>>[vector<16xi32>, vector<16xi32>], vector<16xf32>,
      %parallel_loop3A_880 = arith.constant 16 : i32
      %parallel_loop3A_881 = arith.muli %parallel_loop3A_204, %parallel_loop3A_880 : i32
      %parallel_loop3A_882 = arith.constant 1408 : i32
      %parallel_loop3A_883 = arith.addi %parallel_loop3A_882, %parallel_loop3A_881 : i32
      %parallel_loop3A_884 = arith.index_cast %parallel_loop3A_883 : i32 to index
      %parallel_loop3A_885 = tpu.vector_load %arg7[%parallel_loop3A_884] {strides = array<i32>} : memref<1600xf32, #tpu.memory_space<vmem>>, vector<16xf32>,
      tpu.vector_store %arg7[%parallel_loop3A_884], %parallel_loop3A_879 {strides = array<i32>} : memref<1600xf32, #tpu.memory_space<vmem>>, vector<16xf32>,
      %parallel_loop3A_886 = arith.constant 16 : i32
      %parallel_loop3A_887 = arith.muli %parallel_loop3A_202, %parallel_loop3A_886 : i32
      %parallel_loop3A_888 = arith.constant 22 : i32
      %parallel_loop3A_889 = arith.index_cast %parallel_loop3A_888 : i32 to index
      %parallel_loop3A_890 = arith.index_cast %parallel_loop3A_887 : i32 to index
      %parallel_loop3A_891 = tpu.vector_load %arg9[%parallel_loop3A_889, %parallel_loop3A_890] {strides = array<i32>} : memref<25x32xf32, #tpu.memory_space<vmem>>, vector<16xf32>,
      %parallel_loop3A_892 = arith.subf %parallel_loop3A_891, %parallel_loop3A_879 : vector<16xf32>
      %parallel_loop3A_893 = arith.constant 16 : i32
      %parallel_loop3A_894 = arith.muli %parallel_loop3A_202, %parallel_loop3A_893 : i32
      %parallel_loop3A_895 = arith.constant 22 : i32
      %parallel_loop3A_896 = arith.index_cast %parallel_loop3A_895 : i32 to index
      %parallel_loop3A_897 = arith.index_cast %parallel_loop3A_894 : i32 to index
      %parallel_loop3A_898 = tpu.vector_load %arg10[%parallel_loop3A_896, %parallel_loop3A_897] {strides = array<i32>} : memref<25x32xf32, #tpu.memory_space<vmem>>, vector<16xf32>,
      %parallel_loop3A_899 = arith.mulf %parallel_loop3A_892, %parallel_loop3A_898 : vector<16xf32>
      %parallel_loop3A_900 = arith.addf %parallel_loop3A_870, %parallel_loop3A_899 : vector<16xf32>
      %parallel_loop3A_901 = arith.constant 3 : i32
      %parallel_loop3A_902 = vector.broadcast %parallel_loop3A_901 : i32 to vector<16xi32>
      %parallel_loop3A_903 = arith.constant 5 : i32
      %parallel_loop3A_904 = vector.broadcast %parallel_loop3A_903 : i32 to vector<16xi32>
      %parallel_loop3A_905 = arith.muli %parallel_loop3A_208, %parallel_loop3A_904 : vector<16xi32>
      %parallel_loop3A_906 = arith.constant 4 : i32
      %parallel_loop3A_907 = vector.broadcast %parallel_loop3A_906 : i32 to vector<16xi32>
      %parallel_loop3A_908 = arith.addi %parallel_loop3A_905, %parallel_loop3A_907 : vector<16xi32>
      %parallel_loop3A_909 = tpu.vector_load_idx %arg6[%parallel_loop3A_902, %parallel_loop3A_908] : memref<5x320xf32, #tpu.memory_space<vmem>>[vector<16xi32>, vector<16xi32>], vector<16xf32>,
      %parallel_loop3A_910 = arith.constant 16 : i32
      %parallel_loop3A_911 = arith.muli %parallel_loop3A_204, %parallel_loop3A_910 : i32
      %parallel_loop3A_912 = arith.constant 1472 : i32
      %parallel_loop3A_913 = arith.addi %parallel_loop3A_912, %parallel_loop3A_911 : i32
      %parallel_loop3A_914 = arith.index_cast %parallel_loop3A_913 : i32 to index
      %parallel_loop3A_915 = tpu.vector_load %arg7[%parallel_loop3A_914] {strides = array<i32>} : memref<1600xf32, #tpu.memory_space<vmem>>, vector<16xf32>,
      tpu.vector_store %arg7[%parallel_loop3A_914], %parallel_loop3A_909 {strides = array<i32>} : memref<1600xf32, #tpu.memory_space<vmem>>, vector<16xf32>,
      %parallel_loop3A_916 = arith.constant 16 : i32
      %parallel_loop3A_917 = arith.muli %parallel_loop3A_202, %parallel_loop3A_916 : i32
      %parallel_loop3A_918 = arith.constant 23 : i32
      %parallel_loop3A_919 = arith.index_cast %parallel_loop3A_918 : i32 to index
      %parallel_loop3A_920 = arith.index_cast %parallel_loop3A_917 : i32 to index
      %parallel_loop3A_921 = tpu.vector_load %arg9[%parallel_loop3A_919, %parallel_loop3A_920] {strides = array<i32>} : memref<25x32xf32, #tpu.memory_space<vmem>>, vector<16xf32>,
      %parallel_loop3A_922 = arith.subf %parallel_loop3A_921, %parallel_loop3A_909 : vector<16xf32>
      %parallel_loop3A_923 = arith.constant 16 : i32
      %parallel_loop3A_924 = arith.muli %parallel_loop3A_202, %parallel_loop3A_923 : i32
      %parallel_loop3A_925 = arith.constant 23 : i32
      %parallel_loop3A_926 = arith.index_cast %parallel_loop3A_925 : i32 to index
      %parallel_loop3A_927 = arith.index_cast %parallel_loop3A_924 : i32 to index
      %parallel_loop3A_928 = tpu.vector_load %arg10[%parallel_loop3A_926, %parallel_loop3A_927] {strides = array<i32>} : memref<25x32xf32, #tpu.memory_space<vmem>>, vector<16xf32>,
      %parallel_loop3A_929 = arith.mulf %parallel_loop3A_922, %parallel_loop3A_928 : vector<16xf32>
      %parallel_loop3A_930 = arith.addf %parallel_loop3A_900, %parallel_loop3A_929 : vector<16xf32>
      %parallel_loop3A_931 = arith.constant 4 : i32
      %parallel_loop3A_932 = vector.broadcast %parallel_loop3A_931 : i32 to vector<16xi32>
      %parallel_loop3A_933 = arith.constant 5 : i32
      %parallel_loop3A_934 = vector.broadcast %parallel_loop3A_933 : i32 to vector<16xi32>
      %parallel_loop3A_935 = arith.muli %parallel_loop3A_208, %parallel_loop3A_934 : vector<16xi32>
      %parallel_loop3A_936 = arith.constant 4 : i32
      %parallel_loop3A_937 = vector.broadcast %parallel_loop3A_936 : i32 to vector<16xi32>
      %parallel_loop3A_938 = arith.addi %parallel_loop3A_935, %parallel_loop3A_937 : vector<16xi32>
      %parallel_loop3A_939 = tpu.vector_load_idx %arg6[%parallel_loop3A_932, %parallel_loop3A_938] : memref<5x320xf32, #tpu.memory_space<vmem>>[vector<16xi32>, vector<16xi32>], vector<16xf32>,
      %parallel_loop3A_940 = arith.constant 16 : i32
      %parallel_loop3A_941 = arith.muli %parallel_loop3A_204, %parallel_loop3A_940 : i32
      %parallel_loop3A_942 = arith.constant 1536 : i32
      %parallel_loop3A_943 = arith.addi %parallel_loop3A_942, %parallel_loop3A_941 : i32
      %parallel_loop3A_944 = arith.index_cast %parallel_loop3A_943 : i32 to index
      %parallel_loop3A_945 = tpu.vector_load %arg7[%parallel_loop3A_944] {strides = array<i32>} : memref<1600xf32, #tpu.memory_space<vmem>>, vector<16xf32>,
      tpu.vector_store %arg7[%parallel_loop3A_944], %parallel_loop3A_939 {strides = array<i32>} : memref<1600xf32, #tpu.memory_space<vmem>>, vector<16xf32>,
      %parallel_loop3A_946 = arith.constant 16 : i32
      %parallel_loop3A_947 = arith.muli %parallel_loop3A_202, %parallel_loop3A_946 : i32
      %parallel_loop3A_948 = arith.constant 24 : i32
      %parallel_loop3A_949 = arith.index_cast %parallel_loop3A_948 : i32 to index
      %parallel_loop3A_950 = arith.index_cast %parallel_loop3A_947 : i32 to index
      %parallel_loop3A_951 = tpu.vector_load %arg9[%parallel_loop3A_949, %parallel_loop3A_950] {strides = array<i32>} : memref<25x32xf32, #tpu.memory_space<vmem>>, vector<16xf32>,
      %parallel_loop3A_952 = arith.subf %parallel_loop3A_951, %parallel_loop3A_939 : vector<16xf32>
      %parallel_loop3A_953 = arith.constant 16 : i32
      %parallel_loop3A_954 = arith.muli %parallel_loop3A_202, %parallel_loop3A_953 : i32
      %parallel_loop3A_955 = arith.constant 24 : i32
      %parallel_loop3A_956 = arith.index_cast %parallel_loop3A_955 : i32 to index
      %parallel_loop3A_957 = arith.index_cast %parallel_loop3A_954 : i32 to index
      %parallel_loop3A_958 = tpu.vector_load %arg10[%parallel_loop3A_956, %parallel_loop3A_957] {strides = array<i32>} : memref<25x32xf32, #tpu.memory_space<vmem>>, vector<16xf32>,
      %parallel_loop3A_959 = arith.mulf %parallel_loop3A_952, %parallel_loop3A_958 : vector<16xf32>
      %parallel_loop3A_960 = arith.addf %parallel_loop3A_930, %parallel_loop3A_959 : vector<16xf32>
      %parallel_loop3A_961 = arith.constant 16 : i32
      %parallel_loop3A_962 = arith.muli %parallel_loop3A_204, %parallel_loop3A_961 : i32
      %parallel_loop3A_963 = arith.index_cast %parallel_loop3A_962 : i32 to index
      %parallel_loop3A_964 = tpu.vector_load %arg16[%parallel_loop3A_963] {strides = array<i32>} : memref<64xf32, #tpu.memory_space<vmem>>, vector<16xf32>,
      tpu.vector_store %arg16[%parallel_loop3A_963], %parallel_loop3A_960 {strides = array<i32>} : memref<64xf32, #tpu.memory_space<vmem>>, vector<16xf32>,
      %parallel_loop3A_965 = arith.constant 0.000000e+00 : f32
      %parallel_loop3A_966 = vector.broadcast %parallel_loop3A_965 : f32 to vector<16xf32>
      %parallel_loop3A_967 = arith.constant 16 : i32
      %parallel_loop3A_968 = arith.muli %parallel_loop3A_204, %parallel_loop3A_967 : i32
      %parallel_loop3A_969 = arith.index_cast %parallel_loop3A_968 : i32 to index
      %parallel_loop3A_970 = tpu.vector_load %arg17[%parallel_loop3A_969] {strides = array<i32>} : memref<64xf32, #tpu.memory_space<vmem>>, vector<16xf32>,
      tpu.vector_store %arg17[%parallel_loop3A_969], %parallel_loop3A_966 {strides = array<i32>} : memref<64xf32, #tpu.memory_space<vmem>>, vector<16xf32>,
    } {sc.loop_unroll_factor = 2 : i64, sc.parallel_access}
    %add3A_109 = arith.constant 32 : i32
    %add3A_110 = arith.addi %add3A_37, %add3A_109 : i32
    %dma_start3A_111 = arith.constant 1 : i32
    %dma_start3A_112 = arith.constant 0 : i32
    %dma_start3A_113 = tpu.memref_slice %arg3[%dma_start3A_112, %add3A_110] : memref<131x2048xf32, #tpu.memory_space<hbm>> -> memref<25x32xf32, #tpu.memory_space<hbm>>
    %dma_start3A_114 = tpu.memref_slice %arg20[%dma_start3A_111] : memref<7x!tpu.dma_semaphore, #tpu.memory_space<semaphore_mem>> -> memref<1x!tpu.dma_semaphore, #tpu.memory_space<semaphore_mem>>
    %dma_start3A_115 = tpu.memref_squeeze %dma_start3A_114 : memref<1x!tpu.dma_semaphore, #tpu.memory_space<semaphore_mem>> -> memref<!tpu.dma_semaphore, #tpu.memory_space<semaphore_mem>>
    %dma_start3A_116 = arith.constant 0 : i32
    %dma_start3A_117 = tpu.memref_slice %arg3[%dma_start3A_116, %add3A_110] : memref<131x2048xf32, #tpu.memory_space<hbm>> -> memref<25x32xf32, #tpu.memory_space<hbm>>
    tpu.enqueue_dma source(%dma_start3A_117 : memref<25x32xf32, #tpu.memory_space<hbm>>) target(%arg9 : memref<25x32xf32, #tpu.memory_space<vmem>>) target_semaphore(%dma_start3A_115 : memref<!tpu.dma_semaphore, #tpu.memory_space<semaphore_mem>>)
    %add3A_118 = arith.constant 32 : i32
    %add3A_119 = arith.addi %add3A_37, %add3A_118 : i32
    %dma_start3A_120 = arith.constant 2 : i32
    %dma_start3A_121 = arith.constant 25 : i32
    %dma_start3A_122 = tpu.memref_slice %arg3[%dma_start3A_121, %add3A_119] : memref<131x2048xf32, #tpu.memory_space<hbm>> -> memref<25x32xf32, #tpu.memory_space<hbm>>
    %dma_start3A_123 = tpu.memref_slice %arg20[%dma_start3A_120] : memref<7x!tpu.dma_semaphore, #tpu.memory_space<semaphore_mem>> -> memref<1x!tpu.dma_semaphore, #tpu.memory_space<semaphore_mem>>
    %dma_start3A_124 = tpu.memref_squeeze %dma_start3A_123 : memref<1x!tpu.dma_semaphore, #tpu.memory_space<semaphore_mem>> -> memref<!tpu.dma_semaphore, #tpu.memory_space<semaphore_mem>>
    %dma_start3A_125 = arith.constant 25 : i32
    %dma_start3A_126 = tpu.memref_slice %arg3[%dma_start3A_125, %add3A_119] : memref<131x2048xf32, #tpu.memory_space<hbm>> -> memref<25x32xf32, #tpu.memory_space<hbm>>
    tpu.enqueue_dma source(%dma_start3A_126 : memref<25x32xf32, #tpu.memory_space<hbm>>) target(%arg10 : memref<25x32xf32, #tpu.memory_space<vmem>>) target_semaphore(%dma_start3A_124 : memref<!tpu.dma_semaphore, #tpu.memory_space<semaphore_mem>>)
    %dma_wait3A_127 = arith.constant 1 : i32
    %dma_wait3A_128 = arith.constant 0 : i32
    %dma_wait3A_129 = tpu.memref_slice %arg3[%dma_wait3A_128, %add3A_110] : memref<131x2048xf32, #tpu.memory_space<hbm>> -> memref<25x32xf32, #tpu.memory_space<hbm>>
    %dma_wait3A_130 = tpu.memref_slice %arg20[%dma_wait3A_127] : memref<7x!tpu.dma_semaphore, #tpu.memory_space<semaphore_mem>> -> memref<1x!tpu.dma_semaphore, #tpu.memory_space<semaphore_mem>>
    %dma_wait3A_131 = tpu.memref_squeeze %dma_wait3A_130 : memref<1x!tpu.dma_semaphore, #tpu.memory_space<semaphore_mem>> -> memref<!tpu.dma_semaphore, #tpu.memory_space<semaphore_mem>>
    %dma_wait3A_132 = arith.constant 0 : i32
    %dma_wait3A_133 = tpu.memref_slice %arg3[%dma_wait3A_132, %add3A_110] : memref<131x2048xf32, #tpu.memory_space<hbm>> -> memref<25x32xf32, #tpu.memory_space<hbm>>
    tpu.wait_dma2 semaphore(%dma_wait3A_131 : memref<!tpu.dma_semaphore, #tpu.memory_space<semaphore_mem>>) src(%dma_wait3A_133 : memref<25x32xf32, #tpu.memory_space<hbm>>) dst(%arg9 : memref<25x32xf32, #tpu.memory_space<vmem>>)
    %dma_wait3A_134 = arith.constant 2 : i32
    %dma_wait3A_135 = arith.constant 25 : i32
    %dma_wait3A_136 = tpu.memref_slice %arg3[%dma_wait3A_135, %add3A_119] : memref<131x2048xf32, #tpu.memory_space<hbm>> -> memref<25x32xf32, #tpu.memory_space<hbm>>
    %dma_wait3A_137 = tpu.memref_slice %arg20[%dma_wait3A_134] : memref<7x!tpu.dma_semaphore, #tpu.memory_space<semaphore_mem>> -> memref<1x!tpu.dma_semaphore, #tpu.memory_space<semaphore_mem>>
    %dma_wait3A_138 = tpu.memref_squeeze %dma_wait3A_137 : memref<1x!tpu.dma_semaphore, #tpu.memory_space<semaphore_mem>> -> memref<!tpu.dma_semaphore, #tpu.memory_space<semaphore_mem>>
    %dma_wait3A_139 = arith.constant 25 : i32
    %dma_wait3A_140 = tpu.memref_slice %arg3[%dma_wait3A_139, %add3A_119] : memref<131x2048xf32, #tpu.memory_space<hbm>> -> memref<25x32xf32, #tpu.memory_space<hbm>>
    tpu.wait_dma2 semaphore(%dma_wait3A_138 : memref<!tpu.dma_semaphore, #tpu.memory_space<semaphore_mem>>) src(%dma_wait3A_140 : memref<25x32xf32, #tpu.memory_space<hbm>>) dst(%arg10 : memref<25x32xf32, #tpu.memory_space<vmem>>)
    %parallel_loop3A_141 = arith.constant 0 : i32
    %parallel_loop3A_142 = arith.constant 2 : i32
    %parallel_loop3A_143 = arith.constant 1 : i32
    scf.for %parallel_loop3A_202 = %parallel_loop3A_141 to %parallel_loop3A_142 step %parallel_loop3A_143  : i32 {
      %parallel_loop3A_203 = arith.constant 2 : i32
      %parallel_loop3A_204 = arith.addi %parallel_loop3A_203, %parallel_loop3A_202 : i32
      %parallel_loop3A_205 = arith.constant 16 : i32
      %parallel_loop3A_206 = arith.muli %parallel_loop3A_204, %parallel_loop3A_205 : i32
      %parallel_loop3A_207 = vector.broadcast %parallel_loop3A_206 : i32 to vector<16xi32>
      %parallel_loop3A_208 = arith.addi %parallel_loop3A_207, %iota3A : vector<16xi32>
      %parallel_loop3A_209 = arith.constant 0.000000e+00 : f32
      %parallel_loop3A_210 = vector.broadcast %parallel_loop3A_209 : f32 to vector<16xf32>
      %parallel_loop3A_211 = arith.constant 0 : i32
      %parallel_loop3A_212 = vector.broadcast %parallel_loop3A_211 : i32 to vector<16xi32>
      %parallel_loop3A_213 = arith.constant 5 : i32
      %parallel_loop3A_214 = vector.broadcast %parallel_loop3A_213 : i32 to vector<16xi32>
      %parallel_loop3A_215 = arith.muli %parallel_loop3A_208, %parallel_loop3A_214 : vector<16xi32>
      %parallel_loop3A_216 = arith.constant 0 : i32
      %parallel_loop3A_217 = vector.broadcast %parallel_loop3A_216 : i32 to vector<16xi32>
      %parallel_loop3A_218 = arith.addi %parallel_loop3A_215, %parallel_loop3A_217 : vector<16xi32>
      %parallel_loop3A_219 = tpu.vector_load_idx %arg6[%parallel_loop3A_212, %parallel_loop3A_218] : memref<5x320xf32, #tpu.memory_space<vmem>>[vector<16xi32>, vector<16xi32>], vector<16xf32>,
      %parallel_loop3A_220 = arith.constant 16 : i32
      %parallel_loop3A_221 = arith.muli %parallel_loop3A_204, %parallel_loop3A_220 : i32
      %parallel_loop3A_222 = arith.constant 0 : i32
      %parallel_loop3A_223 = arith.addi %parallel_loop3A_222, %parallel_loop3A_221 : i32
      %parallel_loop3A_224 = arith.index_cast %parallel_loop3A_223 : i32 to index
      %parallel_loop3A_225 = tpu.vector_load %arg7[%parallel_loop3A_224] {strides = array<i32>} : memref<1600xf32, #tpu.memory_space<vmem>>, vector<16xf32>,
      tpu.vector_store %arg7[%parallel_loop3A_224], %parallel_loop3A_219 {strides = array<i32>} : memref<1600xf32, #tpu.memory_space<vmem>>, vector<16xf32>,
      %parallel_loop3A_226 = arith.constant 16 : i32
      %parallel_loop3A_227 = arith.muli %parallel_loop3A_202, %parallel_loop3A_226 : i32
      %parallel_loop3A_228 = arith.constant 0 : i32
      %parallel_loop3A_229 = arith.index_cast %parallel_loop3A_228 : i32 to index
      %parallel_loop3A_230 = arith.index_cast %parallel_loop3A_227 : i32 to index
      %parallel_loop3A_231 = tpu.vector_load %arg9[%parallel_loop3A_229, %parallel_loop3A_230] {strides = array<i32>} : memref<25x32xf32, #tpu.memory_space<vmem>>, vector<16xf32>,
      %parallel_loop3A_232 = arith.subf %parallel_loop3A_231, %parallel_loop3A_219 : vector<16xf32>
      %parallel_loop3A_233 = arith.constant 16 : i32
      %parallel_loop3A_234 = arith.muli %parallel_loop3A_202, %parallel_loop3A_233 : i32
      %parallel_loop3A_235 = arith.constant 0 : i32
      %parallel_loop3A_236 = arith.index_cast %parallel_loop3A_235 : i32 to index
      %parallel_loop3A_237 = arith.index_cast %parallel_loop3A_234 : i32 to index
      %parallel_loop3A_238 = tpu.vector_load %arg10[%parallel_loop3A_236, %parallel_loop3A_237] {strides = array<i32>} : memref<25x32xf32, #tpu.memory_space<vmem>>, vector<16xf32>,
      %parallel_loop3A_239 = arith.mulf %parallel_loop3A_232, %parallel_loop3A_238 : vector<16xf32>
      %parallel_loop3A_240 = arith.addf %parallel_loop3A_210, %parallel_loop3A_239 : vector<16xf32>
      %parallel_loop3A_241 = arith.constant 1 : i32
      %parallel_loop3A_242 = vector.broadcast %parallel_loop3A_241 : i32 to vector<16xi32>
      %parallel_loop3A_243 = arith.constant 5 : i32
      %parallel_loop3A_244 = vector.broadcast %parallel_loop3A_243 : i32 to vector<16xi32>
      %parallel_loop3A_245 = arith.muli %parallel_loop3A_208, %parallel_loop3A_244 : vector<16xi32>
      %parallel_loop3A_246 = arith.constant 0 : i32
      %parallel_loop3A_247 = vector.broadcast %parallel_loop3A_246 : i32 to vector<16xi32>
      %parallel_loop3A_248 = arith.addi %parallel_loop3A_245, %parallel_loop3A_247 : vector<16xi32>
      %parallel_loop3A_249 = tpu.vector_load_idx %arg6[%parallel_loop3A_242, %parallel_loop3A_248] : memref<5x320xf32, #tpu.memory_space<vmem>>[vector<16xi32>, vector<16xi32>], vector<16xf32>,
      %parallel_loop3A_250 = arith.constant 16 : i32
      %parallel_loop3A_251 = arith.muli %parallel_loop3A_204, %parallel_loop3A_250 : i32
      %parallel_loop3A_252 = arith.constant 64 : i32
      %parallel_loop3A_253 = arith.addi %parallel_loop3A_252, %parallel_loop3A_251 : i32
      %parallel_loop3A_254 = arith.index_cast %parallel_loop3A_253 : i32 to index
      %parallel_loop3A_255 = tpu.vector_load %arg7[%parallel_loop3A_254] {strides = array<i32>} : memref<1600xf32, #tpu.memory_space<vmem>>, vector<16xf32>,
      tpu.vector_store %arg7[%parallel_loop3A_254], %parallel_loop3A_249 {strides = array<i32>} : memref<1600xf32, #tpu.memory_space<vmem>>, vector<16xf32>,
      %parallel_loop3A_256 = arith.constant 16 : i32
      %parallel_loop3A_257 = arith.muli %parallel_loop3A_202, %parallel_loop3A_256 : i32
      %parallel_loop3A_258 = arith.constant 1 : i32
      %parallel_loop3A_259 = arith.index_cast %parallel_loop3A_258 : i32 to index
      %parallel_loop3A_260 = arith.index_cast %parallel_loop3A_257 : i32 to index
      %parallel_loop3A_261 = tpu.vector_load %arg9[%parallel_loop3A_259, %parallel_loop3A_260] {strides = array<i32>} : memref<25x32xf32, #tpu.memory_space<vmem>>, vector<16xf32>,
      %parallel_loop3A_262 = arith.subf %parallel_loop3A_261, %parallel_loop3A_249 : vector<16xf32>
      %parallel_loop3A_263 = arith.constant 16 : i32
      %parallel_loop3A_264 = arith.muli %parallel_loop3A_202, %parallel_loop3A_263 : i32
      %parallel_loop3A_265 = arith.constant 1 : i32
      %parallel_loop3A_266 = arith.index_cast %parallel_loop3A_265 : i32 to index
      %parallel_loop3A_267 = arith.index_cast %parallel_loop3A_264 : i32 to index
      %parallel_loop3A_268 = tpu.vector_load %arg10[%parallel_loop3A_266, %parallel_loop3A_267] {strides = array<i32>} : memref<25x32xf32, #tpu.memory_space<vmem>>, vector<16xf32>,
      %parallel_loop3A_269 = arith.mulf %parallel_loop3A_262, %parallel_loop3A_268 : vector<16xf32>
      %parallel_loop3A_270 = arith.addf %parallel_loop3A_240, %parallel_loop3A_269 : vector<16xf32>
      %parallel_loop3A_271 = arith.constant 2 : i32
      %parallel_loop3A_272 = vector.broadcast %parallel_loop3A_271 : i32 to vector<16xi32>
      %parallel_loop3A_273 = arith.constant 5 : i32
      %parallel_loop3A_274 = vector.broadcast %parallel_loop3A_273 : i32 to vector<16xi32>
      %parallel_loop3A_275 = arith.muli %parallel_loop3A_208, %parallel_loop3A_274 : vector<16xi32>
      %parallel_loop3A_276 = arith.constant 0 : i32
      %parallel_loop3A_277 = vector.broadcast %parallel_loop3A_276 : i32 to vector<16xi32>
      %parallel_loop3A_278 = arith.addi %parallel_loop3A_275, %parallel_loop3A_277 : vector<16xi32>
      %parallel_loop3A_279 = tpu.vector_load_idx %arg6[%parallel_loop3A_272, %parallel_loop3A_278] : memref<5x320xf32, #tpu.memory_space<vmem>>[vector<16xi32>, vector<16xi32>], vector<16xf32>,
      %parallel_loop3A_280 = arith.constant 16 : i32
      %parallel_loop3A_281 = arith.muli %parallel_loop3A_204, %parallel_loop3A_280 : i32
      %parallel_loop3A_282 = arith.constant 128 : i32
      %parallel_loop3A_283 = arith.addi %parallel_loop3A_282, %parallel_loop3A_281 : i32
      %parallel_loop3A_284 = arith.index_cast %parallel_loop3A_283 : i32 to index
      %parallel_loop3A_285 = tpu.vector_load %arg7[%parallel_loop3A_284] {strides = array<i32>} : memref<1600xf32, #tpu.memory_space<vmem>>, vector<16xf32>,
      tpu.vector_store %arg7[%parallel_loop3A_284], %parallel_loop3A_279 {strides = array<i32>} : memref<1600xf32, #tpu.memory_space<vmem>>, vector<16xf32>,
      %parallel_loop3A_286 = arith.constant 16 : i32
      %parallel_loop3A_287 = arith.muli %parallel_loop3A_202, %parallel_loop3A_286 : i32
      %parallel_loop3A_288 = arith.constant 2 : i32
      %parallel_loop3A_289 = arith.index_cast %parallel_loop3A_288 : i32 to index
      %parallel_loop3A_290 = arith.index_cast %parallel_loop3A_287 : i32 to index
      %parallel_loop3A_291 = tpu.vector_load %arg9[%parallel_loop3A_289, %parallel_loop3A_290] {strides = array<i32>} : memref<25x32xf32, #tpu.memory_space<vmem>>, vector<16xf32>,
      %parallel_loop3A_292 = arith.subf %parallel_loop3A_291, %parallel_loop3A_279 : vector<16xf32>
      %parallel_loop3A_293 = arith.constant 16 : i32
      %parallel_loop3A_294 = arith.muli %parallel_loop3A_202, %parallel_loop3A_293 : i32
      %parallel_loop3A_295 = arith.constant 2 : i32
      %parallel_loop3A_296 = arith.index_cast %parallel_loop3A_295 : i32 to index
      %parallel_loop3A_297 = arith.index_cast %parallel_loop3A_294 : i32 to index
      %parallel_loop3A_298 = tpu.vector_load %arg10[%parallel_loop3A_296, %parallel_loop3A_297] {strides = array<i32>} : memref<25x32xf32, #tpu.memory_space<vmem>>, vector<16xf32>,
      %parallel_loop3A_299 = arith.mulf %parallel_loop3A_292, %parallel_loop3A_298 : vector<16xf32>
      %parallel_loop3A_300 = arith.addf %parallel_loop3A_270, %parallel_loop3A_299 : vector<16xf32>
      %parallel_loop3A_301 = arith.constant 3 : i32
      %parallel_loop3A_302 = vector.broadcast %parallel_loop3A_301 : i32 to vector<16xi32>
      %parallel_loop3A_303 = arith.constant 5 : i32
      %parallel_loop3A_304 = vector.broadcast %parallel_loop3A_303 : i32 to vector<16xi32>
      %parallel_loop3A_305 = arith.muli %parallel_loop3A_208, %parallel_loop3A_304 : vector<16xi32>
      %parallel_loop3A_306 = arith.constant 0 : i32
      %parallel_loop3A_307 = vector.broadcast %parallel_loop3A_306 : i32 to vector<16xi32>
      %parallel_loop3A_308 = arith.addi %parallel_loop3A_305, %parallel_loop3A_307 : vector<16xi32>
      %parallel_loop3A_309 = tpu.vector_load_idx %arg6[%parallel_loop3A_302, %parallel_loop3A_308] : memref<5x320xf32, #tpu.memory_space<vmem>>[vector<16xi32>, vector<16xi32>], vector<16xf32>,
      %parallel_loop3A_310 = arith.constant 16 : i32
      %parallel_loop3A_311 = arith.muli %parallel_loop3A_204, %parallel_loop3A_310 : i32
      %parallel_loop3A_312 = arith.constant 192 : i32
      %parallel_loop3A_313 = arith.addi %parallel_loop3A_312, %parallel_loop3A_311 : i32
      %parallel_loop3A_314 = arith.index_cast %parallel_loop3A_313 : i32 to index
      %parallel_loop3A_315 = tpu.vector_load %arg7[%parallel_loop3A_314] {strides = array<i32>} : memref<1600xf32, #tpu.memory_space<vmem>>, vector<16xf32>,
      tpu.vector_store %arg7[%parallel_loop3A_314], %parallel_loop3A_309 {strides = array<i32>} : memref<1600xf32, #tpu.memory_space<vmem>>, vector<16xf32>,
      %parallel_loop3A_316 = arith.constant 16 : i32
      %parallel_loop3A_317 = arith.muli %parallel_loop3A_202, %parallel_loop3A_316 : i32
      %parallel_loop3A_318 = arith.constant 3 : i32
      %parallel_loop3A_319 = arith.index_cast %parallel_loop3A_318 : i32 to index
      %parallel_loop3A_320 = arith.index_cast %parallel_loop3A_317 : i32 to index
      %parallel_loop3A_321 = tpu.vector_load %arg9[%parallel_loop3A_319, %parallel_loop3A_320] {strides = array<i32>} : memref<25x32xf32, #tpu.memory_space<vmem>>, vector<16xf32>,
      %parallel_loop3A_322 = arith.subf %parallel_loop3A_321, %parallel_loop3A_309 : vector<16xf32>
      %parallel_loop3A_323 = arith.constant 16 : i32
      %parallel_loop3A_324 = arith.muli %parallel_loop3A_202, %parallel_loop3A_323 : i32
      %parallel_loop3A_325 = arith.constant 3 : i32
      %parallel_loop3A_326 = arith.index_cast %parallel_loop3A_325 : i32 to index
      %parallel_loop3A_327 = arith.index_cast %parallel_loop3A_324 : i32 to index
      %parallel_loop3A_328 = tpu.vector_load %arg10[%parallel_loop3A_326, %parallel_loop3A_327] {strides = array<i32>} : memref<25x32xf32, #tpu.memory_space<vmem>>, vector<16xf32>,
      %parallel_loop3A_329 = arith.mulf %parallel_loop3A_322, %parallel_loop3A_328 : vector<16xf32>
      %parallel_loop3A_330 = arith.addf %parallel_loop3A_300, %parallel_loop3A_329 : vector<16xf32>
      %parallel_loop3A_331 = arith.constant 4 : i32
      %parallel_loop3A_332 = vector.broadcast %parallel_loop3A_331 : i32 to vector<16xi32>
      %parallel_loop3A_333 = arith.constant 5 : i32
      %parallel_loop3A_334 = vector.broadcast %parallel_loop3A_333 : i32 to vector<16xi32>
      %parallel_loop3A_335 = arith.muli %parallel_loop3A_208, %parallel_loop3A_334 : vector<16xi32>
      %parallel_loop3A_336 = arith.constant 0 : i32
      %parallel_loop3A_337 = vector.broadcast %parallel_loop3A_336 : i32 to vector<16xi32>
      %parallel_loop3A_338 = arith.addi %parallel_loop3A_335, %parallel_loop3A_337 : vector<16xi32>
      %parallel_loop3A_339 = tpu.vector_load_idx %arg6[%parallel_loop3A_332, %parallel_loop3A_338] : memref<5x320xf32, #tpu.memory_space<vmem>>[vector<16xi32>, vector<16xi32>], vector<16xf32>,
      %parallel_loop3A_340 = arith.constant 16 : i32
      %parallel_loop3A_341 = arith.muli %parallel_loop3A_204, %parallel_loop3A_340 : i32
      %parallel_loop3A_342 = arith.constant 256 : i32
      %parallel_loop3A_343 = arith.addi %parallel_loop3A_342, %parallel_loop3A_341 : i32
      %parallel_loop3A_344 = arith.index_cast %parallel_loop3A_343 : i32 to index
      %parallel_loop3A_345 = tpu.vector_load %arg7[%parallel_loop3A_344] {strides = array<i32>} : memref<1600xf32, #tpu.memory_space<vmem>>, vector<16xf32>,
      tpu.vector_store %arg7[%parallel_loop3A_344], %parallel_loop3A_339 {strides = array<i32>} : memref<1600xf32, #tpu.memory_space<vmem>>, vector<16xf32>,
      %parallel_loop3A_346 = arith.constant 16 : i32
      %parallel_loop3A_347 = arith.muli %parallel_loop3A_202, %parallel_loop3A_346 : i32
      %parallel_loop3A_348 = arith.constant 4 : i32
      %parallel_loop3A_349 = arith.index_cast %parallel_loop3A_348 : i32 to index
      %parallel_loop3A_350 = arith.index_cast %parallel_loop3A_347 : i32 to index
      %parallel_loop3A_351 = tpu.vector_load %arg9[%parallel_loop3A_349, %parallel_loop3A_350] {strides = array<i32>} : memref<25x32xf32, #tpu.memory_space<vmem>>, vector<16xf32>,
      %parallel_loop3A_352 = arith.subf %parallel_loop3A_351, %parallel_loop3A_339 : vector<16xf32>
      %parallel_loop3A_353 = arith.constant 16 : i32
      %parallel_loop3A_354 = arith.muli %parallel_loop3A_202, %parallel_loop3A_353 : i32
      %parallel_loop3A_355 = arith.constant 4 : i32
      %parallel_loop3A_356 = arith.index_cast %parallel_loop3A_355 : i32 to index
      %parallel_loop3A_357 = arith.index_cast %parallel_loop3A_354 : i32 to index
      %parallel_loop3A_358 = tpu.vector_load %arg10[%parallel_loop3A_356, %parallel_loop3A_357] {strides = array<i32>} : memref<25x32xf32, #tpu.memory_space<vmem>>, vector<16xf32>,
      %parallel_loop3A_359 = arith.mulf %parallel_loop3A_352, %parallel_loop3A_358 : vector<16xf32>
      %parallel_loop3A_360 = arith.addf %parallel_loop3A_330, %parallel_loop3A_359 : vector<16xf32>
      %parallel_loop3A_361 = arith.constant 0 : i32
      %parallel_loop3A_362 = vector.broadcast %parallel_loop3A_361 : i32 to vector<16xi32>
      %parallel_loop3A_363 = arith.constant 5 : i32
      %parallel_loop3A_364 = vector.broadcast %parallel_loop3A_363 : i32 to vector<16xi32>
      %parallel_loop3A_365 = arith.muli %parallel_loop3A_208, %parallel_loop3A_364 : vector<16xi32>
      %parallel_loop3A_366 = arith.constant 1 : i32
      %parallel_loop3A_367 = vector.broadcast %parallel_loop3A_366 : i32 to vector<16xi32>
      %parallel_loop3A_368 = arith.addi %parallel_loop3A_365, %parallel_loop3A_367 : vector<16xi32>
      %parallel_loop3A_369 = tpu.vector_load_idx %arg6[%parallel_loop3A_362, %parallel_loop3A_368] : memref<5x320xf32, #tpu.memory_space<vmem>>[vector<16xi32>, vector<16xi32>], vector<16xf32>,
      %parallel_loop3A_370 = arith.constant 16 : i32
      %parallel_loop3A_371 = arith.muli %parallel_loop3A_204, %parallel_loop3A_370 : i32
      %parallel_loop3A_372 = arith.constant 320 : i32
      %parallel_loop3A_373 = arith.addi %parallel_loop3A_372, %parallel_loop3A_371 : i32
      %parallel_loop3A_374 = arith.index_cast %parallel_loop3A_373 : i32 to index
      %parallel_loop3A_375 = tpu.vector_load %arg7[%parallel_loop3A_374] {strides = array<i32>} : memref<1600xf32, #tpu.memory_space<vmem>>, vector<16xf32>,
      tpu.vector_store %arg7[%parallel_loop3A_374], %parallel_loop3A_369 {strides = array<i32>} : memref<1600xf32, #tpu.memory_space<vmem>>, vector<16xf32>,
      %parallel_loop3A_376 = arith.constant 16 : i32
      %parallel_loop3A_377 = arith.muli %parallel_loop3A_202, %parallel_loop3A_376 : i32
      %parallel_loop3A_378 = arith.constant 5 : i32
      %parallel_loop3A_379 = arith.index_cast %parallel_loop3A_378 : i32 to index
      %parallel_loop3A_380 = arith.index_cast %parallel_loop3A_377 : i32 to index
      %parallel_loop3A_381 = tpu.vector_load %arg9[%parallel_loop3A_379, %parallel_loop3A_380] {strides = array<i32>} : memref<25x32xf32, #tpu.memory_space<vmem>>, vector<16xf32>,
      %parallel_loop3A_382 = arith.subf %parallel_loop3A_381, %parallel_loop3A_369 : vector<16xf32>
      %parallel_loop3A_383 = arith.constant 16 : i32
      %parallel_loop3A_384 = arith.muli %parallel_loop3A_202, %parallel_loop3A_383 : i32
      %parallel_loop3A_385 = arith.constant 5 : i32
      %parallel_loop3A_386 = arith.index_cast %parallel_loop3A_385 : i32 to index
      %parallel_loop3A_387 = arith.index_cast %parallel_loop3A_384 : i32 to index
      %parallel_loop3A_388 = tpu.vector_load %arg10[%parallel_loop3A_386, %parallel_loop3A_387] {strides = array<i32>} : memref<25x32xf32, #tpu.memory_space<vmem>>, vector<16xf32>,
      %parallel_loop3A_389 = arith.mulf %parallel_loop3A_382, %parallel_loop3A_388 : vector<16xf32>
      %parallel_loop3A_390 = arith.addf %parallel_loop3A_360, %parallel_loop3A_389 : vector<16xf32>
      %parallel_loop3A_391 = arith.constant 1 : i32
      %parallel_loop3A_392 = vector.broadcast %parallel_loop3A_391 : i32 to vector<16xi32>
      %parallel_loop3A_393 = arith.constant 5 : i32
      %parallel_loop3A_394 = vector.broadcast %parallel_loop3A_393 : i32 to vector<16xi32>
      %parallel_loop3A_395 = arith.muli %parallel_loop3A_208, %parallel_loop3A_394 : vector<16xi32>
      %parallel_loop3A_396 = arith.constant 1 : i32
      %parallel_loop3A_397 = vector.broadcast %parallel_loop3A_396 : i32 to vector<16xi32>
      %parallel_loop3A_398 = arith.addi %parallel_loop3A_395, %parallel_loop3A_397 : vector<16xi32>
      %parallel_loop3A_399 = tpu.vector_load_idx %arg6[%parallel_loop3A_392, %parallel_loop3A_398] : memref<5x320xf32, #tpu.memory_space<vmem>>[vector<16xi32>, vector<16xi32>], vector<16xf32>,
      %parallel_loop3A_400 = arith.constant 16 : i32
      %parallel_loop3A_401 = arith.muli %parallel_loop3A_204, %parallel_loop3A_400 : i32
      %parallel_loop3A_402 = arith.constant 384 : i32
      %parallel_loop3A_403 = arith.addi %parallel_loop3A_402, %parallel_loop3A_401 : i32
      %parallel_loop3A_404 = arith.index_cast %parallel_loop3A_403 : i32 to index
      %parallel_loop3A_405 = tpu.vector_load %arg7[%parallel_loop3A_404] {strides = array<i32>} : memref<1600xf32, #tpu.memory_space<vmem>>, vector<16xf32>,
      tpu.vector_store %arg7[%parallel_loop3A_404], %parallel_loop3A_399 {strides = array<i32>} : memref<1600xf32, #tpu.memory_space<vmem>>, vector<16xf32>,
      %parallel_loop3A_406 = arith.constant 16 : i32
      %parallel_loop3A_407 = arith.muli %parallel_loop3A_202, %parallel_loop3A_406 : i32
      %parallel_loop3A_408 = arith.constant 6 : i32
      %parallel_loop3A_409 = arith.index_cast %parallel_loop3A_408 : i32 to index
      %parallel_loop3A_410 = arith.index_cast %parallel_loop3A_407 : i32 to index
      %parallel_loop3A_411 = tpu.vector_load %arg9[%parallel_loop3A_409, %parallel_loop3A_410] {strides = array<i32>} : memref<25x32xf32, #tpu.memory_space<vmem>>, vector<16xf32>,
      %parallel_loop3A_412 = arith.subf %parallel_loop3A_411, %parallel_loop3A_399 : vector<16xf32>
      %parallel_loop3A_413 = arith.constant 16 : i32
      %parallel_loop3A_414 = arith.muli %parallel_loop3A_202, %parallel_loop3A_413 : i32
      %parallel_loop3A_415 = arith.constant 6 : i32
      %parallel_loop3A_416 = arith.index_cast %parallel_loop3A_415 : i32 to index
      %parallel_loop3A_417 = arith.index_cast %parallel_loop3A_414 : i32 to index
      %parallel_loop3A_418 = tpu.vector_load %arg10[%parallel_loop3A_416, %parallel_loop3A_417] {strides = array<i32>} : memref<25x32xf32, #tpu.memory_space<vmem>>, vector<16xf32>,
      %parallel_loop3A_419 = arith.mulf %parallel_loop3A_412, %parallel_loop3A_418 : vector<16xf32>
      %parallel_loop3A_420 = arith.addf %parallel_loop3A_390, %parallel_loop3A_419 : vector<16xf32>
      %parallel_loop3A_421 = arith.constant 2 : i32
      %parallel_loop3A_422 = vector.broadcast %parallel_loop3A_421 : i32 to vector<16xi32>
      %parallel_loop3A_423 = arith.constant 5 : i32
      %parallel_loop3A_424 = vector.broadcast %parallel_loop3A_423 : i32 to vector<16xi32>
      %parallel_loop3A_425 = arith.muli %parallel_loop3A_208, %parallel_loop3A_424 : vector<16xi32>
      %parallel_loop3A_426 = arith.constant 1 : i32
      %parallel_loop3A_427 = vector.broadcast %parallel_loop3A_426 : i32 to vector<16xi32>
      %parallel_loop3A_428 = arith.addi %parallel_loop3A_425, %parallel_loop3A_427 : vector<16xi32>
      %parallel_loop3A_429 = tpu.vector_load_idx %arg6[%parallel_loop3A_422, %parallel_loop3A_428] : memref<5x320xf32, #tpu.memory_space<vmem>>[vector<16xi32>, vector<16xi32>], vector<16xf32>,
      %parallel_loop3A_430 = arith.constant 16 : i32
      %parallel_loop3A_431 = arith.muli %parallel_loop3A_204, %parallel_loop3A_430 : i32
      %parallel_loop3A_432 = arith.constant 448 : i32
      %parallel_loop3A_433 = arith.addi %parallel_loop3A_432, %parallel_loop3A_431 : i32
      %parallel_loop3A_434 = arith.index_cast %parallel_loop3A_433 : i32 to index
      %parallel_loop3A_435 = tpu.vector_load %arg7[%parallel_loop3A_434] {strides = array<i32>} : memref<1600xf32, #tpu.memory_space<vmem>>, vector<16xf32>,
      tpu.vector_store %arg7[%parallel_loop3A_434], %parallel_loop3A_429 {strides = array<i32>} : memref<1600xf32, #tpu.memory_space<vmem>>, vector<16xf32>,
      %parallel_loop3A_436 = arith.constant 16 : i32
      %parallel_loop3A_437 = arith.muli %parallel_loop3A_202, %parallel_loop3A_436 : i32
      %parallel_loop3A_438 = arith.constant 7 : i32
      %parallel_loop3A_439 = arith.index_cast %parallel_loop3A_438 : i32 to index
      %parallel_loop3A_440 = arith.index_cast %parallel_loop3A_437 : i32 to index
      %parallel_loop3A_441 = tpu.vector_load %arg9[%parallel_loop3A_439, %parallel_loop3A_440] {strides = array<i32>} : memref<25x32xf32, #tpu.memory_space<vmem>>, vector<16xf32>,
      %parallel_loop3A_442 = arith.subf %parallel_loop3A_441, %parallel_loop3A_429 : vector<16xf32>
      %parallel_loop3A_443 = arith.constant 16 : i32
      %parallel_loop3A_444 = arith.muli %parallel_loop3A_202, %parallel_loop3A_443 : i32
      %parallel_loop3A_445 = arith.constant 7 : i32
      %parallel_loop3A_446 = arith.index_cast %parallel_loop3A_445 : i32 to index
      %parallel_loop3A_447 = arith.index_cast %parallel_loop3A_444 : i32 to index
      %parallel_loop3A_448 = tpu.vector_load %arg10[%parallel_loop3A_446, %parallel_loop3A_447] {strides = array<i32>} : memref<25x32xf32, #tpu.memory_space<vmem>>, vector<16xf32>,
      %parallel_loop3A_449 = arith.mulf %parallel_loop3A_442, %parallel_loop3A_448 : vector<16xf32>
      %parallel_loop3A_450 = arith.addf %parallel_loop3A_420, %parallel_loop3A_449 : vector<16xf32>
      %parallel_loop3A_451 = arith.constant 3 : i32
      %parallel_loop3A_452 = vector.broadcast %parallel_loop3A_451 : i32 to vector<16xi32>
      %parallel_loop3A_453 = arith.constant 5 : i32
      %parallel_loop3A_454 = vector.broadcast %parallel_loop3A_453 : i32 to vector<16xi32>
      %parallel_loop3A_455 = arith.muli %parallel_loop3A_208, %parallel_loop3A_454 : vector<16xi32>
      %parallel_loop3A_456 = arith.constant 1 : i32
      %parallel_loop3A_457 = vector.broadcast %parallel_loop3A_456 : i32 to vector<16xi32>
      %parallel_loop3A_458 = arith.addi %parallel_loop3A_455, %parallel_loop3A_457 : vector<16xi32>
      %parallel_loop3A_459 = tpu.vector_load_idx %arg6[%parallel_loop3A_452, %parallel_loop3A_458] : memref<5x320xf32, #tpu.memory_space<vmem>>[vector<16xi32>, vector<16xi32>], vector<16xf32>,
      %parallel_loop3A_460 = arith.constant 16 : i32
      %parallel_loop3A_461 = arith.muli %parallel_loop3A_204, %parallel_loop3A_460 : i32
      %parallel_loop3A_462 = arith.constant 512 : i32
      %parallel_loop3A_463 = arith.addi %parallel_loop3A_462, %parallel_loop3A_461 : i32
      %parallel_loop3A_464 = arith.index_cast %parallel_loop3A_463 : i32 to index
      %parallel_loop3A_465 = tpu.vector_load %arg7[%parallel_loop3A_464] {strides = array<i32>} : memref<1600xf32, #tpu.memory_space<vmem>>, vector<16xf32>,
      tpu.vector_store %arg7[%parallel_loop3A_464], %parallel_loop3A_459 {strides = array<i32>} : memref<1600xf32, #tpu.memory_space<vmem>>, vector<16xf32>,
      %parallel_loop3A_466 = arith.constant 16 : i32
      %parallel_loop3A_467 = arith.muli %parallel_loop3A_202, %parallel_loop3A_466 : i32
      %parallel_loop3A_468 = arith.constant 8 : i32
      %parallel_loop3A_469 = arith.index_cast %parallel_loop3A_468 : i32 to index
      %parallel_loop3A_470 = arith.index_cast %parallel_loop3A_467 : i32 to index
      %parallel_loop3A_471 = tpu.vector_load %arg9[%parallel_loop3A_469, %parallel_loop3A_470] {strides = array<i32>} : memref<25x32xf32, #tpu.memory_space<vmem>>, vector<16xf32>,
      %parallel_loop3A_472 = arith.subf %parallel_loop3A_471, %parallel_loop3A_459 : vector<16xf32>
      %parallel_loop3A_473 = arith.constant 16 : i32
      %parallel_loop3A_474 = arith.muli %parallel_loop3A_202, %parallel_loop3A_473 : i32
      %parallel_loop3A_475 = arith.constant 8 : i32
      %parallel_loop3A_476 = arith.index_cast %parallel_loop3A_475 : i32 to index
      %parallel_loop3A_477 = arith.index_cast %parallel_loop3A_474 : i32 to index
      %parallel_loop3A_478 = tpu.vector_load %arg10[%parallel_loop3A_476, %parallel_loop3A_477] {strides = array<i32>} : memref<25x32xf32, #tpu.memory_space<vmem>>, vector<16xf32>,
      %parallel_loop3A_479 = arith.mulf %parallel_loop3A_472, %parallel_loop3A_478 : vector<16xf32>
      %parallel_loop3A_480 = arith.addf %parallel_loop3A_450, %parallel_loop3A_479 : vector<16xf32>
      %parallel_loop3A_481 = arith.constant 4 : i32
      %parallel_loop3A_482 = vector.broadcast %parallel_loop3A_481 : i32 to vector<16xi32>
      %parallel_loop3A_483 = arith.constant 5 : i32
      %parallel_loop3A_484 = vector.broadcast %parallel_loop3A_483 : i32 to vector<16xi32>
      %parallel_loop3A_485 = arith.muli %parallel_loop3A_208, %parallel_loop3A_484 : vector<16xi32>
      %parallel_loop3A_486 = arith.constant 1 : i32
      %parallel_loop3A_487 = vector.broadcast %parallel_loop3A_486 : i32 to vector<16xi32>
      %parallel_loop3A_488 = arith.addi %parallel_loop3A_485, %parallel_loop3A_487 : vector<16xi32>
      %parallel_loop3A_489 = tpu.vector_load_idx %arg6[%parallel_loop3A_482, %parallel_loop3A_488] : memref<5x320xf32, #tpu.memory_space<vmem>>[vector<16xi32>, vector<16xi32>], vector<16xf32>,
      %parallel_loop3A_490 = arith.constant 16 : i32
      %parallel_loop3A_491 = arith.muli %parallel_loop3A_204, %parallel_loop3A_490 : i32
      %parallel_loop3A_492 = arith.constant 576 : i32
      %parallel_loop3A_493 = arith.addi %parallel_loop3A_492, %parallel_loop3A_491 : i32
      %parallel_loop3A_494 = arith.index_cast %parallel_loop3A_493 : i32 to index
      %parallel_loop3A_495 = tpu.vector_load %arg7[%parallel_loop3A_494] {strides = array<i32>} : memref<1600xf32, #tpu.memory_space<vmem>>, vector<16xf32>,
      tpu.vector_store %arg7[%parallel_loop3A_494], %parallel_loop3A_489 {strides = array<i32>} : memref<1600xf32, #tpu.memory_space<vmem>>, vector<16xf32>,
      %parallel_loop3A_496 = arith.constant 16 : i32
      %parallel_loop3A_497 = arith.muli %parallel_loop3A_202, %parallel_loop3A_496 : i32
      %parallel_loop3A_498 = arith.constant 9 : i32
      %parallel_loop3A_499 = arith.index_cast %parallel_loop3A_498 : i32 to index
      %parallel_loop3A_500 = arith.index_cast %parallel_loop3A_497 : i32 to index
      %parallel_loop3A_501 = tpu.vector_load %arg9[%parallel_loop3A_499, %parallel_loop3A_500] {strides = array<i32>} : memref<25x32xf32, #tpu.memory_space<vmem>>, vector<16xf32>,
      %parallel_loop3A_502 = arith.subf %parallel_loop3A_501, %parallel_loop3A_489 : vector<16xf32>
      %parallel_loop3A_503 = arith.constant 16 : i32
      %parallel_loop3A_504 = arith.muli %parallel_loop3A_202, %parallel_loop3A_503 : i32
      %parallel_loop3A_505 = arith.constant 9 : i32
      %parallel_loop3A_506 = arith.index_cast %parallel_loop3A_505 : i32 to index
      %parallel_loop3A_507 = arith.index_cast %parallel_loop3A_504 : i32 to index
      %parallel_loop3A_508 = tpu.vector_load %arg10[%parallel_loop3A_506, %parallel_loop3A_507] {strides = array<i32>} : memref<25x32xf32, #tpu.memory_space<vmem>>, vector<16xf32>,
      %parallel_loop3A_509 = arith.mulf %parallel_loop3A_502, %parallel_loop3A_508 : vector<16xf32>
      %parallel_loop3A_510 = arith.addf %parallel_loop3A_480, %parallel_loop3A_509 : vector<16xf32>
      %parallel_loop3A_511 = arith.constant 0 : i32
      %parallel_loop3A_512 = vector.broadcast %parallel_loop3A_511 : i32 to vector<16xi32>
      %parallel_loop3A_513 = arith.constant 5 : i32
      %parallel_loop3A_514 = vector.broadcast %parallel_loop3A_513 : i32 to vector<16xi32>
      %parallel_loop3A_515 = arith.muli %parallel_loop3A_208, %parallel_loop3A_514 : vector<16xi32>
      %parallel_loop3A_516 = arith.constant 2 : i32
      %parallel_loop3A_517 = vector.broadcast %parallel_loop3A_516 : i32 to vector<16xi32>
      %parallel_loop3A_518 = arith.addi %parallel_loop3A_515, %parallel_loop3A_517 : vector<16xi32>
      %parallel_loop3A_519 = tpu.vector_load_idx %arg6[%parallel_loop3A_512, %parallel_loop3A_518] : memref<5x320xf32, #tpu.memory_space<vmem>>[vector<16xi32>, vector<16xi32>], vector<16xf32>,
      %parallel_loop3A_520 = arith.constant 16 : i32
      %parallel_loop3A_521 = arith.muli %parallel_loop3A_204, %parallel_loop3A_520 : i32
      %parallel_loop3A_522 = arith.constant 640 : i32
      %parallel_loop3A_523 = arith.addi %parallel_loop3A_522, %parallel_loop3A_521 : i32
      %parallel_loop3A_524 = arith.index_cast %parallel_loop3A_523 : i32 to index
      %parallel_loop3A_525 = tpu.vector_load %arg7[%parallel_loop3A_524] {strides = array<i32>} : memref<1600xf32, #tpu.memory_space<vmem>>, vector<16xf32>,
      tpu.vector_store %arg7[%parallel_loop3A_524], %parallel_loop3A_519 {strides = array<i32>} : memref<1600xf32, #tpu.memory_space<vmem>>, vector<16xf32>,
      %parallel_loop3A_526 = arith.constant 16 : i32
      %parallel_loop3A_527 = arith.muli %parallel_loop3A_202, %parallel_loop3A_526 : i32
      %parallel_loop3A_528 = arith.constant 10 : i32
      %parallel_loop3A_529 = arith.index_cast %parallel_loop3A_528 : i32 to index
      %parallel_loop3A_530 = arith.index_cast %parallel_loop3A_527 : i32 to index
      %parallel_loop3A_531 = tpu.vector_load %arg9[%parallel_loop3A_529, %parallel_loop3A_530] {strides = array<i32>} : memref<25x32xf32, #tpu.memory_space<vmem>>, vector<16xf32>,
      %parallel_loop3A_532 = arith.subf %parallel_loop3A_531, %parallel_loop3A_519 : vector<16xf32>
      %parallel_loop3A_533 = arith.constant 16 : i32
      %parallel_loop3A_534 = arith.muli %parallel_loop3A_202, %parallel_loop3A_533 : i32
      %parallel_loop3A_535 = arith.constant 10 : i32
      %parallel_loop3A_536 = arith.index_cast %parallel_loop3A_535 : i32 to index
      %parallel_loop3A_537 = arith.index_cast %parallel_loop3A_534 : i32 to index
      %parallel_loop3A_538 = tpu.vector_load %arg10[%parallel_loop3A_536, %parallel_loop3A_537] {strides = array<i32>} : memref<25x32xf32, #tpu.memory_space<vmem>>, vector<16xf32>,
      %parallel_loop3A_539 = arith.mulf %parallel_loop3A_532, %parallel_loop3A_538 : vector<16xf32>
      %parallel_loop3A_540 = arith.addf %parallel_loop3A_510, %parallel_loop3A_539 : vector<16xf32>
      %parallel_loop3A_541 = arith.constant 1 : i32
      %parallel_loop3A_542 = vector.broadcast %parallel_loop3A_541 : i32 to vector<16xi32>
      %parallel_loop3A_543 = arith.constant 5 : i32
      %parallel_loop3A_544 = vector.broadcast %parallel_loop3A_543 : i32 to vector<16xi32>
      %parallel_loop3A_545 = arith.muli %parallel_loop3A_208, %parallel_loop3A_544 : vector<16xi32>
      %parallel_loop3A_546 = arith.constant 2 : i32
      %parallel_loop3A_547 = vector.broadcast %parallel_loop3A_546 : i32 to vector<16xi32>
      %parallel_loop3A_548 = arith.addi %parallel_loop3A_545, %parallel_loop3A_547 : vector<16xi32>
      %parallel_loop3A_549 = tpu.vector_load_idx %arg6[%parallel_loop3A_542, %parallel_loop3A_548] : memref<5x320xf32, #tpu.memory_space<vmem>>[vector<16xi32>, vector<16xi32>], vector<16xf32>,
      %parallel_loop3A_550 = arith.constant 16 : i32
      %parallel_loop3A_551 = arith.muli %parallel_loop3A_204, %parallel_loop3A_550 : i32
      %parallel_loop3A_552 = arith.constant 704 : i32
      %parallel_loop3A_553 = arith.addi %parallel_loop3A_552, %parallel_loop3A_551 : i32
      %parallel_loop3A_554 = arith.index_cast %parallel_loop3A_553 : i32 to index
      %parallel_loop3A_555 = tpu.vector_load %arg7[%parallel_loop3A_554] {strides = array<i32>} : memref<1600xf32, #tpu.memory_space<vmem>>, vector<16xf32>,
      tpu.vector_store %arg7[%parallel_loop3A_554], %parallel_loop3A_549 {strides = array<i32>} : memref<1600xf32, #tpu.memory_space<vmem>>, vector<16xf32>,
      %parallel_loop3A_556 = arith.constant 16 : i32
      %parallel_loop3A_557 = arith.muli %parallel_loop3A_202, %parallel_loop3A_556 : i32
      %parallel_loop3A_558 = arith.constant 11 : i32
      %parallel_loop3A_559 = arith.index_cast %parallel_loop3A_558 : i32 to index
      %parallel_loop3A_560 = arith.index_cast %parallel_loop3A_557 : i32 to index
      %parallel_loop3A_561 = tpu.vector_load %arg9[%parallel_loop3A_559, %parallel_loop3A_560] {strides = array<i32>} : memref<25x32xf32, #tpu.memory_space<vmem>>, vector<16xf32>,
      %parallel_loop3A_562 = arith.subf %parallel_loop3A_561, %parallel_loop3A_549 : vector<16xf32>
      %parallel_loop3A_563 = arith.constant 16 : i32
      %parallel_loop3A_564 = arith.muli %parallel_loop3A_202, %parallel_loop3A_563 : i32
      %parallel_loop3A_565 = arith.constant 11 : i32
      %parallel_loop3A_566 = arith.index_cast %parallel_loop3A_565 : i32 to index
      %parallel_loop3A_567 = arith.index_cast %parallel_loop3A_564 : i32 to index
      %parallel_loop3A_568 = tpu.vector_load %arg10[%parallel_loop3A_566, %parallel_loop3A_567] {strides = array<i32>} : memref<25x32xf32, #tpu.memory_space<vmem>>, vector<16xf32>,
      %parallel_loop3A_569 = arith.mulf %parallel_loop3A_562, %parallel_loop3A_568 : vector<16xf32>
      %parallel_loop3A_570 = arith.addf %parallel_loop3A_540, %parallel_loop3A_569 : vector<16xf32>
      %parallel_loop3A_571 = arith.constant 2 : i32
      %parallel_loop3A_572 = vector.broadcast %parallel_loop3A_571 : i32 to vector<16xi32>
      %parallel_loop3A_573 = arith.constant 5 : i32
      %parallel_loop3A_574 = vector.broadcast %parallel_loop3A_573 : i32 to vector<16xi32>
      %parallel_loop3A_575 = arith.muli %parallel_loop3A_208, %parallel_loop3A_574 : vector<16xi32>
      %parallel_loop3A_576 = arith.constant 2 : i32
      %parallel_loop3A_577 = vector.broadcast %parallel_loop3A_576 : i32 to vector<16xi32>
      %parallel_loop3A_578 = arith.addi %parallel_loop3A_575, %parallel_loop3A_577 : vector<16xi32>
      %parallel_loop3A_579 = tpu.vector_load_idx %arg6[%parallel_loop3A_572, %parallel_loop3A_578] : memref<5x320xf32, #tpu.memory_space<vmem>>[vector<16xi32>, vector<16xi32>], vector<16xf32>,
      %parallel_loop3A_580 = arith.constant 16 : i32
      %parallel_loop3A_581 = arith.muli %parallel_loop3A_204, %parallel_loop3A_580 : i32
      %parallel_loop3A_582 = arith.constant 768 : i32
      %parallel_loop3A_583 = arith.addi %parallel_loop3A_582, %parallel_loop3A_581 : i32
      %parallel_loop3A_584 = arith.index_cast %parallel_loop3A_583 : i32 to index
      %parallel_loop3A_585 = tpu.vector_load %arg7[%parallel_loop3A_584] {strides = array<i32>} : memref<1600xf32, #tpu.memory_space<vmem>>, vector<16xf32>,
      tpu.vector_store %arg7[%parallel_loop3A_584], %parallel_loop3A_579 {strides = array<i32>} : memref<1600xf32, #tpu.memory_space<vmem>>, vector<16xf32>,
      %parallel_loop3A_586 = arith.constant 16 : i32
      %parallel_loop3A_587 = arith.muli %parallel_loop3A_202, %parallel_loop3A_586 : i32
      %parallel_loop3A_588 = arith.constant 12 : i32
      %parallel_loop3A_589 = arith.index_cast %parallel_loop3A_588 : i32 to index
      %parallel_loop3A_590 = arith.index_cast %parallel_loop3A_587 : i32 to index
      %parallel_loop3A_591 = tpu.vector_load %arg9[%parallel_loop3A_589, %parallel_loop3A_590] {strides = array<i32>} : memref<25x32xf32, #tpu.memory_space<vmem>>, vector<16xf32>,
      %parallel_loop3A_592 = arith.subf %parallel_loop3A_591, %parallel_loop3A_579 : vector<16xf32>
      %parallel_loop3A_593 = arith.constant 16 : i32
      %parallel_loop3A_594 = arith.muli %parallel_loop3A_202, %parallel_loop3A_593 : i32
      %parallel_loop3A_595 = arith.constant 12 : i32
      %parallel_loop3A_596 = arith.index_cast %parallel_loop3A_595 : i32 to index
      %parallel_loop3A_597 = arith.index_cast %parallel_loop3A_594 : i32 to index
      %parallel_loop3A_598 = tpu.vector_load %arg10[%parallel_loop3A_596, %parallel_loop3A_597] {strides = array<i32>} : memref<25x32xf32, #tpu.memory_space<vmem>>, vector<16xf32>,
      %parallel_loop3A_599 = arith.mulf %parallel_loop3A_592, %parallel_loop3A_598 : vector<16xf32>
      %parallel_loop3A_600 = arith.addf %parallel_loop3A_570, %parallel_loop3A_599 : vector<16xf32>
      %parallel_loop3A_601 = arith.constant 3 : i32
      %parallel_loop3A_602 = vector.broadcast %parallel_loop3A_601 : i32 to vector<16xi32>
      %parallel_loop3A_603 = arith.constant 5 : i32
      %parallel_loop3A_604 = vector.broadcast %parallel_loop3A_603 : i32 to vector<16xi32>
      %parallel_loop3A_605 = arith.muli %parallel_loop3A_208, %parallel_loop3A_604 : vector<16xi32>
      %parallel_loop3A_606 = arith.constant 2 : i32
      %parallel_loop3A_607 = vector.broadcast %parallel_loop3A_606 : i32 to vector<16xi32>
      %parallel_loop3A_608 = arith.addi %parallel_loop3A_605, %parallel_loop3A_607 : vector<16xi32>
      %parallel_loop3A_609 = tpu.vector_load_idx %arg6[%parallel_loop3A_602, %parallel_loop3A_608] : memref<5x320xf32, #tpu.memory_space<vmem>>[vector<16xi32>, vector<16xi32>], vector<16xf32>,
      %parallel_loop3A_610 = arith.constant 16 : i32
      %parallel_loop3A_611 = arith.muli %parallel_loop3A_204, %parallel_loop3A_610 : i32
      %parallel_loop3A_612 = arith.constant 832 : i32
      %parallel_loop3A_613 = arith.addi %parallel_loop3A_612, %parallel_loop3A_611 : i32
      %parallel_loop3A_614 = arith.index_cast %parallel_loop3A_613 : i32 to index
      %parallel_loop3A_615 = tpu.vector_load %arg7[%parallel_loop3A_614] {strides = array<i32>} : memref<1600xf32, #tpu.memory_space<vmem>>, vector<16xf32>,
      tpu.vector_store %arg7[%parallel_loop3A_614], %parallel_loop3A_609 {strides = array<i32>} : memref<1600xf32, #tpu.memory_space<vmem>>, vector<16xf32>,
      %parallel_loop3A_616 = arith.constant 16 : i32
      %parallel_loop3A_617 = arith.muli %parallel_loop3A_202, %parallel_loop3A_616 : i32
      %parallel_loop3A_618 = arith.constant 13 : i32
      %parallel_loop3A_619 = arith.index_cast %parallel_loop3A_618 : i32 to index
      %parallel_loop3A_620 = arith.index_cast %parallel_loop3A_617 : i32 to index
      %parallel_loop3A_621 = tpu.vector_load %arg9[%parallel_loop3A_619, %parallel_loop3A_620] {strides = array<i32>} : memref<25x32xf32, #tpu.memory_space<vmem>>, vector<16xf32>,
      %parallel_loop3A_622 = arith.subf %parallel_loop3A_621, %parallel_loop3A_609 : vector<16xf32>
      %parallel_loop3A_623 = arith.constant 16 : i32
      %parallel_loop3A_624 = arith.muli %parallel_loop3A_202, %parallel_loop3A_623 : i32
      %parallel_loop3A_625 = arith.constant 13 : i32
      %parallel_loop3A_626 = arith.index_cast %parallel_loop3A_625 : i32 to index
      %parallel_loop3A_627 = arith.index_cast %parallel_loop3A_624 : i32 to index
      %parallel_loop3A_628 = tpu.vector_load %arg10[%parallel_loop3A_626, %parallel_loop3A_627] {strides = array<i32>} : memref<25x32xf32, #tpu.memory_space<vmem>>, vector<16xf32>,
      %parallel_loop3A_629 = arith.mulf %parallel_loop3A_622, %parallel_loop3A_628 : vector<16xf32>
      %parallel_loop3A_630 = arith.addf %parallel_loop3A_600, %parallel_loop3A_629 : vector<16xf32>
      %parallel_loop3A_631 = arith.constant 4 : i32
      %parallel_loop3A_632 = vector.broadcast %parallel_loop3A_631 : i32 to vector<16xi32>
      %parallel_loop3A_633 = arith.constant 5 : i32
      %parallel_loop3A_634 = vector.broadcast %parallel_loop3A_633 : i32 to vector<16xi32>
      %parallel_loop3A_635 = arith.muli %parallel_loop3A_208, %parallel_loop3A_634 : vector<16xi32>
      %parallel_loop3A_636 = arith.constant 2 : i32
      %parallel_loop3A_637 = vector.broadcast %parallel_loop3A_636 : i32 to vector<16xi32>
      %parallel_loop3A_638 = arith.addi %parallel_loop3A_635, %parallel_loop3A_637 : vector<16xi32>
      %parallel_loop3A_639 = tpu.vector_load_idx %arg6[%parallel_loop3A_632, %parallel_loop3A_638] : memref<5x320xf32, #tpu.memory_space<vmem>>[vector<16xi32>, vector<16xi32>], vector<16xf32>,
      %parallel_loop3A_640 = arith.constant 16 : i32
      %parallel_loop3A_641 = arith.muli %parallel_loop3A_204, %parallel_loop3A_640 : i32
      %parallel_loop3A_642 = arith.constant 896 : i32
      %parallel_loop3A_643 = arith.addi %parallel_loop3A_642, %parallel_loop3A_641 : i32
      %parallel_loop3A_644 = arith.index_cast %parallel_loop3A_643 : i32 to index
      %parallel_loop3A_645 = tpu.vector_load %arg7[%parallel_loop3A_644] {strides = array<i32>} : memref<1600xf32, #tpu.memory_space<vmem>>, vector<16xf32>,
      tpu.vector_store %arg7[%parallel_loop3A_644], %parallel_loop3A_639 {strides = array<i32>} : memref<1600xf32, #tpu.memory_space<vmem>>, vector<16xf32>,
      %parallel_loop3A_646 = arith.constant 16 : i32
      %parallel_loop3A_647 = arith.muli %parallel_loop3A_202, %parallel_loop3A_646 : i32
      %parallel_loop3A_648 = arith.constant 14 : i32
      %parallel_loop3A_649 = arith.index_cast %parallel_loop3A_648 : i32 to index
      %parallel_loop3A_650 = arith.index_cast %parallel_loop3A_647 : i32 to index
      %parallel_loop3A_651 = tpu.vector_load %arg9[%parallel_loop3A_649, %parallel_loop3A_650] {strides = array<i32>} : memref<25x32xf32, #tpu.memory_space<vmem>>, vector<16xf32>,
      %parallel_loop3A_652 = arith.subf %parallel_loop3A_651, %parallel_loop3A_639 : vector<16xf32>
      %parallel_loop3A_653 = arith.constant 16 : i32
      %parallel_loop3A_654 = arith.muli %parallel_loop3A_202, %parallel_loop3A_653 : i32
      %parallel_loop3A_655 = arith.constant 14 : i32
      %parallel_loop3A_656 = arith.index_cast %parallel_loop3A_655 : i32 to index
      %parallel_loop3A_657 = arith.index_cast %parallel_loop3A_654 : i32 to index
      %parallel_loop3A_658 = tpu.vector_load %arg10[%parallel_loop3A_656, %parallel_loop3A_657] {strides = array<i32>} : memref<25x32xf32, #tpu.memory_space<vmem>>, vector<16xf32>,
      %parallel_loop3A_659 = arith.mulf %parallel_loop3A_652, %parallel_loop3A_658 : vector<16xf32>
      %parallel_loop3A_660 = arith.addf %parallel_loop3A_630, %parallel_loop3A_659 : vector<16xf32>
      %parallel_loop3A_661 = arith.constant 0 : i32
      %parallel_loop3A_662 = vector.broadcast %parallel_loop3A_661 : i32 to vector<16xi32>
      %parallel_loop3A_663 = arith.constant 5 : i32
      %parallel_loop3A_664 = vector.broadcast %parallel_loop3A_663 : i32 to vector<16xi32>
      %parallel_loop3A_665 = arith.muli %parallel_loop3A_208, %parallel_loop3A_664 : vector<16xi32>
      %parallel_loop3A_666 = arith.constant 3 : i32
      %parallel_loop3A_667 = vector.broadcast %parallel_loop3A_666 : i32 to vector<16xi32>
      %parallel_loop3A_668 = arith.addi %parallel_loop3A_665, %parallel_loop3A_667 : vector<16xi32>
      %parallel_loop3A_669 = tpu.vector_load_idx %arg6[%parallel_loop3A_662, %parallel_loop3A_668] : memref<5x320xf32, #tpu.memory_space<vmem>>[vector<16xi32>, vector<16xi32>], vector<16xf32>,
      %parallel_loop3A_670 = arith.constant 16 : i32
      %parallel_loop3A_671 = arith.muli %parallel_loop3A_204, %parallel_loop3A_670 : i32
      %parallel_loop3A_672 = arith.constant 960 : i32
      %parallel_loop3A_673 = arith.addi %parallel_loop3A_672, %parallel_loop3A_671 : i32
      %parallel_loop3A_674 = arith.index_cast %parallel_loop3A_673 : i32 to index
      %parallel_loop3A_675 = tpu.vector_load %arg7[%parallel_loop3A_674] {strides = array<i32>} : memref<1600xf32, #tpu.memory_space<vmem>>, vector<16xf32>,
      tpu.vector_store %arg7[%parallel_loop3A_674], %parallel_loop3A_669 {strides = array<i32>} : memref<1600xf32, #tpu.memory_space<vmem>>, vector<16xf32>,
      %parallel_loop3A_676 = arith.constant 16 : i32
      %parallel_loop3A_677 = arith.muli %parallel_loop3A_202, %parallel_loop3A_676 : i32
      %parallel_loop3A_678 = arith.constant 15 : i32
      %parallel_loop3A_679 = arith.index_cast %parallel_loop3A_678 : i32 to index
      %parallel_loop3A_680 = arith.index_cast %parallel_loop3A_677 : i32 to index
      %parallel_loop3A_681 = tpu.vector_load %arg9[%parallel_loop3A_679, %parallel_loop3A_680] {strides = array<i32>} : memref<25x32xf32, #tpu.memory_space<vmem>>, vector<16xf32>,
      %parallel_loop3A_682 = arith.subf %parallel_loop3A_681, %parallel_loop3A_669 : vector<16xf32>
      %parallel_loop3A_683 = arith.constant 16 : i32
      %parallel_loop3A_684 = arith.muli %parallel_loop3A_202, %parallel_loop3A_683 : i32
      %parallel_loop3A_685 = arith.constant 15 : i32
      %parallel_loop3A_686 = arith.index_cast %parallel_loop3A_685 : i32 to index
      %parallel_loop3A_687 = arith.index_cast %parallel_loop3A_684 : i32 to index
      %parallel_loop3A_688 = tpu.vector_load %arg10[%parallel_loop3A_686, %parallel_loop3A_687] {strides = array<i32>} : memref<25x32xf32, #tpu.memory_space<vmem>>, vector<16xf32>,
      %parallel_loop3A_689 = arith.mulf %parallel_loop3A_682, %parallel_loop3A_688 : vector<16xf32>
      %parallel_loop3A_690 = arith.addf %parallel_loop3A_660, %parallel_loop3A_689 : vector<16xf32>
      %parallel_loop3A_691 = arith.constant 1 : i32
      %parallel_loop3A_692 = vector.broadcast %parallel_loop3A_691 : i32 to vector<16xi32>
      %parallel_loop3A_693 = arith.constant 5 : i32
      %parallel_loop3A_694 = vector.broadcast %parallel_loop3A_693 : i32 to vector<16xi32>
      %parallel_loop3A_695 = arith.muli %parallel_loop3A_208, %parallel_loop3A_694 : vector<16xi32>
      %parallel_loop3A_696 = arith.constant 3 : i32
      %parallel_loop3A_697 = vector.broadcast %parallel_loop3A_696 : i32 to vector<16xi32>
      %parallel_loop3A_698 = arith.addi %parallel_loop3A_695, %parallel_loop3A_697 : vector<16xi32>
      %parallel_loop3A_699 = tpu.vector_load_idx %arg6[%parallel_loop3A_692, %parallel_loop3A_698] : memref<5x320xf32, #tpu.memory_space<vmem>>[vector<16xi32>, vector<16xi32>], vector<16xf32>,
      %parallel_loop3A_700 = arith.constant 16 : i32
      %parallel_loop3A_701 = arith.muli %parallel_loop3A_204, %parallel_loop3A_700 : i32
      %parallel_loop3A_702 = arith.constant 1024 : i32
      %parallel_loop3A_703 = arith.addi %parallel_loop3A_702, %parallel_loop3A_701 : i32
      %parallel_loop3A_704 = arith.index_cast %parallel_loop3A_703 : i32 to index
      %parallel_loop3A_705 = tpu.vector_load %arg7[%parallel_loop3A_704] {strides = array<i32>} : memref<1600xf32, #tpu.memory_space<vmem>>, vector<16xf32>,
      tpu.vector_store %arg7[%parallel_loop3A_704], %parallel_loop3A_699 {strides = array<i32>} : memref<1600xf32, #tpu.memory_space<vmem>>, vector<16xf32>,
      %parallel_loop3A_706 = arith.constant 16 : i32
      %parallel_loop3A_707 = arith.muli %parallel_loop3A_202, %parallel_loop3A_706 : i32
      %parallel_loop3A_708 = arith.constant 16 : i32
      %parallel_loop3A_709 = arith.index_cast %parallel_loop3A_708 : i32 to index
      %parallel_loop3A_710 = arith.index_cast %parallel_loop3A_707 : i32 to index
      %parallel_loop3A_711 = tpu.vector_load %arg9[%parallel_loop3A_709, %parallel_loop3A_710] {strides = array<i32>} : memref<25x32xf32, #tpu.memory_space<vmem>>, vector<16xf32>,
      %parallel_loop3A_712 = arith.subf %parallel_loop3A_711, %parallel_loop3A_699 : vector<16xf32>
      %parallel_loop3A_713 = arith.constant 16 : i32
      %parallel_loop3A_714 = arith.muli %parallel_loop3A_202, %parallel_loop3A_713 : i32
      %parallel_loop3A_715 = arith.constant 16 : i32
      %parallel_loop3A_716 = arith.index_cast %parallel_loop3A_715 : i32 to index
      %parallel_loop3A_717 = arith.index_cast %parallel_loop3A_714 : i32 to index
      %parallel_loop3A_718 = tpu.vector_load %arg10[%parallel_loop3A_716, %parallel_loop3A_717] {strides = array<i32>} : memref<25x32xf32, #tpu.memory_space<vmem>>, vector<16xf32>,
      %parallel_loop3A_719 = arith.mulf %parallel_loop3A_712, %parallel_loop3A_718 : vector<16xf32>
      %parallel_loop3A_720 = arith.addf %parallel_loop3A_690, %parallel_loop3A_719 : vector<16xf32>
      %parallel_loop3A_721 = arith.constant 2 : i32
      %parallel_loop3A_722 = vector.broadcast %parallel_loop3A_721 : i32 to vector<16xi32>
      %parallel_loop3A_723 = arith.constant 5 : i32
      %parallel_loop3A_724 = vector.broadcast %parallel_loop3A_723 : i32 to vector<16xi32>
      %parallel_loop3A_725 = arith.muli %parallel_loop3A_208, %parallel_loop3A_724 : vector<16xi32>
      %parallel_loop3A_726 = arith.constant 3 : i32
      %parallel_loop3A_727 = vector.broadcast %parallel_loop3A_726 : i32 to vector<16xi32>
      %parallel_loop3A_728 = arith.addi %parallel_loop3A_725, %parallel_loop3A_727 : vector<16xi32>
      %parallel_loop3A_729 = tpu.vector_load_idx %arg6[%parallel_loop3A_722, %parallel_loop3A_728] : memref<5x320xf32, #tpu.memory_space<vmem>>[vector<16xi32>, vector<16xi32>], vector<16xf32>,
      %parallel_loop3A_730 = arith.constant 16 : i32
      %parallel_loop3A_731 = arith.muli %parallel_loop3A_204, %parallel_loop3A_730 : i32
      %parallel_loop3A_732 = arith.constant 1088 : i32
      %parallel_loop3A_733 = arith.addi %parallel_loop3A_732, %parallel_loop3A_731 : i32
      %parallel_loop3A_734 = arith.index_cast %parallel_loop3A_733 : i32 to index
      %parallel_loop3A_735 = tpu.vector_load %arg7[%parallel_loop3A_734] {strides = array<i32>} : memref<1600xf32, #tpu.memory_space<vmem>>, vector<16xf32>,
      tpu.vector_store %arg7[%parallel_loop3A_734], %parallel_loop3A_729 {strides = array<i32>} : memref<1600xf32, #tpu.memory_space<vmem>>, vector<16xf32>,
      %parallel_loop3A_736 = arith.constant 16 : i32
      %parallel_loop3A_737 = arith.muli %parallel_loop3A_202, %parallel_loop3A_736 : i32
      %parallel_loop3A_738 = arith.constant 17 : i32
      %parallel_loop3A_739 = arith.index_cast %parallel_loop3A_738 : i32 to index
      %parallel_loop3A_740 = arith.index_cast %parallel_loop3A_737 : i32 to index
      %parallel_loop3A_741 = tpu.vector_load %arg9[%parallel_loop3A_739, %parallel_loop3A_740] {strides = array<i32>} : memref<25x32xf32, #tpu.memory_space<vmem>>, vector<16xf32>,
      %parallel_loop3A_742 = arith.subf %parallel_loop3A_741, %parallel_loop3A_729 : vector<16xf32>
      %parallel_loop3A_743 = arith.constant 16 : i32
      %parallel_loop3A_744 = arith.muli %parallel_loop3A_202, %parallel_loop3A_743 : i32
      %parallel_loop3A_745 = arith.constant 17 : i32
      %parallel_loop3A_746 = arith.index_cast %parallel_loop3A_745 : i32 to index
      %parallel_loop3A_747 = arith.index_cast %parallel_loop3A_744 : i32 to index
      %parallel_loop3A_748 = tpu.vector_load %arg10[%parallel_loop3A_746, %parallel_loop3A_747] {strides = array<i32>} : memref<25x32xf32, #tpu.memory_space<vmem>>, vector<16xf32>,
      %parallel_loop3A_749 = arith.mulf %parallel_loop3A_742, %parallel_loop3A_748 : vector<16xf32>
      %parallel_loop3A_750 = arith.addf %parallel_loop3A_720, %parallel_loop3A_749 : vector<16xf32>
      %parallel_loop3A_751 = arith.constant 3 : i32
      %parallel_loop3A_752 = vector.broadcast %parallel_loop3A_751 : i32 to vector<16xi32>
      %parallel_loop3A_753 = arith.constant 5 : i32
      %parallel_loop3A_754 = vector.broadcast %parallel_loop3A_753 : i32 to vector<16xi32>
      %parallel_loop3A_755 = arith.muli %parallel_loop3A_208, %parallel_loop3A_754 : vector<16xi32>
      %parallel_loop3A_756 = arith.constant 3 : i32
      %parallel_loop3A_757 = vector.broadcast %parallel_loop3A_756 : i32 to vector<16xi32>
      %parallel_loop3A_758 = arith.addi %parallel_loop3A_755, %parallel_loop3A_757 : vector<16xi32>
      %parallel_loop3A_759 = tpu.vector_load_idx %arg6[%parallel_loop3A_752, %parallel_loop3A_758] : memref<5x320xf32, #tpu.memory_space<vmem>>[vector<16xi32>, vector<16xi32>], vector<16xf32>,
      %parallel_loop3A_760 = arith.constant 16 : i32
      %parallel_loop3A_761 = arith.muli %parallel_loop3A_204, %parallel_loop3A_760 : i32
      %parallel_loop3A_762 = arith.constant 1152 : i32
      %parallel_loop3A_763 = arith.addi %parallel_loop3A_762, %parallel_loop3A_761 : i32
      %parallel_loop3A_764 = arith.index_cast %parallel_loop3A_763 : i32 to index
      %parallel_loop3A_765 = tpu.vector_load %arg7[%parallel_loop3A_764] {strides = array<i32>} : memref<1600xf32, #tpu.memory_space<vmem>>, vector<16xf32>,
      tpu.vector_store %arg7[%parallel_loop3A_764], %parallel_loop3A_759 {strides = array<i32>} : memref<1600xf32, #tpu.memory_space<vmem>>, vector<16xf32>,
      %parallel_loop3A_766 = arith.constant 16 : i32
      %parallel_loop3A_767 = arith.muli %parallel_loop3A_202, %parallel_loop3A_766 : i32
      %parallel_loop3A_768 = arith.constant 18 : i32
      %parallel_loop3A_769 = arith.index_cast %parallel_loop3A_768 : i32 to index
      %parallel_loop3A_770 = arith.index_cast %parallel_loop3A_767 : i32 to index
      %parallel_loop3A_771 = tpu.vector_load %arg9[%parallel_loop3A_769, %parallel_loop3A_770] {strides = array<i32>} : memref<25x32xf32, #tpu.memory_space<vmem>>, vector<16xf32>,
      %parallel_loop3A_772 = arith.subf %parallel_loop3A_771, %parallel_loop3A_759 : vector<16xf32>
      %parallel_loop3A_773 = arith.constant 16 : i32
      %parallel_loop3A_774 = arith.muli %parallel_loop3A_202, %parallel_loop3A_773 : i32
      %parallel_loop3A_775 = arith.constant 18 : i32
      %parallel_loop3A_776 = arith.index_cast %parallel_loop3A_775 : i32 to index
      %parallel_loop3A_777 = arith.index_cast %parallel_loop3A_774 : i32 to index
      %parallel_loop3A_778 = tpu.vector_load %arg10[%parallel_loop3A_776, %parallel_loop3A_777] {strides = array<i32>} : memref<25x32xf32, #tpu.memory_space<vmem>>, vector<16xf32>,
      %parallel_loop3A_779 = arith.mulf %parallel_loop3A_772, %parallel_loop3A_778 : vector<16xf32>
      %parallel_loop3A_780 = arith.addf %parallel_loop3A_750, %parallel_loop3A_779 : vector<16xf32>
      %parallel_loop3A_781 = arith.constant 4 : i32
      %parallel_loop3A_782 = vector.broadcast %parallel_loop3A_781 : i32 to vector<16xi32>
      %parallel_loop3A_783 = arith.constant 5 : i32
      %parallel_loop3A_784 = vector.broadcast %parallel_loop3A_783 : i32 to vector<16xi32>
      %parallel_loop3A_785 = arith.muli %parallel_loop3A_208, %parallel_loop3A_784 : vector<16xi32>
      %parallel_loop3A_786 = arith.constant 3 : i32
      %parallel_loop3A_787 = vector.broadcast %parallel_loop3A_786 : i32 to vector<16xi32>
      %parallel_loop3A_788 = arith.addi %parallel_loop3A_785, %parallel_loop3A_787 : vector<16xi32>
      %parallel_loop3A_789 = tpu.vector_load_idx %arg6[%parallel_loop3A_782, %parallel_loop3A_788] : memref<5x320xf32, #tpu.memory_space<vmem>>[vector<16xi32>, vector<16xi32>], vector<16xf32>,
      %parallel_loop3A_790 = arith.constant 16 : i32
      %parallel_loop3A_791 = arith.muli %parallel_loop3A_204, %parallel_loop3A_790 : i32
      %parallel_loop3A_792 = arith.constant 1216 : i32
      %parallel_loop3A_793 = arith.addi %parallel_loop3A_792, %parallel_loop3A_791 : i32
      %parallel_loop3A_794 = arith.index_cast %parallel_loop3A_793 : i32 to index
      %parallel_loop3A_795 = tpu.vector_load %arg7[%parallel_loop3A_794] {strides = array<i32>} : memref<1600xf32, #tpu.memory_space<vmem>>, vector<16xf32>,
      tpu.vector_store %arg7[%parallel_loop3A_794], %parallel_loop3A_789 {strides = array<i32>} : memref<1600xf32, #tpu.memory_space<vmem>>, vector<16xf32>,
      %parallel_loop3A_796 = arith.constant 16 : i32
      %parallel_loop3A_797 = arith.muli %parallel_loop3A_202, %parallel_loop3A_796 : i32
      %parallel_loop3A_798 = arith.constant 19 : i32
      %parallel_loop3A_799 = arith.index_cast %parallel_loop3A_798 : i32 to index
      %parallel_loop3A_800 = arith.index_cast %parallel_loop3A_797 : i32 to index
      %parallel_loop3A_801 = tpu.vector_load %arg9[%parallel_loop3A_799, %parallel_loop3A_800] {strides = array<i32>} : memref<25x32xf32, #tpu.memory_space<vmem>>, vector<16xf32>,
      %parallel_loop3A_802 = arith.subf %parallel_loop3A_801, %parallel_loop3A_789 : vector<16xf32>
      %parallel_loop3A_803 = arith.constant 16 : i32
      %parallel_loop3A_804 = arith.muli %parallel_loop3A_202, %parallel_loop3A_803 : i32
      %parallel_loop3A_805 = arith.constant 19 : i32
      %parallel_loop3A_806 = arith.index_cast %parallel_loop3A_805 : i32 to index
      %parallel_loop3A_807 = arith.index_cast %parallel_loop3A_804 : i32 to index
      %parallel_loop3A_808 = tpu.vector_load %arg10[%parallel_loop3A_806, %parallel_loop3A_807] {strides = array<i32>} : memref<25x32xf32, #tpu.memory_space<vmem>>, vector<16xf32>,
      %parallel_loop3A_809 = arith.mulf %parallel_loop3A_802, %parallel_loop3A_808 : vector<16xf32>
      %parallel_loop3A_810 = arith.addf %parallel_loop3A_780, %parallel_loop3A_809 : vector<16xf32>
      %parallel_loop3A_811 = arith.constant 0 : i32
      %parallel_loop3A_812 = vector.broadcast %parallel_loop3A_811 : i32 to vector<16xi32>
      %parallel_loop3A_813 = arith.constant 5 : i32
      %parallel_loop3A_814 = vector.broadcast %parallel_loop3A_813 : i32 to vector<16xi32>
      %parallel_loop3A_815 = arith.muli %parallel_loop3A_208, %parallel_loop3A_814 : vector<16xi32>
      %parallel_loop3A_816 = arith.constant 4 : i32
      %parallel_loop3A_817 = vector.broadcast %parallel_loop3A_816 : i32 to vector<16xi32>
      %parallel_loop3A_818 = arith.addi %parallel_loop3A_815, %parallel_loop3A_817 : vector<16xi32>
      %parallel_loop3A_819 = tpu.vector_load_idx %arg6[%parallel_loop3A_812, %parallel_loop3A_818] : memref<5x320xf32, #tpu.memory_space<vmem>>[vector<16xi32>, vector<16xi32>], vector<16xf32>,
      %parallel_loop3A_820 = arith.constant 16 : i32
      %parallel_loop3A_821 = arith.muli %parallel_loop3A_204, %parallel_loop3A_820 : i32
      %parallel_loop3A_822 = arith.constant 1280 : i32
      %parallel_loop3A_823 = arith.addi %parallel_loop3A_822, %parallel_loop3A_821 : i32
      %parallel_loop3A_824 = arith.index_cast %parallel_loop3A_823 : i32 to index
      %parallel_loop3A_825 = tpu.vector_load %arg7[%parallel_loop3A_824] {strides = array<i32>} : memref<1600xf32, #tpu.memory_space<vmem>>, vector<16xf32>,
      tpu.vector_store %arg7[%parallel_loop3A_824], %parallel_loop3A_819 {strides = array<i32>} : memref<1600xf32, #tpu.memory_space<vmem>>, vector<16xf32>,
      %parallel_loop3A_826 = arith.constant 16 : i32
      %parallel_loop3A_827 = arith.muli %parallel_loop3A_202, %parallel_loop3A_826 : i32
      %parallel_loop3A_828 = arith.constant 20 : i32
      %parallel_loop3A_829 = arith.index_cast %parallel_loop3A_828 : i32 to index
      %parallel_loop3A_830 = arith.index_cast %parallel_loop3A_827 : i32 to index
      %parallel_loop3A_831 = tpu.vector_load %arg9[%parallel_loop3A_829, %parallel_loop3A_830] {strides = array<i32>} : memref<25x32xf32, #tpu.memory_space<vmem>>, vector<16xf32>,
      %parallel_loop3A_832 = arith.subf %parallel_loop3A_831, %parallel_loop3A_819 : vector<16xf32>
      %parallel_loop3A_833 = arith.constant 16 : i32
      %parallel_loop3A_834 = arith.muli %parallel_loop3A_202, %parallel_loop3A_833 : i32
      %parallel_loop3A_835 = arith.constant 20 : i32
      %parallel_loop3A_836 = arith.index_cast %parallel_loop3A_835 : i32 to index
      %parallel_loop3A_837 = arith.index_cast %parallel_loop3A_834 : i32 to index
      %parallel_loop3A_838 = tpu.vector_load %arg10[%parallel_loop3A_836, %parallel_loop3A_837] {strides = array<i32>} : memref<25x32xf32, #tpu.memory_space<vmem>>, vector<16xf32>,
      %parallel_loop3A_839 = arith.mulf %parallel_loop3A_832, %parallel_loop3A_838 : vector<16xf32>
      %parallel_loop3A_840 = arith.addf %parallel_loop3A_810, %parallel_loop3A_839 : vector<16xf32>
      %parallel_loop3A_841 = arith.constant 1 : i32
      %parallel_loop3A_842 = vector.broadcast %parallel_loop3A_841 : i32 to vector<16xi32>
      %parallel_loop3A_843 = arith.constant 5 : i32
      %parallel_loop3A_844 = vector.broadcast %parallel_loop3A_843 : i32 to vector<16xi32>
      %parallel_loop3A_845 = arith.muli %parallel_loop3A_208, %parallel_loop3A_844 : vector<16xi32>
      %parallel_loop3A_846 = arith.constant 4 : i32
      %parallel_loop3A_847 = vector.broadcast %parallel_loop3A_846 : i32 to vector<16xi32>
      %parallel_loop3A_848 = arith.addi %parallel_loop3A_845, %parallel_loop3A_847 : vector<16xi32>
      %parallel_loop3A_849 = tpu.vector_load_idx %arg6[%parallel_loop3A_842, %parallel_loop3A_848] : memref<5x320xf32, #tpu.memory_space<vmem>>[vector<16xi32>, vector<16xi32>], vector<16xf32>,
      %parallel_loop3A_850 = arith.constant 16 : i32
      %parallel_loop3A_851 = arith.muli %parallel_loop3A_204, %parallel_loop3A_850 : i32
      %parallel_loop3A_852 = arith.constant 1344 : i32
      %parallel_loop3A_853 = arith.addi %parallel_loop3A_852, %parallel_loop3A_851 : i32
      %parallel_loop3A_854 = arith.index_cast %parallel_loop3A_853 : i32 to index
      %parallel_loop3A_855 = tpu.vector_load %arg7[%parallel_loop3A_854] {strides = array<i32>} : memref<1600xf32, #tpu.memory_space<vmem>>, vector<16xf32>,
      tpu.vector_store %arg7[%parallel_loop3A_854], %parallel_loop3A_849 {strides = array<i32>} : memref<1600xf32, #tpu.memory_space<vmem>>, vector<16xf32>,
      %parallel_loop3A_856 = arith.constant 16 : i32
      %parallel_loop3A_857 = arith.muli %parallel_loop3A_202, %parallel_loop3A_856 : i32
      %parallel_loop3A_858 = arith.constant 21 : i32
      %parallel_loop3A_859 = arith.index_cast %parallel_loop3A_858 : i32 to index
      %parallel_loop3A_860 = arith.index_cast %parallel_loop3A_857 : i32 to index
      %parallel_loop3A_861 = tpu.vector_load %arg9[%parallel_loop3A_859, %parallel_loop3A_860] {strides = array<i32>} : memref<25x32xf32, #tpu.memory_space<vmem>>, vector<16xf32>,
      %parallel_loop3A_862 = arith.subf %parallel_loop3A_861, %parallel_loop3A_849 : vector<16xf32>
      %parallel_loop3A_863 = arith.constant 16 : i32
      %parallel_loop3A_864 = arith.muli %parallel_loop3A_202, %parallel_loop3A_863 : i32
      %parallel_loop3A_865 = arith.constant 21 : i32
      %parallel_loop3A_866 = arith.index_cast %parallel_loop3A_865 : i32 to index
      %parallel_loop3A_867 = arith.index_cast %parallel_loop3A_864 : i32 to index
      %parallel_loop3A_868 = tpu.vector_load %arg10[%parallel_loop3A_866, %parallel_loop3A_867] {strides = array<i32>} : memref<25x32xf32, #tpu.memory_space<vmem>>, vector<16xf32>,
      %parallel_loop3A_869 = arith.mulf %parallel_loop3A_862, %parallel_loop3A_868 : vector<16xf32>
      %parallel_loop3A_870 = arith.addf %parallel_loop3A_840, %parallel_loop3A_869 : vector<16xf32>
      %parallel_loop3A_871 = arith.constant 2 : i32
      %parallel_loop3A_872 = vector.broadcast %parallel_loop3A_871 : i32 to vector<16xi32>
      %parallel_loop3A_873 = arith.constant 5 : i32
      %parallel_loop3A_874 = vector.broadcast %parallel_loop3A_873 : i32 to vector<16xi32>
      %parallel_loop3A_875 = arith.muli %parallel_loop3A_208, %parallel_loop3A_874 : vector<16xi32>
      %parallel_loop3A_876 = arith.constant 4 : i32
      %parallel_loop3A_877 = vector.broadcast %parallel_loop3A_876 : i32 to vector<16xi32>
      %parallel_loop3A_878 = arith.addi %parallel_loop3A_875, %parallel_loop3A_877 : vector<16xi32>
      %parallel_loop3A_879 = tpu.vector_load_idx %arg6[%parallel_loop3A_872, %parallel_loop3A_878] : memref<5x320xf32, #tpu.memory_space<vmem>>[vector<16xi32>, vector<16xi32>], vector<16xf32>,
      %parallel_loop3A_880 = arith.constant 16 : i32
      %parallel_loop3A_881 = arith.muli %parallel_loop3A_204, %parallel_loop3A_880 : i32
      %parallel_loop3A_882 = arith.constant 1408 : i32
      %parallel_loop3A_883 = arith.addi %parallel_loop3A_882, %parallel_loop3A_881 : i32
      %parallel_loop3A_884 = arith.index_cast %parallel_loop3A_883 : i32 to index
      %parallel_loop3A_885 = tpu.vector_load %arg7[%parallel_loop3A_884] {strides = array<i32>} : memref<1600xf32, #tpu.memory_space<vmem>>, vector<16xf32>,
      tpu.vector_store %arg7[%parallel_loop3A_884], %parallel_loop3A_879 {strides = array<i32>} : memref<1600xf32, #tpu.memory_space<vmem>>, vector<16xf32>,
      %parallel_loop3A_886 = arith.constant 16 : i32
      %parallel_loop3A_887 = arith.muli %parallel_loop3A_202, %parallel_loop3A_886 : i32
      %parallel_loop3A_888 = arith.constant 22 : i32
      %parallel_loop3A_889 = arith.index_cast %parallel_loop3A_888 : i32 to index
      %parallel_loop3A_890 = arith.index_cast %parallel_loop3A_887 : i32 to index
      %parallel_loop3A_891 = tpu.vector_load %arg9[%parallel_loop3A_889, %parallel_loop3A_890] {strides = array<i32>} : memref<25x32xf32, #tpu.memory_space<vmem>>, vector<16xf32>,
      %parallel_loop3A_892 = arith.subf %parallel_loop3A_891, %parallel_loop3A_879 : vector<16xf32>
      %parallel_loop3A_893 = arith.constant 16 : i32
      %parallel_loop3A_894 = arith.muli %parallel_loop3A_202, %parallel_loop3A_893 : i32
      %parallel_loop3A_895 = arith.constant 22 : i32
      %parallel_loop3A_896 = arith.index_cast %parallel_loop3A_895 : i32 to index
      %parallel_loop3A_897 = arith.index_cast %parallel_loop3A_894 : i32 to index
      %parallel_loop3A_898 = tpu.vector_load %arg10[%parallel_loop3A_896, %parallel_loop3A_897] {strides = array<i32>} : memref<25x32xf32, #tpu.memory_space<vmem>>, vector<16xf32>,
      %parallel_loop3A_899 = arith.mulf %parallel_loop3A_892, %parallel_loop3A_898 : vector<16xf32>
      %parallel_loop3A_900 = arith.addf %parallel_loop3A_870, %parallel_loop3A_899 : vector<16xf32>
      %parallel_loop3A_901 = arith.constant 3 : i32
      %parallel_loop3A_902 = vector.broadcast %parallel_loop3A_901 : i32 to vector<16xi32>
      %parallel_loop3A_903 = arith.constant 5 : i32
      %parallel_loop3A_904 = vector.broadcast %parallel_loop3A_903 : i32 to vector<16xi32>
      %parallel_loop3A_905 = arith.muli %parallel_loop3A_208, %parallel_loop3A_904 : vector<16xi32>
      %parallel_loop3A_906 = arith.constant 4 : i32
      %parallel_loop3A_907 = vector.broadcast %parallel_loop3A_906 : i32 to vector<16xi32>
      %parallel_loop3A_908 = arith.addi %parallel_loop3A_905, %parallel_loop3A_907 : vector<16xi32>
      %parallel_loop3A_909 = tpu.vector_load_idx %arg6[%parallel_loop3A_902, %parallel_loop3A_908] : memref<5x320xf32, #tpu.memory_space<vmem>>[vector<16xi32>, vector<16xi32>], vector<16xf32>,
      %parallel_loop3A_910 = arith.constant 16 : i32
      %parallel_loop3A_911 = arith.muli %parallel_loop3A_204, %parallel_loop3A_910 : i32
      %parallel_loop3A_912 = arith.constant 1472 : i32
      %parallel_loop3A_913 = arith.addi %parallel_loop3A_912, %parallel_loop3A_911 : i32
      %parallel_loop3A_914 = arith.index_cast %parallel_loop3A_913 : i32 to index
      %parallel_loop3A_915 = tpu.vector_load %arg7[%parallel_loop3A_914] {strides = array<i32>} : memref<1600xf32, #tpu.memory_space<vmem>>, vector<16xf32>,
      tpu.vector_store %arg7[%parallel_loop3A_914], %parallel_loop3A_909 {strides = array<i32>} : memref<1600xf32, #tpu.memory_space<vmem>>, vector<16xf32>,
      %parallel_loop3A_916 = arith.constant 16 : i32
      %parallel_loop3A_917 = arith.muli %parallel_loop3A_202, %parallel_loop3A_916 : i32
      %parallel_loop3A_918 = arith.constant 23 : i32
      %parallel_loop3A_919 = arith.index_cast %parallel_loop3A_918 : i32 to index
      %parallel_loop3A_920 = arith.index_cast %parallel_loop3A_917 : i32 to index
      %parallel_loop3A_921 = tpu.vector_load %arg9[%parallel_loop3A_919, %parallel_loop3A_920] {strides = array<i32>} : memref<25x32xf32, #tpu.memory_space<vmem>>, vector<16xf32>,
      %parallel_loop3A_922 = arith.subf %parallel_loop3A_921, %parallel_loop3A_909 : vector<16xf32>
      %parallel_loop3A_923 = arith.constant 16 : i32
      %parallel_loop3A_924 = arith.muli %parallel_loop3A_202, %parallel_loop3A_923 : i32
      %parallel_loop3A_925 = arith.constant 23 : i32
      %parallel_loop3A_926 = arith.index_cast %parallel_loop3A_925 : i32 to index
      %parallel_loop3A_927 = arith.index_cast %parallel_loop3A_924 : i32 to index
      %parallel_loop3A_928 = tpu.vector_load %arg10[%parallel_loop3A_926, %parallel_loop3A_927] {strides = array<i32>} : memref<25x32xf32, #tpu.memory_space<vmem>>, vector<16xf32>,
      %parallel_loop3A_929 = arith.mulf %parallel_loop3A_922, %parallel_loop3A_928 : vector<16xf32>
      %parallel_loop3A_930 = arith.addf %parallel_loop3A_900, %parallel_loop3A_929 : vector<16xf32>
      %parallel_loop3A_931 = arith.constant 4 : i32
      %parallel_loop3A_932 = vector.broadcast %parallel_loop3A_931 : i32 to vector<16xi32>
      %parallel_loop3A_933 = arith.constant 5 : i32
      %parallel_loop3A_934 = vector.broadcast %parallel_loop3A_933 : i32 to vector<16xi32>
      %parallel_loop3A_935 = arith.muli %parallel_loop3A_208, %parallel_loop3A_934 : vector<16xi32>
      %parallel_loop3A_936 = arith.constant 4 : i32
      %parallel_loop3A_937 = vector.broadcast %parallel_loop3A_936 : i32 to vector<16xi32>
      %parallel_loop3A_938 = arith.addi %parallel_loop3A_935, %parallel_loop3A_937 : vector<16xi32>
      %parallel_loop3A_939 = tpu.vector_load_idx %arg6[%parallel_loop3A_932, %parallel_loop3A_938] : memref<5x320xf32, #tpu.memory_space<vmem>>[vector<16xi32>, vector<16xi32>], vector<16xf32>,
      %parallel_loop3A_940 = arith.constant 16 : i32
      %parallel_loop3A_941 = arith.muli %parallel_loop3A_204, %parallel_loop3A_940 : i32
      %parallel_loop3A_942 = arith.constant 1536 : i32
      %parallel_loop3A_943 = arith.addi %parallel_loop3A_942, %parallel_loop3A_941 : i32
      %parallel_loop3A_944 = arith.index_cast %parallel_loop3A_943 : i32 to index
      %parallel_loop3A_945 = tpu.vector_load %arg7[%parallel_loop3A_944] {strides = array<i32>} : memref<1600xf32, #tpu.memory_space<vmem>>, vector<16xf32>,
      tpu.vector_store %arg7[%parallel_loop3A_944], %parallel_loop3A_939 {strides = array<i32>} : memref<1600xf32, #tpu.memory_space<vmem>>, vector<16xf32>,
      %parallel_loop3A_946 = arith.constant 16 : i32
      %parallel_loop3A_947 = arith.muli %parallel_loop3A_202, %parallel_loop3A_946 : i32
      %parallel_loop3A_948 = arith.constant 24 : i32
      %parallel_loop3A_949 = arith.index_cast %parallel_loop3A_948 : i32 to index
      %parallel_loop3A_950 = arith.index_cast %parallel_loop3A_947 : i32 to index
      %parallel_loop3A_951 = tpu.vector_load %arg9[%parallel_loop3A_949, %parallel_loop3A_950] {strides = array<i32>} : memref<25x32xf32, #tpu.memory_space<vmem>>, vector<16xf32>,
      %parallel_loop3A_952 = arith.subf %parallel_loop3A_951, %parallel_loop3A_939 : vector<16xf32>
      %parallel_loop3A_953 = arith.constant 16 : i32
      %parallel_loop3A_954 = arith.muli %parallel_loop3A_202, %parallel_loop3A_953 : i32
      %parallel_loop3A_955 = arith.constant 24 : i32
      %parallel_loop3A_956 = arith.index_cast %parallel_loop3A_955 : i32 to index
      %parallel_loop3A_957 = arith.index_cast %parallel_loop3A_954 : i32 to index
      %parallel_loop3A_958 = tpu.vector_load %arg10[%parallel_loop3A_956, %parallel_loop3A_957] {strides = array<i32>} : memref<25x32xf32, #tpu.memory_space<vmem>>, vector<16xf32>,
      %parallel_loop3A_959 = arith.mulf %parallel_loop3A_952, %parallel_loop3A_958 : vector<16xf32>
      %parallel_loop3A_960 = arith.addf %parallel_loop3A_930, %parallel_loop3A_959 : vector<16xf32>
      %parallel_loop3A_961 = arith.constant 16 : i32
      %parallel_loop3A_962 = arith.muli %parallel_loop3A_204, %parallel_loop3A_961 : i32
      %parallel_loop3A_963 = arith.index_cast %parallel_loop3A_962 : i32 to index
      %parallel_loop3A_964 = tpu.vector_load %arg16[%parallel_loop3A_963] {strides = array<i32>} : memref<64xf32, #tpu.memory_space<vmem>>, vector<16xf32>,
      tpu.vector_store %arg16[%parallel_loop3A_963], %parallel_loop3A_960 {strides = array<i32>} : memref<64xf32, #tpu.memory_space<vmem>>, vector<16xf32>,
      %parallel_loop3A_965 = arith.constant 0.000000e+00 : f32
      %parallel_loop3A_966 = vector.broadcast %parallel_loop3A_965 : f32 to vector<16xf32>
      %parallel_loop3A_967 = arith.constant 16 : i32
      %parallel_loop3A_968 = arith.muli %parallel_loop3A_204, %parallel_loop3A_967 : i32
      %parallel_loop3A_969 = arith.index_cast %parallel_loop3A_968 : i32 to index
      %parallel_loop3A_970 = tpu.vector_load %arg17[%parallel_loop3A_969] {strides = array<i32>} : memref<64xf32, #tpu.memory_space<vmem>>, vector<16xf32>,
      tpu.vector_store %arg17[%parallel_loop3A_969], %parallel_loop3A_966 {strides = array<i32>} : memref<64xf32, #tpu.memory_space<vmem>>, vector<16xf32>,
    } {sc.loop_unroll_factor = 2 : i64, sc.parallel_access}
    %scan3A = arith.constant 0 : i32
    %scan3A_144 = arith.constant 0 : i32
    %scan3A_145 = arith.constant 40 : i32
    %scan3A_146 = arith.addi %scan3A_144, %scan3A_145 : i32
    %scan3A_147 = arith.constant 1 : i32
    %scan3A_148 = scf.for %scan3A_202 = %scan3A_144 to %scan3A_146 step %scan3A_147 iter_args(%scan3A_203 = %scan3A) -> (i32)  : i32 {
      %broadcast_in_dim3A = arith.constant 0 : i32
      %broadcast_in_dim3A_204 = vector.broadcast %broadcast_in_dim3A : i32 to vector<16xi32>
      %broadcast_in_dim3A_205 = vector.broadcast %scan3A_202 : i32 to vector<16xi32>
      %gather3A = tpu.vector_load_idx %arg18[%broadcast_in_dim3A_204, %broadcast_in_dim3A_205] : memref<4x48xi32, #tpu.memory_space<vmem>>[vector<16xi32>, vector<16xi32>], vector<16xi32>,
      %mul3A_206 = arith.constant 64 : i32
      %mul3A_207 = vector.broadcast %mul3A_206 : i32 to vector<16xi32>
      %mul3A_208 = arith.muli %gather3A, %mul3A_207 : vector<16xi32>
      %broadcast_in_dim3A_209 = arith.constant 1 : i32
      %broadcast_in_dim3A_210 = vector.broadcast %broadcast_in_dim3A_209 : i32 to vector<16xi32>
      %broadcast_in_dim3A_211 = vector.broadcast %scan3A_202 : i32 to vector<16xi32>
      %gather3A_212 = tpu.vector_load_idx %arg18[%broadcast_in_dim3A_210, %broadcast_in_dim3A_211] : memref<4x48xi32, #tpu.memory_space<vmem>>[vector<16xi32>, vector<16xi32>], vector<16xi32>,
      %mul3A_213 = arith.constant 64 : i32
      %mul3A_214 = vector.broadcast %mul3A_213 : i32 to vector<16xi32>
      %mul3A_215 = arith.muli %gather3A_212, %mul3A_214 : vector<16xi32>
      %broadcast_in_dim3A_216 = arith.constant 2 : i32
      %broadcast_in_dim3A_217 = vector.broadcast %broadcast_in_dim3A_216 : i32 to vector<16xi32>
      %broadcast_in_dim3A_218 = vector.broadcast %scan3A_202 : i32 to vector<16xi32>
      %gather3A_219 = tpu.vector_load_idx %arg18[%broadcast_in_dim3A_217, %broadcast_in_dim3A_218] : memref<4x48xi32, #tpu.memory_space<vmem>>[vector<16xi32>, vector<16xi32>], vector<16xi32>,
      %mul3A_220 = arith.constant 64 : i32
      %mul3A_221 = vector.broadcast %mul3A_220 : i32 to vector<16xi32>
      %mul3A_222 = arith.muli %gather3A_219, %mul3A_221 : vector<16xi32>
      %broadcast_in_dim3A_223 = arith.constant 3 : i32
      %broadcast_in_dim3A_224 = vector.broadcast %broadcast_in_dim3A_223 : i32 to vector<16xi32>
      %broadcast_in_dim3A_225 = vector.broadcast %scan3A_202 : i32 to vector<16xi32>
      %gather3A_226 = tpu.vector_load_idx %arg18[%broadcast_in_dim3A_224, %broadcast_in_dim3A_225] : memref<4x48xi32, #tpu.memory_space<vmem>>[vector<16xi32>, vector<16xi32>], vector<16xi32>,
      %mul3A_227 = arith.constant 64 : i32
      %mul3A_228 = vector.broadcast %mul3A_227 : i32 to vector<16xi32>
      %mul3A_229 = arith.muli %gather3A_226, %mul3A_228 : vector<16xi32>
      %parallel_loop3A_230 = arith.constant 0 : i32
      %parallel_loop3A_231 = arith.constant 4 : i32
      %parallel_loop3A_232 = arith.constant 1 : i32
      scf.for %parallel_loop3A_234 = %parallel_loop3A_230 to %parallel_loop3A_231 step %parallel_loop3A_232  : i32 {
        %parallel_loop3A_235 = arith.constant 16 : i32
        %parallel_loop3A_236 = arith.muli %parallel_loop3A_234, %parallel_loop3A_235 : i32
        %parallel_loop3A_237 = vector.broadcast %parallel_loop3A_236 : i32 to vector<16xi32>
        %parallel_loop3A_238 = arith.addi %parallel_loop3A_237, %iota3A : vector<16xi32>
        %parallel_loop3A_239 = arith.constant 16 : i32
        %parallel_loop3A_240 = arith.muli %parallel_loop3A_234, %parallel_loop3A_239 : i32
        %parallel_loop3A_241 = arith.addi %mul3A_208, %parallel_loop3A_238 : vector<16xi32>
        %parallel_loop3A_242 = tpu.vector_load_idx %arg7[%parallel_loop3A_241] : memref<1600xf32, #tpu.memory_space<vmem>>[vector<16xi32>], vector<16xf32>,
        %parallel_loop3A_243 = arith.addi %mul3A_215, %parallel_loop3A_238 : vector<16xi32>
        %parallel_loop3A_244 = tpu.vector_load_idx %arg7[%parallel_loop3A_243] : memref<1600xf32, #tpu.memory_space<vmem>>[vector<16xi32>], vector<16xf32>,
        %parallel_loop3A_245 = arith.subf %parallel_loop3A_242, %parallel_loop3A_244 : vector<16xf32>
        %parallel_loop3A_246 = arith.index_cast %scan3A_202 : i32 to index
        %parallel_loop3A_247 = arith.index_cast %parallel_loop3A_240 : i32 to index
        %parallel_loop3A_248 = tpu.vector_load %arg13[%parallel_loop3A_246, %parallel_loop3A_247] {strides = array<i32>} : memref<40x64xf32, #tpu.memory_space<vmem>>, vector<16xf32>,
        tpu.vector_store %arg13[%parallel_loop3A_246, %parallel_loop3A_247], %parallel_loop3A_245 {strides = array<i32>} : memref<40x64xf32, #tpu.memory_space<vmem>>, vector<16xf32>,
        %parallel_loop3A_249 = arith.addi %mul3A_222, %parallel_loop3A_238 : vector<16xi32>
        %parallel_loop3A_250 = tpu.vector_load_idx %arg7[%parallel_loop3A_249] : memref<1600xf32, #tpu.memory_space<vmem>>[vector<16xi32>], vector<16xf32>,
        %parallel_loop3A_251 = arith.addi %mul3A_229, %parallel_loop3A_238 : vector<16xi32>
        %parallel_loop3A_252 = tpu.vector_load_idx %arg7[%parallel_loop3A_251] : memref<1600xf32, #tpu.memory_space<vmem>>[vector<16xi32>], vector<16xf32>,
        %parallel_loop3A_253 = arith.subf %parallel_loop3A_250, %parallel_loop3A_252 : vector<16xf32>
        %parallel_loop3A_254 = arith.index_cast %scan3A_202 : i32 to index
        %parallel_loop3A_255 = arith.index_cast %parallel_loop3A_240 : i32 to index
        %parallel_loop3A_256 = tpu.vector_load %arg14[%parallel_loop3A_254, %parallel_loop3A_255] {strides = array<i32>} : memref<40x64xf32, #tpu.memory_space<vmem>>, vector<16xf32>,
        tpu.vector_store %arg14[%parallel_loop3A_254, %parallel_loop3A_255], %parallel_loop3A_253 {strides = array<i32>} : memref<40x64xf32, #tpu.memory_space<vmem>>, vector<16xf32>,
      } {sc.loop_unroll_factor = 4 : i64, sc.parallel_access}
      %scan3A_233 = arith.constant 0 : i32
      scf.yield %scan3A_233 : i32
    }
    %scan3A_149 = arith.constant 40 : i32
    %dma_wait3A_150 = arith.constant 3 : i32
    %dma_wait3A_151 = arith.constant 50 : i32
    %dma_wait3A_152 = tpu.memref_slice %arg3[%dma_wait3A_151, %add3A_37] : memref<131x2048xf32, #tpu.memory_space<hbm>> -> memref<40x64xf32, #tpu.memory_space<hbm>>
    %dma_wait3A_153 = tpu.memref_slice %arg20[%dma_wait3A_150] : memref<7x!tpu.dma_semaphore, #tpu.memory_space<semaphore_mem>> -> memref<1x!tpu.dma_semaphore, #tpu.memory_space<semaphore_mem>>
    %dma_wait3A_154 = tpu.memref_squeeze %dma_wait3A_153 : memref<1x!tpu.dma_semaphore, #tpu.memory_space<semaphore_mem>> -> memref<!tpu.dma_semaphore, #tpu.memory_space<semaphore_mem>>
    %dma_wait3A_155 = arith.constant 50 : i32
    %dma_wait3A_156 = tpu.memref_slice %arg3[%dma_wait3A_155, %add3A_37] : memref<131x2048xf32, #tpu.memory_space<hbm>> -> memref<40x64xf32, #tpu.memory_space<hbm>>
    tpu.wait_dma2 semaphore(%dma_wait3A_154 : memref<!tpu.dma_semaphore, #tpu.memory_space<semaphore_mem>>) src(%dma_wait3A_156 : memref<40x64xf32, #tpu.memory_space<hbm>>) dst(%arg11 : memref<40x64xf32, #tpu.memory_space<vmem>>)
    %dma_wait3A_157 = arith.constant 4 : i32
    %dma_wait3A_158 = arith.constant 90 : i32
    %dma_wait3A_159 = tpu.memref_slice %arg3[%dma_wait3A_158, %add3A_37] : memref<131x2048xf32, #tpu.memory_space<hbm>> -> memref<40x64xf32, #tpu.memory_space<hbm>>
    %dma_wait3A_160 = tpu.memref_slice %arg20[%dma_wait3A_157] : memref<7x!tpu.dma_semaphore, #tpu.memory_space<semaphore_mem>> -> memref<1x!tpu.dma_semaphore, #tpu.memory_space<semaphore_mem>>
    %dma_wait3A_161 = tpu.memref_squeeze %dma_wait3A_160 : memref<1x!tpu.dma_semaphore, #tpu.memory_space<semaphore_mem>> -> memref<!tpu.dma_semaphore, #tpu.memory_space<semaphore_mem>>
    %dma_wait3A_162 = arith.constant 90 : i32
    %dma_wait3A_163 = tpu.memref_slice %arg3[%dma_wait3A_162, %add3A_37] : memref<131x2048xf32, #tpu.memory_space<hbm>> -> memref<40x64xf32, #tpu.memory_space<hbm>>
    tpu.wait_dma2 semaphore(%dma_wait3A_161 : memref<!tpu.dma_semaphore, #tpu.memory_space<semaphore_mem>>) src(%dma_wait3A_163 : memref<40x64xf32, #tpu.memory_space<hbm>>) dst(%arg12 : memref<40x64xf32, #tpu.memory_space<vmem>>)
    %dma_wait3A_164 = arith.constant 5 : i32
    %dma_wait3A_165 = arith.constant 130 : i32
    %dma_wait3A_166 = tpu.memref_slice %arg3[%dma_wait3A_165, %add3A_37] : memref<131x2048xf32, #tpu.memory_space<hbm>> -> memref<1x64xf32, #tpu.memory_space<hbm>>
    %dma_wait3A_167 = tpu.memref_slice %arg20[%dma_wait3A_164] : memref<7x!tpu.dma_semaphore, #tpu.memory_space<semaphore_mem>> -> memref<1x!tpu.dma_semaphore, #tpu.memory_space<semaphore_mem>>
    %dma_wait3A_168 = tpu.memref_squeeze %dma_wait3A_167 : memref<1x!tpu.dma_semaphore, #tpu.memory_space<semaphore_mem>> -> memref<!tpu.dma_semaphore, #tpu.memory_space<semaphore_mem>>
    %dma_wait3A_169 = arith.constant 130 : i32
    %dma_wait3A_170 = tpu.memref_slice %arg3[%dma_wait3A_169, %add3A_37] : memref<131x2048xf32, #tpu.memory_space<hbm>> -> memref<1x64xf32, #tpu.memory_space<hbm>>
    tpu.wait_dma2 semaphore(%dma_wait3A_168 : memref<!tpu.dma_semaphore, #tpu.memory_space<semaphore_mem>>) src(%dma_wait3A_170 : memref<1x64xf32, #tpu.memory_space<hbm>>) dst(%arg15 : memref<1x64xf32, #tpu.memory_space<vmem>>)
    %scan3A_171 = arith.constant 0 : i32
    %scan3A_172 = arith.constant 0 : i32
    %scan3A_173 = arith.constant 6 : i32
    %scan3A_174 = arith.addi %scan3A_172, %scan3A_173 : i32
    %scan3A_175 = arith.constant 1 : i32
    %scan3A_176 = scf.for %scan3A_202 = %scan3A_172 to %scan3A_174 step %scan3A_175 iter_args(%scan3A_203 = %scan3A_171) -> (i32)  : i32 {
      %parallel_loop3A_204 = arith.constant 0 : i32
      %parallel_loop3A_205 = arith.constant 4 : i32
      %parallel_loop3A_206 = arith.constant 1 : i32
      scf.for %parallel_loop3A_208 = %parallel_loop3A_204 to %parallel_loop3A_205 step %parallel_loop3A_206  : i32 {
        %parallel_loop3A_209 = arith.constant 16 : i32
        %parallel_loop3A_210 = arith.muli %parallel_loop3A_208, %parallel_loop3A_209 : i32
        %parallel_loop3A_211 = arith.index_cast %parallel_loop3A_210 : i32 to index
        %parallel_loop3A_212 = tpu.vector_load %arg17[%parallel_loop3A_211] {strides = array<i32>} : memref<64xf32, #tpu.memory_space<vmem>>, vector<16xf32>,
        %parallel_loop3A_213 = arith.constant 0.000000e+00 : f32
        %parallel_loop3A_214 = vector.broadcast %parallel_loop3A_213 : f32 to vector<16xf32>
        %parallel_loop3A_215 = arith.constant 0 : i32
        %parallel_loop3A_216 = arith.constant 40 : i32
        %parallel_loop3A_217 = arith.addi %parallel_loop3A_215, %parallel_loop3A_216 : i32
        %parallel_loop3A_218 = arith.constant 1 : i32
        %parallel_loop3A_219:2 = scf.for %scan3A_238 = %parallel_loop3A_215 to %parallel_loop3A_217 step %parallel_loop3A_218 iter_args(%scan3A_239 = %parallel_loop3A_214, %scan3A_240 = %parallel_loop3A_214) -> (vector<16xf32>, vector<16xf32>)  : i32 {
          %parallel_loop3A_241 = arith.index_cast %scan3A_238 : i32 to index
          %parallel_loop3A_242 = arith.index_cast %parallel_loop3A_210 : i32 to index
          %parallel_loop3A_243 = tpu.vector_load %arg13[%parallel_loop3A_241, %parallel_loop3A_242] {strides = array<i32>} : memref<40x64xf32, #tpu.memory_space<vmem>>, vector<16xf32>,
          %parallel_loop3A_244 = arith.index_cast %scan3A_238 : i32 to index
          %parallel_loop3A_245 = arith.index_cast %parallel_loop3A_210 : i32 to index
          %parallel_loop3A_246 = tpu.vector_load %arg14[%parallel_loop3A_244, %parallel_loop3A_245] {strides = array<i32>} : memref<40x64xf32, #tpu.memory_space<vmem>>, vector<16xf32>,
          %parallel_loop3A_247 = arith.index_cast %scan3A_238 : i32 to index
          %parallel_loop3A_248 = arith.index_cast %parallel_loop3A_210 : i32 to index
          %parallel_loop3A_249 = tpu.vector_load %arg11[%parallel_loop3A_247, %parallel_loop3A_248] {strides = array<i32>} : memref<40x64xf32, #tpu.memory_space<vmem>>, vector<16xf32>,
          %parallel_loop3A_250 = arith.index_cast %scan3A_238 : i32 to index
          %parallel_loop3A_251 = arith.index_cast %parallel_loop3A_210 : i32 to index
          %parallel_loop3A_252 = tpu.vector_load %arg12[%parallel_loop3A_250, %parallel_loop3A_251] {strides = array<i32>} : memref<40x64xf32, #tpu.memory_space<vmem>>, vector<16xf32>,
          %parallel_loop3A_253 = arith.mulf %parallel_loop3A_212, %parallel_loop3A_249 : vector<16xf32>
          %parallel_loop3A_254 = arith.addf %parallel_loop3A_243, %parallel_loop3A_253 : vector<16xf32>
          %parallel_loop3A_255 = arith.mulf %parallel_loop3A_212, %parallel_loop3A_252 : vector<16xf32>
          %parallel_loop3A_256 = arith.addf %parallel_loop3A_246, %parallel_loop3A_255 : vector<16xf32>
          %parallel_loop3A_257 = arith.mulf %parallel_loop3A_254, %parallel_loop3A_254 : vector<16xf32>
          %parallel_loop3A_258 = arith.mulf %parallel_loop3A_256, %parallel_loop3A_256 : vector<16xf32>
          %parallel_loop3A_259 = arith.addf %parallel_loop3A_257, %parallel_loop3A_258 : vector<16xf32>
          %parallel_loop3A_260 = arith.constant 9.99999974E-5 : f32
          %parallel_loop3A_261 = vector.broadcast %parallel_loop3A_260 : f32 to vector<16xf32>
          %parallel_loop3A_262 = arith.addf %parallel_loop3A_259, %parallel_loop3A_261 : vector<16xf32>
          %parallel_loop3A_263 = vector.bitcast %parallel_loop3A_262 : vector<16xf32> to vector<16xi32>
          %parallel_loop3A_264 = arith.constant 1 : i32
          %parallel_loop3A_265 = vector.broadcast %parallel_loop3A_264 : i32 to vector<16xi32>
          %parallel_loop3A_266 = arith.shrsi %parallel_loop3A_263, %parallel_loop3A_265 : vector<16xi32>
          %parallel_loop3A_267 = arith.constant 1597463007 : i32
          %parallel_loop3A_268 = vector.broadcast %parallel_loop3A_267 : i32 to vector<16xi32>
          %parallel_loop3A_269 = arith.subi %parallel_loop3A_268, %parallel_loop3A_266 : vector<16xi32>
          %parallel_loop3A_270 = vector.bitcast %parallel_loop3A_269 : vector<16xi32> to vector<16xf32>
          %parallel_loop3A_271 = arith.constant 5.000000e-01 : f32
          %parallel_loop3A_272 = vector.broadcast %parallel_loop3A_271 : f32 to vector<16xf32>
          %parallel_loop3A_273 = arith.mulf %parallel_loop3A_272, %parallel_loop3A_262 : vector<16xf32>
          %parallel_loop3A_274 = arith.mulf %parallel_loop3A_273, %parallel_loop3A_270 : vector<16xf32>
          %parallel_loop3A_275 = arith.mulf %parallel_loop3A_274, %parallel_loop3A_270 : vector<16xf32>
          %parallel_loop3A_276 = arith.constant 1.500000e+00 : f32
          %parallel_loop3A_277 = vector.broadcast %parallel_loop3A_276 : f32 to vector<16xf32>
          %parallel_loop3A_278 = arith.subf %parallel_loop3A_277, %parallel_loop3A_275 : vector<16xf32>
          %parallel_loop3A_279 = arith.mulf %parallel_loop3A_270, %parallel_loop3A_278 : vector<16xf32>
          %parallel_loop3A_280 = arith.mulf %parallel_loop3A_249, %parallel_loop3A_249 : vector<16xf32>
          %parallel_loop3A_281 = arith.mulf %parallel_loop3A_252, %parallel_loop3A_252 : vector<16xf32>
          %parallel_loop3A_282 = arith.addf %parallel_loop3A_280, %parallel_loop3A_281 : vector<16xf32>
          %parallel_loop3A_283 = arith.mulf %parallel_loop3A_282, %parallel_loop3A_279 : vector<16xf32>
          %parallel_loop3A_284 = arith.addf %scan3A_239, %parallel_loop3A_283 : vector<16xf32>
          %parallel_loop3A_285 = arith.mulf %parallel_loop3A_243, %parallel_loop3A_249 : vector<16xf32>
          %parallel_loop3A_286 = arith.mulf %parallel_loop3A_246, %parallel_loop3A_252 : vector<16xf32>
          %parallel_loop3A_287 = arith.addf %parallel_loop3A_285, %parallel_loop3A_286 : vector<16xf32>
          %parallel_loop3A_288 = arith.mulf %parallel_loop3A_287, %parallel_loop3A_279 : vector<16xf32>
          %parallel_loop3A_289 = arith.addf %scan3A_240, %parallel_loop3A_288 : vector<16xf32>
          scf.yield %parallel_loop3A_284, %parallel_loop3A_289 : vector<16xf32>, vector<16xf32>
        }
        %parallel_loop3A_220 = arith.constant 40 : i32
        %parallel_loop3A_221 = arith.index_cast %parallel_loop3A_210 : i32 to index
        %parallel_loop3A_222 = tpu.vector_load %arg16[%parallel_loop3A_221] {strides = array<i32>} : memref<64xf32, #tpu.memory_space<vmem>>, vector<16xf32>,
        %parallel_loop3A_223 = arith.constant 1.500000e+01 : f32
        %parallel_loop3A_224 = vector.broadcast %parallel_loop3A_223 : f32 to vector<16xf32>
        %parallel_loop3A_225 = arith.mulf %parallel_loop3A_224, %parallel_loop3A_219#1 : vector<16xf32>
        %parallel_loop3A_226 = arith.subf %parallel_loop3A_222, %parallel_loop3A_225 : vector<16xf32>
        %parallel_loop3A_227 = arith.constant 1.500000e+01 : f32
        %parallel_loop3A_228 = vector.broadcast %parallel_loop3A_227 : f32 to vector<16xf32>
        %parallel_loop3A_229 = arith.mulf %parallel_loop3A_228, %parallel_loop3A_219#0 : vector<16xf32>
        %parallel_loop3A_230 = arith.constant 0 : i32
        %parallel_loop3A_231 = arith.index_cast %parallel_loop3A_230 : i32 to index
        %parallel_loop3A_232 = arith.index_cast %parallel_loop3A_210 : i32 to index
        %parallel_loop3A_233 = tpu.vector_load %arg15[%parallel_loop3A_231, %parallel_loop3A_232] {strides = array<i32>} : memref<1x64xf32, #tpu.memory_space<vmem>>, vector<16xf32>,
        %parallel_loop3A_234 = arith.addf %parallel_loop3A_229, %parallel_loop3A_233 : vector<16xf32>
        %parallel_loop3A_235 = arith.divf %parallel_loop3A_226, %parallel_loop3A_234 : vector<16xf32>
        %parallel_loop3A_236 = arith.index_cast %parallel_loop3A_210 : i32 to index
        %parallel_loop3A_237 = tpu.vector_load %arg17[%parallel_loop3A_236] {strides = array<i32>} : memref<64xf32, #tpu.memory_space<vmem>>, vector<16xf32>,
        tpu.vector_store %arg17[%parallel_loop3A_236], %parallel_loop3A_235 {strides = array<i32>} : memref<64xf32, #tpu.memory_space<vmem>>, vector<16xf32>,
      } {sc.loop_unroll_factor = 2 : i64, sc.parallel_access}
      %scan3A_207 = arith.constant 0 : i32
      scf.yield %scan3A_207 : i32
    }
    %scan3A_177 = arith.constant 6 : i32
    %dma_wait3A_178 = arith.constant 6 : i32
    %dma_wait3A_179 = tpu.memref_slice %arg2[%add3A_80, %mul3A_39] : memref<160x640xf32, #tpu.memory_space<hbm>> -> memref<5x320xf32, #tpu.memory_space<hbm>>
    %dma_wait3A_180 = tpu.memref_slice %arg20[%dma_wait3A_178] : memref<7x!tpu.dma_semaphore, #tpu.memory_space<semaphore_mem>> -> memref<1x!tpu.dma_semaphore, #tpu.memory_space<semaphore_mem>>
    %dma_wait3A_181 = tpu.memref_squeeze %dma_wait3A_180 : memref<1x!tpu.dma_semaphore, #tpu.memory_space<semaphore_mem>> -> memref<!tpu.dma_semaphore, #tpu.memory_space<semaphore_mem>>
    %dma_wait3A_182 = tpu.memref_slice %arg2[%add3A_80, %mul3A_39] : memref<160x640xf32, #tpu.memory_space<hbm>> -> memref<5x320xf32, #tpu.memory_space<hbm>>
    tpu.wait_dma2 semaphore(%dma_wait3A_181 : memref<!tpu.dma_semaphore, #tpu.memory_space<semaphore_mem>>) src(%dma_wait3A_182 : memref<5x320xf32, #tpu.memory_space<hbm>>) dst(%arg8 : memref<5x320xf32, #tpu.memory_space<vmem>>)
    %parallel_loop3A_183 = arith.constant 0 : i32
    %parallel_loop3A_184 = arith.constant 20 : i32
    %parallel_loop3A_185 = arith.constant 1 : i32
    scf.for %parallel_loop3A_202 = %parallel_loop3A_183 to %parallel_loop3A_184 step %parallel_loop3A_185  : i32 {
      %parallel_loop3A_203 = arith.constant 16 : i32
      %parallel_loop3A_204 = arith.muli %parallel_loop3A_202, %parallel_loop3A_203 : i32
      %parallel_loop3A_205 = arith.index_cast %parallel_loop3A_204 : i32 to index
      %parallel_loop3A_206 = tpu.vector_load %arg19[%parallel_loop3A_205] {strides = array<i32>} : memref<320xi32, #tpu.memory_space<vmem>>, vector<16xi32>,
      %parallel_loop3A_207 = tpu.vector_load_idx %arg17[%parallel_loop3A_206] : memref<64xf32, #tpu.memory_space<vmem>>[vector<16xi32>], vector<16xf32>,
      %parallel_loop3A_208 = arith.constant 0 : i32
      %parallel_loop3A_209 = arith.index_cast %parallel_loop3A_208 : i32 to index
      %parallel_loop3A_210 = arith.index_cast %parallel_loop3A_204 : i32 to index
      %parallel_loop3A_211 = tpu.vector_load %arg6[%parallel_loop3A_209, %parallel_loop3A_210] {strides = array<i32>} : memref<5x320xf32, #tpu.memory_space<vmem>>, vector<16xf32>,
      %parallel_loop3A_212 = arith.constant 0 : i32
      %parallel_loop3A_213 = arith.index_cast %parallel_loop3A_212 : i32 to index
      %parallel_loop3A_214 = arith.index_cast %parallel_loop3A_204 : i32 to index
      %parallel_loop3A_215 = tpu.vector_load %arg8[%parallel_loop3A_213, %parallel_loop3A_214] {strides = array<i32>} : memref<5x320xf32, #tpu.memory_space<vmem>>, vector<16xf32>,
      %parallel_loop3A_216 = arith.mulf %parallel_loop3A_207, %parallel_loop3A_215 : vector<16xf32>
      %parallel_loop3A_217 = arith.addf %parallel_loop3A_211, %parallel_loop3A_216 : vector<16xf32>
      %parallel_loop3A_218 = arith.constant 0 : i32
      %parallel_loop3A_219 = arith.index_cast %parallel_loop3A_218 : i32 to index
      %parallel_loop3A_220 = arith.index_cast %parallel_loop3A_204 : i32 to index
      %parallel_loop3A_221 = tpu.vector_load %arg6[%parallel_loop3A_219, %parallel_loop3A_220] {strides = array<i32>} : memref<5x320xf32, #tpu.memory_space<vmem>>, vector<16xf32>,
      tpu.vector_store %arg6[%parallel_loop3A_219, %parallel_loop3A_220], %parallel_loop3A_217 {strides = array<i32>} : memref<5x320xf32, #tpu.memory_space<vmem>>, vector<16xf32>,
    } {sc.loop_unroll_factor = 4 : i64, sc.parallel_access}
    %parallel_loop3A_186 = arith.constant 0 : i32
    %parallel_loop3A_187 = arith.constant 20 : i32
    %parallel_loop3A_188 = arith.constant 1 : i32
    scf.for %parallel_loop3A_202 = %parallel_loop3A_186 to %parallel_loop3A_187 step %parallel_loop3A_188  : i32 {
      %parallel_loop3A_203 = arith.constant 16 : i32
      %parallel_loop3A_204 = arith.muli %parallel_loop3A_202, %parallel_loop3A_203 : i32
      %parallel_loop3A_205 = arith.index_cast %parallel_loop3A_204 : i32 to index
      %parallel_loop3A_206 = tpu.vector_load %arg19[%parallel_loop3A_205] {strides = array<i32>} : memref<320xi32, #tpu.memory_space<vmem>>, vector<16xi32>,
      %parallel_loop3A_207 = tpu.vector_load_idx %arg17[%parallel_loop3A_206] : memref<64xf32, #tpu.memory_space<vmem>>[vector<16xi32>], vector<16xf32>,
      %parallel_loop3A_208 = arith.constant 1 : i32
      %parallel_loop3A_209 = arith.index_cast %parallel_loop3A_208 : i32 to index
      %parallel_loop3A_210 = arith.index_cast %parallel_loop3A_204 : i32 to index
      %parallel_loop3A_211 = tpu.vector_load %arg6[%parallel_loop3A_209, %parallel_loop3A_210] {strides = array<i32>} : memref<5x320xf32, #tpu.memory_space<vmem>>, vector<16xf32>,
      %parallel_loop3A_212 = arith.constant 1 : i32
      %parallel_loop3A_213 = arith.index_cast %parallel_loop3A_212 : i32 to index
      %parallel_loop3A_214 = arith.index_cast %parallel_loop3A_204 : i32 to index
      %parallel_loop3A_215 = tpu.vector_load %arg8[%parallel_loop3A_213, %parallel_loop3A_214] {strides = array<i32>} : memref<5x320xf32, #tpu.memory_space<vmem>>, vector<16xf32>,
      %parallel_loop3A_216 = arith.mulf %parallel_loop3A_207, %parallel_loop3A_215 : vector<16xf32>
      %parallel_loop3A_217 = arith.addf %parallel_loop3A_211, %parallel_loop3A_216 : vector<16xf32>
      %parallel_loop3A_218 = arith.constant 1 : i32
      %parallel_loop3A_219 = arith.index_cast %parallel_loop3A_218 : i32 to index
      %parallel_loop3A_220 = arith.index_cast %parallel_loop3A_204 : i32 to index
      %parallel_loop3A_221 = tpu.vector_load %arg6[%parallel_loop3A_219, %parallel_loop3A_220] {strides = array<i32>} : memref<5x320xf32, #tpu.memory_space<vmem>>, vector<16xf32>,
      tpu.vector_store %arg6[%parallel_loop3A_219, %parallel_loop3A_220], %parallel_loop3A_217 {strides = array<i32>} : memref<5x320xf32, #tpu.memory_space<vmem>>, vector<16xf32>,
    } {sc.loop_unroll_factor = 4 : i64, sc.parallel_access}
    %parallel_loop3A_189 = arith.constant 0 : i32
    %parallel_loop3A_190 = arith.constant 20 : i32
    %parallel_loop3A_191 = arith.constant 1 : i32
    scf.for %parallel_loop3A_202 = %parallel_loop3A_189 to %parallel_loop3A_190 step %parallel_loop3A_191  : i32 {
      %parallel_loop3A_203 = arith.constant 16 : i32
      %parallel_loop3A_204 = arith.muli %parallel_loop3A_202, %parallel_loop3A_203 : i32
      %parallel_loop3A_205 = arith.index_cast %parallel_loop3A_204 : i32 to index
      %parallel_loop3A_206 = tpu.vector_load %arg19[%parallel_loop3A_205] {strides = array<i32>} : memref<320xi32, #tpu.memory_space<vmem>>, vector<16xi32>,
      %parallel_loop3A_207 = tpu.vector_load_idx %arg17[%parallel_loop3A_206] : memref<64xf32, #tpu.memory_space<vmem>>[vector<16xi32>], vector<16xf32>,
      %parallel_loop3A_208 = arith.constant 2 : i32
      %parallel_loop3A_209 = arith.index_cast %parallel_loop3A_208 : i32 to index
      %parallel_loop3A_210 = arith.index_cast %parallel_loop3A_204 : i32 to index
      %parallel_loop3A_211 = tpu.vector_load %arg6[%parallel_loop3A_209, %parallel_loop3A_210] {strides = array<i32>} : memref<5x320xf32, #tpu.memory_space<vmem>>, vector<16xf32>,
      %parallel_loop3A_212 = arith.constant 2 : i32
      %parallel_loop3A_213 = arith.index_cast %parallel_loop3A_212 : i32 to index
      %parallel_loop3A_214 = arith.index_cast %parallel_loop3A_204 : i32 to index
      %parallel_loop3A_215 = tpu.vector_load %arg8[%parallel_loop3A_213, %parallel_loop3A_214] {strides = array<i32>} : memref<5x320xf32, #tpu.memory_space<vmem>>, vector<16xf32>,
      %parallel_loop3A_216 = arith.mulf %parallel_loop3A_207, %parallel_loop3A_215 : vector<16xf32>
      %parallel_loop3A_217 = arith.addf %parallel_loop3A_211, %parallel_loop3A_216 : vector<16xf32>
      %parallel_loop3A_218 = arith.constant 2 : i32
      %parallel_loop3A_219 = arith.index_cast %parallel_loop3A_218 : i32 to index
      %parallel_loop3A_220 = arith.index_cast %parallel_loop3A_204 : i32 to index
      %parallel_loop3A_221 = tpu.vector_load %arg6[%parallel_loop3A_219, %parallel_loop3A_220] {strides = array<i32>} : memref<5x320xf32, #tpu.memory_space<vmem>>, vector<16xf32>,
      tpu.vector_store %arg6[%parallel_loop3A_219, %parallel_loop3A_220], %parallel_loop3A_217 {strides = array<i32>} : memref<5x320xf32, #tpu.memory_space<vmem>>, vector<16xf32>,
    } {sc.loop_unroll_factor = 4 : i64, sc.parallel_access}
    %parallel_loop3A_192 = arith.constant 0 : i32
    %parallel_loop3A_193 = arith.constant 20 : i32
    %parallel_loop3A_194 = arith.constant 1 : i32
    scf.for %parallel_loop3A_202 = %parallel_loop3A_192 to %parallel_loop3A_193 step %parallel_loop3A_194  : i32 {
      %parallel_loop3A_203 = arith.constant 16 : i32
      %parallel_loop3A_204 = arith.muli %parallel_loop3A_202, %parallel_loop3A_203 : i32
      %parallel_loop3A_205 = arith.index_cast %parallel_loop3A_204 : i32 to index
      %parallel_loop3A_206 = tpu.vector_load %arg19[%parallel_loop3A_205] {strides = array<i32>} : memref<320xi32, #tpu.memory_space<vmem>>, vector<16xi32>,
      %parallel_loop3A_207 = tpu.vector_load_idx %arg17[%parallel_loop3A_206] : memref<64xf32, #tpu.memory_space<vmem>>[vector<16xi32>], vector<16xf32>,
      %parallel_loop3A_208 = arith.constant 3 : i32
      %parallel_loop3A_209 = arith.index_cast %parallel_loop3A_208 : i32 to index
      %parallel_loop3A_210 = arith.index_cast %parallel_loop3A_204 : i32 to index
      %parallel_loop3A_211 = tpu.vector_load %arg6[%parallel_loop3A_209, %parallel_loop3A_210] {strides = array<i32>} : memref<5x320xf32, #tpu.memory_space<vmem>>, vector<16xf32>,
      %parallel_loop3A_212 = arith.constant 3 : i32
      %parallel_loop3A_213 = arith.index_cast %parallel_loop3A_212 : i32 to index
      %parallel_loop3A_214 = arith.index_cast %parallel_loop3A_204 : i32 to index
      %parallel_loop3A_215 = tpu.vector_load %arg8[%parallel_loop3A_213, %parallel_loop3A_214] {strides = array<i32>} : memref<5x320xf32, #tpu.memory_space<vmem>>, vector<16xf32>,
      %parallel_loop3A_216 = arith.mulf %parallel_loop3A_207, %parallel_loop3A_215 : vector<16xf32>
      %parallel_loop3A_217 = arith.addf %parallel_loop3A_211, %parallel_loop3A_216 : vector<16xf32>
      %parallel_loop3A_218 = arith.constant 3 : i32
      %parallel_loop3A_219 = arith.index_cast %parallel_loop3A_218 : i32 to index
      %parallel_loop3A_220 = arith.index_cast %parallel_loop3A_204 : i32 to index
      %parallel_loop3A_221 = tpu.vector_load %arg6[%parallel_loop3A_219, %parallel_loop3A_220] {strides = array<i32>} : memref<5x320xf32, #tpu.memory_space<vmem>>, vector<16xf32>,
      tpu.vector_store %arg6[%parallel_loop3A_219, %parallel_loop3A_220], %parallel_loop3A_217 {strides = array<i32>} : memref<5x320xf32, #tpu.memory_space<vmem>>, vector<16xf32>,
    } {sc.loop_unroll_factor = 4 : i64, sc.parallel_access}
    %parallel_loop3A_195 = arith.constant 0 : i32
    %parallel_loop3A_196 = arith.constant 20 : i32
    %parallel_loop3A_197 = arith.constant 1 : i32
    scf.for %parallel_loop3A_202 = %parallel_loop3A_195 to %parallel_loop3A_196 step %parallel_loop3A_197  : i32 {
      %parallel_loop3A_203 = arith.constant 16 : i32
      %parallel_loop3A_204 = arith.muli %parallel_loop3A_202, %parallel_loop3A_203 : i32
      %parallel_loop3A_205 = arith.index_cast %parallel_loop3A_204 : i32 to index
      %parallel_loop3A_206 = tpu.vector_load %arg19[%parallel_loop3A_205] {strides = array<i32>} : memref<320xi32, #tpu.memory_space<vmem>>, vector<16xi32>,
      %parallel_loop3A_207 = tpu.vector_load_idx %arg17[%parallel_loop3A_206] : memref<64xf32, #tpu.memory_space<vmem>>[vector<16xi32>], vector<16xf32>,
      %parallel_loop3A_208 = arith.constant 4 : i32
      %parallel_loop3A_209 = arith.index_cast %parallel_loop3A_208 : i32 to index
      %parallel_loop3A_210 = arith.index_cast %parallel_loop3A_204 : i32 to index
      %parallel_loop3A_211 = tpu.vector_load %arg6[%parallel_loop3A_209, %parallel_loop3A_210] {strides = array<i32>} : memref<5x320xf32, #tpu.memory_space<vmem>>, vector<16xf32>,
      %parallel_loop3A_212 = arith.constant 4 : i32
      %parallel_loop3A_213 = arith.index_cast %parallel_loop3A_212 : i32 to index
      %parallel_loop3A_214 = arith.index_cast %parallel_loop3A_204 : i32 to index
      %parallel_loop3A_215 = tpu.vector_load %arg8[%parallel_loop3A_213, %parallel_loop3A_214] {strides = array<i32>} : memref<5x320xf32, #tpu.memory_space<vmem>>, vector<16xf32>,
      %parallel_loop3A_216 = arith.mulf %parallel_loop3A_207, %parallel_loop3A_215 : vector<16xf32>
      %parallel_loop3A_217 = arith.addf %parallel_loop3A_211, %parallel_loop3A_216 : vector<16xf32>
      %parallel_loop3A_218 = arith.constant 4 : i32
      %parallel_loop3A_219 = arith.index_cast %parallel_loop3A_218 : i32 to index
      %parallel_loop3A_220 = arith.index_cast %parallel_loop3A_204 : i32 to index
      %parallel_loop3A_221 = tpu.vector_load %arg6[%parallel_loop3A_219, %parallel_loop3A_220] {strides = array<i32>} : memref<5x320xf32, #tpu.memory_space<vmem>>, vector<16xf32>,
      tpu.vector_store %arg6[%parallel_loop3A_219, %parallel_loop3A_220], %parallel_loop3A_217 {strides = array<i32>} : memref<5x320xf32, #tpu.memory_space<vmem>>, vector<16xf32>,
    } {sc.loop_unroll_factor = 4 : i64, sc.parallel_access}
    %dma_start3A_198 = tpu.memref_slice %arg5[%mul3A_32, %mul3A_39] : memref<80x640xf32, #tpu.memory_space<hbm>> -> memref<5x320xf32, #tpu.memory_space<hbm>>
    %dma_start3A_199 = tpu.memref_slice %arg5[%mul3A_32, %mul3A_39] : memref<80x640xf32, #tpu.memory_space<hbm>> -> memref<5x320xf32, #tpu.memory_space<hbm>>
    tpu.enqueue_dma source(%arg6 : memref<5x320xf32, #tpu.memory_space<vmem>>) target(%dma_start3A_199 : memref<5x320xf32, #tpu.memory_space<hbm>>) target_semaphore(%arg21 : memref<!tpu.dma_semaphore, #tpu.memory_space<semaphore_mem>>)
    %dma_wait3A_200 = tpu.memref_slice %arg5[%mul3A_32, %mul3A_39] : memref<80x640xf32, #tpu.memory_space<hbm>> -> memref<5x320xf32, #tpu.memory_space<hbm>>
    %dma_wait3A_201 = tpu.memref_slice %arg5[%mul3A_32, %mul3A_39] : memref<80x640xf32, #tpu.memory_space<hbm>> -> memref<5x320xf32, #tpu.memory_space<hbm>>
    tpu.wait_dma2 semaphore(%arg21 : memref<!tpu.dma_semaphore, #tpu.memory_space<semaphore_mem>>) src(%arg6 : memref<5x320xf32, #tpu.memory_space<vmem>>) dst(%dma_wait3A_201 : memref<5x320xf32, #tpu.memory_space<hbm>>)
    return
  }
}

module attributes {stable_mosaic.version = 14 : i64} {
  func.func @_tc_body(%arg0: i32, %arg1: memref<80x640xf32, #tpu.memory_space<vmem>>, %arg2: memref<25x2048xf32, #tpu.memory_space<vmem>>, %arg3: memref<25x2048xf32, #tpu.memory_space<vmem>>, %arg4: memref<40x2048xf32, #tpu.memory_space<vmem>>, %arg5: memref<40x2048xf32, #tpu.memory_space<vmem>>, %arg6: memref<80x640xf32, #tpu.memory_space<vmem>>, %arg7: memref<2048xf32, #tpu.memory_space<vmem>>, %arg8: memref<40x25xf32, #tpu.memory_space<vmem>>, %arg9: memref<40x25xf32, #tpu.memory_space<vmem>>, %arg10: memref<80x640xf32, #tpu.memory_space<vmem>>, %arg11: memref<25x2048xf32, #tpu.memory_space<vmem>>, %arg12: memref<16x128xf32, #tpu.memory_space<vmem>>) attributes {dimension_semantics = [#tpu.dimension_semantics<arbitrary>], iteration_bounds = array<i64: 7>, scalar_prefetch = 0 : i64, scratch_operands = 2 : i64, tpu.core_type = #tpu.core_type<tc>, window_params = [{transform_indices = @transform_0, window_bounds = array<i64: 80, 640>}, {transform_indices = @transform_1, window_bounds = array<i64: 25, 2048>}, {transform_indices = @transform_2, window_bounds = array<i64: 25, 2048>}, {transform_indices = @transform_3, window_bounds = array<i64: 40, 2048>}, {transform_indices = @transform_4, window_bounds = array<i64: 40, 2048>}, {transform_indices = @transform_5, window_bounds = array<i64: 80, 640>}, {transform_indices = @transform_6, window_bounds = array<i64: 2048>}, {pipeline_mode = #tpu.pipeline_mode<synchronous>, transform_indices = @transform_7, window_bounds = array<i64: 40, 25>}, {pipeline_mode = #tpu.pipeline_mode<synchronous>, transform_indices = @transform_8, window_bounds = array<i64: 40, 25>}, {transform_indices = @transform_9, window_bounds = array<i64: 80, 640>}]} {
    %iota3A = tpu.iota {dimensions = array<i32: 0>} : vector<640x128xi32>
    %iota3A_0 = tpu.iota {dimensions = array<i32: 1>} : vector<640x128xi32>
    %get3A = arith.constant 0 : index
    %get3A_1 = arith.constant 0 : index
    %get3A_2 = vector.load %arg1[%get3A, %get3A_1] : memref<80x640xf32, #tpu.memory_space<vmem>>, vector<80x640xf32>
    %mul3A = arith.constant 5 : i32
    %mul3A_3 = vector.broadcast %mul3A : i32 to vector<640x128xi32>
    %mul3A_4 = arith.muli %iota3A_0, %mul3A_3 : vector<640x128xi32>
    %add3A = arith.constant 0 : i32
    %add3A_5 = vector.broadcast %add3A : i32 to vector<640x128xi32>
    %add3A_6 = arith.addi %mul3A_4, %add3A_5 : vector<640x128xi32>
    %eq3A = arith.cmpi eq, %iota3A, %add3A_6 : vector<640x128xi32>
    %convert_element_type3A = arith.extui %eq3A : vector<640x128xi1> to vector<640x128xi32>
    %convert_element_type3A_7 = arith.sitofp %convert_element_type3A : vector<640x128xi32> to vector<640x128xf32>
    %dot_general3A = arith.constant dense<0.000000e+00> : vector<80x128xf32>
    %dot_general3A_8 = tpu.matmul %get3A_2, %convert_element_type3A_7, %dot_general3A {dimension_numbers = #tpu.dot_dimension_numbers<[1], [0], [0], [1], [0, 0, 1, 1], [], []>, transpose_lhs_hint = false} : vector<80x640xf32>, vector<640x128xf32>, vector<80x128xf32> -> vector<80x128xf32>
    %slice3A = vector.extract_strided_slice %dot_general3A_8 {offsets = [0, 0], sizes = [5, 128], strides = [1, 1]} : vector<80x128xf32> to vector<5x128xf32>
    %swap3A = arith.constant 0 : index
    %swap3A_9 = arith.constant 0 : index
    %swap3A_10 = vector.load %arg11[%swap3A, %swap3A_9] : memref<25x2048xf32, #tpu.memory_space<vmem>>, vector<5x128xf32>
    tpu.vector_store %arg11[%swap3A, %swap3A_9], %slice3A {strides = array<i32>} : memref<25x2048xf32, #tpu.memory_space<vmem>>, vector<5x128xf32>,
    %slice3A_11 = vector.extract_strided_slice %dot_general3A_8 {offsets = [5, 0], sizes = [5, 128], strides = [1, 1]} : vector<80x128xf32> to vector<5x128xf32>
    %swap3A_12 = arith.constant 0 : index
    %swap3A_13 = arith.constant 128 : index
    %swap3A_14 = vector.load %arg11[%swap3A_12, %swap3A_13] : memref<25x2048xf32, #tpu.memory_space<vmem>>, vector<5x128xf32>
    tpu.vector_store %arg11[%swap3A_12, %swap3A_13], %slice3A_11 {strides = array<i32>} : memref<25x2048xf32, #tpu.memory_space<vmem>>, vector<5x128xf32>,
    %slice3A_15 = vector.extract_strided_slice %dot_general3A_8 {offsets = [10, 0], sizes = [5, 128], strides = [1, 1]} : vector<80x128xf32> to vector<5x128xf32>
    %swap3A_16 = arith.constant 0 : index
    %swap3A_17 = arith.constant 256 : index
    %swap3A_18 = vector.load %arg11[%swap3A_16, %swap3A_17] : memref<25x2048xf32, #tpu.memory_space<vmem>>, vector<5x128xf32>
    tpu.vector_store %arg11[%swap3A_16, %swap3A_17], %slice3A_15 {strides = array<i32>} : memref<25x2048xf32, #tpu.memory_space<vmem>>, vector<5x128xf32>,
    %slice3A_19 = vector.extract_strided_slice %dot_general3A_8 {offsets = [15, 0], sizes = [5, 128], strides = [1, 1]} : vector<80x128xf32> to vector<5x128xf32>
    %swap3A_20 = arith.constant 0 : index
    %swap3A_21 = arith.constant 384 : index
    %swap3A_22 = vector.load %arg11[%swap3A_20, %swap3A_21] : memref<25x2048xf32, #tpu.memory_space<vmem>>, vector<5x128xf32>
    tpu.vector_store %arg11[%swap3A_20, %swap3A_21], %slice3A_19 {strides = array<i32>} : memref<25x2048xf32, #tpu.memory_space<vmem>>, vector<5x128xf32>,
    %slice3A_23 = vector.extract_strided_slice %dot_general3A_8 {offsets = [20, 0], sizes = [5, 128], strides = [1, 1]} : vector<80x128xf32> to vector<5x128xf32>
    %swap3A_24 = arith.constant 0 : index
    %swap3A_25 = arith.constant 512 : index
    %swap3A_26 = vector.load %arg11[%swap3A_24, %swap3A_25] : memref<25x2048xf32, #tpu.memory_space<vmem>>, vector<5x128xf32>
    tpu.vector_store %arg11[%swap3A_24, %swap3A_25], %slice3A_23 {strides = array<i32>} : memref<25x2048xf32, #tpu.memory_space<vmem>>, vector<5x128xf32>,
    %slice3A_27 = vector.extract_strided_slice %dot_general3A_8 {offsets = [25, 0], sizes = [5, 128], strides = [1, 1]} : vector<80x128xf32> to vector<5x128xf32>
    %swap3A_28 = arith.constant 0 : index
    %swap3A_29 = arith.constant 640 : index
    %swap3A_30 = vector.load %arg11[%swap3A_28, %swap3A_29] : memref<25x2048xf32, #tpu.memory_space<vmem>>, vector<5x128xf32>
    tpu.vector_store %arg11[%swap3A_28, %swap3A_29], %slice3A_27 {strides = array<i32>} : memref<25x2048xf32, #tpu.memory_space<vmem>>, vector<5x128xf32>,
    %slice3A_31 = vector.extract_strided_slice %dot_general3A_8 {offsets = [30, 0], sizes = [5, 128], strides = [1, 1]} : vector<80x128xf32> to vector<5x128xf32>
    %swap3A_32 = arith.constant 0 : index
    %swap3A_33 = arith.constant 768 : index
    %swap3A_34 = vector.load %arg11[%swap3A_32, %swap3A_33] : memref<25x2048xf32, #tpu.memory_space<vmem>>, vector<5x128xf32>
    tpu.vector_store %arg11[%swap3A_32, %swap3A_33], %slice3A_31 {strides = array<i32>} : memref<25x2048xf32, #tpu.memory_space<vmem>>, vector<5x128xf32>,
    %slice3A_35 = vector.extract_strided_slice %dot_general3A_8 {offsets = [35, 0], sizes = [5, 128], strides = [1, 1]} : vector<80x128xf32> to vector<5x128xf32>
    %swap3A_36 = arith.constant 0 : index
    %swap3A_37 = arith.constant 896 : index
    %swap3A_38 = vector.load %arg11[%swap3A_36, %swap3A_37] : memref<25x2048xf32, #tpu.memory_space<vmem>>, vector<5x128xf32>
    tpu.vector_store %arg11[%swap3A_36, %swap3A_37], %slice3A_35 {strides = array<i32>} : memref<25x2048xf32, #tpu.memory_space<vmem>>, vector<5x128xf32>,
    %slice3A_39 = vector.extract_strided_slice %dot_general3A_8 {offsets = [40, 0], sizes = [5, 128], strides = [1, 1]} : vector<80x128xf32> to vector<5x128xf32>
    %swap3A_40 = arith.constant 0 : index
    %swap3A_41 = arith.constant 1024 : index
    %swap3A_42 = vector.load %arg11[%swap3A_40, %swap3A_41] : memref<25x2048xf32, #tpu.memory_space<vmem>>, vector<5x128xf32>
    tpu.vector_store %arg11[%swap3A_40, %swap3A_41], %slice3A_39 {strides = array<i32>} : memref<25x2048xf32, #tpu.memory_space<vmem>>, vector<5x128xf32>,
    %slice3A_43 = vector.extract_strided_slice %dot_general3A_8 {offsets = [45, 0], sizes = [5, 128], strides = [1, 1]} : vector<80x128xf32> to vector<5x128xf32>
    %swap3A_44 = arith.constant 0 : index
    %swap3A_45 = arith.constant 1152 : index
    %swap3A_46 = vector.load %arg11[%swap3A_44, %swap3A_45] : memref<25x2048xf32, #tpu.memory_space<vmem>>, vector<5x128xf32>
    tpu.vector_store %arg11[%swap3A_44, %swap3A_45], %slice3A_43 {strides = array<i32>} : memref<25x2048xf32, #tpu.memory_space<vmem>>, vector<5x128xf32>,
    %slice3A_47 = vector.extract_strided_slice %dot_general3A_8 {offsets = [50, 0], sizes = [5, 128], strides = [1, 1]} : vector<80x128xf32> to vector<5x128xf32>
    %swap3A_48 = arith.constant 0 : index
    %swap3A_49 = arith.constant 1280 : index
    %swap3A_50 = vector.load %arg11[%swap3A_48, %swap3A_49] : memref<25x2048xf32, #tpu.memory_space<vmem>>, vector<5x128xf32>
    tpu.vector_store %arg11[%swap3A_48, %swap3A_49], %slice3A_47 {strides = array<i32>} : memref<25x2048xf32, #tpu.memory_space<vmem>>, vector<5x128xf32>,
    %slice3A_51 = vector.extract_strided_slice %dot_general3A_8 {offsets = [55, 0], sizes = [5, 128], strides = [1, 1]} : vector<80x128xf32> to vector<5x128xf32>
    %swap3A_52 = arith.constant 0 : index
    %swap3A_53 = arith.constant 1408 : index
    %swap3A_54 = vector.load %arg11[%swap3A_52, %swap3A_53] : memref<25x2048xf32, #tpu.memory_space<vmem>>, vector<5x128xf32>
    tpu.vector_store %arg11[%swap3A_52, %swap3A_53], %slice3A_51 {strides = array<i32>} : memref<25x2048xf32, #tpu.memory_space<vmem>>, vector<5x128xf32>,
    %slice3A_55 = vector.extract_strided_slice %dot_general3A_8 {offsets = [60, 0], sizes = [5, 128], strides = [1, 1]} : vector<80x128xf32> to vector<5x128xf32>
    %swap3A_56 = arith.constant 0 : index
    %swap3A_57 = arith.constant 1536 : index
    %swap3A_58 = vector.load %arg11[%swap3A_56, %swap3A_57] : memref<25x2048xf32, #tpu.memory_space<vmem>>, vector<5x128xf32>
    tpu.vector_store %arg11[%swap3A_56, %swap3A_57], %slice3A_55 {strides = array<i32>} : memref<25x2048xf32, #tpu.memory_space<vmem>>, vector<5x128xf32>,
    %slice3A_59 = vector.extract_strided_slice %dot_general3A_8 {offsets = [65, 0], sizes = [5, 128], strides = [1, 1]} : vector<80x128xf32> to vector<5x128xf32>
    %swap3A_60 = arith.constant 0 : index
    %swap3A_61 = arith.constant 1664 : index
    %swap3A_62 = vector.load %arg11[%swap3A_60, %swap3A_61] : memref<25x2048xf32, #tpu.memory_space<vmem>>, vector<5x128xf32>
    tpu.vector_store %arg11[%swap3A_60, %swap3A_61], %slice3A_59 {strides = array<i32>} : memref<25x2048xf32, #tpu.memory_space<vmem>>, vector<5x128xf32>,
    %slice3A_63 = vector.extract_strided_slice %dot_general3A_8 {offsets = [70, 0], sizes = [5, 128], strides = [1, 1]} : vector<80x128xf32> to vector<5x128xf32>
    %swap3A_64 = arith.constant 0 : index
    %swap3A_65 = arith.constant 1792 : index
    %swap3A_66 = vector.load %arg11[%swap3A_64, %swap3A_65] : memref<25x2048xf32, #tpu.memory_space<vmem>>, vector<5x128xf32>
    tpu.vector_store %arg11[%swap3A_64, %swap3A_65], %slice3A_63 {strides = array<i32>} : memref<25x2048xf32, #tpu.memory_space<vmem>>, vector<5x128xf32>,
    %slice3A_67 = vector.extract_strided_slice %dot_general3A_8 {offsets = [75, 0], sizes = [5, 128], strides = [1, 1]} : vector<80x128xf32> to vector<5x128xf32>
    %swap3A_68 = arith.constant 0 : index
    %swap3A_69 = arith.constant 1920 : index
    %swap3A_70 = vector.load %arg11[%swap3A_68, %swap3A_69] : memref<25x2048xf32, #tpu.memory_space<vmem>>, vector<5x128xf32>
    tpu.vector_store %arg11[%swap3A_68, %swap3A_69], %slice3A_67 {strides = array<i32>} : memref<25x2048xf32, #tpu.memory_space<vmem>>, vector<5x128xf32>,
    %mul3A_71 = arith.constant 5 : i32
    %mul3A_72 = vector.broadcast %mul3A_71 : i32 to vector<640x128xi32>
    %mul3A_73 = arith.muli %iota3A_0, %mul3A_72 : vector<640x128xi32>
    %add3A_74 = arith.constant 1 : i32
    %add3A_75 = vector.broadcast %add3A_74 : i32 to vector<640x128xi32>
    %add3A_76 = arith.addi %mul3A_73, %add3A_75 : vector<640x128xi32>
    %eq3A_77 = arith.cmpi eq, %iota3A, %add3A_76 : vector<640x128xi32>
    %convert_element_type3A_78 = arith.extui %eq3A_77 : vector<640x128xi1> to vector<640x128xi32>
    %convert_element_type3A_79 = arith.sitofp %convert_element_type3A_78 : vector<640x128xi32> to vector<640x128xf32>
    %dot_general3A_80 = arith.constant dense<0.000000e+00> : vector<80x128xf32>
    %dot_general3A_81 = tpu.matmul %get3A_2, %convert_element_type3A_79, %dot_general3A_80 {dimension_numbers = #tpu.dot_dimension_numbers<[1], [0], [0], [1], [0, 0, 1, 1], [], []>, transpose_lhs_hint = false} : vector<80x640xf32>, vector<640x128xf32>, vector<80x128xf32> -> vector<80x128xf32>
    %slice3A_82 = vector.extract_strided_slice %dot_general3A_81 {offsets = [0, 0], sizes = [5, 128], strides = [1, 1]} : vector<80x128xf32> to vector<5x128xf32>
    %swap3A_83 = arith.constant 5 : index
    %swap3A_84 = arith.constant 0 : index
    %swap3A_85 = vector.load %arg11[%swap3A_83, %swap3A_84] : memref<25x2048xf32, #tpu.memory_space<vmem>>, vector<5x128xf32>
    tpu.vector_store %arg11[%swap3A_83, %swap3A_84], %slice3A_82 {strides = array<i32>} : memref<25x2048xf32, #tpu.memory_space<vmem>>, vector<5x128xf32>,
    %slice3A_86 = vector.extract_strided_slice %dot_general3A_81 {offsets = [5, 0], sizes = [5, 128], strides = [1, 1]} : vector<80x128xf32> to vector<5x128xf32>
    %swap3A_87 = arith.constant 5 : index
    %swap3A_88 = arith.constant 128 : index
    %swap3A_89 = vector.load %arg11[%swap3A_87, %swap3A_88] : memref<25x2048xf32, #tpu.memory_space<vmem>>, vector<5x128xf32>
    tpu.vector_store %arg11[%swap3A_87, %swap3A_88], %slice3A_86 {strides = array<i32>} : memref<25x2048xf32, #tpu.memory_space<vmem>>, vector<5x128xf32>,
    %slice3A_90 = vector.extract_strided_slice %dot_general3A_81 {offsets = [10, 0], sizes = [5, 128], strides = [1, 1]} : vector<80x128xf32> to vector<5x128xf32>
    %swap3A_91 = arith.constant 5 : index
    %swap3A_92 = arith.constant 256 : index
    %swap3A_93 = vector.load %arg11[%swap3A_91, %swap3A_92] : memref<25x2048xf32, #tpu.memory_space<vmem>>, vector<5x128xf32>
    tpu.vector_store %arg11[%swap3A_91, %swap3A_92], %slice3A_90 {strides = array<i32>} : memref<25x2048xf32, #tpu.memory_space<vmem>>, vector<5x128xf32>,
    %slice3A_94 = vector.extract_strided_slice %dot_general3A_81 {offsets = [15, 0], sizes = [5, 128], strides = [1, 1]} : vector<80x128xf32> to vector<5x128xf32>
    %swap3A_95 = arith.constant 5 : index
    %swap3A_96 = arith.constant 384 : index
    %swap3A_97 = vector.load %arg11[%swap3A_95, %swap3A_96] : memref<25x2048xf32, #tpu.memory_space<vmem>>, vector<5x128xf32>
    tpu.vector_store %arg11[%swap3A_95, %swap3A_96], %slice3A_94 {strides = array<i32>} : memref<25x2048xf32, #tpu.memory_space<vmem>>, vector<5x128xf32>,
    %slice3A_98 = vector.extract_strided_slice %dot_general3A_81 {offsets = [20, 0], sizes = [5, 128], strides = [1, 1]} : vector<80x128xf32> to vector<5x128xf32>
    %swap3A_99 = arith.constant 5 : index
    %swap3A_100 = arith.constant 512 : index
    %swap3A_101 = vector.load %arg11[%swap3A_99, %swap3A_100] : memref<25x2048xf32, #tpu.memory_space<vmem>>, vector<5x128xf32>
    tpu.vector_store %arg11[%swap3A_99, %swap3A_100], %slice3A_98 {strides = array<i32>} : memref<25x2048xf32, #tpu.memory_space<vmem>>, vector<5x128xf32>,
    %slice3A_102 = vector.extract_strided_slice %dot_general3A_81 {offsets = [25, 0], sizes = [5, 128], strides = [1, 1]} : vector<80x128xf32> to vector<5x128xf32>
    %swap3A_103 = arith.constant 5 : index
    %swap3A_104 = arith.constant 640 : index
    %swap3A_105 = vector.load %arg11[%swap3A_103, %swap3A_104] : memref<25x2048xf32, #tpu.memory_space<vmem>>, vector<5x128xf32>
    tpu.vector_store %arg11[%swap3A_103, %swap3A_104], %slice3A_102 {strides = array<i32>} : memref<25x2048xf32, #tpu.memory_space<vmem>>, vector<5x128xf32>,
    %slice3A_106 = vector.extract_strided_slice %dot_general3A_81 {offsets = [30, 0], sizes = [5, 128], strides = [1, 1]} : vector<80x128xf32> to vector<5x128xf32>
    %swap3A_107 = arith.constant 5 : index
    %swap3A_108 = arith.constant 768 : index
    %swap3A_109 = vector.load %arg11[%swap3A_107, %swap3A_108] : memref<25x2048xf32, #tpu.memory_space<vmem>>, vector<5x128xf32>
    tpu.vector_store %arg11[%swap3A_107, %swap3A_108], %slice3A_106 {strides = array<i32>} : memref<25x2048xf32, #tpu.memory_space<vmem>>, vector<5x128xf32>,
    %slice3A_110 = vector.extract_strided_slice %dot_general3A_81 {offsets = [35, 0], sizes = [5, 128], strides = [1, 1]} : vector<80x128xf32> to vector<5x128xf32>
    %swap3A_111 = arith.constant 5 : index
    %swap3A_112 = arith.constant 896 : index
    %swap3A_113 = vector.load %arg11[%swap3A_111, %swap3A_112] : memref<25x2048xf32, #tpu.memory_space<vmem>>, vector<5x128xf32>
    tpu.vector_store %arg11[%swap3A_111, %swap3A_112], %slice3A_110 {strides = array<i32>} : memref<25x2048xf32, #tpu.memory_space<vmem>>, vector<5x128xf32>,
    %slice3A_114 = vector.extract_strided_slice %dot_general3A_81 {offsets = [40, 0], sizes = [5, 128], strides = [1, 1]} : vector<80x128xf32> to vector<5x128xf32>
    %swap3A_115 = arith.constant 5 : index
    %swap3A_116 = arith.constant 1024 : index
    %swap3A_117 = vector.load %arg11[%swap3A_115, %swap3A_116] : memref<25x2048xf32, #tpu.memory_space<vmem>>, vector<5x128xf32>
    tpu.vector_store %arg11[%swap3A_115, %swap3A_116], %slice3A_114 {strides = array<i32>} : memref<25x2048xf32, #tpu.memory_space<vmem>>, vector<5x128xf32>,
    %slice3A_118 = vector.extract_strided_slice %dot_general3A_81 {offsets = [45, 0], sizes = [5, 128], strides = [1, 1]} : vector<80x128xf32> to vector<5x128xf32>
    %swap3A_119 = arith.constant 5 : index
    %swap3A_120 = arith.constant 1152 : index
    %swap3A_121 = vector.load %arg11[%swap3A_119, %swap3A_120] : memref<25x2048xf32, #tpu.memory_space<vmem>>, vector<5x128xf32>
    tpu.vector_store %arg11[%swap3A_119, %swap3A_120], %slice3A_118 {strides = array<i32>} : memref<25x2048xf32, #tpu.memory_space<vmem>>, vector<5x128xf32>,
    %slice3A_122 = vector.extract_strided_slice %dot_general3A_81 {offsets = [50, 0], sizes = [5, 128], strides = [1, 1]} : vector<80x128xf32> to vector<5x128xf32>
    %swap3A_123 = arith.constant 5 : index
    %swap3A_124 = arith.constant 1280 : index
    %swap3A_125 = vector.load %arg11[%swap3A_123, %swap3A_124] : memref<25x2048xf32, #tpu.memory_space<vmem>>, vector<5x128xf32>
    tpu.vector_store %arg11[%swap3A_123, %swap3A_124], %slice3A_122 {strides = array<i32>} : memref<25x2048xf32, #tpu.memory_space<vmem>>, vector<5x128xf32>,
    %slice3A_126 = vector.extract_strided_slice %dot_general3A_81 {offsets = [55, 0], sizes = [5, 128], strides = [1, 1]} : vector<80x128xf32> to vector<5x128xf32>
    %swap3A_127 = arith.constant 5 : index
    %swap3A_128 = arith.constant 1408 : index
    %swap3A_129 = vector.load %arg11[%swap3A_127, %swap3A_128] : memref<25x2048xf32, #tpu.memory_space<vmem>>, vector<5x128xf32>
    tpu.vector_store %arg11[%swap3A_127, %swap3A_128], %slice3A_126 {strides = array<i32>} : memref<25x2048xf32, #tpu.memory_space<vmem>>, vector<5x128xf32>,
    %slice3A_130 = vector.extract_strided_slice %dot_general3A_81 {offsets = [60, 0], sizes = [5, 128], strides = [1, 1]} : vector<80x128xf32> to vector<5x128xf32>
    %swap3A_131 = arith.constant 5 : index
    %swap3A_132 = arith.constant 1536 : index
    %swap3A_133 = vector.load %arg11[%swap3A_131, %swap3A_132] : memref<25x2048xf32, #tpu.memory_space<vmem>>, vector<5x128xf32>
    tpu.vector_store %arg11[%swap3A_131, %swap3A_132], %slice3A_130 {strides = array<i32>} : memref<25x2048xf32, #tpu.memory_space<vmem>>, vector<5x128xf32>,
    %slice3A_134 = vector.extract_strided_slice %dot_general3A_81 {offsets = [65, 0], sizes = [5, 128], strides = [1, 1]} : vector<80x128xf32> to vector<5x128xf32>
    %swap3A_135 = arith.constant 5 : index
    %swap3A_136 = arith.constant 1664 : index
    %swap3A_137 = vector.load %arg11[%swap3A_135, %swap3A_136] : memref<25x2048xf32, #tpu.memory_space<vmem>>, vector<5x128xf32>
    tpu.vector_store %arg11[%swap3A_135, %swap3A_136], %slice3A_134 {strides = array<i32>} : memref<25x2048xf32, #tpu.memory_space<vmem>>, vector<5x128xf32>,
    %slice3A_138 = vector.extract_strided_slice %dot_general3A_81 {offsets = [70, 0], sizes = [5, 128], strides = [1, 1]} : vector<80x128xf32> to vector<5x128xf32>
    %swap3A_139 = arith.constant 5 : index
    %swap3A_140 = arith.constant 1792 : index
    %swap3A_141 = vector.load %arg11[%swap3A_139, %swap3A_140] : memref<25x2048xf32, #tpu.memory_space<vmem>>, vector<5x128xf32>
    tpu.vector_store %arg11[%swap3A_139, %swap3A_140], %slice3A_138 {strides = array<i32>} : memref<25x2048xf32, #tpu.memory_space<vmem>>, vector<5x128xf32>,
    %slice3A_142 = vector.extract_strided_slice %dot_general3A_81 {offsets = [75, 0], sizes = [5, 128], strides = [1, 1]} : vector<80x128xf32> to vector<5x128xf32>
    %swap3A_143 = arith.constant 5 : index
    %swap3A_144 = arith.constant 1920 : index
    %swap3A_145 = vector.load %arg11[%swap3A_143, %swap3A_144] : memref<25x2048xf32, #tpu.memory_space<vmem>>, vector<5x128xf32>
    tpu.vector_store %arg11[%swap3A_143, %swap3A_144], %slice3A_142 {strides = array<i32>} : memref<25x2048xf32, #tpu.memory_space<vmem>>, vector<5x128xf32>,
    %mul3A_146 = arith.constant 5 : i32
    %mul3A_147 = vector.broadcast %mul3A_146 : i32 to vector<640x128xi32>
    %mul3A_148 = arith.muli %iota3A_0, %mul3A_147 : vector<640x128xi32>
    %add3A_149 = arith.constant 2 : i32
    %add3A_150 = vector.broadcast %add3A_149 : i32 to vector<640x128xi32>
    %add3A_151 = arith.addi %mul3A_148, %add3A_150 : vector<640x128xi32>
    %eq3A_152 = arith.cmpi eq, %iota3A, %add3A_151 : vector<640x128xi32>
    %convert_element_type3A_153 = arith.extui %eq3A_152 : vector<640x128xi1> to vector<640x128xi32>
    %convert_element_type3A_154 = arith.sitofp %convert_element_type3A_153 : vector<640x128xi32> to vector<640x128xf32>
    %dot_general3A_155 = arith.constant dense<0.000000e+00> : vector<80x128xf32>
    %dot_general3A_156 = tpu.matmul %get3A_2, %convert_element_type3A_154, %dot_general3A_155 {dimension_numbers = #tpu.dot_dimension_numbers<[1], [0], [0], [1], [0, 0, 1, 1], [], []>, transpose_lhs_hint = false} : vector<80x640xf32>, vector<640x128xf32>, vector<80x128xf32> -> vector<80x128xf32>
    %slice3A_157 = vector.extract_strided_slice %dot_general3A_156 {offsets = [0, 0], sizes = [5, 128], strides = [1, 1]} : vector<80x128xf32> to vector<5x128xf32>
    %swap3A_158 = arith.constant 10 : index
    %swap3A_159 = arith.constant 0 : index
    %swap3A_160 = vector.load %arg11[%swap3A_158, %swap3A_159] : memref<25x2048xf32, #tpu.memory_space<vmem>>, vector<5x128xf32>
    tpu.vector_store %arg11[%swap3A_158, %swap3A_159], %slice3A_157 {strides = array<i32>} : memref<25x2048xf32, #tpu.memory_space<vmem>>, vector<5x128xf32>,
    %slice3A_161 = vector.extract_strided_slice %dot_general3A_156 {offsets = [5, 0], sizes = [5, 128], strides = [1, 1]} : vector<80x128xf32> to vector<5x128xf32>
    %swap3A_162 = arith.constant 10 : index
    %swap3A_163 = arith.constant 128 : index
    %swap3A_164 = vector.load %arg11[%swap3A_162, %swap3A_163] : memref<25x2048xf32, #tpu.memory_space<vmem>>, vector<5x128xf32>
    tpu.vector_store %arg11[%swap3A_162, %swap3A_163], %slice3A_161 {strides = array<i32>} : memref<25x2048xf32, #tpu.memory_space<vmem>>, vector<5x128xf32>,
    %slice3A_165 = vector.extract_strided_slice %dot_general3A_156 {offsets = [10, 0], sizes = [5, 128], strides = [1, 1]} : vector<80x128xf32> to vector<5x128xf32>
    %swap3A_166 = arith.constant 10 : index
    %swap3A_167 = arith.constant 256 : index
    %swap3A_168 = vector.load %arg11[%swap3A_166, %swap3A_167] : memref<25x2048xf32, #tpu.memory_space<vmem>>, vector<5x128xf32>
    tpu.vector_store %arg11[%swap3A_166, %swap3A_167], %slice3A_165 {strides = array<i32>} : memref<25x2048xf32, #tpu.memory_space<vmem>>, vector<5x128xf32>,
    %slice3A_169 = vector.extract_strided_slice %dot_general3A_156 {offsets = [15, 0], sizes = [5, 128], strides = [1, 1]} : vector<80x128xf32> to vector<5x128xf32>
    %swap3A_170 = arith.constant 10 : index
    %swap3A_171 = arith.constant 384 : index
    %swap3A_172 = vector.load %arg11[%swap3A_170, %swap3A_171] : memref<25x2048xf32, #tpu.memory_space<vmem>>, vector<5x128xf32>
    tpu.vector_store %arg11[%swap3A_170, %swap3A_171], %slice3A_169 {strides = array<i32>} : memref<25x2048xf32, #tpu.memory_space<vmem>>, vector<5x128xf32>,
    %slice3A_173 = vector.extract_strided_slice %dot_general3A_156 {offsets = [20, 0], sizes = [5, 128], strides = [1, 1]} : vector<80x128xf32> to vector<5x128xf32>
    %swap3A_174 = arith.constant 10 : index
    %swap3A_175 = arith.constant 512 : index
    %swap3A_176 = vector.load %arg11[%swap3A_174, %swap3A_175] : memref<25x2048xf32, #tpu.memory_space<vmem>>, vector<5x128xf32>
    tpu.vector_store %arg11[%swap3A_174, %swap3A_175], %slice3A_173 {strides = array<i32>} : memref<25x2048xf32, #tpu.memory_space<vmem>>, vector<5x128xf32>,
    %slice3A_177 = vector.extract_strided_slice %dot_general3A_156 {offsets = [25, 0], sizes = [5, 128], strides = [1, 1]} : vector<80x128xf32> to vector<5x128xf32>
    %swap3A_178 = arith.constant 10 : index
    %swap3A_179 = arith.constant 640 : index
    %swap3A_180 = vector.load %arg11[%swap3A_178, %swap3A_179] : memref<25x2048xf32, #tpu.memory_space<vmem>>, vector<5x128xf32>
    tpu.vector_store %arg11[%swap3A_178, %swap3A_179], %slice3A_177 {strides = array<i32>} : memref<25x2048xf32, #tpu.memory_space<vmem>>, vector<5x128xf32>,
    %slice3A_181 = vector.extract_strided_slice %dot_general3A_156 {offsets = [30, 0], sizes = [5, 128], strides = [1, 1]} : vector<80x128xf32> to vector<5x128xf32>
    %swap3A_182 = arith.constant 10 : index
    %swap3A_183 = arith.constant 768 : index
    %swap3A_184 = vector.load %arg11[%swap3A_182, %swap3A_183] : memref<25x2048xf32, #tpu.memory_space<vmem>>, vector<5x128xf32>
    tpu.vector_store %arg11[%swap3A_182, %swap3A_183], %slice3A_181 {strides = array<i32>} : memref<25x2048xf32, #tpu.memory_space<vmem>>, vector<5x128xf32>,
    %slice3A_185 = vector.extract_strided_slice %dot_general3A_156 {offsets = [35, 0], sizes = [5, 128], strides = [1, 1]} : vector<80x128xf32> to vector<5x128xf32>
    %swap3A_186 = arith.constant 10 : index
    %swap3A_187 = arith.constant 896 : index
    %swap3A_188 = vector.load %arg11[%swap3A_186, %swap3A_187] : memref<25x2048xf32, #tpu.memory_space<vmem>>, vector<5x128xf32>
    tpu.vector_store %arg11[%swap3A_186, %swap3A_187], %slice3A_185 {strides = array<i32>} : memref<25x2048xf32, #tpu.memory_space<vmem>>, vector<5x128xf32>,
    %slice3A_189 = vector.extract_strided_slice %dot_general3A_156 {offsets = [40, 0], sizes = [5, 128], strides = [1, 1]} : vector<80x128xf32> to vector<5x128xf32>
    %swap3A_190 = arith.constant 10 : index
    %swap3A_191 = arith.constant 1024 : index
    %swap3A_192 = vector.load %arg11[%swap3A_190, %swap3A_191] : memref<25x2048xf32, #tpu.memory_space<vmem>>, vector<5x128xf32>
    tpu.vector_store %arg11[%swap3A_190, %swap3A_191], %slice3A_189 {strides = array<i32>} : memref<25x2048xf32, #tpu.memory_space<vmem>>, vector<5x128xf32>,
    %slice3A_193 = vector.extract_strided_slice %dot_general3A_156 {offsets = [45, 0], sizes = [5, 128], strides = [1, 1]} : vector<80x128xf32> to vector<5x128xf32>
    %swap3A_194 = arith.constant 10 : index
    %swap3A_195 = arith.constant 1152 : index
    %swap3A_196 = vector.load %arg11[%swap3A_194, %swap3A_195] : memref<25x2048xf32, #tpu.memory_space<vmem>>, vector<5x128xf32>
    tpu.vector_store %arg11[%swap3A_194, %swap3A_195], %slice3A_193 {strides = array<i32>} : memref<25x2048xf32, #tpu.memory_space<vmem>>, vector<5x128xf32>,
    %slice3A_197 = vector.extract_strided_slice %dot_general3A_156 {offsets = [50, 0], sizes = [5, 128], strides = [1, 1]} : vector<80x128xf32> to vector<5x128xf32>
    %swap3A_198 = arith.constant 10 : index
    %swap3A_199 = arith.constant 1280 : index
    %swap3A_200 = vector.load %arg11[%swap3A_198, %swap3A_199] : memref<25x2048xf32, #tpu.memory_space<vmem>>, vector<5x128xf32>
    tpu.vector_store %arg11[%swap3A_198, %swap3A_199], %slice3A_197 {strides = array<i32>} : memref<25x2048xf32, #tpu.memory_space<vmem>>, vector<5x128xf32>,
    %slice3A_201 = vector.extract_strided_slice %dot_general3A_156 {offsets = [55, 0], sizes = [5, 128], strides = [1, 1]} : vector<80x128xf32> to vector<5x128xf32>
    %swap3A_202 = arith.constant 10 : index
    %swap3A_203 = arith.constant 1408 : index
    %swap3A_204 = vector.load %arg11[%swap3A_202, %swap3A_203] : memref<25x2048xf32, #tpu.memory_space<vmem>>, vector<5x128xf32>
    tpu.vector_store %arg11[%swap3A_202, %swap3A_203], %slice3A_201 {strides = array<i32>} : memref<25x2048xf32, #tpu.memory_space<vmem>>, vector<5x128xf32>,
    %slice3A_205 = vector.extract_strided_slice %dot_general3A_156 {offsets = [60, 0], sizes = [5, 128], strides = [1, 1]} : vector<80x128xf32> to vector<5x128xf32>
    %swap3A_206 = arith.constant 10 : index
    %swap3A_207 = arith.constant 1536 : index
    %swap3A_208 = vector.load %arg11[%swap3A_206, %swap3A_207] : memref<25x2048xf32, #tpu.memory_space<vmem>>, vector<5x128xf32>
    tpu.vector_store %arg11[%swap3A_206, %swap3A_207], %slice3A_205 {strides = array<i32>} : memref<25x2048xf32, #tpu.memory_space<vmem>>, vector<5x128xf32>,
    %slice3A_209 = vector.extract_strided_slice %dot_general3A_156 {offsets = [65, 0], sizes = [5, 128], strides = [1, 1]} : vector<80x128xf32> to vector<5x128xf32>
    %swap3A_210 = arith.constant 10 : index
    %swap3A_211 = arith.constant 1664 : index
    %swap3A_212 = vector.load %arg11[%swap3A_210, %swap3A_211] : memref<25x2048xf32, #tpu.memory_space<vmem>>, vector<5x128xf32>
    tpu.vector_store %arg11[%swap3A_210, %swap3A_211], %slice3A_209 {strides = array<i32>} : memref<25x2048xf32, #tpu.memory_space<vmem>>, vector<5x128xf32>,
    %slice3A_213 = vector.extract_strided_slice %dot_general3A_156 {offsets = [70, 0], sizes = [5, 128], strides = [1, 1]} : vector<80x128xf32> to vector<5x128xf32>
    %swap3A_214 = arith.constant 10 : index
    %swap3A_215 = arith.constant 1792 : index
    %swap3A_216 = vector.load %arg11[%swap3A_214, %swap3A_215] : memref<25x2048xf32, #tpu.memory_space<vmem>>, vector<5x128xf32>
    tpu.vector_store %arg11[%swap3A_214, %swap3A_215], %slice3A_213 {strides = array<i32>} : memref<25x2048xf32, #tpu.memory_space<vmem>>, vector<5x128xf32>,
    %slice3A_217 = vector.extract_strided_slice %dot_general3A_156 {offsets = [75, 0], sizes = [5, 128], strides = [1, 1]} : vector<80x128xf32> to vector<5x128xf32>
    %swap3A_218 = arith.constant 10 : index
    %swap3A_219 = arith.constant 1920 : index
    %swap3A_220 = vector.load %arg11[%swap3A_218, %swap3A_219] : memref<25x2048xf32, #tpu.memory_space<vmem>>, vector<5x128xf32>
    tpu.vector_store %arg11[%swap3A_218, %swap3A_219], %slice3A_217 {strides = array<i32>} : memref<25x2048xf32, #tpu.memory_space<vmem>>, vector<5x128xf32>,
    %mul3A_221 = arith.constant 5 : i32
    %mul3A_222 = vector.broadcast %mul3A_221 : i32 to vector<640x128xi32>
    %mul3A_223 = arith.muli %iota3A_0, %mul3A_222 : vector<640x128xi32>
    %add3A_224 = arith.constant 3 : i32
    %add3A_225 = vector.broadcast %add3A_224 : i32 to vector<640x128xi32>
    %add3A_226 = arith.addi %mul3A_223, %add3A_225 : vector<640x128xi32>
    %eq3A_227 = arith.cmpi eq, %iota3A, %add3A_226 : vector<640x128xi32>
    %convert_element_type3A_228 = arith.extui %eq3A_227 : vector<640x128xi1> to vector<640x128xi32>
    %convert_element_type3A_229 = arith.sitofp %convert_element_type3A_228 : vector<640x128xi32> to vector<640x128xf32>
    %dot_general3A_230 = arith.constant dense<0.000000e+00> : vector<80x128xf32>
    %dot_general3A_231 = tpu.matmul %get3A_2, %convert_element_type3A_229, %dot_general3A_230 {dimension_numbers = #tpu.dot_dimension_numbers<[1], [0], [0], [1], [0, 0, 1, 1], [], []>, transpose_lhs_hint = false} : vector<80x640xf32>, vector<640x128xf32>, vector<80x128xf32> -> vector<80x128xf32>
    %slice3A_232 = vector.extract_strided_slice %dot_general3A_231 {offsets = [0, 0], sizes = [5, 128], strides = [1, 1]} : vector<80x128xf32> to vector<5x128xf32>
    %swap3A_233 = arith.constant 15 : index
    %swap3A_234 = arith.constant 0 : index
    %swap3A_235 = vector.load %arg11[%swap3A_233, %swap3A_234] : memref<25x2048xf32, #tpu.memory_space<vmem>>, vector<5x128xf32>
    tpu.vector_store %arg11[%swap3A_233, %swap3A_234], %slice3A_232 {strides = array<i32>} : memref<25x2048xf32, #tpu.memory_space<vmem>>, vector<5x128xf32>,
    %slice3A_236 = vector.extract_strided_slice %dot_general3A_231 {offsets = [5, 0], sizes = [5, 128], strides = [1, 1]} : vector<80x128xf32> to vector<5x128xf32>
    %swap3A_237 = arith.constant 15 : index
    %swap3A_238 = arith.constant 128 : index
    %swap3A_239 = vector.load %arg11[%swap3A_237, %swap3A_238] : memref<25x2048xf32, #tpu.memory_space<vmem>>, vector<5x128xf32>
    tpu.vector_store %arg11[%swap3A_237, %swap3A_238], %slice3A_236 {strides = array<i32>} : memref<25x2048xf32, #tpu.memory_space<vmem>>, vector<5x128xf32>,
    %slice3A_240 = vector.extract_strided_slice %dot_general3A_231 {offsets = [10, 0], sizes = [5, 128], strides = [1, 1]} : vector<80x128xf32> to vector<5x128xf32>
    %swap3A_241 = arith.constant 15 : index
    %swap3A_242 = arith.constant 256 : index
    %swap3A_243 = vector.load %arg11[%swap3A_241, %swap3A_242] : memref<25x2048xf32, #tpu.memory_space<vmem>>, vector<5x128xf32>
    tpu.vector_store %arg11[%swap3A_241, %swap3A_242], %slice3A_240 {strides = array<i32>} : memref<25x2048xf32, #tpu.memory_space<vmem>>, vector<5x128xf32>,
    %slice3A_244 = vector.extract_strided_slice %dot_general3A_231 {offsets = [15, 0], sizes = [5, 128], strides = [1, 1]} : vector<80x128xf32> to vector<5x128xf32>
    %swap3A_245 = arith.constant 15 : index
    %swap3A_246 = arith.constant 384 : index
    %swap3A_247 = vector.load %arg11[%swap3A_245, %swap3A_246] : memref<25x2048xf32, #tpu.memory_space<vmem>>, vector<5x128xf32>
    tpu.vector_store %arg11[%swap3A_245, %swap3A_246], %slice3A_244 {strides = array<i32>} : memref<25x2048xf32, #tpu.memory_space<vmem>>, vector<5x128xf32>,
    %slice3A_248 = vector.extract_strided_slice %dot_general3A_231 {offsets = [20, 0], sizes = [5, 128], strides = [1, 1]} : vector<80x128xf32> to vector<5x128xf32>
    %swap3A_249 = arith.constant 15 : index
    %swap3A_250 = arith.constant 512 : index
    %swap3A_251 = vector.load %arg11[%swap3A_249, %swap3A_250] : memref<25x2048xf32, #tpu.memory_space<vmem>>, vector<5x128xf32>
    tpu.vector_store %arg11[%swap3A_249, %swap3A_250], %slice3A_248 {strides = array<i32>} : memref<25x2048xf32, #tpu.memory_space<vmem>>, vector<5x128xf32>,
    %slice3A_252 = vector.extract_strided_slice %dot_general3A_231 {offsets = [25, 0], sizes = [5, 128], strides = [1, 1]} : vector<80x128xf32> to vector<5x128xf32>
    %swap3A_253 = arith.constant 15 : index
    %swap3A_254 = arith.constant 640 : index
    %swap3A_255 = vector.load %arg11[%swap3A_253, %swap3A_254] : memref<25x2048xf32, #tpu.memory_space<vmem>>, vector<5x128xf32>
    tpu.vector_store %arg11[%swap3A_253, %swap3A_254], %slice3A_252 {strides = array<i32>} : memref<25x2048xf32, #tpu.memory_space<vmem>>, vector<5x128xf32>,
    %slice3A_256 = vector.extract_strided_slice %dot_general3A_231 {offsets = [30, 0], sizes = [5, 128], strides = [1, 1]} : vector<80x128xf32> to vector<5x128xf32>
    %swap3A_257 = arith.constant 15 : index
    %swap3A_258 = arith.constant 768 : index
    %swap3A_259 = vector.load %arg11[%swap3A_257, %swap3A_258] : memref<25x2048xf32, #tpu.memory_space<vmem>>, vector<5x128xf32>
    tpu.vector_store %arg11[%swap3A_257, %swap3A_258], %slice3A_256 {strides = array<i32>} : memref<25x2048xf32, #tpu.memory_space<vmem>>, vector<5x128xf32>,
    %slice3A_260 = vector.extract_strided_slice %dot_general3A_231 {offsets = [35, 0], sizes = [5, 128], strides = [1, 1]} : vector<80x128xf32> to vector<5x128xf32>
    %swap3A_261 = arith.constant 15 : index
    %swap3A_262 = arith.constant 896 : index
    %swap3A_263 = vector.load %arg11[%swap3A_261, %swap3A_262] : memref<25x2048xf32, #tpu.memory_space<vmem>>, vector<5x128xf32>
    tpu.vector_store %arg11[%swap3A_261, %swap3A_262], %slice3A_260 {strides = array<i32>} : memref<25x2048xf32, #tpu.memory_space<vmem>>, vector<5x128xf32>,
    %slice3A_264 = vector.extract_strided_slice %dot_general3A_231 {offsets = [40, 0], sizes = [5, 128], strides = [1, 1]} : vector<80x128xf32> to vector<5x128xf32>
    %swap3A_265 = arith.constant 15 : index
    %swap3A_266 = arith.constant 1024 : index
    %swap3A_267 = vector.load %arg11[%swap3A_265, %swap3A_266] : memref<25x2048xf32, #tpu.memory_space<vmem>>, vector<5x128xf32>
    tpu.vector_store %arg11[%swap3A_265, %swap3A_266], %slice3A_264 {strides = array<i32>} : memref<25x2048xf32, #tpu.memory_space<vmem>>, vector<5x128xf32>,
    %slice3A_268 = vector.extract_strided_slice %dot_general3A_231 {offsets = [45, 0], sizes = [5, 128], strides = [1, 1]} : vector<80x128xf32> to vector<5x128xf32>
    %swap3A_269 = arith.constant 15 : index
    %swap3A_270 = arith.constant 1152 : index
    %swap3A_271 = vector.load %arg11[%swap3A_269, %swap3A_270] : memref<25x2048xf32, #tpu.memory_space<vmem>>, vector<5x128xf32>
    tpu.vector_store %arg11[%swap3A_269, %swap3A_270], %slice3A_268 {strides = array<i32>} : memref<25x2048xf32, #tpu.memory_space<vmem>>, vector<5x128xf32>,
    %slice3A_272 = vector.extract_strided_slice %dot_general3A_231 {offsets = [50, 0], sizes = [5, 128], strides = [1, 1]} : vector<80x128xf32> to vector<5x128xf32>
    %swap3A_273 = arith.constant 15 : index
    %swap3A_274 = arith.constant 1280 : index
    %swap3A_275 = vector.load %arg11[%swap3A_273, %swap3A_274] : memref<25x2048xf32, #tpu.memory_space<vmem>>, vector<5x128xf32>
    tpu.vector_store %arg11[%swap3A_273, %swap3A_274], %slice3A_272 {strides = array<i32>} : memref<25x2048xf32, #tpu.memory_space<vmem>>, vector<5x128xf32>,
    %slice3A_276 = vector.extract_strided_slice %dot_general3A_231 {offsets = [55, 0], sizes = [5, 128], strides = [1, 1]} : vector<80x128xf32> to vector<5x128xf32>
    %swap3A_277 = arith.constant 15 : index
    %swap3A_278 = arith.constant 1408 : index
    %swap3A_279 = vector.load %arg11[%swap3A_277, %swap3A_278] : memref<25x2048xf32, #tpu.memory_space<vmem>>, vector<5x128xf32>
    tpu.vector_store %arg11[%swap3A_277, %swap3A_278], %slice3A_276 {strides = array<i32>} : memref<25x2048xf32, #tpu.memory_space<vmem>>, vector<5x128xf32>,
    %slice3A_280 = vector.extract_strided_slice %dot_general3A_231 {offsets = [60, 0], sizes = [5, 128], strides = [1, 1]} : vector<80x128xf32> to vector<5x128xf32>
    %swap3A_281 = arith.constant 15 : index
    %swap3A_282 = arith.constant 1536 : index
    %swap3A_283 = vector.load %arg11[%swap3A_281, %swap3A_282] : memref<25x2048xf32, #tpu.memory_space<vmem>>, vector<5x128xf32>
    tpu.vector_store %arg11[%swap3A_281, %swap3A_282], %slice3A_280 {strides = array<i32>} : memref<25x2048xf32, #tpu.memory_space<vmem>>, vector<5x128xf32>,
    %slice3A_284 = vector.extract_strided_slice %dot_general3A_231 {offsets = [65, 0], sizes = [5, 128], strides = [1, 1]} : vector<80x128xf32> to vector<5x128xf32>
    %swap3A_285 = arith.constant 15 : index
    %swap3A_286 = arith.constant 1664 : index
    %swap3A_287 = vector.load %arg11[%swap3A_285, %swap3A_286] : memref<25x2048xf32, #tpu.memory_space<vmem>>, vector<5x128xf32>
    tpu.vector_store %arg11[%swap3A_285, %swap3A_286], %slice3A_284 {strides = array<i32>} : memref<25x2048xf32, #tpu.memory_space<vmem>>, vector<5x128xf32>,
    %slice3A_288 = vector.extract_strided_slice %dot_general3A_231 {offsets = [70, 0], sizes = [5, 128], strides = [1, 1]} : vector<80x128xf32> to vector<5x128xf32>
    %swap3A_289 = arith.constant 15 : index
    %swap3A_290 = arith.constant 1792 : index
    %swap3A_291 = vector.load %arg11[%swap3A_289, %swap3A_290] : memref<25x2048xf32, #tpu.memory_space<vmem>>, vector<5x128xf32>
    tpu.vector_store %arg11[%swap3A_289, %swap3A_290], %slice3A_288 {strides = array<i32>} : memref<25x2048xf32, #tpu.memory_space<vmem>>, vector<5x128xf32>,
    %slice3A_292 = vector.extract_strided_slice %dot_general3A_231 {offsets = [75, 0], sizes = [5, 128], strides = [1, 1]} : vector<80x128xf32> to vector<5x128xf32>
    %swap3A_293 = arith.constant 15 : index
    %swap3A_294 = arith.constant 1920 : index
    %swap3A_295 = vector.load %arg11[%swap3A_293, %swap3A_294] : memref<25x2048xf32, #tpu.memory_space<vmem>>, vector<5x128xf32>
    tpu.vector_store %arg11[%swap3A_293, %swap3A_294], %slice3A_292 {strides = array<i32>} : memref<25x2048xf32, #tpu.memory_space<vmem>>, vector<5x128xf32>,
    %mul3A_296 = arith.constant 5 : i32
    %mul3A_297 = vector.broadcast %mul3A_296 : i32 to vector<640x128xi32>
    %mul3A_298 = arith.muli %iota3A_0, %mul3A_297 : vector<640x128xi32>
    %add3A_299 = arith.constant 4 : i32
    %add3A_300 = vector.broadcast %add3A_299 : i32 to vector<640x128xi32>
    %add3A_301 = arith.addi %mul3A_298, %add3A_300 : vector<640x128xi32>
    %eq3A_302 = arith.cmpi eq, %iota3A, %add3A_301 : vector<640x128xi32>
    %convert_element_type3A_303 = arith.extui %eq3A_302 : vector<640x128xi1> to vector<640x128xi32>
    %convert_element_type3A_304 = arith.sitofp %convert_element_type3A_303 : vector<640x128xi32> to vector<640x128xf32>
    %dot_general3A_305 = arith.constant dense<0.000000e+00> : vector<80x128xf32>
    %dot_general3A_306 = tpu.matmul %get3A_2, %convert_element_type3A_304, %dot_general3A_305 {dimension_numbers = #tpu.dot_dimension_numbers<[1], [0], [0], [1], [0, 0, 1, 1], [], []>, transpose_lhs_hint = false} : vector<80x640xf32>, vector<640x128xf32>, vector<80x128xf32> -> vector<80x128xf32>
    %slice3A_307 = vector.extract_strided_slice %dot_general3A_306 {offsets = [0, 0], sizes = [5, 128], strides = [1, 1]} : vector<80x128xf32> to vector<5x128xf32>
    %swap3A_308 = arith.constant 20 : index
    %swap3A_309 = arith.constant 0 : index
    %swap3A_310 = vector.load %arg11[%swap3A_308, %swap3A_309] : memref<25x2048xf32, #tpu.memory_space<vmem>>, vector<5x128xf32>
    tpu.vector_store %arg11[%swap3A_308, %swap3A_309], %slice3A_307 {strides = array<i32>} : memref<25x2048xf32, #tpu.memory_space<vmem>>, vector<5x128xf32>,
    %slice3A_311 = vector.extract_strided_slice %dot_general3A_306 {offsets = [5, 0], sizes = [5, 128], strides = [1, 1]} : vector<80x128xf32> to vector<5x128xf32>
    %swap3A_312 = arith.constant 20 : index
    %swap3A_313 = arith.constant 128 : index
    %swap3A_314 = vector.load %arg11[%swap3A_312, %swap3A_313] : memref<25x2048xf32, #tpu.memory_space<vmem>>, vector<5x128xf32>
    tpu.vector_store %arg11[%swap3A_312, %swap3A_313], %slice3A_311 {strides = array<i32>} : memref<25x2048xf32, #tpu.memory_space<vmem>>, vector<5x128xf32>,
    %slice3A_315 = vector.extract_strided_slice %dot_general3A_306 {offsets = [10, 0], sizes = [5, 128], strides = [1, 1]} : vector<80x128xf32> to vector<5x128xf32>
    %swap3A_316 = arith.constant 20 : index
    %swap3A_317 = arith.constant 256 : index
    %swap3A_318 = vector.load %arg11[%swap3A_316, %swap3A_317] : memref<25x2048xf32, #tpu.memory_space<vmem>>, vector<5x128xf32>
    tpu.vector_store %arg11[%swap3A_316, %swap3A_317], %slice3A_315 {strides = array<i32>} : memref<25x2048xf32, #tpu.memory_space<vmem>>, vector<5x128xf32>,
    %slice3A_319 = vector.extract_strided_slice %dot_general3A_306 {offsets = [15, 0], sizes = [5, 128], strides = [1, 1]} : vector<80x128xf32> to vector<5x128xf32>
    %swap3A_320 = arith.constant 20 : index
    %swap3A_321 = arith.constant 384 : index
    %swap3A_322 = vector.load %arg11[%swap3A_320, %swap3A_321] : memref<25x2048xf32, #tpu.memory_space<vmem>>, vector<5x128xf32>
    tpu.vector_store %arg11[%swap3A_320, %swap3A_321], %slice3A_319 {strides = array<i32>} : memref<25x2048xf32, #tpu.memory_space<vmem>>, vector<5x128xf32>,
    %slice3A_323 = vector.extract_strided_slice %dot_general3A_306 {offsets = [20, 0], sizes = [5, 128], strides = [1, 1]} : vector<80x128xf32> to vector<5x128xf32>
    %swap3A_324 = arith.constant 20 : index
    %swap3A_325 = arith.constant 512 : index
    %swap3A_326 = vector.load %arg11[%swap3A_324, %swap3A_325] : memref<25x2048xf32, #tpu.memory_space<vmem>>, vector<5x128xf32>
    tpu.vector_store %arg11[%swap3A_324, %swap3A_325], %slice3A_323 {strides = array<i32>} : memref<25x2048xf32, #tpu.memory_space<vmem>>, vector<5x128xf32>,
    %slice3A_327 = vector.extract_strided_slice %dot_general3A_306 {offsets = [25, 0], sizes = [5, 128], strides = [1, 1]} : vector<80x128xf32> to vector<5x128xf32>
    %swap3A_328 = arith.constant 20 : index
    %swap3A_329 = arith.constant 640 : index
    %swap3A_330 = vector.load %arg11[%swap3A_328, %swap3A_329] : memref<25x2048xf32, #tpu.memory_space<vmem>>, vector<5x128xf32>
    tpu.vector_store %arg11[%swap3A_328, %swap3A_329], %slice3A_327 {strides = array<i32>} : memref<25x2048xf32, #tpu.memory_space<vmem>>, vector<5x128xf32>,
    %slice3A_331 = vector.extract_strided_slice %dot_general3A_306 {offsets = [30, 0], sizes = [5, 128], strides = [1, 1]} : vector<80x128xf32> to vector<5x128xf32>
    %swap3A_332 = arith.constant 20 : index
    %swap3A_333 = arith.constant 768 : index
    %swap3A_334 = vector.load %arg11[%swap3A_332, %swap3A_333] : memref<25x2048xf32, #tpu.memory_space<vmem>>, vector<5x128xf32>
    tpu.vector_store %arg11[%swap3A_332, %swap3A_333], %slice3A_331 {strides = array<i32>} : memref<25x2048xf32, #tpu.memory_space<vmem>>, vector<5x128xf32>,
    %slice3A_335 = vector.extract_strided_slice %dot_general3A_306 {offsets = [35, 0], sizes = [5, 128], strides = [1, 1]} : vector<80x128xf32> to vector<5x128xf32>
    %swap3A_336 = arith.constant 20 : index
    %swap3A_337 = arith.constant 896 : index
    %swap3A_338 = vector.load %arg11[%swap3A_336, %swap3A_337] : memref<25x2048xf32, #tpu.memory_space<vmem>>, vector<5x128xf32>
    tpu.vector_store %arg11[%swap3A_336, %swap3A_337], %slice3A_335 {strides = array<i32>} : memref<25x2048xf32, #tpu.memory_space<vmem>>, vector<5x128xf32>,
    %slice3A_339 = vector.extract_strided_slice %dot_general3A_306 {offsets = [40, 0], sizes = [5, 128], strides = [1, 1]} : vector<80x128xf32> to vector<5x128xf32>
    %swap3A_340 = arith.constant 20 : index
    %swap3A_341 = arith.constant 1024 : index
    %swap3A_342 = vector.load %arg11[%swap3A_340, %swap3A_341] : memref<25x2048xf32, #tpu.memory_space<vmem>>, vector<5x128xf32>
    tpu.vector_store %arg11[%swap3A_340, %swap3A_341], %slice3A_339 {strides = array<i32>} : memref<25x2048xf32, #tpu.memory_space<vmem>>, vector<5x128xf32>,
    %slice3A_343 = vector.extract_strided_slice %dot_general3A_306 {offsets = [45, 0], sizes = [5, 128], strides = [1, 1]} : vector<80x128xf32> to vector<5x128xf32>
    %swap3A_344 = arith.constant 20 : index
    %swap3A_345 = arith.constant 1152 : index
    %swap3A_346 = vector.load %arg11[%swap3A_344, %swap3A_345] : memref<25x2048xf32, #tpu.memory_space<vmem>>, vector<5x128xf32>
    tpu.vector_store %arg11[%swap3A_344, %swap3A_345], %slice3A_343 {strides = array<i32>} : memref<25x2048xf32, #tpu.memory_space<vmem>>, vector<5x128xf32>,
    %slice3A_347 = vector.extract_strided_slice %dot_general3A_306 {offsets = [50, 0], sizes = [5, 128], strides = [1, 1]} : vector<80x128xf32> to vector<5x128xf32>
    %swap3A_348 = arith.constant 20 : index
    %swap3A_349 = arith.constant 1280 : index
    %swap3A_350 = vector.load %arg11[%swap3A_348, %swap3A_349] : memref<25x2048xf32, #tpu.memory_space<vmem>>, vector<5x128xf32>
    tpu.vector_store %arg11[%swap3A_348, %swap3A_349], %slice3A_347 {strides = array<i32>} : memref<25x2048xf32, #tpu.memory_space<vmem>>, vector<5x128xf32>,
    %slice3A_351 = vector.extract_strided_slice %dot_general3A_306 {offsets = [55, 0], sizes = [5, 128], strides = [1, 1]} : vector<80x128xf32> to vector<5x128xf32>
    %swap3A_352 = arith.constant 20 : index
    %swap3A_353 = arith.constant 1408 : index
    %swap3A_354 = vector.load %arg11[%swap3A_352, %swap3A_353] : memref<25x2048xf32, #tpu.memory_space<vmem>>, vector<5x128xf32>
    tpu.vector_store %arg11[%swap3A_352, %swap3A_353], %slice3A_351 {strides = array<i32>} : memref<25x2048xf32, #tpu.memory_space<vmem>>, vector<5x128xf32>,
    %slice3A_355 = vector.extract_strided_slice %dot_general3A_306 {offsets = [60, 0], sizes = [5, 128], strides = [1, 1]} : vector<80x128xf32> to vector<5x128xf32>
    %swap3A_356 = arith.constant 20 : index
    %swap3A_357 = arith.constant 1536 : index
    %swap3A_358 = vector.load %arg11[%swap3A_356, %swap3A_357] : memref<25x2048xf32, #tpu.memory_space<vmem>>, vector<5x128xf32>
    tpu.vector_store %arg11[%swap3A_356, %swap3A_357], %slice3A_355 {strides = array<i32>} : memref<25x2048xf32, #tpu.memory_space<vmem>>, vector<5x128xf32>,
    %slice3A_359 = vector.extract_strided_slice %dot_general3A_306 {offsets = [65, 0], sizes = [5, 128], strides = [1, 1]} : vector<80x128xf32> to vector<5x128xf32>
    %swap3A_360 = arith.constant 20 : index
    %swap3A_361 = arith.constant 1664 : index
    %swap3A_362 = vector.load %arg11[%swap3A_360, %swap3A_361] : memref<25x2048xf32, #tpu.memory_space<vmem>>, vector<5x128xf32>
    tpu.vector_store %arg11[%swap3A_360, %swap3A_361], %slice3A_359 {strides = array<i32>} : memref<25x2048xf32, #tpu.memory_space<vmem>>, vector<5x128xf32>,
    %slice3A_363 = vector.extract_strided_slice %dot_general3A_306 {offsets = [70, 0], sizes = [5, 128], strides = [1, 1]} : vector<80x128xf32> to vector<5x128xf32>
    %swap3A_364 = arith.constant 20 : index
    %swap3A_365 = arith.constant 1792 : index
    %swap3A_366 = vector.load %arg11[%swap3A_364, %swap3A_365] : memref<25x2048xf32, #tpu.memory_space<vmem>>, vector<5x128xf32>
    tpu.vector_store %arg11[%swap3A_364, %swap3A_365], %slice3A_363 {strides = array<i32>} : memref<25x2048xf32, #tpu.memory_space<vmem>>, vector<5x128xf32>,
    %slice3A_367 = vector.extract_strided_slice %dot_general3A_306 {offsets = [75, 0], sizes = [5, 128], strides = [1, 1]} : vector<80x128xf32> to vector<5x128xf32>
    %swap3A_368 = arith.constant 20 : index
    %swap3A_369 = arith.constant 1920 : index
    %swap3A_370 = vector.load %arg11[%swap3A_368, %swap3A_369] : memref<25x2048xf32, #tpu.memory_space<vmem>>, vector<5x128xf32>
    tpu.vector_store %arg11[%swap3A_368, %swap3A_369], %slice3A_367 {strides = array<i32>} : memref<25x2048xf32, #tpu.memory_space<vmem>>, vector<5x128xf32>,
    %get3A_371 = arith.constant 0 : index
    %get3A_372 = arith.constant 0 : index
    %get3A_373 = vector.load %arg11[%get3A_371, %get3A_372] : memref<25x2048xf32, #tpu.memory_space<vmem>>, vector<25x2048xf32>
    %get3A_374 = arith.constant 0 : index
    %get3A_375 = arith.constant 0 : index
    %get3A_376 = vector.load %arg2[%get3A_374, %get3A_375] : memref<25x2048xf32, #tpu.memory_space<vmem>>, vector<25x2048xf32>
    %sub3A = arith.subf %get3A_376, %get3A_373 : vector<25x2048xf32>
    %get3A_377 = arith.constant 0 : index
    %get3A_378 = arith.constant 0 : index
    %get3A_379 = vector.load %arg3[%get3A_377, %get3A_378] : memref<25x2048xf32, #tpu.memory_space<vmem>>, vector<25x2048xf32>
    %mul3A_380 = arith.mulf %sub3A, %get3A_379 : vector<25x2048xf32>
    %reduce_sum3A = arith.constant dense<0.000000e+00> : vector<2048xf32>
    %reduce_sum3A_381 = vector.multi_reduction <add>, %mul3A_380, %reduce_sum3A [0] : vector<25x2048xf32> to vector<2048xf32>
    %broadcast_in_dim3A = vector.shape_cast %reduce_sum3A_381 : vector<2048xf32> to vector<1x2048xf32>
    %get3A_382 = arith.constant 0 : index
    %get3A_383 = arith.constant 0 : index
    %get3A_384 = vector.load %arg8[%get3A_382, %get3A_383] : memref<40x25xf32, #tpu.memory_space<vmem>>, vector<40x25xf32>
    %dot_general3A_385 = arith.constant dense<0.000000e+00> : vector<40x2048xf32>
    %dot_general3A_386 = tpu.matmul %get3A_384, %get3A_373, %dot_general3A_385 {dimension_numbers = #tpu.dot_dimension_numbers<[1], [0], [0], [1], [0, 0, 1, 1], [], []>, transpose_lhs_hint = false} : vector<40x25xf32>, vector<25x2048xf32>, vector<40x2048xf32> -> vector<40x2048xf32>
    %get3A_387 = arith.constant 0 : index
    %get3A_388 = arith.constant 0 : index
    %get3A_389 = vector.load %arg9[%get3A_387, %get3A_388] : memref<40x25xf32, #tpu.memory_space<vmem>>, vector<40x25xf32>
    %dot_general3A_390 = arith.constant dense<0.000000e+00> : vector<40x2048xf32>
    %dot_general3A_391 = tpu.matmul %get3A_389, %get3A_373, %dot_general3A_390 {dimension_numbers = #tpu.dot_dimension_numbers<[1], [0], [0], [1], [0, 0, 1, 1], [], []>, transpose_lhs_hint = false} : vector<40x25xf32>, vector<25x2048xf32>, vector<40x2048xf32> -> vector<40x2048xf32>
    %get3A_392 = arith.constant 0 : index
    %get3A_393 = arith.constant 0 : index
    %get3A_394 = vector.load %arg4[%get3A_392, %get3A_393] : memref<40x2048xf32, #tpu.memory_space<vmem>>, vector<40x2048xf32>
    %get3A_395 = arith.constant 0 : index
    %get3A_396 = arith.constant 0 : index
    %get3A_397 = vector.load %arg5[%get3A_395, %get3A_396] : memref<40x2048xf32, #tpu.memory_space<vmem>>, vector<40x2048xf32>
    %mul3A_398 = arith.mulf %get3A_394, %get3A_394 : vector<40x2048xf32>
    %mul3A_399 = arith.mulf %get3A_397, %get3A_397 : vector<40x2048xf32>
    %add3A_400 = arith.addf %mul3A_398, %mul3A_399 : vector<40x2048xf32>
    %mul3A_401 = arith.mulf %dot_general3A_386, %get3A_394 : vector<40x2048xf32>
    %mul3A_402 = arith.mulf %dot_general3A_391, %get3A_397 : vector<40x2048xf32>
    %add3A_403 = arith.addf %mul3A_401, %mul3A_402 : vector<40x2048xf32>
    %get3A_404 = arith.constant 0 : index
    %get3A_405 = vector.load %arg7[%get3A_404] : memref<2048xf32, #tpu.memory_space<vmem>>, vector<2048xf32>
    %reshape3A = vector.shape_cast %get3A_405 : vector<2048xf32> to vector<1x2048xf32>
    %broadcast_in_dim3A_406 = arith.constant 0.000000e+00 : f32
    %broadcast_in_dim3A_407 = vector.broadcast %broadcast_in_dim3A_406 : f32 to vector<1x2048xf32>
    %mul3A_408 = vector.broadcast %broadcast_in_dim3A_407 : vector<1x2048xf32> to vector<40x2048xf32>
    %mul3A_409 = arith.mulf %mul3A_408, %get3A_394 : vector<40x2048xf32>
    %add3A_410 = arith.addf %dot_general3A_386, %mul3A_409 : vector<40x2048xf32>
    %mul3A_411 = vector.broadcast %broadcast_in_dim3A_407 : vector<1x2048xf32> to vector<40x2048xf32>
    %mul3A_412 = arith.mulf %mul3A_411, %get3A_397 : vector<40x2048xf32>
    %add3A_413 = arith.addf %dot_general3A_391, %mul3A_412 : vector<40x2048xf32>
    %mul3A_414 = arith.mulf %add3A_410, %add3A_410 : vector<40x2048xf32>
    %mul3A_415 = arith.mulf %add3A_413, %add3A_413 : vector<40x2048xf32>
    %add3A_416 = arith.addf %mul3A_414, %mul3A_415 : vector<40x2048xf32>
    %add3A_417 = arith.constant 9.99999974E-5 : f32
    %add3A_418 = vector.broadcast %add3A_417 : f32 to vector<40x2048xf32>
    %add3A_419 = arith.addf %add3A_416, %add3A_418 : vector<40x2048xf32>
    %rsqrt3A = math.rsqrt %add3A_419 : vector<40x2048xf32>
    %mul3A_420 = arith.mulf %add3A_400, %rsqrt3A : vector<40x2048xf32>
    %reduce_sum3A_421 = arith.constant dense<0.000000e+00> : vector<2048xf32>
    %reduce_sum3A_422 = vector.multi_reduction <add>, %mul3A_420, %reduce_sum3A_421 [0] : vector<40x2048xf32> to vector<2048xf32>
    %broadcast_in_dim3A_423 = vector.shape_cast %reduce_sum3A_422 : vector<2048xf32> to vector<1x2048xf32>
    %mul3A_424 = arith.mulf %add3A_403, %rsqrt3A : vector<40x2048xf32>
    %reduce_sum3A_425 = arith.constant dense<0.000000e+00> : vector<2048xf32>
    %reduce_sum3A_426 = vector.multi_reduction <add>, %mul3A_424, %reduce_sum3A_425 [0] : vector<40x2048xf32> to vector<2048xf32>
    %broadcast_in_dim3A_427 = vector.shape_cast %reduce_sum3A_426 : vector<2048xf32> to vector<1x2048xf32>
    %mul3A_428 = arith.constant 1.500000e+01 : f32
    %mul3A_429 = vector.broadcast %mul3A_428 : f32 to vector<1x2048xf32>
    %mul3A_430 = arith.mulf %mul3A_429, %broadcast_in_dim3A_427 : vector<1x2048xf32>
    %sub3A_431 = arith.subf %broadcast_in_dim3A, %mul3A_430 : vector<1x2048xf32>
    %mul3A_432 = arith.constant 1.500000e+01 : f32
    %mul3A_433 = vector.broadcast %mul3A_432 : f32 to vector<1x2048xf32>
    %mul3A_434 = arith.mulf %mul3A_433, %broadcast_in_dim3A_423 : vector<1x2048xf32>
    %add3A_435 = arith.addf %mul3A_434, %reshape3A : vector<1x2048xf32>
    %div3A = arith.divf %sub3A_431, %add3A_435 : vector<1x2048xf32>
    %mul3A_436 = vector.broadcast %div3A : vector<1x2048xf32> to vector<40x2048xf32>
    %mul3A_437 = arith.mulf %mul3A_436, %get3A_394 : vector<40x2048xf32>
    %add3A_438 = arith.addf %dot_general3A_386, %mul3A_437 : vector<40x2048xf32>
    %mul3A_439 = vector.broadcast %div3A : vector<1x2048xf32> to vector<40x2048xf32>
    %mul3A_440 = arith.mulf %mul3A_439, %get3A_397 : vector<40x2048xf32>
    %add3A_441 = arith.addf %dot_general3A_391, %mul3A_440 : vector<40x2048xf32>
    %mul3A_442 = arith.mulf %add3A_438, %add3A_438 : vector<40x2048xf32>
    %mul3A_443 = arith.mulf %add3A_441, %add3A_441 : vector<40x2048xf32>
    %add3A_444 = arith.addf %mul3A_442, %mul3A_443 : vector<40x2048xf32>
    %add3A_445 = arith.constant 9.99999974E-5 : f32
    %add3A_446 = vector.broadcast %add3A_445 : f32 to vector<40x2048xf32>
    %add3A_447 = arith.addf %add3A_444, %add3A_446 : vector<40x2048xf32>
    %rsqrt3A_448 = math.rsqrt %add3A_447 : vector<40x2048xf32>
    %mul3A_449 = arith.mulf %add3A_400, %rsqrt3A_448 : vector<40x2048xf32>
    %reduce_sum3A_450 = arith.constant dense<0.000000e+00> : vector<2048xf32>
    %reduce_sum3A_451 = vector.multi_reduction <add>, %mul3A_449, %reduce_sum3A_450 [0] : vector<40x2048xf32> to vector<2048xf32>
    %broadcast_in_dim3A_452 = vector.shape_cast %reduce_sum3A_451 : vector<2048xf32> to vector<1x2048xf32>
    %mul3A_453 = arith.mulf %add3A_403, %rsqrt3A_448 : vector<40x2048xf32>
    %reduce_sum3A_454 = arith.constant dense<0.000000e+00> : vector<2048xf32>
    %reduce_sum3A_455 = vector.multi_reduction <add>, %mul3A_453, %reduce_sum3A_454 [0] : vector<40x2048xf32> to vector<2048xf32>
    %broadcast_in_dim3A_456 = vector.shape_cast %reduce_sum3A_455 : vector<2048xf32> to vector<1x2048xf32>
    %mul3A_457 = arith.constant 1.500000e+01 : f32
    %mul3A_458 = vector.broadcast %mul3A_457 : f32 to vector<1x2048xf32>
    %mul3A_459 = arith.mulf %mul3A_458, %broadcast_in_dim3A_456 : vector<1x2048xf32>
    %sub3A_460 = arith.subf %broadcast_in_dim3A, %mul3A_459 : vector<1x2048xf32>
    %mul3A_461 = arith.constant 1.500000e+01 : f32
    %mul3A_462 = vector.broadcast %mul3A_461 : f32 to vector<1x2048xf32>
    %mul3A_463 = arith.mulf %mul3A_462, %broadcast_in_dim3A_452 : vector<1x2048xf32>
    %add3A_464 = arith.addf %mul3A_463, %reshape3A : vector<1x2048xf32>
    %div3A_465 = arith.divf %sub3A_460, %add3A_464 : vector<1x2048xf32>
    %mul3A_466 = vector.broadcast %div3A_465 : vector<1x2048xf32> to vector<40x2048xf32>
    %mul3A_467 = arith.mulf %mul3A_466, %get3A_394 : vector<40x2048xf32>
    %add3A_468 = arith.addf %dot_general3A_386, %mul3A_467 : vector<40x2048xf32>
    %mul3A_469 = vector.broadcast %div3A_465 : vector<1x2048xf32> to vector<40x2048xf32>
    %mul3A_470 = arith.mulf %mul3A_469, %get3A_397 : vector<40x2048xf32>
    %add3A_471 = arith.addf %dot_general3A_391, %mul3A_470 : vector<40x2048xf32>
    %mul3A_472 = arith.mulf %add3A_468, %add3A_468 : vector<40x2048xf32>
    %mul3A_473 = arith.mulf %add3A_471, %add3A_471 : vector<40x2048xf32>
    %add3A_474 = arith.addf %mul3A_472, %mul3A_473 : vector<40x2048xf32>
    %add3A_475 = arith.constant 9.99999974E-5 : f32
    %add3A_476 = vector.broadcast %add3A_475 : f32 to vector<40x2048xf32>
    %add3A_477 = arith.addf %add3A_474, %add3A_476 : vector<40x2048xf32>
    %rsqrt3A_478 = math.rsqrt %add3A_477 : vector<40x2048xf32>
    %mul3A_479 = arith.mulf %add3A_400, %rsqrt3A_478 : vector<40x2048xf32>
    %reduce_sum3A_480 = arith.constant dense<0.000000e+00> : vector<2048xf32>
    %reduce_sum3A_481 = vector.multi_reduction <add>, %mul3A_479, %reduce_sum3A_480 [0] : vector<40x2048xf32> to vector<2048xf32>
    %broadcast_in_dim3A_482 = vector.shape_cast %reduce_sum3A_481 : vector<2048xf32> to vector<1x2048xf32>
    %mul3A_483 = arith.mulf %add3A_403, %rsqrt3A_478 : vector<40x2048xf32>
    %reduce_sum3A_484 = arith.constant dense<0.000000e+00> : vector<2048xf32>
    %reduce_sum3A_485 = vector.multi_reduction <add>, %mul3A_483, %reduce_sum3A_484 [0] : vector<40x2048xf32> to vector<2048xf32>
    %broadcast_in_dim3A_486 = vector.shape_cast %reduce_sum3A_485 : vector<2048xf32> to vector<1x2048xf32>
    %mul3A_487 = arith.constant 1.500000e+01 : f32
    %mul3A_488 = vector.broadcast %mul3A_487 : f32 to vector<1x2048xf32>
    %mul3A_489 = arith.mulf %mul3A_488, %broadcast_in_dim3A_486 : vector<1x2048xf32>
    %sub3A_490 = arith.subf %broadcast_in_dim3A, %mul3A_489 : vector<1x2048xf32>
    %mul3A_491 = arith.constant 1.500000e+01 : f32
    %mul3A_492 = vector.broadcast %mul3A_491 : f32 to vector<1x2048xf32>
    %mul3A_493 = arith.mulf %mul3A_492, %broadcast_in_dim3A_482 : vector<1x2048xf32>
    %add3A_494 = arith.addf %mul3A_493, %reshape3A : vector<1x2048xf32>
    %div3A_495 = arith.divf %sub3A_490, %add3A_494 : vector<1x2048xf32>
    %mul3A_496 = vector.broadcast %div3A_495 : vector<1x2048xf32> to vector<40x2048xf32>
    %mul3A_497 = arith.mulf %mul3A_496, %get3A_394 : vector<40x2048xf32>
    %add3A_498 = arith.addf %dot_general3A_386, %mul3A_497 : vector<40x2048xf32>
    %mul3A_499 = vector.broadcast %div3A_495 : vector<1x2048xf32> to vector<40x2048xf32>
    %mul3A_500 = arith.mulf %mul3A_499, %get3A_397 : vector<40x2048xf32>
    %add3A_501 = arith.addf %dot_general3A_391, %mul3A_500 : vector<40x2048xf32>
    %mul3A_502 = arith.mulf %add3A_498, %add3A_498 : vector<40x2048xf32>
    %mul3A_503 = arith.mulf %add3A_501, %add3A_501 : vector<40x2048xf32>
    %add3A_504 = arith.addf %mul3A_502, %mul3A_503 : vector<40x2048xf32>
    %add3A_505 = arith.constant 9.99999974E-5 : f32
    %add3A_506 = vector.broadcast %add3A_505 : f32 to vector<40x2048xf32>
    %add3A_507 = arith.addf %add3A_504, %add3A_506 : vector<40x2048xf32>
    %rsqrt3A_508 = math.rsqrt %add3A_507 : vector<40x2048xf32>
    %mul3A_509 = arith.mulf %add3A_400, %rsqrt3A_508 : vector<40x2048xf32>
    %reduce_sum3A_510 = arith.constant dense<0.000000e+00> : vector<2048xf32>
    %reduce_sum3A_511 = vector.multi_reduction <add>, %mul3A_509, %reduce_sum3A_510 [0] : vector<40x2048xf32> to vector<2048xf32>
    %broadcast_in_dim3A_512 = vector.shape_cast %reduce_sum3A_511 : vector<2048xf32> to vector<1x2048xf32>
    %mul3A_513 = arith.mulf %add3A_403, %rsqrt3A_508 : vector<40x2048xf32>
    %reduce_sum3A_514 = arith.constant dense<0.000000e+00> : vector<2048xf32>
    %reduce_sum3A_515 = vector.multi_reduction <add>, %mul3A_513, %reduce_sum3A_514 [0] : vector<40x2048xf32> to vector<2048xf32>
    %broadcast_in_dim3A_516 = vector.shape_cast %reduce_sum3A_515 : vector<2048xf32> to vector<1x2048xf32>
    %mul3A_517 = arith.constant 1.500000e+01 : f32
    %mul3A_518 = vector.broadcast %mul3A_517 : f32 to vector<1x2048xf32>
    %mul3A_519 = arith.mulf %mul3A_518, %broadcast_in_dim3A_516 : vector<1x2048xf32>
    %sub3A_520 = arith.subf %broadcast_in_dim3A, %mul3A_519 : vector<1x2048xf32>
    %mul3A_521 = arith.constant 1.500000e+01 : f32
    %mul3A_522 = vector.broadcast %mul3A_521 : f32 to vector<1x2048xf32>
    %mul3A_523 = arith.mulf %mul3A_522, %broadcast_in_dim3A_512 : vector<1x2048xf32>
    %add3A_524 = arith.addf %mul3A_523, %reshape3A : vector<1x2048xf32>
    %div3A_525 = arith.divf %sub3A_520, %add3A_524 : vector<1x2048xf32>
    %mul3A_526 = vector.broadcast %div3A_525 : vector<1x2048xf32> to vector<40x2048xf32>
    %mul3A_527 = arith.mulf %mul3A_526, %get3A_394 : vector<40x2048xf32>
    %add3A_528 = arith.addf %dot_general3A_386, %mul3A_527 : vector<40x2048xf32>
    %mul3A_529 = vector.broadcast %div3A_525 : vector<1x2048xf32> to vector<40x2048xf32>
    %mul3A_530 = arith.mulf %mul3A_529, %get3A_397 : vector<40x2048xf32>
    %add3A_531 = arith.addf %dot_general3A_391, %mul3A_530 : vector<40x2048xf32>
    %mul3A_532 = arith.mulf %add3A_528, %add3A_528 : vector<40x2048xf32>
    %mul3A_533 = arith.mulf %add3A_531, %add3A_531 : vector<40x2048xf32>
    %add3A_534 = arith.addf %mul3A_532, %mul3A_533 : vector<40x2048xf32>
    %add3A_535 = arith.constant 9.99999974E-5 : f32
    %add3A_536 = vector.broadcast %add3A_535 : f32 to vector<40x2048xf32>
    %add3A_537 = arith.addf %add3A_534, %add3A_536 : vector<40x2048xf32>
    %rsqrt3A_538 = math.rsqrt %add3A_537 : vector<40x2048xf32>
    %mul3A_539 = arith.mulf %add3A_400, %rsqrt3A_538 : vector<40x2048xf32>
    %reduce_sum3A_540 = arith.constant dense<0.000000e+00> : vector<2048xf32>
    %reduce_sum3A_541 = vector.multi_reduction <add>, %mul3A_539, %reduce_sum3A_540 [0] : vector<40x2048xf32> to vector<2048xf32>
    %broadcast_in_dim3A_542 = vector.shape_cast %reduce_sum3A_541 : vector<2048xf32> to vector<1x2048xf32>
    %mul3A_543 = arith.mulf %add3A_403, %rsqrt3A_538 : vector<40x2048xf32>
    %reduce_sum3A_544 = arith.constant dense<0.000000e+00> : vector<2048xf32>
    %reduce_sum3A_545 = vector.multi_reduction <add>, %mul3A_543, %reduce_sum3A_544 [0] : vector<40x2048xf32> to vector<2048xf32>
    %broadcast_in_dim3A_546 = vector.shape_cast %reduce_sum3A_545 : vector<2048xf32> to vector<1x2048xf32>
    %mul3A_547 = arith.constant 1.500000e+01 : f32
    %mul3A_548 = vector.broadcast %mul3A_547 : f32 to vector<1x2048xf32>
    %mul3A_549 = arith.mulf %mul3A_548, %broadcast_in_dim3A_546 : vector<1x2048xf32>
    %sub3A_550 = arith.subf %broadcast_in_dim3A, %mul3A_549 : vector<1x2048xf32>
    %mul3A_551 = arith.constant 1.500000e+01 : f32
    %mul3A_552 = vector.broadcast %mul3A_551 : f32 to vector<1x2048xf32>
    %mul3A_553 = arith.mulf %mul3A_552, %broadcast_in_dim3A_542 : vector<1x2048xf32>
    %add3A_554 = arith.addf %mul3A_553, %reshape3A : vector<1x2048xf32>
    %div3A_555 = arith.divf %sub3A_550, %add3A_554 : vector<1x2048xf32>
    %mul3A_556 = vector.broadcast %div3A_555 : vector<1x2048xf32> to vector<40x2048xf32>
    %mul3A_557 = arith.mulf %mul3A_556, %get3A_394 : vector<40x2048xf32>
    %add3A_558 = arith.addf %dot_general3A_386, %mul3A_557 : vector<40x2048xf32>
    %mul3A_559 = vector.broadcast %div3A_555 : vector<1x2048xf32> to vector<40x2048xf32>
    %mul3A_560 = arith.mulf %mul3A_559, %get3A_397 : vector<40x2048xf32>
    %add3A_561 = arith.addf %dot_general3A_391, %mul3A_560 : vector<40x2048xf32>
    %mul3A_562 = arith.mulf %add3A_558, %add3A_558 : vector<40x2048xf32>
    %mul3A_563 = arith.mulf %add3A_561, %add3A_561 : vector<40x2048xf32>
    %add3A_564 = arith.addf %mul3A_562, %mul3A_563 : vector<40x2048xf32>
    %add3A_565 = arith.constant 9.99999974E-5 : f32
    %add3A_566 = vector.broadcast %add3A_565 : f32 to vector<40x2048xf32>
    %add3A_567 = arith.addf %add3A_564, %add3A_566 : vector<40x2048xf32>
    %rsqrt3A_568 = math.rsqrt %add3A_567 : vector<40x2048xf32>
    %mul3A_569 = arith.mulf %add3A_400, %rsqrt3A_568 : vector<40x2048xf32>
    %reduce_sum3A_570 = arith.constant dense<0.000000e+00> : vector<2048xf32>
    %reduce_sum3A_571 = vector.multi_reduction <add>, %mul3A_569, %reduce_sum3A_570 [0] : vector<40x2048xf32> to vector<2048xf32>
    %broadcast_in_dim3A_572 = vector.shape_cast %reduce_sum3A_571 : vector<2048xf32> to vector<1x2048xf32>
    %mul3A_573 = arith.mulf %add3A_403, %rsqrt3A_568 : vector<40x2048xf32>
    %reduce_sum3A_574 = arith.constant dense<0.000000e+00> : vector<2048xf32>
    %reduce_sum3A_575 = vector.multi_reduction <add>, %mul3A_573, %reduce_sum3A_574 [0] : vector<40x2048xf32> to vector<2048xf32>
    %broadcast_in_dim3A_576 = vector.shape_cast %reduce_sum3A_575 : vector<2048xf32> to vector<1x2048xf32>
    %mul3A_577 = arith.constant 1.500000e+01 : f32
    %mul3A_578 = vector.broadcast %mul3A_577 : f32 to vector<1x2048xf32>
    %mul3A_579 = arith.mulf %mul3A_578, %broadcast_in_dim3A_576 : vector<1x2048xf32>
    %sub3A_580 = arith.subf %broadcast_in_dim3A, %mul3A_579 : vector<1x2048xf32>
    %mul3A_581 = arith.constant 1.500000e+01 : f32
    %mul3A_582 = vector.broadcast %mul3A_581 : f32 to vector<1x2048xf32>
    %mul3A_583 = arith.mulf %mul3A_582, %broadcast_in_dim3A_572 : vector<1x2048xf32>
    %add3A_584 = arith.addf %mul3A_583, %reshape3A : vector<1x2048xf32>
    %div3A_585 = arith.divf %sub3A_580, %add3A_584 : vector<1x2048xf32>
    %slice3A_586 = vector.extract_strided_slice %div3A_585 {offsets = [0, 0], sizes = [1, 128], strides = [1, 1]} : vector<1x2048xf32> to vector<1x128xf32>
    %squeeze3A = vector.shape_cast %slice3A_586 : vector<1x128xf32> to vector<128xf32>
    %swap3A_587 = arith.constant 0 : index
    %swap3A_588 = arith.constant 0 : index
    %swap3A_589 = vector.load %arg12[%swap3A_587, %swap3A_588] : memref<16x128xf32, #tpu.memory_space<vmem>>, vector<1x128xf32>
    %swap3A_590 = vector.shape_cast %swap3A_589 : vector<1x128xf32> to vector<128xf32>
    %swap3A_591 = vector.shape_cast %squeeze3A : vector<128xf32> to vector<1x128xf32>
    tpu.vector_store %arg12[%swap3A_587, %swap3A_588], %swap3A_591 {strides = array<i32>} : memref<16x128xf32, #tpu.memory_space<vmem>>, vector<1x128xf32>,
    %slice3A_592 = vector.extract_strided_slice %div3A_585 {offsets = [0, 128], sizes = [1, 128], strides = [1, 1]} : vector<1x2048xf32> to vector<1x128xf32>
    %squeeze3A_593 = vector.shape_cast %slice3A_592 : vector<1x128xf32> to vector<128xf32>
    %swap3A_594 = arith.constant 1 : index
    %swap3A_595 = arith.constant 0 : index
    %swap3A_596 = vector.load %arg12[%swap3A_594, %swap3A_595] : memref<16x128xf32, #tpu.memory_space<vmem>>, vector<1x128xf32>
    %swap3A_597 = vector.shape_cast %swap3A_596 : vector<1x128xf32> to vector<128xf32>
    %swap3A_598 = vector.shape_cast %squeeze3A_593 : vector<128xf32> to vector<1x128xf32>
    tpu.vector_store %arg12[%swap3A_594, %swap3A_595], %swap3A_598 {strides = array<i32>} : memref<16x128xf32, #tpu.memory_space<vmem>>, vector<1x128xf32>,
    %slice3A_599 = vector.extract_strided_slice %div3A_585 {offsets = [0, 256], sizes = [1, 128], strides = [1, 1]} : vector<1x2048xf32> to vector<1x128xf32>
    %squeeze3A_600 = vector.shape_cast %slice3A_599 : vector<1x128xf32> to vector<128xf32>
    %swap3A_601 = arith.constant 2 : index
    %swap3A_602 = arith.constant 0 : index
    %swap3A_603 = vector.load %arg12[%swap3A_601, %swap3A_602] : memref<16x128xf32, #tpu.memory_space<vmem>>, vector<1x128xf32>
    %swap3A_604 = vector.shape_cast %swap3A_603 : vector<1x128xf32> to vector<128xf32>
    %swap3A_605 = vector.shape_cast %squeeze3A_600 : vector<128xf32> to vector<1x128xf32>
    tpu.vector_store %arg12[%swap3A_601, %swap3A_602], %swap3A_605 {strides = array<i32>} : memref<16x128xf32, #tpu.memory_space<vmem>>, vector<1x128xf32>,
    %slice3A_606 = vector.extract_strided_slice %div3A_585 {offsets = [0, 384], sizes = [1, 128], strides = [1, 1]} : vector<1x2048xf32> to vector<1x128xf32>
    %squeeze3A_607 = vector.shape_cast %slice3A_606 : vector<1x128xf32> to vector<128xf32>
    %swap3A_608 = arith.constant 3 : index
    %swap3A_609 = arith.constant 0 : index
    %swap3A_610 = vector.load %arg12[%swap3A_608, %swap3A_609] : memref<16x128xf32, #tpu.memory_space<vmem>>, vector<1x128xf32>
    %swap3A_611 = vector.shape_cast %swap3A_610 : vector<1x128xf32> to vector<128xf32>
    %swap3A_612 = vector.shape_cast %squeeze3A_607 : vector<128xf32> to vector<1x128xf32>
    tpu.vector_store %arg12[%swap3A_608, %swap3A_609], %swap3A_612 {strides = array<i32>} : memref<16x128xf32, #tpu.memory_space<vmem>>, vector<1x128xf32>,
    %slice3A_613 = vector.extract_strided_slice %div3A_585 {offsets = [0, 512], sizes = [1, 128], strides = [1, 1]} : vector<1x2048xf32> to vector<1x128xf32>
    %squeeze3A_614 = vector.shape_cast %slice3A_613 : vector<1x128xf32> to vector<128xf32>
    %swap3A_615 = arith.constant 4 : index
    %swap3A_616 = arith.constant 0 : index
    %swap3A_617 = vector.load %arg12[%swap3A_615, %swap3A_616] : memref<16x128xf32, #tpu.memory_space<vmem>>, vector<1x128xf32>
    %swap3A_618 = vector.shape_cast %swap3A_617 : vector<1x128xf32> to vector<128xf32>
    %swap3A_619 = vector.shape_cast %squeeze3A_614 : vector<128xf32> to vector<1x128xf32>
    tpu.vector_store %arg12[%swap3A_615, %swap3A_616], %swap3A_619 {strides = array<i32>} : memref<16x128xf32, #tpu.memory_space<vmem>>, vector<1x128xf32>,
    %slice3A_620 = vector.extract_strided_slice %div3A_585 {offsets = [0, 640], sizes = [1, 128], strides = [1, 1]} : vector<1x2048xf32> to vector<1x128xf32>
    %squeeze3A_621 = vector.shape_cast %slice3A_620 : vector<1x128xf32> to vector<128xf32>
    %swap3A_622 = arith.constant 5 : index
    %swap3A_623 = arith.constant 0 : index
    %swap3A_624 = vector.load %arg12[%swap3A_622, %swap3A_623] : memref<16x128xf32, #tpu.memory_space<vmem>>, vector<1x128xf32>
    %swap3A_625 = vector.shape_cast %swap3A_624 : vector<1x128xf32> to vector<128xf32>
    %swap3A_626 = vector.shape_cast %squeeze3A_621 : vector<128xf32> to vector<1x128xf32>
    tpu.vector_store %arg12[%swap3A_622, %swap3A_623], %swap3A_626 {strides = array<i32>} : memref<16x128xf32, #tpu.memory_space<vmem>>, vector<1x128xf32>,
    %slice3A_627 = vector.extract_strided_slice %div3A_585 {offsets = [0, 768], sizes = [1, 128], strides = [1, 1]} : vector<1x2048xf32> to vector<1x128xf32>
    %squeeze3A_628 = vector.shape_cast %slice3A_627 : vector<1x128xf32> to vector<128xf32>
    %swap3A_629 = arith.constant 6 : index
    %swap3A_630 = arith.constant 0 : index
    %swap3A_631 = vector.load %arg12[%swap3A_629, %swap3A_630] : memref<16x128xf32, #tpu.memory_space<vmem>>, vector<1x128xf32>
    %swap3A_632 = vector.shape_cast %swap3A_631 : vector<1x128xf32> to vector<128xf32>
    %swap3A_633 = vector.shape_cast %squeeze3A_628 : vector<128xf32> to vector<1x128xf32>
    tpu.vector_store %arg12[%swap3A_629, %swap3A_630], %swap3A_633 {strides = array<i32>} : memref<16x128xf32, #tpu.memory_space<vmem>>, vector<1x128xf32>,
    %slice3A_634 = vector.extract_strided_slice %div3A_585 {offsets = [0, 896], sizes = [1, 128], strides = [1, 1]} : vector<1x2048xf32> to vector<1x128xf32>
    %squeeze3A_635 = vector.shape_cast %slice3A_634 : vector<1x128xf32> to vector<128xf32>
    %swap3A_636 = arith.constant 7 : index
    %swap3A_637 = arith.constant 0 : index
    %swap3A_638 = vector.load %arg12[%swap3A_636, %swap3A_637] : memref<16x128xf32, #tpu.memory_space<vmem>>, vector<1x128xf32>
    %swap3A_639 = vector.shape_cast %swap3A_638 : vector<1x128xf32> to vector<128xf32>
    %swap3A_640 = vector.shape_cast %squeeze3A_635 : vector<128xf32> to vector<1x128xf32>
    tpu.vector_store %arg12[%swap3A_636, %swap3A_637], %swap3A_640 {strides = array<i32>} : memref<16x128xf32, #tpu.memory_space<vmem>>, vector<1x128xf32>,
    %slice3A_641 = vector.extract_strided_slice %div3A_585 {offsets = [0, 1024], sizes = [1, 128], strides = [1, 1]} : vector<1x2048xf32> to vector<1x128xf32>
    %squeeze3A_642 = vector.shape_cast %slice3A_641 : vector<1x128xf32> to vector<128xf32>
    %swap3A_643 = arith.constant 8 : index
    %swap3A_644 = arith.constant 0 : index
    %swap3A_645 = vector.load %arg12[%swap3A_643, %swap3A_644] : memref<16x128xf32, #tpu.memory_space<vmem>>, vector<1x128xf32>
    %swap3A_646 = vector.shape_cast %swap3A_645 : vector<1x128xf32> to vector<128xf32>
    %swap3A_647 = vector.shape_cast %squeeze3A_642 : vector<128xf32> to vector<1x128xf32>
    tpu.vector_store %arg12[%swap3A_643, %swap3A_644], %swap3A_647 {strides = array<i32>} : memref<16x128xf32, #tpu.memory_space<vmem>>, vector<1x128xf32>,
    %slice3A_648 = vector.extract_strided_slice %div3A_585 {offsets = [0, 1152], sizes = [1, 128], strides = [1, 1]} : vector<1x2048xf32> to vector<1x128xf32>
    %squeeze3A_649 = vector.shape_cast %slice3A_648 : vector<1x128xf32> to vector<128xf32>
    %swap3A_650 = arith.constant 9 : index
    %swap3A_651 = arith.constant 0 : index
    %swap3A_652 = vector.load %arg12[%swap3A_650, %swap3A_651] : memref<16x128xf32, #tpu.memory_space<vmem>>, vector<1x128xf32>
    %swap3A_653 = vector.shape_cast %swap3A_652 : vector<1x128xf32> to vector<128xf32>
    %swap3A_654 = vector.shape_cast %squeeze3A_649 : vector<128xf32> to vector<1x128xf32>
    tpu.vector_store %arg12[%swap3A_650, %swap3A_651], %swap3A_654 {strides = array<i32>} : memref<16x128xf32, #tpu.memory_space<vmem>>, vector<1x128xf32>,
    %slice3A_655 = vector.extract_strided_slice %div3A_585 {offsets = [0, 1280], sizes = [1, 128], strides = [1, 1]} : vector<1x2048xf32> to vector<1x128xf32>
    %squeeze3A_656 = vector.shape_cast %slice3A_655 : vector<1x128xf32> to vector<128xf32>
    %swap3A_657 = arith.constant 10 : index
    %swap3A_658 = arith.constant 0 : index
    %swap3A_659 = vector.load %arg12[%swap3A_657, %swap3A_658] : memref<16x128xf32, #tpu.memory_space<vmem>>, vector<1x128xf32>
    %swap3A_660 = vector.shape_cast %swap3A_659 : vector<1x128xf32> to vector<128xf32>
    %swap3A_661 = vector.shape_cast %squeeze3A_656 : vector<128xf32> to vector<1x128xf32>
    tpu.vector_store %arg12[%swap3A_657, %swap3A_658], %swap3A_661 {strides = array<i32>} : memref<16x128xf32, #tpu.memory_space<vmem>>, vector<1x128xf32>,
    %slice3A_662 = vector.extract_strided_slice %div3A_585 {offsets = [0, 1408], sizes = [1, 128], strides = [1, 1]} : vector<1x2048xf32> to vector<1x128xf32>
    %squeeze3A_663 = vector.shape_cast %slice3A_662 : vector<1x128xf32> to vector<128xf32>
    %swap3A_664 = arith.constant 11 : index
    %swap3A_665 = arith.constant 0 : index
    %swap3A_666 = vector.load %arg12[%swap3A_664, %swap3A_665] : memref<16x128xf32, #tpu.memory_space<vmem>>, vector<1x128xf32>
    %swap3A_667 = vector.shape_cast %swap3A_666 : vector<1x128xf32> to vector<128xf32>
    %swap3A_668 = vector.shape_cast %squeeze3A_663 : vector<128xf32> to vector<1x128xf32>
    tpu.vector_store %arg12[%swap3A_664, %swap3A_665], %swap3A_668 {strides = array<i32>} : memref<16x128xf32, #tpu.memory_space<vmem>>, vector<1x128xf32>,
    %slice3A_669 = vector.extract_strided_slice %div3A_585 {offsets = [0, 1536], sizes = [1, 128], strides = [1, 1]} : vector<1x2048xf32> to vector<1x128xf32>
    %squeeze3A_670 = vector.shape_cast %slice3A_669 : vector<1x128xf32> to vector<128xf32>
    %swap3A_671 = arith.constant 12 : index
    %swap3A_672 = arith.constant 0 : index
    %swap3A_673 = vector.load %arg12[%swap3A_671, %swap3A_672] : memref<16x128xf32, #tpu.memory_space<vmem>>, vector<1x128xf32>
    %swap3A_674 = vector.shape_cast %swap3A_673 : vector<1x128xf32> to vector<128xf32>
    %swap3A_675 = vector.shape_cast %squeeze3A_670 : vector<128xf32> to vector<1x128xf32>
    tpu.vector_store %arg12[%swap3A_671, %swap3A_672], %swap3A_675 {strides = array<i32>} : memref<16x128xf32, #tpu.memory_space<vmem>>, vector<1x128xf32>,
    %slice3A_676 = vector.extract_strided_slice %div3A_585 {offsets = [0, 1664], sizes = [1, 128], strides = [1, 1]} : vector<1x2048xf32> to vector<1x128xf32>
    %squeeze3A_677 = vector.shape_cast %slice3A_676 : vector<1x128xf32> to vector<128xf32>
    %swap3A_678 = arith.constant 13 : index
    %swap3A_679 = arith.constant 0 : index
    %swap3A_680 = vector.load %arg12[%swap3A_678, %swap3A_679] : memref<16x128xf32, #tpu.memory_space<vmem>>, vector<1x128xf32>
    %swap3A_681 = vector.shape_cast %swap3A_680 : vector<1x128xf32> to vector<128xf32>
    %swap3A_682 = vector.shape_cast %squeeze3A_677 : vector<128xf32> to vector<1x128xf32>
    tpu.vector_store %arg12[%swap3A_678, %swap3A_679], %swap3A_682 {strides = array<i32>} : memref<16x128xf32, #tpu.memory_space<vmem>>, vector<1x128xf32>,
    %slice3A_683 = vector.extract_strided_slice %div3A_585 {offsets = [0, 1792], sizes = [1, 128], strides = [1, 1]} : vector<1x2048xf32> to vector<1x128xf32>
    %squeeze3A_684 = vector.shape_cast %slice3A_683 : vector<1x128xf32> to vector<128xf32>
    %swap3A_685 = arith.constant 14 : index
    %swap3A_686 = arith.constant 0 : index
    %swap3A_687 = vector.load %arg12[%swap3A_685, %swap3A_686] : memref<16x128xf32, #tpu.memory_space<vmem>>, vector<1x128xf32>
    %swap3A_688 = vector.shape_cast %swap3A_687 : vector<1x128xf32> to vector<128xf32>
    %swap3A_689 = vector.shape_cast %squeeze3A_684 : vector<128xf32> to vector<1x128xf32>
    tpu.vector_store %arg12[%swap3A_685, %swap3A_686], %swap3A_689 {strides = array<i32>} : memref<16x128xf32, #tpu.memory_space<vmem>>, vector<1x128xf32>,
    %slice3A_690 = vector.extract_strided_slice %div3A_585 {offsets = [0, 1920], sizes = [1, 128], strides = [1, 1]} : vector<1x2048xf32> to vector<1x128xf32>
    %squeeze3A_691 = vector.shape_cast %slice3A_690 : vector<1x128xf32> to vector<128xf32>
    %swap3A_692 = arith.constant 15 : index
    %swap3A_693 = arith.constant 0 : index
    %swap3A_694 = vector.load %arg12[%swap3A_692, %swap3A_693] : memref<16x128xf32, #tpu.memory_space<vmem>>, vector<1x128xf32>
    %swap3A_695 = vector.shape_cast %swap3A_694 : vector<1x128xf32> to vector<128xf32>
    %swap3A_696 = vector.shape_cast %squeeze3A_691 : vector<128xf32> to vector<1x128xf32>
    tpu.vector_store %arg12[%swap3A_692, %swap3A_693], %swap3A_696 {strides = array<i32>} : memref<16x128xf32, #tpu.memory_space<vmem>>, vector<1x128xf32>,
    %iota3A_697 = tpu.iota {dimensions = array<i32: 0>} : vector<80x16xi32>
    %jit3A = arith.constant 5 : i32
    %div3A_698 = vector.broadcast %jit3A : i32 to vector<80x16xi32>
    %div3A_699 = arith.divsi %iota3A_697, %div3A_698 : vector<80x16xi32>
    %sign3A = arith.constant 0 : i32
    %sign3A_700 = vector.broadcast %sign3A : i32 to vector<80x16xi32>
    %sign3A_701 = arith.cmpi sgt, %iota3A_697, %sign3A_700 : vector<80x16xi32>
    %sign3A_702 = arith.extui %sign3A_701 : vector<80x16xi1> to vector<80x16xi32>
    %sign3A_703 = arith.constant 0 : i32
    %sign3A_704 = vector.broadcast %sign3A_703 : i32 to vector<80x16xi32>
    %sign3A_705 = arith.cmpi slt, %iota3A_697, %sign3A_704 : vector<80x16xi32>
    %sign3A_706 = arith.extui %sign3A_705 : vector<80x16xi1> to vector<80x16xi32>
    %sign3A_707 = arith.subi %sign3A_702, %sign3A_706 : vector<80x16xi32>
    %sign3A_708 = arith.constant 0 : i32
    %sign3A_709 = arith.cmpi sgt, %jit3A, %sign3A_708 : i32
    %sign3A_710 = arith.extui %sign3A_709 : i1 to i32
    %sign3A_711 = arith.constant 0 : i32
    %sign3A_712 = arith.cmpi slt, %jit3A, %sign3A_711 : i32
    %sign3A_713 = arith.extui %sign3A_712 : i1 to i32
    %sign3A_714 = arith.subi %sign3A_710, %sign3A_713 : i32
    %ne3A = vector.broadcast %sign3A_714 : i32 to vector<80x16xi32>
    %ne3A_715 = arith.cmpi ne, %sign3A_707, %ne3A : vector<80x16xi32>
    %rem3A = vector.broadcast %jit3A : i32 to vector<80x16xi32>
    %rem3A_716 = arith.remsi %iota3A_697, %rem3A : vector<80x16xi32>
    %ne3A_717 = arith.constant 0 : i32
    %ne3A_718 = vector.broadcast %ne3A_717 : i32 to vector<80x16xi32>
    %ne3A_719 = arith.cmpi ne, %rem3A_716, %ne3A_718 : vector<80x16xi32>
    %and3A = arith.andi %ne3A_715, %ne3A_719 : vector<80x16xi1>
    %sub3A_720 = arith.constant 1 : i32
    %sub3A_721 = vector.broadcast %sub3A_720 : i32 to vector<80x16xi32>
    %sub3A_722 = arith.subi %div3A_699, %sub3A_721 : vector<80x16xi32>
    %select_n3A = arith.select %and3A, %sub3A_722, %div3A_699 : vector<80x16xi1>, vector<80x16xi32>
    %iota3A_723 = tpu.iota {dimensions = array<i32: 1>} : vector<80x16xi32>
    %eq3A_724 = arith.cmpi eq, %select_n3A, %iota3A_723 : vector<80x16xi32>
    %convert_element_type3A_725 = arith.extui %eq3A_724 : vector<80x16xi1> to vector<80x16xi32>
    %convert_element_type3A_726 = arith.sitofp %convert_element_type3A_725 : vector<80x16xi32> to vector<80x16xf32>
    %iota3A_727 = tpu.iota {dimensions = array<i32: 1>} : vector<128x640xi32>
    %jit3A_728 = arith.constant 5 : i32
    %div3A_729 = vector.broadcast %jit3A_728 : i32 to vector<128x640xi32>
    %div3A_730 = arith.divsi %iota3A_727, %div3A_729 : vector<128x640xi32>
    %sign3A_731 = arith.constant 0 : i32
    %sign3A_732 = vector.broadcast %sign3A_731 : i32 to vector<128x640xi32>
    %sign3A_733 = arith.cmpi sgt, %iota3A_727, %sign3A_732 : vector<128x640xi32>
    %sign3A_734 = arith.extui %sign3A_733 : vector<128x640xi1> to vector<128x640xi32>
    %sign3A_735 = arith.constant 0 : i32
    %sign3A_736 = vector.broadcast %sign3A_735 : i32 to vector<128x640xi32>
    %sign3A_737 = arith.cmpi slt, %iota3A_727, %sign3A_736 : vector<128x640xi32>
    %sign3A_738 = arith.extui %sign3A_737 : vector<128x640xi1> to vector<128x640xi32>
    %sign3A_739 = arith.subi %sign3A_734, %sign3A_738 : vector<128x640xi32>
    %sign3A_740 = arith.constant 0 : i32
    %sign3A_741 = arith.cmpi sgt, %jit3A_728, %sign3A_740 : i32
    %sign3A_742 = arith.extui %sign3A_741 : i1 to i32
    %sign3A_743 = arith.constant 0 : i32
    %sign3A_744 = arith.cmpi slt, %jit3A_728, %sign3A_743 : i32
    %sign3A_745 = arith.extui %sign3A_744 : i1 to i32
    %sign3A_746 = arith.subi %sign3A_742, %sign3A_745 : i32
    %ne3A_747 = vector.broadcast %sign3A_746 : i32 to vector<128x640xi32>
    %ne3A_748 = arith.cmpi ne, %sign3A_739, %ne3A_747 : vector<128x640xi32>
    %rem3A_749 = vector.broadcast %jit3A_728 : i32 to vector<128x640xi32>
    %rem3A_750 = arith.remsi %iota3A_727, %rem3A_749 : vector<128x640xi32>
    %ne3A_751 = arith.constant 0 : i32
    %ne3A_752 = vector.broadcast %ne3A_751 : i32 to vector<128x640xi32>
    %ne3A_753 = arith.cmpi ne, %rem3A_750, %ne3A_752 : vector<128x640xi32>
    %and3A_754 = arith.andi %ne3A_748, %ne3A_753 : vector<128x640xi1>
    %sub3A_755 = arith.constant 1 : i32
    %sub3A_756 = vector.broadcast %sub3A_755 : i32 to vector<128x640xi32>
    %sub3A_757 = arith.subi %div3A_730, %sub3A_756 : vector<128x640xi32>
    %select_n3A_758 = arith.select %and3A_754, %sub3A_757, %div3A_730 : vector<128x640xi1>, vector<128x640xi32>
    %iota3A_759 = tpu.iota {dimensions = array<i32: 0>} : vector<128x640xi32>
    %eq3A_760 = arith.cmpi eq, %select_n3A_758, %iota3A_759 : vector<128x640xi32>
    %convert_element_type3A_761 = arith.extui %eq3A_760 : vector<128x640xi1> to vector<128x640xi32>
    %convert_element_type3A_762 = arith.sitofp %convert_element_type3A_761 : vector<128x640xi32> to vector<128x640xf32>
    %get3A_763 = arith.constant 0 : index
    %get3A_764 = arith.constant 0 : index
    %get3A_765 = vector.load %arg12[%get3A_763, %get3A_764] : memref<16x128xf32, #tpu.memory_space<vmem>>, vector<16x128xf32>
    %dot_general3A_766 = arith.constant dense<0.000000e+00> : vector<80x128xf32>
    %dot_general3A_767 = tpu.matmul %convert_element_type3A_726, %get3A_765, %dot_general3A_766 {dimension_numbers = #tpu.dot_dimension_numbers<[1], [0], [0], [1], [0, 0, 1, 1], [], []>, transpose_lhs_hint = false} : vector<80x16xf32>, vector<16x128xf32>, vector<80x128xf32> -> vector<80x128xf32>
    %dot_general3A_768 = arith.constant dense<0.000000e+00> : vector<80x640xf32>
    %dot_general3A_769 = tpu.matmul %dot_general3A_767, %convert_element_type3A_762, %dot_general3A_768 {dimension_numbers = #tpu.dot_dimension_numbers<[1], [0], [0], [1], [0, 0, 1, 1], [], []>, transpose_lhs_hint = false} : vector<80x128xf32>, vector<128x640xf32>, vector<80x640xf32> -> vector<80x640xf32>
    %get3A_770 = arith.constant 0 : index
    %get3A_771 = arith.constant 0 : index
    %get3A_772 = vector.load %arg6[%get3A_770, %get3A_771] : memref<80x640xf32, #tpu.memory_space<vmem>>, vector<80x640xf32>
    %mul3A_773 = arith.mulf %dot_general3A_769, %get3A_772 : vector<80x640xf32>
    %add3A_774 = arith.addf %get3A_2, %mul3A_773 : vector<80x640xf32>
    %swap3A_775 = arith.constant 0 : index
    %swap3A_776 = arith.constant 0 : index
    %swap3A_777 = vector.load %arg10[%swap3A_775, %swap3A_776] : memref<80x640xf32, #tpu.memory_space<vmem>>, vector<80x640xf32>
    tpu.vector_store %arg10[%swap3A_775, %swap3A_776], %add3A_774 {strides = array<i32>} : memref<80x640xf32, #tpu.memory_space<vmem>>, vector<80x640xf32>,
    return
  }
  func.func @transform_0(%arg0: i32) -> (i32, i32) {
    %add3A = arith.constant 1 : i32
    %add3A_0 = arith.addi %add3A, %arg0 : i32
    %c0_i32 = arith.constant 0 : i32
    %c0_i32_1 = arith.constant 0 : i32
    return %add3A_0, %c0_i32 : i32, i32
  }
  func.func @transform_1(%arg0: i32) -> (i32, i32) {
    %add3A = arith.constant 1 : i32
    %add3A_0 = arith.addi %add3A, %arg0 : i32
    %c0_i32 = arith.constant 0 : i32
    %c0_i32_1 = arith.constant 0 : i32
    return %c0_i32, %add3A_0 : i32, i32
  }
  func.func @transform_2(%arg0: i32) -> (i32, i32) {
    %add3A = arith.constant 1 : i32
    %add3A_0 = arith.addi %add3A, %arg0 : i32
    %c0_i32 = arith.constant 0 : i32
    %c0_i32_1 = arith.constant 0 : i32
    return %c0_i32, %add3A_0 : i32, i32
  }
  func.func @transform_3(%arg0: i32) -> (i32, i32) {
    %add3A = arith.constant 1 : i32
    %add3A_0 = arith.addi %add3A, %arg0 : i32
    %c0_i32 = arith.constant 0 : i32
    %c0_i32_1 = arith.constant 0 : i32
    return %c0_i32, %add3A_0 : i32, i32
  }
  func.func @transform_4(%arg0: i32) -> (i32, i32) {
    %add3A = arith.constant 1 : i32
    %add3A_0 = arith.addi %add3A, %arg0 : i32
    %c0_i32 = arith.constant 0 : i32
    %c0_i32_1 = arith.constant 0 : i32
    return %c0_i32, %add3A_0 : i32, i32
  }
  func.func @transform_5(%arg0: i32) -> (i32, i32) {
    %add3A = arith.constant 1 : i32
    %add3A_0 = arith.addi %add3A, %arg0 : i32
    %c0_i32 = arith.constant 0 : i32
    %c0_i32_1 = arith.constant 0 : i32
    return %add3A_0, %c0_i32 : i32, i32
  }
  func.func @transform_6(%arg0: i32) -> i32 {
    %add3A = arith.constant 1 : i32
    %add3A_0 = arith.addi %add3A, %arg0 : i32
    %c0_i32 = arith.constant 0 : i32
    return %add3A_0 : i32
  }
  func.func @transform_7(%arg0: i32) -> (i32, i32) {
    %c0_i32 = arith.constant 0 : i32
    %c0_i32_0 = arith.constant 0 : i32
    %c0_i32_1 = arith.constant 0 : i32
    return %c0_i32, %c0_i32_0 : i32, i32
  }
  func.func @transform_8(%arg0: i32) -> (i32, i32) {
    %c0_i32 = arith.constant 0 : i32
    %c0_i32_0 = arith.constant 0 : i32
    %c0_i32_1 = arith.constant 0 : i32
    return %c0_i32, %c0_i32_0 : i32, i32
  }
  func.func @transform_9(%arg0: i32) -> (i32, i32) {
    %c0_i32 = arith.constant 0 : i32
    %c0_i32_0 = arith.constant 0 : i32
    return %arg0, %c0_i32 : i32, i32
  }
}

</mosaic_0001>

<sc_bundles>
// kernel: kernel.4.cloned.1.call-start
scs
__scs_entry_jumppad:
0x0: {  	(pc) =	sbr.rel $0x88, $3  }
0x1: {  	(tag) =	ssettag $0x0;
	lr =	simm.s32 $0x1  }
0x2: {  	[smem:$0x3F98] =	sst lr;
	_ =	strace $0xD0000000  }
0x3: {  	_ = 	snop  }
0x4: {  	_ = 	snop  }
0x5: {  	_ = 	snop  }
0x6: {  	_ = 	snop  }
0x7: {  	_ = 	snop  }
__scs_overlays_trampoline_lowered:
0x8: {  	[smem:$0x3FA7] =	sst s0  }
0x9: {  	[smem:$0x3FA8] =	sst s1  }
0xa: {  	[smem:$0x3FA9] =	sst s2  }
0xb: {  	[smem:$0x3FAA] =	sst s3  }
0xc: {  	[smem:$0x3FAB] =	sst s4  }
0xd: {  	[smem:$0x3FAC] =	sst s5  }
0xe: {  	[smem:$0x3FAD] =	sst s6  }
0xf: {  	[smem:$0x3FAE] =	sst s7  }
0x10: {  	[smem:$0x3FAF] =	sst s8  }
0x11: {  	[smem:$0x3FB0] =	sst s9;
	s0 =	simm.s32 @!p0 $0x0  }
0x12: {  	s1 =	sld [smem:$0x3F96];
	s0 =	simm.s32 @p0 $0x1  }
0x13: {  	[smem:$0x3FB1] =	sst s0;
	s0 =	simm.s32 @!p1 $0x0  }
0x14: {  	s2 =	sld [smem:$0x3F95];
	s0 =	simm.s32 @p1 $0x1  }
0x15: {  	[smem:$0x3FB2] =	sst s0;
	s0 =	simm.s32 @!p2 $0x0  }
0x16: {  	s3 =	sld [smem:$0x3FDB];
	s0 =	simm.s32 @p2 $0x1  }
0x17: {  	s4 =	simm.s32 $0x1BF5;
	[smem:$0x3FB4] =	sst s0  }
0x18: {  	s0 =	sld [smem:$0x3F97];
	_ =	swait.ge [sflag:s4], $0x0  }
0x19: {  	s7 =	sld [smem:$0x3F98]  }
0x1a: {  	s8 =	sadd.s32 $0xFFFFE003, lr  }
0x1b: {  	s9 =	sadd.s32 $0xFFFFFEF7, lr;
	s5 =	simm.s32 $0xFFFFFFFF;
	p2 =	slt.u32 s8, $0xFFFFF086  }
0x1c: {  	p1 =	slt.u32 s9, $0xF7A;
	s5 =	simm.s32 @!p2 $0x0  }
0x1d: {  	s5 =	simm.s32 @p1 $0x1;
	p0 =	seq.s32 s7, s2  }
0x1e: {  	s7 =	smul.u32 @!p0 $0xF7A, s2;
	p2 =	seq.s32 @!p0 s5, $0x0  }
0x1f: {  	s9 =	smul.u32 $0xF7A, s1;
	s8 =	simm.s32 @!p0 $0x1BF5;
	p2 =	por !p2, p0  }
0x20: {  	[sflag:s8] =	ssyncset.s32 @!p0 $0xFFFFF086;
	s6 =	sadd.s32 @!p0 s3, s7;
	s7 =	simm.s32 @!p0 $0x108  }
0x21: {  	s3 =	sadd.s32 s3, s9;
	s6 =	sadd.s32 @!p0 $0x88, s6;
	s7 =	simm.s32 @p2 $0x1082  }
0x22: {  	[simem:s7], [sflag:s8] =	dma.local @!p0 [hbm:s6], $0xF7A  }
0x23: {  	s9 =	sor.u32 $0xD0000000, s2;
	s6 =	simm.s32 $0x108;
	_ =	swait.ge @!p0 [sflag:s8], $0x0  }
0x24: {  	s3 =	sadd.s32 $0x88, s3;
	s6 =	simm.s32 @!p1 $0x1082;
	[sflag:s4] =	ssyncset.s32 $0xFFFFF086  }
0x25: {  	[simem:s6], [sflag:s4] =	dma.local [hbm:s3], $0xF7A  }
0x26: {  	[smem:$0x3F98] =	sst s1;
	(tag) =	ssettag s2;
	_ =	strace s9  }
0x27: {  	s1 =	sld [smem:$0x3FA8]  }
0x28: {  	s2 =	sld [smem:$0x3FA9]  }
0x29: {  	s4 =	sld [smem:$0x3FAB]  }
0x2a: {  	p0 =	seq.s32 s5, $0x0;
	s5 =	sld [smem:$0x3FAC]  }
0x2b: {  	s6 =	sld [smem:$0x3FAD]  }
0x2c: {  	s7 =	sld [smem:$0x3FAE]  }
0x2d: {  	s3 =	simm.s32 $0x108;
	s8 =	sld [smem:$0x3FAF]  }
0x2e: {  	s3 =	simm.s32 @!p0 $0x1082;
	s9 =	sld [smem:$0x3FB0]  }
0x2f: {  	lr =	sadd.s32 s0, s3;
	s0 =	sld [smem:$0x3FA7]  }
0x30: {  	s3 =	sld [smem:$0x3FAA]  }
0x31: {  	[smem:$0x3FB3] =	sst s10  }
0x32: {  	s10 =	sld [smem:$0x3FB1];
	_ =	sdelay $0x3  }
0x33: {  	p0 =	seq.s32 s10, $0x1;
	s10 =	sld [smem:$0x3FB3];
	_ =	sdelay $0x3  }
0x34: {  	[smem:$0x3FB3] =	sst s10  }
0x35: {  	s10 =	sld [smem:$0x3FB2];
	_ =	sdelay $0x3  }
0x36: {  	p1 =	seq.s32 s10, $0x1;
	s10 =	sld [smem:$0x3FB3];
	_ =	sdelay $0x3  }
0x37: {  	[smem:$0x3FB3] =	sst s10  }
0x38: {  	s10 =	sld [smem:$0x3FB4]  }
0x39: {  	_ = 	snop;
	(pc) =	sbr.ind lr, $3  }
0x3a: {  	_ = 	snop  }
0x3b: {  	_ = 	snop  }
0x3c: {  	p2 =	seq.s32 s10, $0x1;
	s10 =	sld [smem:$0x3FB3]  }
0x3d: {  	_ =	shalt  }
0x3e: {  	_ =	shalt  }
0x3f: {  	_ =	shalt  }
0x40: {  	_ =	shalt  }
0x41: {  	_ =	shalt  }
0x42: {  	_ =	shalt  }
0x43: {  	_ =	shalt  }
0x44: {  	_ =	shalt  }
0x45: {  	_ =	shalt  }
0x46: {  	_ =	shalt  }
0x47: {  	_ =	shalt  }
0x48: {  	_ =	shalt  }
0x49: {  	_ =	shalt  }
0x4a: {  	_ =	shalt  }
0x4b: {  	_ =	shalt  }
0x4c: {  	_ =	shalt  }
0x4d: {  	_ =	shalt  }
0x4e: {  	_ =	shalt  }
0x4f: {  	_ =	shalt  }
0x50: {  	_ =	shalt  }
0x51: {  	_ =	shalt  }
0x52: {  	_ =	shalt  }
0x53: {  	_ =	shalt  }
0x54: {  	_ =	shalt  }
0x55: {  	_ =	shalt  }
0x56: {  	_ =	shalt  }
0x57: {  	_ =	shalt  }
0x58: {  	_ =	shalt  }
0x59: {  	_ =	shalt  }
0x5a: {  	_ =	shalt  }
0x5b: {  	_ =	shalt  }
0x5c: {  	_ =	shalt  }
0x5d: {  	_ =	shalt  }
0x5e: {  	_ =	shalt  }
0x5f: {  	_ =	shalt  }
0x60: {  	_ =	shalt  }
0x61: {  	_ =	shalt  }
0x62: {  	_ =	shalt  }
0x63: {  	_ =	shalt  }
0x64: {  	_ =	shalt  }
0x65: {  	_ =	shalt  }
0x66: {  	_ =	shalt  }
0x67: {  	_ =	shalt  }
0x68: {  	_ =	shalt  }
0x69: {  	_ =	shalt  }
0x6a: {  	_ =	shalt  }
0x6b: {  	_ =	shalt  }
0x6c: {  	_ =	shalt  }
0x6d: {  	_ =	shalt  }
0x6e: {  	_ =	shalt  }
0x6f: {  	_ =	shalt  }
0x70: {  	_ =	shalt  }
0x71: {  	_ =	shalt  }
0x72: {  	_ =	shalt  }
0x73: {  	_ =	shalt  }
0x74: {  	_ =	shalt  }
0x75: {  	_ =	shalt  }
0x76: {  	_ =	shalt  }
0x77: {  	_ =	shalt  }
0x78: {  	_ =	shalt  }
0x79: {  	_ =	shalt  }
0x7a: {  	_ =	shalt  }
0x7b: {  	_ =	shalt  }
0x7c: {  	_ =	shalt  }
0x7d: {  	_ =	shalt  }
0x7e: {  	_ =	shalt  }
0x7f: {  	_ =	shalt  }
0x80: {  	_ =	shalt  }
0x81: {  	_ =	shalt  }
0x82: {  	_ =	shalt  }
0x83: {  	_ =	shalt  }
0x84: {  	_ =	shalt  }
0x85: {  	_ =	shalt  }
0x86: {  	_ =	shalt  }
0x87: {  	_ =	shalt  }
.Lfunc_end0:
.L_simem_size_0:
called_computation_lowered:
.L_overlay_start_0:
0x88: {  	s2 =	sld [smem:$0x3FD9]  }
0x89: {  	s3 =	sld [smem:$0x3FFE];
	_ =	sdelay $0x1  }
0x8a: {  	s1 =	srdreg.scid  }
0x8b: {  	s0 =	sand.u32 $0x1, s1  }
0x8c: {  	s17 =	sshll.u32 s0, $0xA;
	s2 =	sadd.s32 s3, s2  }
0x8d: {  	s2 =	sadd.s32 s2, s17  }
0x8e: {  	[smem:$0x3FBF] =	sst s2  }
0x8f: {  	_ = 	snop  }
0x90: {  	s2 =	sld [smem:$0x3FD0];
	(tm) =	ssettm $0x1  }
0x91: {  	s18 =	sld [smem:$0x3FFB];
	_ =	sdelay $0x3  }
0x92: {  	_ =	strace s18  }
0x93: {  	s3 =	sld [smem:$0x3FFC];
	_ =	sdelay $0x3  }
0x94: {  	_ =	strace s3  }
0x95: {  	s3 =	sld [smem:$0x3FFD];
	_ =	sdelay $0x3  }
0x96: {  	_ =	strace s3  }
0x97: {  	_ =	strace $0x8FFFFFFF  }
0x98: {  	s19 =	sld [smem:$0x3FDB];
	_ =	sdelay $0x1  }
0x99: {  	s4 =	simm.s32 $_scs_section_size  }
0x9a: {  	s5 =	simm.s32 $_size__tile_overlayer_lowered;
	s6 =	simm.s32 $_tile_overlayer_lowered  }
0x9b: {  	s22 =	simm.s32 $0x1BFF;
	s21 =	sshll.u32 s6, $0x1;
	s3 =	sadd.s32 s4, s19  }
0x9c: {  	s7 =	simm.s32 $0x0;
	s20 =	sshll.u32 s5, $0x1;
	s5 =	sadd.s32 s21, s3  }
0x9d: {  	[timem:s7], [sflag:s22] =	dma.local [hbm:s5], s20  }
0x9e: {  	_ =	swait.ge [sflag:s22], s20  }
0x9f: {  	s4 =	ssub.s32 $0x0, s20;
	[sflag:s22] =	ssyncset.done $0x0  }
0xa0: {  	[sflag:s22] =	ssyncadd.s32 s4;
	_ =	sdelay $0x1  }
0xa1: {  	s23 =	simm.s32 $0x1B8B  }
0xa2: {  	_ =	swait.ge [sflag:s23], $0x1  }
0xa3: {  	[sflag:s23] =	ssyncset.done $0x0  }
0xa4: {  	s25 =	simm.s32 $0x1B8E;
	s24 =	sld [smem:$0x3FFE];
	[sflag:s23] =	ssyncadd.s32 $0xFFFFFFFF  }
0xa5: {  	s26 =	simm.s32 $execute0_lowered;
	[smem:$0x3FD2] =	sst s25  }
0xa6: {  	s5 =	sshll.u32 s26, $0x1;
	_ =	strace $0x80000046;
	[dreg:$0x1] =	wrdreg $0xFFFFFFFF  }
0xa7: {  	s28 =	simm.s32 $_size_execute0_lowered;
	s3 =	sadd.s32 s3, s5;
	[dreg:$0x0] =	wrdreg $0x0  }
0xa8: {  	s5 =	sshll.u32 s28, $0x1;
	[dreg:$0x2] =	wrdreg s3  }
0xa9: {  	[dreg:$0x3] =	wrdreg s5  }
0xaa: {  	[dreg:$0x4] =	wrdreg $0xC0  }
0xab: {  	_ =	task [dreg:s7], $0x5FFFF  }
0xac: {  	[dreg:$0x1] =	wrdreg $0xFFFFFFFF  }
0xad: {  	[dreg:$0x0] =	wrdreg $0x60  }
0xae: {  	[dreg:$0x2] =	wrdreg s24  }
0xaf: {  	[dreg:$0x3] =	wrdreg s2  }
0xb0: {  	[dreg:$0x4] =	wrdreg $0x9  }
0xb1: {  	_ =	task.clear_ibuf [dreg:s7], $0x5FFFF;
	_ =	strace $0x90000046  }
0xb2: {  	s29 =	simm.s32 $0x9;
	_ =	strace $0x80000048  }
0xb3: {  	_ =	swait.ge [sflag:s29], $0x1  }
0xb4: {  	[sflag:s29] =	ssyncadd.s32 $0xFFFFFFFF  }
0xb5: {  	_ =	strace $0x90000048  }
0xb6: {  	_ =	sfence  }
0xb7: {  	s30 =	sld [smem:$0x0];
	_ =	sdelay $0x2  }
0xb8: {  	s31 =	sshll.u32 s1, $0xD;
	s1 =	sshrl.u32 s1, $0x2  }
0xb9: {  	s3 =	sand.u32 $0x4000, s31;
	s1 =	sadd.s32 s1, s30  }
0xba: {  	s0 =	sor.u32 s3, s0;
	s1 =	sshll.u32 s1, $0x11  }
0xbb: {  	s0 =	sor.u32 s1, s0  }
0xbc: {  	s0 =	sadd.s32 $0x8F2B, s0  }
0xbd: {  	[sflag:s0] =	ssyncadd.remote.s32 $0x1  }
0xbe: {  	_ =	sfence.sel $0xFFFF  }
0xbf: {  	[dreg:$0x0] =	wrdreg $0xFFFFFFFF;
	(pc) =	sbr.abs _section_cstart, $3  }
0xc0: {  	[dreg:$0x1] =	wrdreg $0xFFFFFFFF  }
0xc1: {  	_ =	task.clear_ibuf [dreg:s7], $0x2FFFF;
	_ =	strace $0x9FFFFFFF  }
0xc2: {  	(tm) =	ssettm $0x7FFFFFFF  }
0xc3: {  	_ =	shalt  }
tec
execute0_lowered:
.L_overlay_start_1:
0x0: {  	(tag) =	ssettag $0x1  }
0x1: {  	s0 =	srdreg.scid  }
0x2: {  	s4 =	stileid.u32;
	s1 =	sand.u32 $0x1, s0  }
0x3: {  	s0 =	sor.u32 s1, s4  }
0x4: {  	p1 =	seq.s32 s1, $0x1;
	p0 =	seq.s32 s0, $0x0  }
0x5: {  	p0 =	por !p0, !p1  }
0x6: {  	s2 =	simm.s32 $0x1;
	v0 =	vlaneseq.u32;
	p0 =	por !p0, !p0  }
0x7: {  	v50 =	vmul.u32 $0x5, v0;
	s2 =	simm.s32 @!p0 $0x0  }
0x8: {  	s3 =	rddreg [dreg:$0x0];
	s5 =	ssub.s32 s4, s2;
	s2 =	simm.s32 $0x0  }
0x9: {  	v1 =	vadd.s32 $0x140, v50;
	[smem:$0x7FF] =	sst s2  }
0xa: {  	s17 =	rddreg [dreg:$0x1];
	_ =	strace $0x80000047;
	[tilespmem:$0x1FC50] =	vst v1;
	v1 =	vor.u32 $0x280, v50  }
0xb: {  	[tilespmem:$0x1FC60] =	vst v1;
	v1 =	vadd.s32 $0x3C0, v50  }
0xc: {  	[tilespmem:$0x1FC70] =	vst v1;
	v1 =	vor.u32 $0x500, v50  }
0xd: {  	[tilespmem:$0x1FC80] =	vst v1;
	v1 =	vadd.s32 $0x1, v50  }
0xe: {  	[tilespmem:$0x1FC90] =	vst v1;
	v1 =	vadd.s32 $0x141, v50  }
0xf: {  	[tilespmem:$0x1FCA0] =	vst v1;
	v1 =	vadd.s32 $0x281, v50  }
0x10: {  	[tilespmem:$0x1FCB0] =	vst v1;
	v1 =	vadd.s32 $0x3C1, v50  }
0x11: {  	[tilespmem:$0x1FCC0] =	vst v1;
	v1 =	vadd.s32 $0x501, v50  }
0x12: {  	[tilespmem:$0x1FCD0] =	vst v1;
	v1 =	vadd.s32 $0x2, v50  }
0x13: {  	[tilespmem:$0x1FCE0] =	vst v1;
	v1 =	vadd.s32 $0x142, v50  }
0x14: {  	[tilespmem:$0x1FCF0] =	vst v1;
	v1 =	vadd.s32 $0x282, v50  }
0x15: {  	[tilespmem:$0x1FD00] =	vst v1;
	v1 =	vadd.s32 $0x3C2, v50  }
0x16: {  	[tilespmem:$0x1FD10] =	vst v1;
	v1 =	vadd.s32 $0x502, v50  }
0x17: {  	[tilespmem:$0x1FD20] =	vst v1;
	v1 =	vadd.s32 $0x3, v50  }
0x18: {  	[tilespmem:$0x1FD30] =	vst v1;
	v1 =	vadd.s32 $0x143, v50  }
0x19: {  	[tilespmem:$0x1FD40] =	vst v1;
	v1 =	vadd.s32 $0x283, v50  }
0x1a: {  	[tilespmem:$0x1FD50] =	vst v1;
	v1 =	vadd.s32 $0x3C3, v50  }
0x1b: {  	[tilespmem:$0x1FD60] =	vst v1;
	v1 =	vadd.s32 $0x503, v50  }
0x1c: {  	[tilespmem:$0x1FD70] =	vst v1;
	v1 =	vadd.s32 $0x4, v50  }
0x1d: {  	[tilespmem:$0x1FD80] =	vst v1;
	v1 =	vadd.s32 $0x144, v50  }
0x1e: {  	[tilespmem:$0x1FD90] =	vst v1;
	v1 =	vadd.s32 $0x284, v50  }
0x1f: {  	[tilespmem:$0x1FDA0] =	vst v1;
	v1 =	vadd.s32 $0x3C4, v50  }
0x20: {  	[tilespmem:$0x1FDB0] =	vst v1;
	v1 =	vadd.s32 $0x504, v50  }
0x21: {  	[tilespmem:$0x1FDC0] =	vst v1;
	v1 =	vadd.s32 $0x50, v50  }
0x22: {  	[tilespmem:$0x1FDD0] =	vst v1;
	v1 =	vadd.s32 $0x190, v50  }
0x23: {  	[tilespmem:$0x1FDE0] =	vst v1;
	v1 =	vadd.s32 $0x2D0, v50  }
0x24: {  	[tilespmem:$0x1FDF0] =	vst v1;
	v1 =	vadd.s32 $0x410, v50  }
0x25: {  	[tilespmem:$0x1FE00] =	vst v1;
	v1 =	vadd.s32 $0x550, v50  }
0x26: {  	[tilespmem:$0x1FE10] =	vst v1;
	v1 =	vadd.s32 $0x51, v50  }
0x27: {  	[tilespmem:$0x1FE20] =	vst v1;
	v1 =	vadd.s32 $0x191, v50  }
0x28: {  	[tilespmem:$0x1FE30] =	vst v1;
	v1 =	vadd.s32 $0x2D1, v50  }
0x29: {  	[tilespmem:$0x1FE40] =	vst v1;
	v1 =	vadd.s32 $0x411, v50  }
0x2a: {  	[tilespmem:$0x1FE50] =	vst v1;
	v1 =	vadd.s32 $0x551, v50  }
0x2b: {  	[tilespmem:$0x1FE60] =	vst v1;
	v1 =	vadd.s32 $0x52, v50  }
0x2c: {  	[tilespmem:$0x1FE70] =	vst v1;
	v1 =	vadd.s32 $0x192, v50  }
0x2d: {  	[tilespmem:$0x1FE80] =	vst v1;
	v1 =	vadd.s32 $0x2D2, v50  }
0x2e: {  	[tilespmem:$0x1FE90] =	vst v1;
	v1 =	vadd.s32 $0x412, v50  }
0x2f: {  	[tilespmem:$0x1FEA0] =	vst v1;
	v1 =	vadd.s32 $0x552, v50  }
0x30: {  	s16 =	simm.s32 $0x41C0;
	s30 =	simm.s32 $0x2;
	s31 =	simm.s32 $0x3;
	[tilespmem:$0x1FEB0] =	vst v1;
	v1 =	vadd.s32 $0x53, v50  }
0x31: {  	s28 =	simm.s32 $0x7;
	s29 =	simm.s32 $0x4180;
	s9 =	ssub.s32 $0x2, s1;
	[tilespmem:$0x1FEC0] =	vst v1;
	v1 =	vadd.s32 $0x193, v50  }
0x32: {  	s7 =	sadd.s32 $0x2400, s3;
	s19 =	sadd.s32 $0x2200, s3;
	s10 =	sshrl.u32 s9, $0x1;
	[tilespmem:$0x1FED0] =	vst v1;
	v1 =	vadd.s32 $0x2D3, v50  }
0x33: {  	s18 =	smul.u32 $0x140, s1;
	s1 =	sshll.u32 s1, $0x6;
	s20 =	ssub.s32 s9, s10;
	[tilespmem:$0x1FEE0] =	vst v1;
	v1 =	vadd.s32 $0x413, v50  }
0x34: {  	s0 =	simm.s32 $0x4;
	s15 =	smax.u32 s20, $0x1;
	s20 =	simm.s32 $0x20;
	[tilespmem:$0x1FEF0] =	vst v1;
	v1 =	vadd.s32 $0x553, v50  }
0x35: {  	s4 =	simm.s32 $0x1;
	s6 =	smul.u32 $0xC80, s5;
	s5 =	sshll.u32 s5, $0x7;
	[tilespmem:$0x1FF00] =	vst v1;
	v1 =	vadd.s32 $0x54, v50  }
0x36: {  	[dreg:$0x3] =	wrdreg s19;
	s1 =	sor.u32 s1, s5;
	s19 =	simm.s32 $0x280;
	[tilespmem:$0x1FF10] =	vst v1;
	v1 =	vadd.s32 $0x194, v50  }
0x37: {  	s5 =	simm.s32 $0x0;
	s8 =	sadd.s32 s18, s6;
	s21 =	sshrl.u32 s1, $0x3;
	[tilespmem:$0x1FF20] =	vst v1;
	v1 =	vadd.s32 $0x2D4, v50  }
0x38: {  	s22 =	sadd.s32 $0xC800, s1;
	s23 =	sadd.s32 $0x19000, s1;
	s11 =	sadd.s32 $0x2D000, s1;
	[tilespmem:$0x1FF30] =	vst v1;
	v1 =	vadd.s32 $0x414, v50  }
0x39: {  	s26 =	sadd.s32 $0x41000, s1;
	s1 =	sadd.s32 $0xC820, s1;
	s18 =	simm.s32 $0x140;
	[tilespmem:$0x1FF40] =	vst v1;
	v1 =	vadd.s32 $0x554, v50  }
0x3a: {  	s6 =	sshrl.u32 s8, $0x3;
	s9 =	sshrl.u32 s22, $0x3;
	s10 =	sshrl.u32 s23, $0x3;
	[tilespmem:$0x1FF50] =	vst v1;
	v1 =	vadd.s32 $0xA0, v50  }
0x3b: {  	s25 =	sshrl.u32 s11, $0x3;
	s8 =	sadd.s32 $0xC800, s8;
	s1 =	sshrl.u32 s1, $0x3;
	[tilespmem:$0x1FF60] =	vst v1;
	v1 =	vadd.s32 $0x1E0, v50  }
0x3c: {  	s22 =	simm.s32 $0x12C0;
	s23 =	simm.s32 $0x15E0;
	s3 =	sadd.s32 s6, s3;
	[tilespmem:$0x1FF70] =	vst v1;
	v1 =	vadd.s32 $0x320, v50  }
0x3d: {  	s6 =	sadd.s32 s7, s6;
	s9 =	sadd.s32 s17, s9;
	s24 =	sadd.s32 s17, s10;
	[tilespmem:$0x1FF80] =	vst v1;
	v1 =	vadd.s32 $0x460, v50  }
0x3e: {  	s8 =	sshrl.u32 s8, $0x3;
	s13 =	sadd.s32 s17, s1;
	[dreg:$0x4] =	wrdreg s6;
	[tilespmem:$0x1FF90] =	vst v1;
	v1 =	vadd.s32 $0x5A0, v50  }
0x3f: {  	s1 =	simm.s32 $0x640;
	s6 =	sadd.s32 s17, s21;
	[dreg:$0x5] =	wrdreg s9;
	[tilespmem:$0x1FFA0] =	vst v1;
	v1 =	vadd.s32 $0xA1, v50  }
0x40: {  	[dreg:$0x6] =	wrdreg s24;
	s9 =	sadd.s32 s17, s25;
	s7 =	sadd.s32 s7, s8;
	[tilespmem:$0x1FFB0] =	vst v1;
	v1 =	vadd.s32 $0x1E1, v50  }
0x41: {  	s14 =	sadd.s32 $0x5600, s3;
	s21 =	simm.s32 $0x800;
	s25 =	simm.s32 $0x5;
	[tilespmem:$0x1FFC0] =	vst v1;
	v1 =	vadd.s32 $0x321, v50  }
0x42: {  	s3 =	simm.s32 $0x8;
	[dreg:$0x7] =	wrdreg s9;
	s9 =	sshrl.u32 s26, $0x3;
	[tilespmem:$0x1FFD0] =	vst v1;
	v1 =	vadd.s32 $0x461, v50  }
0x43: {  	[dreg:$0x9] =	wrdreg s7;
	s12 =	sadd.s32 $0x4, s6;
	s9 =	sadd.s32 s17, s9;
	[tilespmem:$0x1FFE0] =	vst v1;
	v1 =	vadd.s32 $0x5A1, v50  }
0x44: {  	v3 =	vimm.s32 $0x0;
	v2 =	vmul.u32 $0xFFFFFFFF, v0;
	s26 =	simm.s32 $0x6;
	s17 =	simm.s32 $0x9;
	[dreg:$0x8] =	wrdreg s9;
	[tilespmem:$0x1FFF0] =	vst v1  }
.LBB2_1:
0x45: {  	s7 =	rddreg [dreg:$0x3]  }
0x46: {  	[tilespmem:s16], [sflag:$0x9] =	stream.linear.gather [hbm4b:s7+s2], $0xC0, $0x38;
	[tilespmem:$0x43C0] =	vst v63  }
0x47: {  	_ =	swait.ge [sflag:s17], $0xC0  }
0x48: {  	[sflag:s17] =	ssyncset.done $0x0  }
0x49: {  	s9 =	rddreg [dreg:$0x4];
	[sflag:s17] =	ssyncadd.s32 $0xFFFFFF40  }
0x4a: {  	[tilespmem:s2], [sflag:$0x1] =	stream.strided.gather [hbm4b:s9+s18], $0x640, s19, s18, $0x38;
	[tilespmem:$0x43C0] =	vst v63  }
0x4b: {  	_ = 	snop  }
0x4c: {  	[tilespmem:s22], [sflag:$0x2] =	stream.strided.gather [hbm4b:s6+s20], $0x320, s21, s20, $0x38;
	[tilespmem:$0x43C0] =	vst v63  }
0x4d: {  	s7 =	simm.s32 $0x0;
	s10 =	rddreg [dreg:$0x5]  }
0x4e: {  	v4 =	vor.u32 s7, v0;
	[tilespmem:s23], [sflag:$0x3] =	stream.strided.gather [hbm4b:s10+s20], $0x320, s21, s20, $0x38;
	[tilespmem:$0x43C0] =	vst v63  }
0x4f: {  	s8 =	rddreg [dreg:$0x6];
	v4 =	vmulhi.u32 $0xCCCCCCCD, v4;
	s9 =	simm.s32 $0x40;
	s10 =	simm.s32 $0x1900  }
0x50: {  	[tilespmem:s10], [sflag:$0x4] =	stream.strided.gather [hbm4b:s8+s9], $0xA00, s21, s9, $0x38;
	[tilespmem:$0x43C0] =	vst v63  }
0x51: {  	s24 =	simm.s32 $0x2300;
	v5 =	vmov s7;
	s7 =	simm.s32 $0x30;
	v7 =	vshrl.u32 v4, $0x2;
	s8 =	simm.s32 $0x10  }
0x52: {  	s11 =	rddreg [dreg:$0x7];
	v6 =	vmul.u32 $0xFFFFFFFB, v7;
	s10 =	simm.s32 $0x2;
	v4 =	vor.u32 s8, v0;
	s8 =	simm.s32 $0x20  }
0x53: {  	[tilespmem:s24], [sflag:$0x5] =	stream.strided.gather [hbm4b:s11+s9], $0xA00, s21, s9, $0x38;
	v9 =	vmulhi.u32 $0xCCCCCCCD, v4;
	v4 =	vsub.s32 v2, v5;
	[tilespmem:$0x43C0] =	vst v63  }
0x54: {  	vm0 =	veq.s32 v5, v0;
	s11 =	rddreg [dreg:$0x8];
	s24 =	simm.s32 $0x4100;
	v5 =	vor.u32 s8, v0;
	s9 =	simm.s32 $0x4290;
	vm1 =	vne.s32 v6, v4  }
0x55: {  	v4 =	vor.u32 s7, v0;
	v8 =	vmulhi.u32 $0xCCCCCCCD, v5;
	[tilespmem:s24], [sflag:$0x6] =	stream.linear.gather [hbm4b:s11+s2], $0x40, $0x38;
	vm0 =	vmand vm0, vm1;
	[tilespmem:$0x43C0] =	vst v63  }
0x56: {  	v5 =	vmov s8;
	s8 =	simm.s32 $0x4290;
	s11 =	rddreg [dreg:$0x9];
	s24 =	simm.s32 $0xC80;
	v6 =	vmulhi.u32 $0xCCCCCCCD, v4;
	v10 =	vsel vm0, $0xFFFFFFFF, v3  }
0x57: {  	v4 =	vshrl.u32 v8, $0x2;
	[tilespmem:s24], [sflag:$0x7] =	stream.strided.gather [hbm4b:s11+s18], $0x640, s19, s18, $0x38;
	v8 =	vadd.s32 v10, v7;
	v7 =	vshrl.u32 v9, $0x2;
	[tilespmem:$0x43C0] =	vst v63  }
.LBB2_2:
0x58: {  	s10 =	sadd.s32 $0x2, s10  }
0x59: {  	v9 =	vmul.u32 $0xFFFFFFFB, v4;
	s7 =	sadd.s32 $0x20, s7;
	[tilespmem:s8+$0xFFFFFFF0] =	vst v8;
	s9 =	sadd.s32 $0x20, s9;
	v10 =	vmov v6;
	p0 =	slt.u32 s10, $0x12  }
.Ltmp0:
0x5a: {  	vm0 =	veq.s32 v5, v0;
	v8 =	vsub.s32 v2, v5;
	s11 =	sadd.s32 $0xFFFFFFF0, s7;
	v6 =	vor.u32 s7, v0;
	[tilespmem:s8+$0x0] =	vst v7;
	(pc) =	sbr.rel @p0 .LBB2_2-.Ltmp0, $4  }
0x5b: {  	s8 =	smov.u32 s9;
	v5 =	vmov s11;
	v7 =	vor.u32 s11, v0;
	vm1 =	vne.s32 v9, v8  }
0x5c: {  	v7 =	vmulhi.u32 $0xCCCCCCCD, v7;
	vm0 =	vmand vm0, vm1  }
0x5d: {  	v6 =	vmulhi.u32 $0xCCCCCCCD, v6;
	v8 =	vsel vm0, $0xFFFFFFFF, v3  }
0x5e: {  	v8 =	vadd.s32 v8, v4;
	v4 =	vshrl.u32 v7, $0x2;
	v7 =	vshrl.u32 v10, $0x2  }
0x5f: {  	v9 =	vmul.u32 $0xFFFFFFFB, v4  }
0x60: {  	v10 =	vsub.s32 v2, v5  }
0x61: {  	vm0 =	veq.s32 v5, v0;
	vm1 =	vne.s32 v9, v10  }
0x62: {  	vm0 =	vmand vm0, vm1  }
0x63: {  	[tilespmem:s8+$0xFFFFFFF0] =	vst v8;
	v5 =	vsel vm0, $0xFFFFFFFF, v3  }
0x64: {  	s7 =	sadd.s32 $0x20, s9;
	[tilespmem:s8+$0x0] =	vst v7;
	v4 =	vadd.s32 v5, v4  }
0x65: {  	v5 =	vshrl.u32 v6, $0x2;
	[tilespmem:s7+$0xFFFFFFF0] =	vst v4  }
0x66: {  	[tilespmem:s7+$0x0] =	vst v5  }
0x67: {  	_ =	swait.ge [sflag:s4], $0x640  }
0x68: {  	[sflag:s4] =	ssyncset.done $0x0  }
0x69: {  	[sflag:s4] =	ssyncadd.s32 $0xFFFFF9C0  }
0x6a: {  	_ =	swait.ge [sflag:s30], $0x320  }
0x6b: {  	[sflag:s30] =	ssyncset.done $0x0  }
0x6c: {  	[sflag:s30] =	ssyncadd.s32 $0xFFFFFCE0  }
0x6d: {  	_ =	swait.ge [sflag:s31], $0x320  }
0x6e: {  	[sflag:s31] =	ssyncset.done $0x0;
	v1 =	vld [tilespmem:$0x1FC50]  }
0x6f: {  	s11 =	simm.s32 $0x0;
	[sflag:s31] =	ssyncadd.s32 $0xFFFFFCE0  }
0x70: {  	v62 =	vld.idx.msk [tilespmem:v50+s11+$0x0], $0xffff;
	_ =	sdelay $0x4  }
0x71: {  	[tilespmem:$0x640] =	vst v62  }
0x72: {  	v60 =	vld.idx.msk [tilespmem:v1+s11+$0x0], $0xffff  }
0x73: {  	v1 =	vld [tilespmem:$0x1FC60];
	_ =	sdelay $0x6  }
0x74: {  	[tilespmem:$0x680] =	vst v60  }
0x75: {  	v57 =	vld.idx.msk [tilespmem:v1+s11+$0x0], $0xffff  }
0x76: {  	v1 =	vld [tilespmem:$0x1FC70];
	_ =	sdelay $0x6  }
0x77: {  	[tilespmem:$0x6C0] =	vst v57  }
0x78: {  	v55 =	vld.idx.msk [tilespmem:v1+s11+$0x0], $0xffff  }
0x79: {  	v1 =	vld [tilespmem:$0x1FC80];
	_ =	sdelay $0x6  }
0x7a: {  	[tilespmem:$0x700] =	vst v55  }
0x7b: {  	v51 =	vld.idx.msk [tilespmem:v1+s11+$0x0], $0xffff  }
0x7c: {  	v1 =	vld [tilespmem:$0x1FC90];
	_ =	sdelay $0x6  }
0x7d: {  	[tilespmem:$0x740] =	vst v51  }
0x7e: {  	v46 =	vld.idx.msk [tilespmem:v1+s11+$0x0], $0xffff  }
0x7f: {  	v1 =	vld [tilespmem:$0x1FCA0];
	_ =	sdelay $0x6  }
0x80: {  	[tilespmem:$0x780] =	vst v46  }
0x81: {  	v42 =	vld.idx.msk [tilespmem:v1+s11+$0x0], $0xffff  }
0x82: {  	v1 =	vld [tilespmem:$0x1FCB0];
	_ =	sdelay $0x6  }
0x83: {  	[tilespmem:$0x7C0] =	vst v42  }
0x84: {  	v39 =	vld.idx.msk [tilespmem:v1+s11+$0x0], $0xffff  }
0x85: {  	v1 =	vld [tilespmem:$0x1FCC0];
	_ =	sdelay $0x6  }
0x86: {  	[tilespmem:$0x800] =	vst v39  }
0x87: {  	v34 =	vld.idx.msk [tilespmem:v1+s11+$0x0], $0xffff  }
0x88: {  	v1 =	vld [tilespmem:$0x1FCD0];
	_ =	sdelay $0x6  }
0x89: {  	[tilespmem:$0x840] =	vst v34  }
0x8a: {  	v33 =	vld.idx.msk [tilespmem:v1+s11+$0x0], $0xffff  }
0x8b: {  	v1 =	vld [tilespmem:$0x1FCE0];
	_ =	sdelay $0x6  }
0x8c: {  	[tilespmem:$0x880] =	vst v33  }
0x8d: {  	v38 =	vld.idx.msk [tilespmem:v1+s11+$0x0], $0xffff  }
0x8e: {  	v1 =	vld [tilespmem:$0x1FDD0];
	_ =	sdelay $0x7  }
0x8f: {  	v12 =	vld.idx.msk [tilespmem:v1+s11+$0x0], $0xffff  }
0x90: {  	v1 =	vld [tilespmem:$0x1FCF0];
	_ =	sdelay $0x6  }
0x91: {  	[tilespmem:$0x8C0] =	vst v38  }
0x92: {  	v41 =	vld.idx.msk [tilespmem:v1+s11+$0x0], $0xffff  }
0x93: {  	v1 =	vld [tilespmem:$0x1FDE0];
	_ =	sdelay $0x6  }
0x94: {  	[tilespmem:$0x650] =	vst v12  }
0x95: {  	v13 =	vld.idx.msk [tilespmem:v1+s11+$0x0], $0xffff  }
0x96: {  	v1 =	vld [tilespmem:$0x1FD00];
	_ =	sdelay $0x6  }
0x97: {  	[tilespmem:$0x900] =	vst v41  }
0x98: {  	v47 =	vld.idx.msk [tilespmem:v1+s11+$0x0], $0xffff  }
0x99: {  	v1 =	vld [tilespmem:$0x1FDF0];
	_ =	sdelay $0x6  }
0x9a: {  	[tilespmem:$0x690] =	vst v13  }
0x9b: {  	v14 =	vld.idx.msk [tilespmem:v1+s11+$0x0], $0xffff  }
0x9c: {  	v1 =	vld [tilespmem:$0x1FD10];
	_ =	sdelay $0x6  }
0x9d: {  	[tilespmem:$0x940] =	vst v47  }
0x9e: {  	v45 =	vld.idx.msk [tilespmem:v1+s11+$0x0], $0xffff  }
0x9f: {  	v1 =	vld [tilespmem:$0x1FE00];
	_ =	sdelay $0x6  }
0xa0: {  	[tilespmem:$0x6D0] =	vst v14  }
0xa1: {  	v16 =	vld.idx.msk [tilespmem:v1+s11+$0x0], $0xffff  }
0xa2: {  	v1 =	vld [tilespmem:$0x1FD20];
	_ =	sdelay $0x6  }
0xa3: {  	[tilespmem:$0x980] =	vst v45  }
0xa4: {  	v53 =	vld.idx.msk [tilespmem:v1+s11+$0x0], $0xffff  }
0xa5: {  	v1 =	vld [tilespmem:$0x1FE10];
	_ =	sdelay $0x6  }
0xa6: {  	[tilespmem:$0x710] =	vst v16  }
0xa7: {  	v17 =	vld.idx.msk [tilespmem:v1+s11+$0x0], $0xffff  }
0xa8: {  	v1 =	vld [tilespmem:$0x1680];
	_ =	sdelay $0x4  }
0xa9: {  	[tilespmem:$0x1F780] =	vst v1;
	v1 =	vld [tilespmem:$0x1FD30];
	_ =	sdelay $0x6  }
0xaa: {  	[tilespmem:$0x9C0] =	vst v53  }
0xab: {  	v48 =	vld.idx.msk [tilespmem:v1+s11+$0x0], $0xffff  }
0xac: {  	v1 =	vld [tilespmem:$0x1FE20];
	_ =	sdelay $0x6  }
0xad: {  	[tilespmem:$0x750] =	vst v17  }
0xae: {  	v15 =	vld.idx.msk [tilespmem:v1+s11+$0x0], $0xffff  }
0xaf: {  	v1 =	vld [tilespmem:$0x16A0];
	_ =	sdelay $0x4  }
0xb0: {  	[tilespmem:$0x1F790] =	vst v1;
	v1 =	vld [tilespmem:$0x13A0];
	_ =	sdelay $0x4  }
0xb1: {  	[tilespmem:$0x1F7A0] =	vst v1;
	v1 =	vld [tilespmem:$0x16C0];
	_ =	sdelay $0x4  }
0xb2: {  	[tilespmem:$0x1F7B0] =	vst v1;
	v1 =	vld [tilespmem:$0x1FD40];
	_ =	sdelay $0x6  }
0xb3: {  	[tilespmem:$0xA00] =	vst v48  }
0xb4: {  	v49 =	vld.idx.msk [tilespmem:v1+s11+$0x0], $0xffff  }
0xb5: {  	v1 =	vld [tilespmem:$0x1FE30];
	_ =	sdelay $0x6  }
0xb6: {  	[tilespmem:$0x790] =	vst v15  }
0xb7: {  	v19 =	vld.idx.msk [tilespmem:v1+s11+$0x0], $0xffff  }
0xb8: {  	v1 =	vld [tilespmem:$0x13C0];
	_ =	sdelay $0x4  }
0xb9: {  	[tilespmem:$0x1F7C0] =	vst v1;
	v1 =	vld [tilespmem:$0x16E0];
	_ =	sdelay $0x4  }
0xba: {  	[tilespmem:$0x1F7D0] =	vst v1;
	v1 =	vld [tilespmem:$0x13E0];
	_ =	sdelay $0x4  }
0xbb: {  	[tilespmem:$0x1F7E0] =	vst v1;
	v1 =	vld [tilespmem:$0x1700];
	_ =	sdelay $0x4  }
0xbc: {  	[tilespmem:$0x1F7F0] =	vst v1;
	v1 =	vld [tilespmem:$0x1FD50];
	_ =	sdelay $0x6  }
0xbd: {  	[tilespmem:$0xA40] =	vst v49  }
0xbe: {  	v4 =	vld.idx.msk [tilespmem:v1+s11+$0x0], $0xffff  }
0xbf: {  	v1 =	vld [tilespmem:$0x1FE40];
	_ =	sdelay $0x6  }
0xc0: {  	[tilespmem:$0x7D0] =	vst v19  }
0xc1: {  	v20 =	vld.idx.msk [tilespmem:v1+s11+$0x0], $0xffff  }
0xc2: {  	v1 =	vld [tilespmem:$0x1400];
	_ =	sdelay $0x4  }
0xc3: {  	[tilespmem:$0x1F800] =	vst v1;
	v1 =	vld [tilespmem:$0x1720];
	_ =	sdelay $0x4  }
0xc4: {  	[tilespmem:$0x1F810] =	vst v1;
	v1 =	vld [tilespmem:$0x1420];
	_ =	sdelay $0x4  }
0xc5: {  	[tilespmem:$0x1F820] =	vst v1;
	v1 =	vld [tilespmem:$0x1740];
	_ =	sdelay $0x4  }
0xc6: {  	[tilespmem:$0x1F830] =	vst v1;
	v1 =	vld [tilespmem:$0x1FD60];
	_ =	sdelay $0x6  }
0xc7: {  	[tilespmem:$0xA80] =	vst v4  }
0xc8: {  	v54 =	vld.idx.msk [tilespmem:v1+s11+$0x0], $0xffff  }
0xc9: {  	v1 =	vld [tilespmem:$0x1FE50];
	_ =	sdelay $0x6  }
0xca: {  	[tilespmem:$0x810] =	vst v20  }
0xcb: {  	v18 =	vld.idx.msk [tilespmem:v1+s11+$0x0], $0xffff  }
0xcc: {  	v1 =	vld [tilespmem:$0x1440];
	_ =	sdelay $0x4  }
0xcd: {  	[tilespmem:$0x1F840] =	vst v1;
	v1 =	vld [tilespmem:$0x1760];
	_ =	sdelay $0x4  }
0xce: {  	[tilespmem:$0x1F850] =	vst v1;
	v1 =	vld [tilespmem:$0x1460];
	_ =	sdelay $0x4  }
0xcf: {  	[tilespmem:$0x1F860] =	vst v1;
	v1 =	vld [tilespmem:$0x1780];
	_ =	sdelay $0x4  }
0xd0: {  	[tilespmem:$0x1F870] =	vst v1;
	v1 =	vld [tilespmem:$0x1FD70];
	_ =	sdelay $0x6  }
0xd1: {  	[tilespmem:$0xAC0] =	vst v54  }
0xd2: {  	v56 =	vld.idx.msk [tilespmem:v1+s11+$0x0], $0xffff  }
0xd3: {  	v1 =	vld [tilespmem:$0x1FE60];
	_ =	sdelay $0x6  }
0xd4: {  	[tilespmem:$0x850] =	vst v18  }
0xd5: {  	v22 =	vld.idx.msk [tilespmem:v1+s11+$0x0], $0xffff  }
0xd6: {  	v1 =	vld [tilespmem:$0x1480];
	_ =	sdelay $0x4  }
0xd7: {  	[tilespmem:$0x1F880] =	vst v1;
	v1 =	vld [tilespmem:$0x17A0];
	_ =	sdelay $0x4  }
0xd8: {  	[tilespmem:$0x1F890] =	vst v1;
	v1 =	vld [tilespmem:$0x14A0];
	_ =	sdelay $0x4  }
0xd9: {  	[tilespmem:$0x1F8A0] =	vst v1;
	v1 =	vld [tilespmem:$0x17C0];
	_ =	sdelay $0x4  }
0xda: {  	[tilespmem:$0x1F8B0] =	vst v1;
	v1 =	vld [tilespmem:$0x1FD80];
	_ =	sdelay $0x6  }
0xdb: {  	[tilespmem:$0xB00] =	vst v56  }
0xdc: {  	[tilespmem:$0x1F8E0] =	vst v4;
	v4 =	vld.idx.msk [tilespmem:v1+s11+$0x0], $0xffff  }
0xdd: {  	v1 =	vld [tilespmem:$0x1FE70];
	_ =	sdelay $0x4  }
0xde: {  	v27 =	vld [tilespmem:$0x12C0]  }
0xdf: {  	v30 =	vld [tilespmem:$0x15E0]  }
0xe0: {  	v31 =	vld [tilespmem:$0x12E0];
	[tilespmem:$0x890] =	vst v22  }
0xe1: {  	v23 =	vld.idx.msk [tilespmem:v1+s11+$0x0], $0xffff  }
0xe2: {  	v1 =	vld [tilespmem:$0x14C0]  }
0xe3: {  	v32 =	vld [tilespmem:$0x1600]  }
0xe4: {  	v29 =	vld [tilespmem:$0x1300]  }
0xe5: {  	v35 =	vld [tilespmem:$0x1620]  }
0xe6: {  	v36 =	vld [tilespmem:$0x1320]  }
0xe7: {  	[tilespmem:$0x1F8C0] =	vst v1;
	v1 =	vld [tilespmem:$0x17E0]  }
0xe8: {  	v40 =	vld [tilespmem:$0x1640]  }
0xe9: {  	v37 =	vld [tilespmem:$0x1340]  }
0xea: {  	v43 =	vld [tilespmem:$0x1660]  }
0xeb: {  	v44 =	vld [tilespmem:$0x1360];
	[tilespmem:$0x1F950] =	vst v4  }
0xec: {  	v52 =	vld [tilespmem:$0x1380];
	[tilespmem:$0x1F8D0] =	vst v1  }
0xed: {  	v1 =	vld [tilespmem:$0x14E0];
	_ =	sdelay $0x4  }
0xee: {  	[tilespmem:$0x1F8F0] =	vst v1;
	v1 =	vld [tilespmem:$0x1800];
	_ =	sdelay $0x4  }
0xef: {  	[tilespmem:$0x1F900] =	vst v1;
	v1 =	vld [tilespmem:$0x1FD90];
	_ =	sdelay $0x6  }
0xf0: {  	[tilespmem:$0xB40] =	vst v4  }
0xf1: {  	v58 =	vld.idx.msk [tilespmem:v1+s11+$0x0], $0xffff  }
0xf2: {  	v1 =	vld [tilespmem:$0x1FE80];
	_ =	sdelay $0x6  }
0xf3: {  	[tilespmem:$0x8D0] =	vst v23  }
0xf4: {  	v21 =	vld.idx.msk [tilespmem:v1+s11+$0x0], $0xffff  }
0xf5: {  	v1 =	vld [tilespmem:$0x1500];
	_ =	sdelay $0x4  }
0xf6: {  	[tilespmem:$0x1F910] =	vst v1;
	v1 =	vld [tilespmem:$0x1820];
	_ =	sdelay $0x4  }
0xf7: {  	[tilespmem:$0x1F920] =	vst v1;
	v1 =	vld [tilespmem:$0x1520];
	_ =	sdelay $0x4  }
0xf8: {  	[tilespmem:$0x1F930] =	vst v1;
	v1 =	vld [tilespmem:$0x1840];
	_ =	sdelay $0x4  }
0xf9: {  	[tilespmem:$0x1F940] =	vst v1;
	v1 =	vld [tilespmem:$0x1FDA0];
	_ =	sdelay $0x6  }
0xfa: {  	[tilespmem:$0xB80] =	vst v58  }
0xfb: {  	v4 =	vld.idx.msk [tilespmem:v1+s11+$0x0], $0xffff  }
0xfc: {  	v1 =	vld [tilespmem:$0x1FE90];
	_ =	sdelay $0x6  }
0xfd: {  	[tilespmem:$0x910] =	vst v21  }
0xfe: {  	v25 =	vld.idx.msk [tilespmem:v1+s11+$0x0], $0xffff  }
0xff: {  	v1 =	vld [tilespmem:$0x1540];
	_ =	sdelay $0x4  }
0x100: {  	[tilespmem:$0x1F960] =	vst v1;
	v1 =	vld [tilespmem:$0x1860];
	_ =	sdelay $0x4  }
0x101: {  	[tilespmem:$0x1F970] =	vst v1;
	v1 =	vld [tilespmem:$0x1560];
	_ =	sdelay $0x4  }
0x102: {  	[tilespmem:$0x1F980] =	vst v1;
	v1 =	vld [tilespmem:$0x1880];
	_ =	sdelay $0x4  }
0x103: {  	[tilespmem:$0x1F990] =	vst v1;
	v1 =	vld [tilespmem:$0x1FDB0];
	_ =	sdelay $0x6  }
0x104: {  	[tilespmem:$0xBC0] =	vst v4  }
0x105: {  	[tilespmem:$0x1F9A0] =	vst v4;
	v4 =	vld.idx.msk [tilespmem:v1+s11+$0x0], $0xffff  }
0x106: {  	v1 =	vld [tilespmem:$0x1FEA0];
	_ =	sdelay $0x6  }
0x107: {  	[tilespmem:$0x950] =	vst v25  }
0x108: {  	v26 =	vld.idx.msk [tilespmem:v1+s11+$0x0], $0xffff  }
0x109: {  	v1 =	vld [tilespmem:$0x1580];
	_ =	sdelay $0x4  }
0x10a: {  	[tilespmem:$0x1F9B0] =	vst v1;
	v1 =	vld [tilespmem:$0x18A0];
	_ =	sdelay $0x4  }
0x10b: {  	[tilespmem:$0x1F9C0] =	vst v1;
	v1 =	vld [tilespmem:$0x15A0];
	_ =	sdelay $0x4  }
0x10c: {  	[tilespmem:$0x1F9D0] =	vst v1;
	v1 =	vld [tilespmem:$0x18C0];
	_ =	sdelay $0x4  }
0x10d: {  	[tilespmem:$0x1F9F0] =	vst v1;
	v1 =	vld [tilespmem:$0x1FDC0];
	_ =	sdelay $0x6  }
0x10e: {  	[tilespmem:$0xC00] =	vst v4  }
0x10f: {  	v1 =	vld.idx.msk [tilespmem:v1+s11+$0x0], $0xffff;
	_ =	sdelay $0x4  }
0x110: {  	[tilespmem:$0x1FA00] =	vst v1;
	v1 =	vld [tilespmem:$0x1FEB0];
	_ =	sdelay $0x6  }
0x111: {  	[tilespmem:$0x990] =	vst v26  }
0x112: {  	v24 =	vld.idx.msk [tilespmem:v1+s11+$0x0], $0xffff  }
0x113: {  	v1 =	vld [tilespmem:$0x15C0];
	_ =	sdelay $0x2  }
0x114: {  	v5 =	vld [tilespmem:$0x1FEC0];
	_ =	sdelay $0x1  }
0x115: {  	[tilespmem:$0x1FA10] =	vst v1;
	v1 =	vld [tilespmem:$0x18E0];
	_ =	sdelay $0x3  }
0x116: {  	v10 =	vld [tilespmem:$0x1FED0];
	[tilespmem:$0x9D0] =	vst v24  }
0x117: {  	[tilespmem:$0x1FA20] =	vst v1;
	v1 =	vld [tilespmem:$0x12D0]  }
0x118: {  	v28 =	vld.idx.msk [tilespmem:v5+s11+$0x0], $0xffff;
	_ =	sdelay $0x3  }
0x119: {  	v1 =	vsub.f32 v1, v12;
	v12 =	vld [tilespmem:$0x1FEE0]  }
0x11a: {  	[tilespmem:$0xA10] =	vst v28  }
0x11b: {  	v63 =	vld.idx.msk [tilespmem:v10+s11+$0x0], $0xffff  }
0x11c: {  	v59 =	vld [tilespmem:$0x12F0]  }
0x11d: {  	v27 =	vsub.f32 v27, v62;
	[tilespmem:$0x1F9E0] =	vst v4;
	v4 =	vld [tilespmem:$0x15F0]  }
0x11e: {  	v6 =	vld [tilespmem:$0x1310]  }
0x11f: {  	v27 =	vmul.f32 v30, v27;
	v30 =	vsub.f32 v31, v60;
	v5 =	vld [tilespmem:$0x1610]  }
0x120: {  	v7 =	vld [tilespmem:$0x1630];
	[tilespmem:$0xA50] =	vst v63  }
0x121: {  	v27 =	vadd.f32 $0.0e+00, v27;
	v29 =	vsub.f32 v29, v57;
	v60 =	vld.idx.msk [tilespmem:v12+s11+$0x0], $0xffff;
	v12 =	vmul.f32 v32, v30  }
0x122: {  	v8 =	vld [tilespmem:$0x1330];
	v1 =	vmul.f32 v4, v1;
	v4 =	vsub.f32 v59, v13  }
0x123: {  	v36 =	vsub.f32 v36, v55;
	v59 =	vmul.f32 v35, v29;
	v12 =	vadd.f32 v12, v27  }
0x124: {  	v4 =	vmul.f32 v5, v4;
	v5 =	vsub.f32 v6, v14;
	v1 =	vadd.f32 $0.0e+00, v1  }
0x125: {  	v57 =	vsub.f32 v37, v51;
	v14 =	vmul.f32 v40, v36;
	v12 =	vadd.f32 v59, v12  }
0x126: {  	v1 =	vadd.f32 v4, v1;
	v4 =	vmul.f32 v7, v5  }
0x127: {  	v5 =	vsub.f32 v8, v16;
	v8 =	vadd.f32 v14, v12;
	v12 =	vmul.f32 v43, v57;
	_ =	sdelay $0x1  }
0x128: {  	v8 =	vadd.f32 v12, v8;
	v12 =	vld [tilespmem:$0x1F780];
	_ =	sdelay $0x2  }
0x129: {  	v14 =	vsub.f32 v44, v46;
	_ =	sdelay $0x1  }
0x12a: {  	v12 =	vmul.f32 v12, v14;
	_ =	sdelay $0x1  }
0x12b: {  	v8 =	vadd.f32 v12, v8;
	v12 =	vld [tilespmem:$0x1F790];
	_ =	sdelay $0x2  }
0x12c: {  	v14 =	vsub.f32 v52, v42;
	_ =	sdelay $0x1  }
0x12d: {  	v12 =	vmul.f32 v12, v14;
	v14 =	vld [tilespmem:$0x1F7A0];
	_ =	sdelay $0x1  }
0x12e: {  	v8 =	vadd.f32 v12, v8;
	v12 =	vld [tilespmem:$0x1F7B0];
	_ =	sdelay $0x2  }
0x12f: {  	v14 =	vsub.f32 v14, v39;
	_ =	sdelay $0x1  }
0x130: {  	v12 =	vmul.f32 v12, v14;
	v14 =	vld [tilespmem:$0x1F7C0];
	_ =	sdelay $0x1  }
0x131: {  	v8 =	vadd.f32 v12, v8;
	v12 =	vld [tilespmem:$0x1F7D0];
	_ =	sdelay $0x2  }
0x132: {  	v14 =	vsub.f32 v14, v34;
	_ =	sdelay $0x1  }
0x133: {  	v12 =	vmul.f32 v12, v14;
	v14 =	vld [tilespmem:$0x1F7E0];
	_ =	sdelay $0x1  }
0x134: {  	v8 =	vadd.f32 v12, v8;
	v12 =	vld [tilespmem:$0x1F7F0];
	_ =	sdelay $0x2  }
0x135: {  	v14 =	vsub.f32 v14, v33;
	_ =	sdelay $0x1  }
0x136: {  	v12 =	vmul.f32 v12, v14;
	v14 =	vld [tilespmem:$0x1F800];
	_ =	sdelay $0x1  }
0x137: {  	v8 =	vadd.f32 v12, v8;
	v12 =	vld [tilespmem:$0x1F810];
	_ =	sdelay $0x2  }
0x138: {  	v14 =	vsub.f32 v14, v38;
	_ =	sdelay $0x1  }
0x139: {  	v12 =	vmul.f32 v12, v14;
	v14 =	vld [tilespmem:$0x1F820];
	_ =	sdelay $0x1  }
0x13a: {  	v8 =	vadd.f32 v12, v8;
	v12 =	vld [tilespmem:$0x1F830]  }
0x13b: {  	v9 =	vld [tilespmem:$0x1650]  }
0x13c: {  	v61 =	vld [tilespmem:$0x1350]  }
0x13d: {  	v62 =	vld [tilespmem:$0x1370];
	v14 =	vsub.f32 v14, v41  }
0x13e: {  	v11 =	vld [tilespmem:$0x1690]  }
0x13f: {  	v12 =	vmul.f32 v12, v14;
	v14 =	vld [tilespmem:$0x1F840]  }
0x140: {  	v31 =	vld [tilespmem:$0x1390]  }
0x141: {  	v8 =	vadd.f32 v12, v8;
	v12 =	vld [tilespmem:$0x1F850]  }
0x142: {  	v55 =	vld [tilespmem:$0x16D0]  }
0x143: {  	v10 =	vld [tilespmem:$0x1670]  }
0x144: {  	v13 =	vld [tilespmem:$0x13B0];
	v14 =	vsub.f32 v14, v47  }
0x145: {  	v29 =	vld [tilespmem:$0x1490]  }
0x146: {  	v12 =	vmul.f32 v12, v14;
	v14 =	vld [tilespmem:$0x1F860]  }
0x147: {  	v6 =	vld [tilespmem:$0x13D0];
	v1 =	vadd.f32 v4, v1  }
0x148: {  	v4 =	vmul.f32 v9, v5;
	v5 =	vsub.f32 v61, v17;
	v8 =	vadd.f32 v12, v8;
	v12 =	vld [tilespmem:$0x1F870]  }
0x149: {  	v7 =	vld [tilespmem:$0x1FEF0]  }
0x14a: {  	v30 =	vld [tilespmem:$0x16B0];
	v1 =	vadd.f32 v4, v1;
	v4 =	vmul.f32 v10, v5;
	v5 =	vsub.f32 v62, v15  }
0x14b: {  	v16 =	vld [tilespmem:$0x13F0];
	v14 =	vsub.f32 v14, v45  }
0x14c: {  	v9 =	vld [tilespmem:$0x1710];
	v1 =	vadd.f32 v4, v1;
	v4 =	vmul.f32 v11, v5  }
0x14d: {  	v5 =	vsub.f32 v31, v19;
	v12 =	vmul.f32 v12, v14;
	v14 =	vld [tilespmem:$0x1F880]  }
0x14e: {  	v59 =	vld [tilespmem:$0x16F0];
	v1 =	vadd.f32 v4, v1  }
0x14f: {  	v4 =	vmul.f32 v30, v5;
	v5 =	vsub.f32 v13, v20;
	v8 =	vadd.f32 v12, v8;
	v12 =	vld [tilespmem:$0x1F890]  }
0x150: {  	v17 =	vld [tilespmem:$0x1410]  }
0x151: {  	v10 =	vld [tilespmem:$0x1730];
	v1 =	vadd.f32 v4, v1;
	v4 =	vmul.f32 v55, v5;
	v5 =	vsub.f32 v6, v18  }
0x152: {  	v15 =	vld [tilespmem:$0x1430];
	v14 =	vsub.f32 v14, v53  }
0x153: {  	v19 =	vld [tilespmem:$0x1750];
	v1 =	vadd.f32 v4, v1;
	v4 =	vmul.f32 v59, v5  }
0x154: {  	v5 =	vsub.f32 v16, v22;
	v12 =	vmul.f32 v12, v14;
	v14 =	vld [tilespmem:$0x1F8A0]  }
0x155: {  	v13 =	vld [tilespmem:$0x1450];
	v1 =	vadd.f32 v4, v1  }
0x156: {  	v4 =	vmul.f32 v9, v5;
	v5 =	vsub.f32 v17, v23;
	v8 =	vadd.f32 v12, v8;
	v12 =	vld [tilespmem:$0x1F8B0]  }
0x157: {  	v27 =	vld [tilespmem:$0x1770]  }
0x158: {  	v6 =	vld [tilespmem:$0x1470];
	v1 =	vadd.f32 v4, v1;
	v4 =	vmul.f32 v10, v5;
	v5 =	vsub.f32 v15, v21  }
0x159: {  	v18 =	vld [tilespmem:$0x1790];
	v14 =	vsub.f32 v14, v48  }
0x15a: {  	v9 =	vld [tilespmem:$0x17B0];
	v1 =	vadd.f32 v4, v1;
	v4 =	vmul.f32 v19, v5  }
0x15b: {  	v5 =	vsub.f32 v13, v25;
	v12 =	vmul.f32 v12, v14;
	v14 =	vld [tilespmem:$0x1F8C0]  }
0x15c: {  	v17 =	vld [tilespmem:$0x14B0];
	v1 =	vadd.f32 v4, v1  }
0x15d: {  	v4 =	vmul.f32 v27, v5;
	v5 =	vsub.f32 v6, v26;
	v8 =	vadd.f32 v12, v8;
	v12 =	vld [tilespmem:$0x1F8D0];
	_ =	sdelay $0x1  }
0x15e: {  	v11 =	vld [tilespmem:$0x1FF00];
	[tilespmem:$0xA90] =	vst v60;
	v1 =	vadd.f32 v4, v1;
	v4 =	vmul.f32 v18, v5;
	v5 =	vsub.f32 v29, v24  }
0x15f: {  	v7 =	vld.idx.msk [tilespmem:v7+s11+$0x0], $0xffff;
	v14 =	vsub.f32 v14, v49  }
0x160: {  	v1 =	vadd.f32 v4, v1;
	v4 =	vmul.f32 v9, v5;
	v5 =	vsub.f32 v17, v28;
	v17 =	vld [tilespmem:$0x1F8F0]  }
0x161: {  	v12 =	vmul.f32 v12, v14;
	v14 =	vld [tilespmem:$0x1F8E0];
	_ =	sdelay $0x1  }
0x162: {  	v8 =	vadd.f32 v12, v8;
	v12 =	vld [tilespmem:$0x1F900]  }
0x163: {  	v30 =	vld [tilespmem:$0x1810]  }
0x164: {  	v16 =	vld [tilespmem:$0x1FF10];
	[tilespmem:$0xAD0] =	vst v7  }
0x165: {  	v11 =	vld.idx.msk [tilespmem:v11+s11+$0x0], $0xffff;
	v14 =	vsub.f32 v17, v14  }
0x166: {  	v10 =	vld [tilespmem:$0x17D0]  }
0x167: {  	v12 =	vmul.f32 v12, v14;
	v14 =	vld [tilespmem:$0x1F910]  }
0x168: {  	v15 =	vld [tilespmem:$0x14D0]  }
0x169: {  	v8 =	vadd.f32 v12, v8;
	v12 =	vld [tilespmem:$0x1F920]  }
0x16a: {  	v13 =	vld [tilespmem:$0x1FF20]  }
0x16b: {  	v19 =	vld [tilespmem:$0x17F0];
	[tilespmem:$0xB10] =	vst v11  }
0x16c: {  	v16 =	vld.idx.msk [tilespmem:v16+s11+$0x0], $0xffff;
	v14 =	vsub.f32 v14, v54  }
0x16d: {  	v6 =	vld [tilespmem:$0x14F0]  }
0x16e: {  	v12 =	vmul.f32 v12, v14;
	v14 =	vld [tilespmem:$0x1F930]  }
0x16f: {  	v18 =	vld [tilespmem:$0x1510];
	v1 =	vadd.f32 v4, v1  }
0x170: {  	v4 =	vmul.f32 v10, v5;
	v5 =	vsub.f32 v15, v63;
	v8 =	vadd.f32 v12, v8;
	v12 =	vld [tilespmem:$0x1F940];
	_ =	sdelay $0x1  }
0x171: {  	v9 =	vld [tilespmem:$0x1FF30];
	[tilespmem:$0xB50] =	vst v16;
	v1 =	vadd.f32 v4, v1;
	v4 =	vmul.f32 v19, v5;
	v5 =	vsub.f32 v6, v60  }
0x172: {  	v13 =	vld.idx.msk [tilespmem:v13+s11+$0x0], $0xffff;
	v14 =	vsub.f32 v14, v56  }
0x173: {  	v1 =	vadd.f32 v4, v1;
	v4 =	vmul.f32 v30, v5;
	v5 =	vsub.f32 v18, v7;
	v18 =	vld [tilespmem:$0x1F960]  }
0x174: {  	v12 =	vmul.f32 v12, v14;
	v14 =	vld [tilespmem:$0x1F950]  }
0x175: {  	v31 =	vld [tilespmem:$0x1830]  }
0x176: {  	v8 =	vadd.f32 v12, v8;
	v12 =	vld [tilespmem:$0x1F970]  }
0x177: {  	v10 =	vld [tilespmem:$0x1850]  }
0x178: {  	v7 =	vld [tilespmem:$0x1FF40];
	[tilespmem:$0xB90] =	vst v13  }
0x179: {  	v9 =	vld.idx.msk [tilespmem:v9+s11+$0x0], $0xffff;
	v14 =	vsub.f32 v18, v14  }
0x17a: {  	v17 =	vld [tilespmem:$0x1530]  }
0x17b: {  	v12 =	vmul.f32 v12, v14;
	v14 =	vld [tilespmem:$0x1F980]  }
0x17c: {  	v15 =	vld [tilespmem:$0x1550]  }
0x17d: {  	v8 =	vadd.f32 v12, v8;
	v12 =	vld [tilespmem:$0x1F990]  }
0x17e: {  	v6 =	vld [tilespmem:$0x1870]  }
0x17f: {  	v19 =	vld [tilespmem:$0x1570];
	v1 =	vadd.f32 v4, v1;
	v4 =	vmul.f32 v31, v5;
	[tilespmem:$0xBD0] =	vst v9;
	v5 =	vsub.f32 v17, v11  }
0x180: {  	v7 =	vld.idx.msk [tilespmem:v7+s11+$0x0], $0xffff;
	v14 =	vsub.f32 v14, v58  }
0x181: {  	v1 =	vadd.f32 v4, v1;
	v4 =	vmul.f32 v10, v5;
	v5 =	vsub.f32 v15, v16;
	v15 =	vld [tilespmem:$0x1F9B0]  }
0x182: {  	v12 =	vmul.f32 v12, v14;
	v14 =	vld [tilespmem:$0x1F9A0]  }
0x183: {  	v1 =	vadd.f32 v4, v1;
	v4 =	vmul.f32 v6, v5;
	v6 =	vld [tilespmem:$0x1FF50]  }
0x184: {  	v8 =	vadd.f32 v12, v8;
	v12 =	vld [tilespmem:$0x1F9C0]  }
0x185: {  	v11 =	vld [tilespmem:$0x1590]  }
0x186: {  	v18 =	vld [tilespmem:$0x1890]  }
0x187: {  	v17 =	vld [tilespmem:$0x18B0];
	v14 =	vsub.f32 v15, v14  }
0x188: {  	v5 =	vsub.f32 v19, v13;
	v13 =	vld [tilespmem:$0x1F9D0]  }
0x189: {  	v12 =	vmul.f32 v12, v14;
	v14 =	vld [tilespmem:$0x1F9E0]  }
0x18a: {  	v10 =	vld [tilespmem:$0x15B0]  }
0x18b: {  	[tilespmem:$0xC10] =	vst v7;
	v1 =	vadd.f32 v4, v1;
	v4 =	vmul.f32 v18, v5;
	v5 =	vsub.f32 v11, v9;
	v9 =	vld [tilespmem:$0x1F9F0]  }
0x18c: {  	v6 =	vld.idx.msk [tilespmem:v6+s11+$0x0], $0xffff  }
0x18d: {  	v11 =	vld [tilespmem:$0x1FA10]  }
0x18e: {  	v15 =	vld [tilespmem:$0x18D0];
	v13 =	vsub.f32 v13, v14  }
0x18f: {  	v14 =	vld [tilespmem:$0x15D0]  }
0x190: {  	v8 =	vadd.f32 v12, v8;
	v9 =	vmul.f32 v9, v13;
	v13 =	vld [tilespmem:$0x1FA00]  }
0x191: {  	v1 =	vadd.f32 v4, v1;
	v12 =	vld [tilespmem:$0x18F0]  }
0x192: {  	v4 =	vmul.f32 v17, v5;
	v5 =	vsub.f32 v10, v7;
	v7 =	vadd.f32 v9, v8;
	v8 =	vld [tilespmem:$0x1FA20];
	_ =	sdelay $0x1  }
0x193: {  	v1 =	vadd.f32 v4, v1;
	v4 =	vmul.f32 v15, v5;
	v5 =	vsub.f32 v14, v6  }
0x194: {  	v11 =	vsub.f32 v11, v13  }
0x195: {  	[tilespmem:$0xC50] =	vst v6;
	v1 =	vadd.f32 v4, v1;
	v4 =	vmul.f32 v12, v5  }
0x196: {  	[tilespmem:$0xC40] =	vst v13;
	v5 =	vimm.f32 $0.0e+00;
	v8 =	vmul.f32 v8, v11  }
0x197: {  	[tilespmem:$0x4180] =	vst v5;
	v1 =	vadd.f32 v4, v1  }
0x198: {  	[tilespmem:$0x4190] =	vst v5;
	v7 =	vadd.f32 v8, v7  }
0x199: {  	[tilespmem:$0x4150] =	vst v1  }
0x19a: {  	[tilespmem:$0x4140] =	vst v7  }
0x19b: {  	[tilespmem:s22], [sflag:$0x2] =	stream.strided.gather [hbm4b:s12+s20], $0x320, s21, s20, $0x38;
	[tilespmem:$0x43C0] =	vst v63  }
0x19c: {  	_ = 	snop  }
0x19d: {  	[tilespmem:s23], [sflag:$0x3] =	stream.strided.gather [hbm4b:s13+s20], $0x320, s21, s20, $0x38;
	[tilespmem:$0x43C0] =	vst v63  }
0x19e: {  	_ =	swait.ge [sflag:s30], $0x320  }
0x19f: {  	[sflag:s30] =	ssyncset.done $0x0  }
0x1a0: {  	[sflag:s30] =	ssyncadd.s32 $0xFFFFFCE0  }
0x1a1: {  	_ =	swait.ge [sflag:s31], $0x320  }
0x1a2: {  	v1 =	vld [tilespmem:$0x1FF60];
	_ =	sdelay $0x5  }
0x1a3: {  	[sflag:s31] =	ssyncset.done $0x0  }
0x1a4: {  	[sflag:s31] =	ssyncadd.s32 $0xFFFFFCE0  }
0x1a5: {  	v31 =	vld.idx.msk [tilespmem:v1+s11+$0x0], $0xffff  }
0x1a6: {  	v1 =	vld [tilespmem:$0x1FF70];
	_ =	sdelay $0x6  }
0x1a7: {  	[tilespmem:$0x660] =	vst v31  }
0x1a8: {  	v29 =	vld.idx.msk [tilespmem:v1+s11+$0x0], $0xffff  }
0x1a9: {  	v1 =	vld [tilespmem:$0x1FF80];
	_ =	sdelay $0x6  }
0x1aa: {  	[tilespmem:$0x6A0] =	vst v29  }
0x1ab: {  	v58 =	vld.idx.msk [tilespmem:v1+s11+$0x0], $0xffff  }
0x1ac: {  	v1 =	vld [tilespmem:$0x1FF90];
	_ =	sdelay $0x6  }
0x1ad: {  	[tilespmem:$0x6E0] =	vst v58  }
0x1ae: {  	v55 =	vld.idx.msk [tilespmem:v1+s11+$0x0], $0xffff  }
0x1af: {  	v1 =	vld [tilespmem:$0x1FFA0];
	_ =	sdelay $0x5  }
0x1b0: {  	v4 =	vld [tilespmem:$0x1FFB0]  }
0x1b1: {  	[tilespmem:$0x720] =	vst v55  }
0x1b2: {  	v54 =	vld.idx.msk [tilespmem:v1+s11+$0x0], $0xffff;
	_ =	sdelay $0x4  }
0x1b3: {  	[tilespmem:$0x760] =	vst v54  }
0x1b4: {  	v53 =	vld.idx.msk [tilespmem:v4+s11+$0x0], $0xffff  }
0x1b5: {  	v4 =	vld [tilespmem:$0x1FFC0];
	_ =	sdelay $0x1  }
0x1b6: {  	v1 =	vadd.s32 $0xF0, v50;
	_ =	sdelay $0x4  }
0x1b7: {  	v47 =	vld.idx.msk [tilespmem:v1+s11+$0x0], $0xffff;
	[tilespmem:$0x7A0] =	vst v53  }
0x1b8: {  	v1 =	vadd.s32 $0x230, v50;
	v52 =	vld.idx.msk [tilespmem:v4+s11+$0x0], $0xffff  }
0x1b9: {  	v4 =	vld [tilespmem:$0x1FFD0];
	_ =	sdelay $0x2  }
0x1ba: {  	[tilespmem:$0x670] =	vst v47  }
0x1bb: {  	v45 =	vld.idx.msk [tilespmem:v1+s11+$0x0], $0xffff  }
0x1bc: {  	v1 =	vadd.s32 $0x370, v50;
	_ =	sdelay $0x1  }
0x1bd: {  	[tilespmem:$0x7E0] =	vst v52  }
0x1be: {  	v49 =	vld.idx.msk [tilespmem:v4+s11+$0x0], $0xffff  }
0x1bf: {  	[tilespmem:$0x6B0] =	vst v45;
	v4 =	vld [tilespmem:$0x1FFE0]  }
0x1c0: {  	v41 =	vld.idx.msk [tilespmem:v1+s11+$0x0], $0xffff  }
0x1c1: {  	v1 =	vadd.s32 $0x4B0, v50;
	_ =	sdelay $0x3  }
0x1c2: {  	[tilespmem:$0x6F0] =	vst v41  }
0x1c3: {  	v40 =	vld.idx.msk [tilespmem:v1+s11+$0x0], $0xffff;
	[tilespmem:$0x820] =	vst v49  }
0x1c4: {  	v1 =	vadd.s32 $0x5F0, v50;
	v48 =	vld.idx.msk [tilespmem:v4+s11+$0x0], $0xffff  }
0x1c5: {  	v4 =	vld [tilespmem:$0x1FFF0];
	_ =	sdelay $0x2  }
0x1c6: {  	[tilespmem:$0x730] =	vst v40  }
0x1c7: {  	v37 =	vld.idx.msk [tilespmem:v1+s11+$0x0], $0xffff  }
0x1c8: {  	v1 =	vadd.s32 $0xF1, v50;
	_ =	sdelay $0x1  }
0x1c9: {  	[tilespmem:$0x860] =	vst v48  }
0x1ca: {  	v46 =	vld.idx.msk [tilespmem:v4+s11+$0x0], $0xffff  }
0x1cb: {  	[tilespmem:$0x770] =	vst v37;
	v4 =	vadd.s32 $0xA2, v50  }
0x1cc: {  	v36 =	vld.idx.msk [tilespmem:v1+s11+$0x0], $0xffff  }
0x1cd: {  	v1 =	vadd.s32 $0x231, v50;
	_ =	sdelay $0x1  }
0x1ce: {  	v63 =	vld [tilespmem:$0x14A0];
	[tilespmem:$0x8A0] =	vst v46  }
0x1cf: {  	v42 =	vld.idx.msk [tilespmem:v4+s11+$0x0], $0xffff  }
0x1d0: {  	[tilespmem:$0x7B0] =	vst v36;
	v4 =	vadd.s32 $0x1E2, v50  }
0x1d1: {  	v34 =	vld.idx.msk [tilespmem:v1+s11+$0x0], $0xffff  }
0x1d2: {  	v1 =	vadd.s32 $0x371, v50  }
0x1d3: {  	[tilespmem:$0x1FA50] =	vst v63  }
0x1d4: {  	v63 =	vld [tilespmem:$0x17C0];
	[tilespmem:$0x8E0] =	vst v42  }
0x1d5: {  	v35 =	vld.idx.msk [tilespmem:v4+s11+$0x0], $0xffff  }
0x1d6: {  	[tilespmem:$0x7F0] =	vst v34;
	v4 =	vadd.s32 $0x322, v50  }
0x1d7: {  	v39 =	vld.idx.msk [tilespmem:v1+s11+$0x0], $0xffff  }
0x1d8: {  	v1 =	vadd.s32 $0x4B1, v50  }
0x1d9: {  	[tilespmem:$0x1FA70] =	vst v63  }
0x1da: {  	v63 =	vld [tilespmem:$0x14C0];
	[tilespmem:$0x920] =	vst v35  }
0x1db: {  	v38 =	vld.idx.msk [tilespmem:v4+s11+$0x0], $0xffff  }
0x1dc: {  	[tilespmem:$0x830] =	vst v39;
	v4 =	vadd.s32 $0x462, v50  }
0x1dd: {  	v43 =	vld.idx.msk [tilespmem:v1+s11+$0x0], $0xffff  }
0x1de: {  	v1 =	vadd.s32 $0x5F1, v50  }
0x1df: {  	[tilespmem:$0x1FA90] =	vst v63  }
0x1e0: {  	v63 =	vld [tilespmem:$0x17E0];
	[tilespmem:$0x960] =	vst v38  }
0x1e1: {  	v62 =	vld.idx.msk [tilespmem:v4+s11+$0x0], $0xffff  }
0x1e2: {  	[tilespmem:$0x870] =	vst v43;
	v4 =	vadd.s32 $0x5A2, v50  }
0x1e3: {  	v56 =	vld.idx.msk [tilespmem:v1+s11+$0x0], $0xffff  }
0x1e4: {  	v1 =	vadd.s32 $0xF2, v50  }
0x1e5: {  	v9 =	vld [tilespmem:$0x12C0];
	[tilespmem:$0x1FAB0] =	vst v63  }
0x1e6: {  	v63 =	vld [tilespmem:$0x14E0];
	[tilespmem:$0x9A0] =	vst v62  }
0x1e7: {  	v5 =	vld.idx.msk [tilespmem:v4+s11+$0x0], $0xffff  }
0x1e8: {  	v13 =	vld [tilespmem:$0x15E0];
	[tilespmem:$0x8B0] =	vst v56;
	v4 =	vadd.s32 $0xA3, v50  }
0x1e9: {  	v59 =	vld.idx.msk [tilespmem:v1+s11+$0x0], $0xffff  }
0x1ea: {  	v12 =	vld [tilespmem:$0x12E0];
	v1 =	vadd.s32 $0x232, v50  }
0x1eb: {  	v16 =	vld [tilespmem:$0x1620];
	[tilespmem:$0x1FAE0] =	vst v63  }
0x1ec: {  	v63 =	vld [tilespmem:$0x1800];
	[tilespmem:$0x9E0] =	vst v5  }
0x1ed: {  	[tilespmem:$0x1FA30] =	vst v5;
	v5 =	vld.idx.msk [tilespmem:v4+s11+$0x0], $0xffff  }
0x1ee: {  	v11 =	vld [tilespmem:$0x1320];
	[tilespmem:$0x8F0] =	vst v59;
	v4 =	vadd.s32 $0x1E3, v50  }
0x1ef: {  	v61 =	vld.idx.msk [tilespmem:v1+s11+$0x0], $0xffff  }
0x1f0: {  	v14 =	vld [tilespmem:$0x1660];
	v1 =	vadd.s32 $0x372, v50  }
0x1f1: {  	v15 =	vld [tilespmem:$0x1360];
	[tilespmem:$0x1FB00] =	vst v63  }
0x1f2: {  	v63 =	vld [tilespmem:$0x1500];
	[tilespmem:$0xA20] =	vst v5  }
0x1f3: {  	[tilespmem:$0x1FA40] =	vst v5;
	v5 =	vld.idx.msk [tilespmem:v4+s11+$0x0], $0xffff  }
0x1f4: {  	v20 =	vld [tilespmem:$0x16A0];
	[tilespmem:$0x930] =	vst v61;
	v4 =	vadd.s32 $0x323, v50  }
0x1f5: {  	v6 =	vld.idx.msk [tilespmem:v1+s11+$0x0], $0xffff  }
0x1f6: {  	v19 =	vld [tilespmem:$0x16C0];
	v1 =	vadd.s32 $0x4B2, v50  }
0x1f7: {  	v21 =	vld [tilespmem:$0x16E0];
	[tilespmem:$0x1FB20] =	vst v63  }
0x1f8: {  	v63 =	vld [tilespmem:$0x1820];
	[tilespmem:$0xA60] =	vst v5  }
0x1f9: {  	[tilespmem:$0x1FA80] =	vst v5;
	v5 =	vld.idx.msk [tilespmem:v4+s11+$0x0], $0xffff  }
0x1fa: {  	v22 =	vld [tilespmem:$0x13E0];
	[tilespmem:$0x970] =	vst v6;
	v4 =	vadd.s32 $0x463, v50  }
0x1fb: {  	[tilespmem:$0x1FA60] =	vst v6;
	v6 =	vld.idx.msk [tilespmem:v1+s11+$0x0], $0xffff  }
0x1fc: {  	v23 =	vld [tilespmem:$0x1400];
	v1 =	vadd.s32 $0x5F2, v50  }
0x1fd: {  	v24 =	vld [tilespmem:$0x1720];
	[tilespmem:$0x1FB40] =	vst v63  }
0x1fe: {  	v63 =	vld [tilespmem:$0x1520];
	[tilespmem:$0xAA0] =	vst v5  }
0x1ff: {  	[tilespmem:$0x1FAD0] =	vst v5;
	v5 =	vld.idx.msk [tilespmem:v4+s11+$0x0], $0xffff  }
0x200: {  	v25 =	vld [tilespmem:$0x1420];
	[tilespmem:$0x9B0] =	vst v6;
	v4 =	vadd.s32 $0x5A3, v50  }
0x201: {  	v7 =	vld.idx.msk [tilespmem:v1+s11+$0x0], $0xffff  }
0x202: {  	v26 =	vld [tilespmem:$0x1740];
	v1 =	vadd.s32 $0xF3, v50  }
0x203: {  	v27 =	vld [tilespmem:$0x1440];
	[tilespmem:$0x1FB60] =	vst v63  }
0x204: {  	v63 =	vld [tilespmem:$0x1840];
	[tilespmem:$0xAE0] =	vst v5  }
0x205: {  	[tilespmem:$0x1FB10] =	vst v5;
	v5 =	vld.idx.msk [tilespmem:v4+s11+$0x0], $0xffff  }
0x206: {  	v28 =	vld [tilespmem:$0x1760];
	[tilespmem:$0x9F0] =	vst v7;
	v4 =	vadd.s32 $0xA4, v50  }
0x207: {  	v10 =	vld.idx.msk [tilespmem:v1+s11+$0x0], $0xffff  }
0x208: {  	v8 =	vadd.s32 $0x233, v50;
	v30 =	vld [tilespmem:$0x1460]  }
0x209: {  	v12 =	vsub.f32 v12, v29;
	v29 =	vld [tilespmem:$0x12D0];
	[tilespmem:$0x1FB70] =	vst v63  }
0x20a: {  	v1 =	vld [tilespmem:$0x1300];
	[tilespmem:$0xB20] =	vst v5  }
0x20b: {  	[tilespmem:$0x1FAA0] =	vst v6;
	v6 =	vld.idx.msk [tilespmem:v4+s11+$0x0], $0xffff  }
0x20c: {  	v63 =	vld [tilespmem:$0x1540];
	[tilespmem:$0xA30] =	vst v10;
	v4 =	vadd.s32 $0x1E4, v50  }
0x20d: {  	v18 =	vld.idx.msk [tilespmem:v8+s11+$0x0], $0xffff  }
0x20e: {  	[tilespmem:$0x1FAF0] =	vst v10;
	v10 =	vld [tilespmem:$0x1640]  }
0x20f: {  	v1 =	vsub.f32 v1, v58;
	v58 =	vld [tilespmem:$0x12F0];
	v8 =	vadd.s32 $0x373, v50;
	[tilespmem:$0x1FB50] =	vst v5  }
0x210: {  	v5 =	vld [tilespmem:$0x1600];
	[tilespmem:$0xB60] =	vst v6  }
0x211: {  	[tilespmem:$0x1FAC0] =	vst v7;
	v7 =	vld.idx.msk [tilespmem:v4+s11+$0x0], $0xffff  }
0x212: {  	v9 =	vsub.f32 v9, v31;
	v1 =	vmul.f32 v16, v1;
	v16 =	vld [tilespmem:$0x1310];
	[tilespmem:$0x1FB30] =	vst v18;
	v4 =	vadd.s32 $0x324, v50  }
0x213: {  	[tilespmem:$0xA70] =	vst v18;
	v18 =	vld [tilespmem:$0x13A0]  }
0x214: {  	v13 =	vmul.f32 v13, v9;
	v60 =	vld.idx.msk [tilespmem:v8+s11+$0x0], $0xffff  }
0x215: {  	v8 =	vld [tilespmem:$0x1680];
	[tilespmem:$0x1FB80] =	vst v6  }
0x216: {  	v5 =	vmul.f32 v5, v12;
	v12 =	vadd.f32 $0.0e+00, v13;
	v6 =	vld [tilespmem:$0x1340];
	[tilespmem:$0xBA0] =	vst v7  }
0x217: {  	v17 =	vld.idx.msk [tilespmem:v4+s11+$0x0], $0xffff  }
0x218: {  	v11 =	vsub.f32 v11, v55;
	v13 =	vld [tilespmem:$0x15F0];
	v5 =	vadd.f32 v5, v12;
	v4 =	vadd.s32 $0x464, v50  }
0x219: {  	v32 =	vadd.s32 $0x4B3, v50;
	v12 =	vld [tilespmem:$0x1610]  }
0x21a: {  	v1 =	vadd.f32 v1, v5;
	v5 =	vmul.f32 v10, v11;
	v10 =	vld [tilespmem:$0x1630]  }
0x21b: {  	v11 =	vld [tilespmem:$0x1330];
	[tilespmem:$0x1FBB0] =	vst v7  }
0x21c: {  	v6 =	vsub.f32 v6, v54;
	v7 =	vld [tilespmem:$0x1380];
	[tilespmem:$0xBE0] =	vst v17  }
0x21d: {  	[tilespmem:$0xAB0] =	vst v60;
	v1 =	vadd.f32 v5, v1;
	v33 =	vld.idx.msk [tilespmem:v4+s11+$0x0], $0xffff  }
0x21e: {  	v57 =	vld.idx.msk [tilespmem:v32+s11+$0x0], $0xffff;
	v5 =	vmul.f32 v14, v6;
	v6 =	vsub.f32 v15, v53;
	v4 =	vadd.s32 $0x5A4, v50  }
0x21f: {  	v14 =	vld [tilespmem:$0x1650]  }
0x220: {  	v15 =	vld [tilespmem:$0x1350];
	v1 =	vadd.f32 v5, v1;
	v5 =	vmul.f32 v8, v6;
	v8 =	vsub.f32 v29, v47  }
0x221: {  	v47 =	vld [tilespmem:$0x1370]  }
0x222: {  	v6 =	vsub.f32 v7, v52;
	v7 =	vld [tilespmem:$0x1670];
	v8 =	vmul.f32 v13, v8;
	v13 =	vsub.f32 v58, v45;
	[tilespmem:$0xC20] =	vst v33  }
0x223: {  	v4 =	vld.idx.msk [tilespmem:v4+s11+$0x0], $0xffff  }
0x224: {  	[tilespmem:$0x1FBE0] =	vst v17;
	v17 =	vld [tilespmem:$0x13C0];
	v12 =	vmul.f32 v12, v13;
	v13 =	vsub.f32 v16, v41;
	v8 =	vadd.f32 $0.0e+00, v8  }
0x225: {  	v1 =	vadd.f32 v5, v1;
	v5 =	vmul.f32 v20, v6;
	v6 =	vsub.f32 v18, v49;
	v18 =	vld [tilespmem:$0x1690]  }
0x226: {  	v11 =	vsub.f32 v11, v40;
	v49 =	vld [tilespmem:$0x1390];
	v8 =	vadd.f32 v12, v8;
	v10 =	vmul.f32 v10, v13  }
0x227: {  	v16 =	vld [tilespmem:$0x13B0]  }
0x228: {  	v8 =	vadd.f32 v10, v8;
	v10 =	vmul.f32 v14, v11;
	v11 =	vsub.f32 v15, v37;
	[tilespmem:$0x1FC30] =	vst v4;
	v4 =	vld [tilespmem:$0x1700]  }
0x229: {  	v1 =	vadd.f32 v5, v1;
	v5 =	vmul.f32 v19, v6;
	v6 =	vsub.f32 v17, v48;
	v17 =	vld [tilespmem:$0x16B0]  }
0x22a: {  	v19 =	vld [tilespmem:$0x16D0];
	v8 =	vadd.f32 v10, v8;
	v7 =	vmul.f32 v7, v11;
	v10 =	vsub.f32 v47, v36  }
0x22b: {  	v12 =	vld [tilespmem:$0x13D0];
	v1 =	vadd.f32 v5, v1;
	v5 =	vmul.f32 v21, v6;
	v6 =	vsub.f32 v22, v46  }
0x22c: {  	v13 =	vld [tilespmem:$0x13F0];
	v7 =	vadd.f32 v7, v8;
	v8 =	vmul.f32 v18, v10;
	v10 =	vsub.f32 v49, v34  }
0x22d: {  	v1 =	vadd.f32 v5, v1;
	v5 =	vsub.f32 v23, v42;
	v4 =	vmul.f32 v4, v6;
	v6 =	vld [tilespmem:$0x16F0]  }
0x22e: {  	v11 =	vld [tilespmem:$0x1410];
	v7 =	vadd.f32 v8, v7;
	v8 =	vmul.f32 v17, v10;
	v10 =	vsub.f32 v16, v39  }
0x22f: {  	v44 =	vadd.s32 $0x5F3, v50;
	v1 =	vadd.f32 v4, v1;
	v4 =	vmul.f32 v24, v5;
	v5 =	vld [tilespmem:$0x1710]  }
0x230: {  	v14 =	vld [tilespmem:$0x1730];
	v7 =	vadd.f32 v8, v7;
	v8 =	vmul.f32 v19, v10;
	v10 =	vsub.f32 v12, v43  }
0x231: {  	v15 =	vld [tilespmem:$0x1430]  }
0x232: {  	v32 =	vld [tilespmem:$0x1780];
	v7 =	vadd.f32 v8, v7;
	v8 =	vsub.f32 v13, v56;
	v6 =	vmul.f32 v6, v10  }
0x233: {  	[tilespmem:$0xAF0] =	vst v57;
	v52 =	vld [tilespmem:$0x1750];
	v1 =	vadd.f32 v4, v1;
	v4 =	vsub.f32 v25, v35  }
0x234: {  	v51 =	vld.idx.msk [tilespmem:v44+s11+$0x0], $0xffff;
	v6 =	vadd.f32 v6, v7;
	v5 =	vmul.f32 v5, v8;
	v7 =	vsub.f32 v11, v59  }
0x235: {  	[tilespmem:$0x1FC10] =	vst v33;
	v33 =	vld [tilespmem:$0x1480];
	v18 =	vsub.f32 v27, v38;
	v4 =	vmul.f32 v26, v4  }
0x236: {  	v16 =	vld [tilespmem:$0x1450];
	v5 =	vadd.f32 v5, v6;
	v6 =	vmul.f32 v14, v7;
	v7 =	vsub.f32 v15, v61  }
0x237: {  	v13 =	vld [tilespmem:$0x1FA30];
	v1 =	vadd.f32 v4, v1  }
0x238: {  	v4 =	vmul.f32 v28, v18;
	v5 =	vadd.f32 v6, v5;
	v6 =	vmul.f32 v52, v7;
	v7 =	vld [tilespmem:$0x1FA60]  }
0x239: {  	v44 =	vld [tilespmem:$0x17A0]  }
0x23a: {  	v17 =	vld [tilespmem:$0x1770];
	v1 =	vadd.f32 v4, v1;
	v4 =	vsub.f32 v30, v62;
	_ =	sdelay $0x1  }
0x23b: {  	[tilespmem:$0x1FB90] =	vst v63;
	v63 =	vld [tilespmem:$0x1860];
	v13 =	vsub.f32 v33, v13;
	v4 =	vmul.f32 v32, v4  }
0x23c: {  	v12 =	vld [tilespmem:$0x1470];
	v7 =	vsub.f32 v16, v7  }
0x23d: {  	v14 =	vld [tilespmem:$0x1FA50];
	v1 =	vadd.f32 v4, v1;
	v4 =	vmul.f32 v44, v13  }
0x23e: {  	v5 =	vadd.f32 v6, v5;
	v6 =	vmul.f32 v17, v7;
	v7 =	vld [tilespmem:$0x1FAA0]  }
0x23f: {  	v1 =	vadd.f32 v4, v1;
	v4 =	vld [tilespmem:$0x1FA40]  }
0x240: {  	v18 =	vld [tilespmem:$0x1790]  }
0x241: {  	v16 =	vld [tilespmem:$0x1FA70]  }
0x242: {  	v55 =	vld [tilespmem:$0x1FA90]  }
0x243: {  	[tilespmem:$0x1FBA0] =	vst v63;
	v63 =	vld [tilespmem:$0x1560];
	v7 =	vsub.f32 v12, v7  }
0x244: {  	v19 =	vld [tilespmem:$0x1490];
	v4 =	vsub.f32 v14, v4  }
0x245: {  	v5 =	vadd.f32 v6, v5;
	v6 =	vmul.f32 v18, v7;
	v7 =	vld [tilespmem:$0x1FAC0]  }
0x246: {  	v4 =	vmul.f32 v16, v4;
	v16 =	vld [tilespmem:$0x1FA80]  }
0x247: {  	v8 =	vld [tilespmem:$0x17B0]  }
0x248: {  	v1 =	vadd.f32 v4, v1;
	v4 =	vld [tilespmem:$0x1FAB0];
	_ =	sdelay $0x1  }
0x249: {  	v31 =	vld [tilespmem:$0x18C0];
	v7 =	vsub.f32 v19, v7  }
0x24a: {  	v11 =	vld [tilespmem:$0x14B0];
	v16 =	vsub.f32 v55, v16  }
0x24b: {  	v5 =	vadd.f32 v6, v5;
	v6 =	vmul.f32 v8, v7;
	v7 =	vld [tilespmem:$0x1FAF0]  }
0x24c: {  	[tilespmem:$0x1FBC0] =	vst v63;
	v63 =	vld [tilespmem:$0x1880];
	v4 =	vmul.f32 v4, v16  }
0x24d: {  	v18 =	vld [tilespmem:$0x1FAE0]  }
0x24e: {  	v1 =	vadd.f32 v4, v1;
	v4 =	vld [tilespmem:$0x1FAD0]  }
0x24f: {  	v9 =	vld [tilespmem:$0x18E0]  }
0x250: {  	v7 =	vsub.f32 v11, v7;
	v11 =	vld [tilespmem:$0x1FB00]  }
0x251: {  	v13 =	vld [tilespmem:$0x17D0]  }
0x252: {  	[tilespmem:$0x1FBD0] =	vst v63;
	v63 =	vld [tilespmem:$0x1580]  }
0x253: {  	v14 =	vld [tilespmem:$0x14D0];
	v4 =	vsub.f32 v18, v4  }
0x254: {  	v19 =	vld [tilespmem:$0x1FB20]  }
0x255: {  	v4 =	vmul.f32 v11, v4;
	v11 =	vld [tilespmem:$0x1FB10]  }
0x256: {  	v5 =	vadd.f32 v6, v5;
	v6 =	vmul.f32 v13, v7;
	v7 =	vld [tilespmem:$0x1FB30]  }
0x257: {  	v53 =	vadd.s32 $0xF4, v50;
	v1 =	vadd.f32 v4, v1;
	v4 =	vld [tilespmem:$0x1FB40]  }
0x258: {  	v56 =	vld [tilespmem:$0x17F0]  }
0x259: {  	v12 =	vld [tilespmem:$0x14F0]  }
0x25a: {  	v17 =	vld [tilespmem:$0x1510];
	v11 =	vsub.f32 v19, v11  }
0x25b: {  	[tilespmem:$0xB30] =	vst v51;
	v16 =	vld [tilespmem:$0x1810]  }
0x25c: {  	v10 =	vld.idx.msk [tilespmem:v53+s11+$0x0], $0xffff;
	v7 =	vsub.f32 v14, v7;
	v4 =	vmul.f32 v4, v11  }
0x25d: {  	v54 =	vadd.s32 $0x234, v50;
	v5 =	vadd.f32 v6, v5;
	v14 =	vld [tilespmem:$0x1FB60]  }
0x25e: {  	v6 =	vmul.f32 v56, v7;
	v7 =	vsub.f32 v12, v60;
	v1 =	vadd.f32 v4, v1;
	v4 =	vld [tilespmem:$0x1FB50]  }
0x25f: {  	[tilespmem:$0x1FC20] =	vst v31;
	v31 =	vld [tilespmem:$0x15C0]  }
0x260: {  	[tilespmem:$0x1FBF0] =	vst v63;
	v5 =	vadd.f32 v6, v5;
	v6 =	vmul.f32 v16, v7;
	v7 =	vsub.f32 v17, v57;
	v17 =	vld [tilespmem:$0x1FB70]  }
0x261: {  	v63 =	vld [tilespmem:$0x18A0];
	[tilespmem:$0xB70] =	vst v10  }
0x262: {  	v15 =	vld.idx.msk [tilespmem:v54+s11+$0x0], $0xffff  }
0x263: {  	v18 =	vld [tilespmem:$0x1830];
	v4 =	vsub.f32 v14, v4  }
0x264: {  	v58 =	vadd.s32 $0x374, v50;
	v60 =	vld [tilespmem:$0x1FB90]  }
0x265: {  	v4 =	vmul.f32 v17, v4;
	v17 =	vld [tilespmem:$0x1FB80]  }
0x266: {  	v19 =	vld [tilespmem:$0x1530]  }
0x267: {  	[tilespmem:$0x1FC00] =	vst v63;
	v1 =	vadd.f32 v4, v1;
	v4 =	vld [tilespmem:$0x1FBA0]  }
0x268: {  	v63 =	vld [tilespmem:$0x15A0];
	[tilespmem:$0xBB0] =	vst v15  }
0x269: {  	v8 =	vld.idx.msk [tilespmem:v58+s11+$0x0], $0xffff  }
0x26a: {  	v13 =	vld [tilespmem:$0x1850];
	v17 =	vsub.f32 v60, v17  }
0x26b: {  	v5 =	vadd.f32 v6, v5;
	v6 =	vmul.f32 v18, v7;
	v7 =	vsub.f32 v19, v51;
	v19 =	vld [tilespmem:$0x1FBC0]  }
0x26c: {  	v59 =	vadd.s32 $0x4B4, v50;
	v4 =	vmul.f32 v4, v17;
	v17 =	vld [tilespmem:$0x1FBB0]  }
0x26d: {  	v11 =	vld [tilespmem:$0x1550]  }
0x26e: {  	v1 =	vadd.f32 v4, v1;
	v4 =	vld [tilespmem:$0x1FBD0]  }
0x26f: {  	v61 =	vld [tilespmem:$0x1890]  }
0x270: {  	[tilespmem:$0xBF0] =	vst v8;
	v12 =	vld [tilespmem:$0x1870]  }
0x271: {  	v16 =	vld.idx.msk [tilespmem:v59+s11+$0x0], $0xffff;
	v17 =	vsub.f32 v19, v17  }
0x272: {  	v5 =	vadd.f32 v6, v5;
	v6 =	vmul.f32 v13, v7;
	v7 =	vsub.f32 v11, v10;
	v11 =	vld [tilespmem:$0x1FBE0]  }
0x273: {  	v62 =	vadd.s32 $0x5F4, v50;
	v13 =	vld [tilespmem:$0x1FBF0];
	v4 =	vmul.f32 v4, v17  }
0x274: {  	v14 =	vld [tilespmem:$0x1570]  }
0x275: {  	v1 =	vadd.f32 v4, v1;
	v4 =	vld [tilespmem:$0x1FC00]  }
0x276: {  	v18 =	vld [tilespmem:$0x1590]  }
0x277: {  	[tilespmem:$0xC30] =	vst v16;
	v10 =	vld [tilespmem:$0x15B0]  }
0x278: {  	v5 =	vadd.f32 v6, v5;
	v6 =	vmul.f32 v12, v7;
	v12 =	vld.idx.msk [tilespmem:v62+s11+$0x0], $0xffff;
	v11 =	vsub.f32 v13, v11  }
0x279: {  	v7 =	vsub.f32 v14, v15;
	v15 =	vld [tilespmem:$0x1FC30]  }
0x27a: {  	[tilespmem:$0x1FC40] =	vst v31;
	v4 =	vmul.f32 v4, v11;
	v11 =	vld [tilespmem:$0x1FC10]  }
0x27b: {  	v5 =	vadd.f32 v6, v5;
	v6 =	vmul.f32 v61, v7;
	v7 =	vsub.f32 v18, v8;
	v8 =	vld [tilespmem:$0x1FC40]  }
0x27c: {  	v1 =	vadd.f32 v4, v1;
	v4 =	vld [tilespmem:$0x1FC20]  }
0x27d: {  	v19 =	vld [tilespmem:$0x18B0]  }
0x27e: {  	v13 =	vld [tilespmem:$0x18D0]  }
0x27f: {  	v14 =	vld [tilespmem:$0x15D0];
	v11 =	vsub.f32 v63, v11;
	_ =	sdelay $0x1  }
0x280: {  	v8 =	vsub.f32 v8, v15;
	v4 =	vmul.f32 v4, v11;
	v11 =	vld [tilespmem:$0x18F0]  }
0x281: {  	v5 =	vadd.f32 v6, v5;
	v6 =	vmul.f32 v19, v7;
	v7 =	vsub.f32 v10, v16  }
0x282: {  	v1 =	vadd.f32 v4, v1;
	v4 =	vmul.f32 v9, v8  }
0x283: {  	v5 =	vadd.f32 v6, v5;
	v6 =	vmul.f32 v13, v7;
	v7 =	vsub.f32 v14, v12  }
0x284: {  	v1 =	vadd.f32 v4, v1  }
0x285: {  	[tilespmem:$0xC70] =	vst v12;
	v4 =	vadd.f32 v6, v5;
	v6 =	vmov s11;
	v5 =	vmul.f32 v11, v7  }
0x286: {  	[tilespmem:$0x4160] =	vst v1;
	v1 =	vand.u32 $0x3F, v6  }
0x287: {  	[tilespmem:$0xC60] =	vst v15;
	v7 =	vimm.f32 $0.0e+00;
	v4 =	vadd.f32 v5, v4;
	v5 =	vadd.s32 $0x30, v1  }
0x288: {  	[tilespmem:$0x41A0] =	vst v7  }
0x289: {  	[tilespmem:$0x41B0] =	vst v7  }
0x28a: {  	[tilespmem:$0x4170] =	vst v4  }
0x28b: {  	v4 =	vld.idx.msk [tilespmem:v6+s16+$0x0], $0xffff  }
0x28c: {  	v5 =	vld.idx.msk [tilespmem:v5+s16+$0x0], $0xffff;
	_ =	sdelay $0x2  }
0x28d: {  	v8 =	vadd.s32 $0x60, v1  }
0x28e: {  	v1 =	vadd.s32 $0x90, v1;
	v4 =	vshll.u32 v4, $0x6  }
0x28f: {  	v10 =	vor.u32 v0, v4;
	v9 =	vshll.u32 v5, $0x6  }
0x290: {  	v7 =	vor.u32 $0x20, v0;
	v11 =	vor.u32 v0, v9  }
0x291: {  	v13 =	vor.u32 v7, v4  }
0x292: {  	v6 =	vor.u32 $0x10, v0;
	v8 =	vld.idx.msk [tilespmem:v8+s16+$0x0], $0xffff;
	v12 =	vor.u32 v7, v9  }
0x293: {  	v1 =	vld.idx.msk [tilespmem:v1+s16+$0x0], $0xffff;
	v15 =	vor.u32 v6, v4  }
0x294: {  	v5 =	vor.u32 $0x30, v0;
	v14 =	vor.u32 v6, v9;
	v10 =	vld.idx.msk [tilespmem:v10+s1+$0x0], $0xffff  }
0x295: {  	v4 =	vor.u32 v5, v4;
	v11 =	vld.idx.msk [tilespmem:v11+s1+$0x0], $0xffff  }
0x296: {  	v9 =	vor.u32 v5, v9;
	v13 =	vld.idx.msk [tilespmem:v13+s1+$0x0], $0xffff  }
0x297: {  	v8 =	vshll.u32 v8, $0x6;
	v12 =	vld.idx.msk [tilespmem:v12+s1+$0x0], $0xffff  }
0x298: {  	v1 =	vshll.u32 v1, $0x6;
	v16 =	vor.u32 v0, v8;
	v15 =	vld.idx.msk [tilespmem:v15+s1+$0x0], $0xffff  }
0x299: {  	v17 =	vor.u32 v0, v1;
	v14 =	vld.idx.msk [tilespmem:v14+s1+$0x0], $0xffff  }
0x29a: {  	v4 =	vld.idx.msk [tilespmem:v4+s1+$0x0], $0xffff;
	v10 =	vsub.f32 v10, v11;
	v11 =	vor.u32 v7, v8  }
0x29b: {  	s23 =	simm.s32 $0x2D20;
	v18 =	vor.u32 v7, v1;
	v9 =	vld.idx.msk [tilespmem:v9+s1+$0x0], $0xffff  }
0x29c: {  	v19 =	vor.u32 v6, v8;
	[tilespmem:s23+$0xFFFFFFE0] =	vst v10;
	v10 =	vsub.f32 v13, v12  }
0x29d: {  	v13 =	vor.u32 v6, v1;
	v16 =	vld.idx.msk [tilespmem:v16+s1+$0x0], $0xffff  }
0x29e: {  	v12 =	vsub.f32 v15, v14;
	v14 =	vor.u32 v5, v8;
	v15 =	vld.idx.msk [tilespmem:v17+s1+$0x0], $0xffff;
	[tilespmem:s23+$0x0] =	vst v10  }
0x29f: {  	v1 =	vor.u32 v5, v1;
	v10 =	vld.idx.msk [tilespmem:v11+s1+$0x0], $0xffff  }
0x2a0: {  	v8 =	vsub.f32 v4, v9;
	[tilespmem:s23+$0xFFFFFFF0] =	vst v12;
	v12 =	vld.idx.msk [tilespmem:v18+s1+$0x0], $0xffff  }
0x2a1: {  	s24 =	simm.s32 $0x1;
	v11 =	vld.idx.msk [tilespmem:v19+s1+$0x0], $0xffff  }
0x2a2: {  	v4 =	vmov s24;
	[tilespmem:s23+$0x10] =	vst v8;
	v13 =	vld.idx.msk [tilespmem:v13+s1+$0x0], $0xffff  }
0x2a3: {  	s9 =	simm.s32 $0x3720;
	s8 =	simm.s32 $0x2D60;
	s7 =	simm.s32 $0x3760;
	v8 =	vand.u32 $0x3F, v4;
	v14 =	vld.idx.msk [tilespmem:v14+s1+$0x0], $0xffff  }
0x2a4: {  	s22 =	simm.s32 $0x3760;
	s24 =	simm.s32 $0x2;
	s23 =	simm.s32 $0x2D60;
	v9 =	vadd.s32 $0x30, v8;
	v16 =	vsub.f32 v16, v15;
	v15 =	vld.idx.msk [tilespmem:v1+s1+$0x0], $0xffff  }
.LBB2_4:
0x2a5: {  	p0 =	sne.s32 s24, $0x27;
	s22 =	sadd.s32 $0x40, s22;
	s23 =	sadd.s32 $0x40, s23  }
0x2a6: {  	v1 =	vsub.f32 v10, v12;
	s10 =	smov.u32 s24;
	s24 =	sadd.s32 $0x1, s24;
	[tilespmem:s9+$0xFFFFFFE0] =	vst v16  }
0x2a7: {  	v10 =	vmov s10  }
0x2a8: {  	v12 =	vand.u32 $0x3F, v10;
	v11 =	vsub.f32 v11, v13;
	[tilespmem:s9+$0x0] =	vst v1  }
0x2a9: {  	v1 =	vadd.s32 $0x30, v12  }
0x2aa: {  	[tilespmem:s9+$0xFFFFFFF0] =	vst v11;
	v11 =	vsub.f32 v14, v15;
	_ =	sdelay $0x1  }
0x2ab: {  	[tilespmem:s9+$0x10] =	vst v11;
	s9 =	smov.u32 s7;
	s7 =	smov.u32 s22  }
0x2ac: {  	v11 =	vld.idx.msk [tilespmem:v4+s16+$0x0], $0xffff;
	v4 =	vmov v10  }
0x2ad: {  	v10 =	vld.idx.msk [tilespmem:v9+s16+$0x0], $0xffff;
	v9 =	vmov v1;
	_ =	sdelay $0x3  }
0x2ae: {  	v1 =	vadd.s32 $0x60, v8  }
0x2af: {  	v13 =	vadd.s32 $0x90, v8;
	v8 =	vmov v12;
	v11 =	vshll.u32 v11, $0x6  }
0x2b0: {  	v10 =	vshll.u32 v10, $0x6;
	v12 =	vor.u32 v0, v11;
	v14 =	vor.u32 v6, v11  }
0x2b1: {  	v17 =	vor.u32 v7, v11;
	v15 =	vor.u32 v0, v10;
	v16 =	vor.u32 v6, v10  }
0x2b2: {  	v11 =	vor.u32 v5, v11;
	v18 =	vor.u32 v7, v10;
	v10 =	vor.u32 v5, v10  }
0x2b3: {  	v1 =	vld.idx.msk [tilespmem:v1+s16+$0x0], $0xffff  }
0x2b4: {  	v13 =	vld.idx.msk [tilespmem:v13+s16+$0x0], $0xffff  }
0x2b5: {  	v12 =	vld.idx.msk [tilespmem:v12+s1+$0x0], $0xffff  }
0x2b6: {  	v15 =	vld.idx.msk [tilespmem:v15+s1+$0x0], $0xffff  }
0x2b7: {  	v18 =	vld.idx.msk [tilespmem:v18+s1+$0x0], $0xffff  }
0x2b8: {  	v17 =	vld.idx.msk [tilespmem:v17+s1+$0x0], $0xffff  }
0x2b9: {  	v1 =	vshll.u32 v1, $0x6;
	v16 =	vld.idx.msk [tilespmem:v16+s1+$0x0], $0xffff  }
0x2ba: {  	v13 =	vshll.u32 v13, $0x6;
	v19 =	vor.u32 v0, v1;
	v14 =	vld.idx.msk [tilespmem:v14+s1+$0x0], $0xffff  }
0x2bb: {  	v20 =	vor.u32 v0, v13;
	v11 =	vld.idx.msk [tilespmem:v11+s1+$0x0], $0xffff  }
0x2bc: {  	v12 =	vsub.f32 v12, v15;
	v15 =	vor.u32 v7, v1;
	v21 =	vld.idx.msk [tilespmem:v10+s1+$0x0], $0xffff  }
0x2bd: {  	v22 =	vor.u32 v7, v13  }
0x2be: {  	v23 =	vor.u32 v6, v1;
	v10 =	vsub.f32 v17, v18;
	[tilespmem:s8+$0xFFFFFFE0] =	vst v12  }
0x2bf: {  	v18 =	vor.u32 v6, v13;
	v17 =	vld.idx.msk [tilespmem:v19+s1+$0x0], $0xffff  }
0x2c0: {  	v1 =	vor.u32 v5, v1;
	v12 =	vsub.f32 v14, v16;
	v19 =	vld.idx.msk [tilespmem:v20+s1+$0x0], $0xffff;
	[tilespmem:s8+$0x0] =	vst v10  }
0x2c1: {  	v10 =	vld.idx.msk [tilespmem:v15+s1+$0x0], $0xffff;
	v15 =	vor.u32 v5, v13  }
.Ltmp1:
0x2c2: {  	v14 =	vsub.f32 v11, v21;
	[tilespmem:s8+$0xFFFFFFF0] =	vst v12;
	v12 =	vld.idx.msk [tilespmem:v22+s1+$0x0], $0xffff;
	(pc) =	sbr.rel @p0 .LBB2_4-.Ltmp1, $4  }
0x2c3: {  	v11 =	vld.idx.msk [tilespmem:v23+s1+$0x0], $0xffff  }
0x2c4: {  	v13 =	vld.idx.msk [tilespmem:v18+s1+$0x0], $0xffff;
	[tilespmem:s8+$0x10] =	vst v14;
	s8 =	smov.u32 s23  }
0x2c5: {  	v14 =	vld.idx.msk [tilespmem:v1+s1+$0x0], $0xffff  }
0x2c6: {  	v16 =	vsub.f32 v17, v19;
	v15 =	vld.idx.msk [tilespmem:v15+s1+$0x0], $0xffff  }
0x2c7: {  	_ =	sdelay $0x1  }
0x2c8: {  	v1 =	vsub.f32 v10, v12  }
0x2c9: {  	[tilespmem:s9+$0xFFFFFFE0] =	vst v16;
	v46 =	vsub.f32 v11, v13  }
0x2ca: {  	[tilespmem:s9+$0x0] =	vst v1;
	v1 =	vsub.f32 v14, v15  }
0x2cb: {  	[tilespmem:s9+$0xFFFFFFF0] =	vst v46  }
0x2cc: {  	[tilespmem:s9+$0x10] =	vst v1  }
0x2cd: {  	v1 =	vld.idx.msk [tilespmem:v4+s16+$0x0], $0xffff  }
0x2ce: {  	v4 =	vld.idx.msk [tilespmem:v9+s16+$0x0], $0xffff;
	_ =	sdelay $0x2  }
0x2cf: {  	v47 =	vadd.s32 $0x60, v8  }
0x2d0: {  	v48 =	vadd.s32 $0x90, v8;
	v1 =	vshll.u32 v1, $0x6  }
0x2d1: {  	v4 =	vshll.u32 v4, $0x6;
	v49 =	vor.u32 v0, v1  }
0x2d2: {  	v51 =	vor.u32 v0, v4  }
0x2d3: {  	v52 =	vor.u32 v7, v4  }
0x2d4: {  	v9 =	vld.idx.msk [tilespmem:v47+s16+$0x0], $0xffff;
	v53 =	vor.u32 v7, v1  }
0x2d5: {  	v8 =	vld.idx.msk [tilespmem:v48+s16+$0x0], $0xffff;
	v54 =	vor.u32 v6, v4  }
0x2d6: {  	v55 =	vor.u32 v6, v1;
	v10 =	vld.idx.msk [tilespmem:v49+s1+$0x0], $0xffff  }
0x2d7: {  	v1 =	vor.u32 v5, v1;
	v11 =	vld.idx.msk [tilespmem:v51+s1+$0x0], $0xffff  }
0x2d8: {  	v4 =	vor.u32 v5, v4;
	v12 =	vld.idx.msk [tilespmem:v52+s1+$0x0], $0xffff  }
0x2d9: {  	v9 =	vshll.u32 v9, $0x6;
	v13 =	vld.idx.msk [tilespmem:v53+s1+$0x0], $0xffff  }
0x2da: {  	v8 =	vshll.u32 v8, $0x6;
	v56 =	vor.u32 v0, v9;
	v14 =	vld.idx.msk [tilespmem:v54+s1+$0x0], $0xffff  }
0x2db: {  	v17 =	vor.u32 v0, v8;
	v15 =	vld.idx.msk [tilespmem:v55+s1+$0x0], $0xffff  }
0x2dc: {  	v57 =	vor.u32 v7, v9;
	v1 =	vld.idx.msk [tilespmem:v1+s1+$0x0], $0xffff;
	v10 =	vsub.f32 v10, v11  }
0x2dd: {  	v58 =	vor.u32 v7, v8;
	v4 =	vld.idx.msk [tilespmem:v4+s1+$0x0], $0xffff  }
0x2de: {  	v59 =	vor.u32 v6, v9;
	v12 =	vsub.f32 v13, v12;
	[tilespmem:s8+$0xFFFFFFE0] =	vst v10  }
0x2df: {  	v61 =	vor.u32 v6, v8;
	v60 =	vld.idx.msk [tilespmem:v56+s1+$0x0], $0xffff  }
0x2e0: {  	v9 =	vor.u32 v5, v9;
	v14 =	vsub.f32 v15, v14;
	[tilespmem:s8+$0x0] =	vst v12;
	v62 =	vld.idx.msk [tilespmem:v17+s1+$0x0], $0xffff  }
0x2e1: {  	v5 =	vor.u32 v5, v8;
	v11 =	vld.idx.msk [tilespmem:v57+s1+$0x0], $0xffff  }
0x2e2: {  	v1 =	vsub.f32 v1, v4;
	[tilespmem:s8+$0xFFFFFFF0] =	vst v14;
	v7 =	vld.idx.msk [tilespmem:v58+s1+$0x0], $0xffff  }
0x2e3: {  	v4 =	vld.idx.msk [tilespmem:v59+s1+$0x0], $0xffff  }
0x2e4: {  	[tilespmem:s8+$0x10] =	vst v1;
	v6 =	vld.idx.msk [tilespmem:v61+s1+$0x0], $0xffff  }
0x2e5: {  	v1 =	vld.idx.msk [tilespmem:v9+s1+$0x0], $0xffff  }
0x2e6: {  	v5 =	vld.idx.msk [tilespmem:v5+s1+$0x0], $0xffff;
	_ =	sdelay $0x1  }
0x2e7: {  	v63 =	vsub.f32 v60, v62  }
0x2e8: {  	v7 =	vsub.f32 v11, v7  }
0x2e9: {  	v4 =	vsub.f32 v4, v6;
	[tilespmem:s7+$0xFFFFFFE0] =	vst v63  }
0x2ea: {  	v1 =	vsub.f32 v1, v5;
	[tilespmem:s7+$0x0] =	vst v7  }
0x2eb: {  	[tilespmem:s7+$0xFFFFFFF0] =	vst v4  }
0x2ec: {  	[tilespmem:s7+$0x10] =	vst v1  }
0x2ed: {  	_ =	swait.ge [sflag:s0], $0xA00  }
0x2ee: {  	[sflag:s0] =	ssyncset.done $0x0  }
0x2ef: {  	[sflag:s0] =	ssyncadd.s32 $0xFFFFF600  }
0x2f0: {  	_ =	swait.ge [sflag:s25], $0xA00  }
0x2f1: {  	[sflag:s25] =	ssyncset.done $0x0  }
0x2f2: {  	[sflag:s25] =	ssyncadd.s32 $0xFFFFF600  }
0x2f3: {  	_ =	swait.ge [sflag:s26], $0x40  }
0x2f4: {  	[sflag:s26] =	ssyncset.done $0x0  }
0x2f5: {  	s7 =	simm.s32 $0x0;
	[sflag:s26] =	ssyncadd.s32 $0xFFFFFFC0  }
.LBB2_6:
0x2f6: {  	p1 =	por $0x1, $0x1;
	s8 =	simm.s32 $0x0  }
.LBB2_7:
0x2f7: {  	s9 =	sshll.u32 s8, $0x2  }
0x2f8: {  	s9 =	sshra.s32 s9, $0x2  }
0x2f9: {  	s10 =	sadd.s32 $0x1900, s9  }
0x2fa: {  	s11 =	sadd.s32 $0x2300, s9;
	v5 =	vmov s10  }
0x2fb: {  	s24 =	sadd.s32 $0x2D00, s9;
	v6 =	vmov s11  }
0x2fc: {  	s9 =	sadd.s32 $0x3700, s9;
	v7 =	vmov s24  }
0x2fd: {  	v8 =	vmov s9  }
0x2fe: {  	v14 =	vld [tilespmem:s8+$0x4180];
	s11 =	simm.s32 $0x0  }
0x2ff: {  	v1 =	vld.idx.msk [tilespmem:v5+s11+$0x0 ss:$0x1], $0xffff  }
0x300: {  	v4 =	vld.idx.msk [tilespmem:v6+s11+$0x0 ss:$0x1], $0xffff  }
0x301: {  	v18 =	vld.idx.msk [tilespmem:v7+s11+$0x0 ss:$0x1], $0xffff  }
0x302: {  	v13 =	vld.idx.msk [tilespmem:v8+s11+$0x0 ss:$0x1], $0xffff;
	_ =	sdelay $0x1  }
0x303: {  	s22 =	simm.s32 $0x40  }
0x304: {  	v15 =	vld.idx.msk [tilespmem:v6+s22+$0x0 ss:$0x1], $0xffff;
	v10 =	vmul.f32 v1, v14;
	v11 =	vmul.f32 v4, v14  }
0x305: {  	v9 =	vld.idx.msk [tilespmem:v5+s22+$0x0 ss:$0x1], $0xffff  }
0x306: {  	v16 =	vld.idx.msk [tilespmem:v8+s22+$0x0 ss:$0x1], $0xffff;
	v10 =	vadd.f32 v10, v18;
	v12 =	vadd.f32 v11, v13  }
0x307: {  	s23 =	simm.s32 $0x80;
	v11 =	vld.idx.msk [tilespmem:v7+s22+$0x0 ss:$0x1], $0xffff  }
0x308: {  	v21 =	vld.idx.msk [tilespmem:v6+s23+$0x0 ss:$0x1], $0xffff;
	v10 =	vmul.f32 v10, v10;
	v12 =	vmul.f32 v12, v12  }
0x309: {  	v20 =	vmul.f32 v4, v13;
	v13 =	vmul.f32 v15, v14  }
0x30a: {  	v19 =	vmul.f32 v9, v14;
	v22 =	vmul.f32 v4, v4;
	v17 =	vadd.f32 v12, v10;
	v12 =	vld.idx.msk [tilespmem:v5+s23+$0x0 ss:$0x1], $0xffff  }
0x30b: {  	v23 =	vmul.f32 v1, v1;
	v24 =	vadd.f32 v13, v16;
	v13 =	vmul.f32 v15, v16;
	v16 =	vld.idx.msk [tilespmem:v8+s23+$0x0 ss:$0x1], $0xffff  }
0x30c: {  	v4 =	vld.idx.msk [tilespmem:v7+s23+$0x0 ss:$0x1], $0xffff;
	v19 =	vadd.f32 v19, v11;
	v17 =	vadd.f32 $9.999999740e-05, v17  }
0x30d: {  	v26 =	vmul.f32 v24, v24;
	v24 =	vadd.f32 v22, v23;
	v22 =	vmul.f32 v21, v14  }
0x30e: {  	v19 =	vmul.f32 v19, v19;
	v25 =	vshra.s32 v17, $0x1;
	v17 =	vmul.f32 $-5.000000000e-01, v17  }
0x30f: {  	v1 =	vmul.f32 v1, v18;
	v27 =	vmul.f32 v12, v14;
	v25 =	vsub.s32 $0x5F3759DF, v25  }
0x310: {  	v22 =	vadd.f32 v22, v16;
	v26 =	vadd.f32 v26, v19;
	v17 =	vmul.f32 v25, v17  }
0x311: {  	s24 =	simm.s32 $0xC0;
	v15 =	vmul.f32 v15, v15;
	v23 =	vmul.f32 v9, v9;
	v27 =	vadd.f32 v27, v4  }
0x312: {  	v19 =	vld.idx.msk [tilespmem:v5+s24+$0x0 ss:$0x1], $0xffff;
	v22 =	vmul.f32 v22, v22;
	v29 =	vadd.f32 $9.999999740e-05, v26;
	v28 =	vmul.f32 v25, v17  }
0x313: {  	v17 =	vadd.f32 v15, v23;
	v15 =	vmul.f32 v21, v16;
	v16 =	vld.idx.msk [tilespmem:v6+s24+$0x0 ss:$0x1], $0xffff;
	v23 =	vmul.f32 v27, v27  }
0x314: {  	v18 =	vmul.f32 v21, v21;
	v21 =	vmul.f32 v12, v12  }
0x315: {  	v27 =	vadd.f32 $1.500000000e+00, v28;
	v26 =	vadd.f32 v22, v23;
	v22 =	vmul.f32 $-5.000000000e-01, v29  }
0x316: {  	v1 =	vadd.f32 v20, v1;
	v20 =	vadd.f32 v18, v21;
	v21 =	vshra.s32 v29, $0x1;
	v18 =	vld.idx.msk [tilespmem:v7+s24+$0x0 ss:$0x1], $0xffff  }
0x317: {  	v28 =	vmul.f32 v25, v27;
	v25 =	vsub.s32 $0x5F3759DF, v21;
	v21 =	vld.idx.msk [tilespmem:v8+s24+$0x0 ss:$0x1], $0xffff  }
0x318: {  	v10 =	vimm.f32 $0.0e+00;
	v30 =	vmul.f32 v19, v14;
	v31 =	vmul.f32 v16, v14  }
0x319: {  	p0 =	por p1, p1;
	s9 =	simm.s32 $0x400;
	v23 =	vimm.f32 $0.0e+00;
	v29 =	vmul.f32 v25, v22;
	v27 =	vmul.f32 v28, v1;
	v22 =	vmovc v19  }
.LBB2_8:
0x31a: {  	v1 =	vmov v19  }
0x31b: {  	s10 =	sshra.s32 s9, $0x2;
	p1 =	sne.s32 s9, $0x2700;
	s9 =	sadd.s32 $0x100, s9;
	v30 =	vadd.f32 v30, v18;
	v24 =	vmul.f32 v28, v24;
	v10 =	vadd.f32 v27, v10;
	v27 =	vmovc v18  }
0x31c: {  	v28 =	vadd.f32 v31, v21;
	v31 =	vmul.f32 v16, v21;
	v21 =	vmul.f32 v25, v29;
	v19 =	vld.idx.msk [tilespmem:v5+s10+$0x0 ss:$0x1], $0xffff  }
0x31d: {  	v29 =	vmul.f32 v30, v30;
	v30 =	vmul.f32 v16, v16;
	v23 =	vadd.f32 v24, v23;
	v16 =	vld.idx.msk [tilespmem:v6+s10+$0x0 ss:$0x1], $0xffff  }
0x31e: {  	v32 =	vmul.f32 v9, v11;
	v9 =	vmovc v12;
	v34 =	vmul.f32 v28, v28;
	v28 =	vadd.f32 $1.500000000e+00, v21;
	v18 =	vld.idx.msk [tilespmem:v7+s10+$0x0 ss:$0x1], $0xffff  }
.Ltmp2:
0x31f: {  	v33 =	vadd.f32 $9.999999740e-05, v26;
	v12 =	vmovc v22;
	v11 =	vmovc v4;
	v1 =	vmul.f32 v1, v22;
	v4 =	vmov v27;
	v21 =	vld.idx.msk [tilespmem:v8+s10+$0x0 ss:$0x1], $0xffff;
	(pc) =	sbr.rel @p1 .LBB2_8-.Ltmp2, $4  }
0x320: {  	v32 =	vadd.f32 v13, v32;
	v13 =	vmovc v15;
	v26 =	vadd.f32 v34, v29;
	v28 =	vmul.f32 v25, v28  }
0x321: {  	v15 =	vmovc v31;
	v1 =	vadd.f32 v30, v1;
	v24 =	vmovc v17;
	v25 =	vshra.s32 v33, $0x1;
	v29 =	vmul.f32 $-5.000000000e-01, v33  }
0x322: {  	v17 =	vmovc v20;
	v25 =	vsub.s32 $0x5F3759DF, v25;
	v30 =	vmul.f32 v19, v14;
	v27 =	vmul.f32 v28, v32;
	v22 =	vmovc v19  }
0x323: {  	v20 =	vmov v1;
	v29 =	vmul.f32 v25, v29;
	v31 =	vmul.f32 v16, v14  }
0x324: {  	_ = 	snop  }
0x325: {  	v1 =	vadd.f32 v30, v18;
	v14 =	vadd.f32 v31, v21;
	_ =	sdelay $0x1  }
0x326: {  	v1 =	vmul.f32 v1, v1;
	v14 =	vmul.f32 v14, v14;
	_ =	sdelay $0x1  }
0x327: {  	v26 =	vadd.f32 $9.999999740e-05, v26;
	v1 =	vadd.f32 v14, v1;
	_ =	sdelay $0x1  }
0x328: {  	v14 =	vshra.s32 v26, $0x1;
	v26 =	vmul.f32 $-5.000000000e-01, v26;
	v1 =	vadd.f32 $9.999999740e-05, v1  }
0x329: {  	v29 =	vmul.f32 v25, v29;
	v14 =	vsub.s32 $0x5F3759DF, v14  }
0x32a: {  	v26 =	vmul.f32 v14, v26;
	v30 =	vshra.s32 v1, $0x1;
	v1 =	vmul.f32 $-5.000000000e-01, v1  }
0x32b: {  	v30 =	vsub.s32 $0x5F3759DF, v30  }
0x32c: {  	v29 =	vadd.f32 $1.500000000e+00, v29;
	v26 =	vmul.f32 v14, v26;
	v1 =	vmul.f32 v30, v1  }
0x32d: {  	v24 =	vmul.f32 v28, v24  }
0x32e: {  	v25 =	vmul.f32 v25, v29;
	v26 =	vadd.f32 $1.500000000e+00, v26;
	v1 =	vmul.f32 v30, v1  }
0x32f: {  	v28 =	vmul.f32 v16, v16;
	v19 =	vmul.f32 v19, v22;
	v23 =	vadd.f32 v24, v23  }
0x330: {  	v17 =	vmul.f32 v25, v17;
	v14 =	vmul.f32 v14, v26;
	v1 =	vadd.f32 $1.500000000e+00, v1  }
0x331: {  	v19 =	vadd.f32 v28, v19  }
0x332: {  	v17 =	vadd.f32 v17, v23;
	v20 =	vmul.f32 v14, v20;
	v1 =	vmul.f32 v30, v1;
	_ =	sdelay $0x1  }
0x333: {  	v17 =	vadd.f32 v20, v17;
	v19 =	vmul.f32 v1, v19  }
0x334: {  	v9 =	vmul.f32 v9, v11;
	v11 =	vld [tilespmem:s8+$0x4100]  }
0x335: {  	v17 =	vadd.f32 v19, v17  }
0x336: {  	v4 =	vmul.f32 v12, v4;
	v9 =	vadd.f32 v13, v9  }
0x337: {  	v10 =	vadd.f32 v27, v10;
	v16 =	vmul.f32 v16, v21;
	v12 =	vld [tilespmem:s8+$0x4190];
	s9 =	simm.s32 $0x10;
	v13 =	vmul.f32 $1.500000000e+01, v17  }
0x338: {  	v4 =	vadd.f32 v15, v4;
	v15 =	vmul.f32 v22, v18;
	v18 =	vld.idx.msk [tilespmem:v5+s9+$0x0 ss:$0x1], $0xffff;
	v9 =	vmul.f32 v25, v9  }
0x339: {  	v17 =	vld.idx.msk [tilespmem:v6+s9+$0x0 ss:$0x1], $0xffff;
	v11 =	vadd.f32 v11, v13  }
0x33a: {  	v9 =	vadd.f32 v9, v10;
	v10 =	vadd.f32 v16, v15;
	v4 =	vmul.f32 v14, v4;
	v14 =	vld.idx.msk [tilespmem:v8+s9+$0x0 ss:$0x1], $0xffff  }
0x33b: {  	v20 =	vld.idx.msk [tilespmem:v7+s9+$0x0 ss:$0x1], $0xffff;
	(erf) = vrcp.f32 v11  }
0x33c: {  	v4 =	vadd.f32 v4, v9;
	v1 =	vmul.f32 v1, v10  }
0x33d: {  	s24 =	simm.s32 $0x90;
	v10 =	vld [tilespmem:s8+$0x4140]  }
0x33e: {  	s23 =	simm.s32 $0x50;
	v22 =	vld.idx.msk [tilespmem:v6+s24+$0x0 ss:$0x1], $0xffff;
	v1 =	vadd.f32 v1, v4;
	v4 =	vmul.f32 v18, v12;
	v11 =	vmul.f32 v17, v12  }
0x33f: {  	v15 =	vld.idx.msk [tilespmem:v6+s23+$0x0 ss:$0x1], $0xffff  }
0x340: {  	v9 =	vld.idx.msk [tilespmem:v5+s23+$0x0 ss:$0x1], $0xffff;
	v1 =	vmul.f32 $1.500000000e+01, v1;
	v4 =	vadd.f32 v4, v20;
	v13 =	vadd.f32 v11, v14  }
0x341: {  	v16 =	vld.idx.msk [tilespmem:v8+s23+$0x0 ss:$0x1], $0xffff  }
0x342: {  	v1 =	vsub.f32 v10, v1;
	v4 =	vmul.f32 v4, v4;
	v11 =	vld.idx.msk [tilespmem:v7+s23+$0x0 ss:$0x1], $0xffff;
	v10 =	vmul.f32 v13, v13  }
0x343: {  	v24 =	vmul.f32 v18, v18;
	v21 =	vmul.f32 v17, v14  }
0x344: {  	v17 =	vmul.f32 v17, v17;
	v14 =	vmul.f32 v15, v12;
	v19 =	vadd.f32 v10, v4;
	v13 =	vpop (erf)  }
0x345: {  	v4 =	vmul.f32 v9, v12;
	v1 =	vmul.f32 v13, v1;
	v13 =	vld.idx.msk [tilespmem:v5+s24+$0x0 ss:$0x1], $0xffff  }
0x346: {  	v24 =	vadd.f32 v17, v24;
	v19 =	vadd.f32 $9.999999740e-05, v19  }
0x347: {  	v17 =	vmul.f32 v22, v12;
	v25 =	vadd.f32 v14, v16;
	v23 =	vadd.f32 v4, v11;
	v4 =	vld.idx.msk [tilespmem:v7+s24+$0x0 ss:$0x1], $0xffff  }
0x348: {  	v14 =	vmul.f32 v15, v16;
	v16 =	vld.idx.msk [tilespmem:v8+s24+$0x0 ss:$0x1], $0xffff;
	v26 =	vshra.s32 v19, $0x1;
	v19 =	vmul.f32 $-5.000000000e-01, v19  }
0x349: {  	v25 =	vmul.f32 v25, v25;
	v23 =	vmul.f32 v23, v23;
	v28 =	vsub.s32 $0x5F3759DF, v26  }
0x34a: {  	v19 =	vmul.f32 v28, v19;
	v27 =	vmul.f32 v13, v12  }
0x34b: {  	v15 =	vmul.f32 v15, v15;
	v26 =	vmul.f32 v9, v9  }
0x34c: {  	v23 =	vadd.f32 v25, v23;
	v29 =	vmul.f32 v28, v19;
	v27 =	vadd.f32 v27, v4  }
0x34d: {  	s10 =	simm.s32 $0xD0;
	v18 =	vmul.f32 v18, v20;
	v25 =	vadd.f32 v17, v16;
	v17 =	vadd.f32 v15, v26  }
0x34e: {  	v15 =	vmul.f32 v22, v16;
	v16 =	vld.idx.msk [tilespmem:v6+s10+$0x0 ss:$0x1], $0xffff;
	v26 =	vmul.f32 v27, v27;
	v27 =	vadd.f32 $1.500000000e+00, v29  }
0x34f: {  	v20 =	vmul.f32 v22, v22;
	v19 =	vld.idx.msk [tilespmem:v5+s10+$0x0 ss:$0x1], $0xffff;
	v22 =	vmul.f32 v13, v13;
	v23 =	vadd.f32 $9.999999740e-05, v23  }
0x350: {  	v21 =	vadd.f32 v21, v18;
	v28 =	vmul.f32 v28, v27  }
0x351: {  	v18 =	vld.idx.msk [tilespmem:v7+s10+$0x0 ss:$0x1], $0xffff;
	v25 =	vmul.f32 v25, v25;
	v20 =	vadd.f32 v20, v22;
	v22 =	vshra.s32 v23, $0x1  }
0x352: {  	v10 =	vimm.f32 $0.0e+00;
	v23 =	vmul.f32 $-5.000000000e-01, v23;
	v27 =	vmul.f32 v28, v21;
	v21 =	vld.idx.msk [tilespmem:v8+s10+$0x0 ss:$0x1], $0xffff  }
0x353: {  	v31 =	vmul.f32 v16, v12;
	v26 =	vadd.f32 v25, v26;
	v25 =	vsub.s32 $0x5F3759DF, v22  }
0x354: {  	s9 =	simm.s32 $0x440;
	[tilespmem:s8+$0x4180] =	vst v1;
	s8 =	sor.u32 $0x10, s8;
	v30 =	vmul.f32 v19, v12;
	v22 =	vmovc v19;
	v29 =	vmul.f32 v25, v23;
	v23 =	vimm.f32 $0.0e+00  }
.LBB2_10:
0x355: {  	v1 =	vmov v19  }
0x356: {  	s10 =	sshra.s32 s9, $0x2;
	p1 =	sne.s32 s9, $0x2740;
	s9 =	sadd.s32 $0x100, s9;
	v30 =	vadd.f32 v30, v18;
	v24 =	vmul.f32 v28, v24;
	v10 =	vadd.f32 v27, v10;
	v27 =	vmovc v18  }
0x357: {  	v28 =	vadd.f32 v31, v21;
	v31 =	vmul.f32 v16, v21;
	v21 =	vmul.f32 v25, v29;
	v19 =	vld.idx.msk [tilespmem:v5+s10+$0x0 ss:$0x1], $0xffff  }
0x358: {  	v29 =	vmul.f32 v30, v30;
	v30 =	vmul.f32 v16, v16;
	v23 =	vadd.f32 v24, v23;
	v16 =	vld.idx.msk [tilespmem:v6+s10+$0x0 ss:$0x1], $0xffff  }
0x359: {  	v32 =	vmul.f32 v9, v11;
	v9 =	vmovc v13;
	v34 =	vmul.f32 v28, v28;
	v28 =	vadd.f32 $1.500000000e+00, v21;
	v18 =	vld.idx.msk [tilespmem:v7+s10+$0x0 ss:$0x1], $0xffff  }
.Ltmp3:
0x35a: {  	v33 =	vadd.f32 $9.999999740e-05, v26;
	v13 =	vmovc v22;
	v11 =	vmovc v4;
	v1 =	vmul.f32 v1, v22;
	v4 =	vmov v27;
	v21 =	vld.idx.msk [tilespmem:v8+s10+$0x0 ss:$0x1], $0xffff;
	(pc) =	sbr.rel @p1 .LBB2_10-.Ltmp3, $4  }
0x35b: {  	v32 =	vadd.f32 v14, v32;
	v14 =	vmovc v15;
	v26 =	vadd.f32 v34, v29;
	v28 =	vmul.f32 v25, v28  }
0x35c: {  	v15 =	vmovc v31;
	v1 =	vadd.f32 v30, v1;
	v24 =	vmovc v17;
	v25 =	vshra.s32 v33, $0x1;
	v29 =	vmul.f32 $-5.000000000e-01, v33  }
0x35d: {  	v17 =	vmovc v20;
	v25 =	vsub.s32 $0x5F3759DF, v25;
	v30 =	vmul.f32 v19, v12;
	v27 =	vmul.f32 v28, v32;
	v22 =	vmovc v19  }
0x35e: {  	v20 =	vmov v1;
	v29 =	vmul.f32 v25, v29;
	v31 =	vmul.f32 v16, v12  }
0x35f: {  	_ = 	snop  }
0x360: {  	v1 =	vadd.f32 v30, v18;
	v5 =	vadd.f32 v31, v21;
	_ =	sdelay $0x1  }
0x361: {  	v1 =	vmul.f32 v1, v1;
	v5 =	vmul.f32 v5, v5;
	_ =	sdelay $0x1  }
0x362: {  	v6 =	vadd.f32 $9.999999740e-05, v26;
	v1 =	vadd.f32 v5, v1;
	_ =	sdelay $0x1  }
0x363: {  	v5 =	vshra.s32 v6, $0x1;
	v6 =	vmul.f32 $-5.000000000e-01, v6;
	v1 =	vadd.f32 $9.999999740e-05, v1  }
0x364: {  	v7 =	vmul.f32 v25, v29;
	v5 =	vsub.s32 $0x5F3759DF, v5  }
0x365: {  	v6 =	vmul.f32 v5, v6;
	v8 =	vshra.s32 v1, $0x1;
	v1 =	vmul.f32 $-5.000000000e-01, v1  }
0x366: {  	v8 =	vsub.s32 $0x5F3759DF, v8  }
0x367: {  	v7 =	vadd.f32 $1.500000000e+00, v7;
	v6 =	vmul.f32 v5, v6;
	v1 =	vmul.f32 v8, v1  }
0x368: {  	v12 =	vmul.f32 v28, v24  }
0x369: {  	v7 =	vmul.f32 v25, v7;
	v6 =	vadd.f32 $1.500000000e+00, v6;
	v1 =	vmul.f32 v8, v1  }
0x36a: {  	v55 =	vmul.f32 v16, v16;
	v19 =	vmul.f32 v19, v22;
	v12 =	vadd.f32 v12, v23  }
0x36b: {  	v17 =	vmul.f32 v7, v17;
	v5 =	vmul.f32 v5, v6;
	v1 =	vadd.f32 $1.500000000e+00, v1  }
0x36c: {  	v56 =	vadd.f32 v55, v19  }
0x36d: {  	v12 =	vadd.f32 v17, v12;
	v57 =	vmul.f32 v5, v20;
	v1 =	vmul.f32 v8, v1;
	_ =	sdelay $0x1  }
0x36e: {  	v58 =	vadd.f32 v57, v12;
	v6 =	vmul.f32 v1, v56  }
0x36f: {  	v9 =	vmul.f32 v9, v11;
	v59 =	vld [tilespmem:s8+$0x4100]  }
0x370: {  	v6 =	vadd.f32 v6, v58  }
0x371: {  	v60 =	vadd.f32 v14, v9  }
0x372: {  	v4 =	vmul.f32 v13, v4;
	v6 =	vmul.f32 $1.500000000e+01, v6  }
0x373: {  	v61 =	vadd.f32 v27, v10;
	v62 =	vmul.f32 v16, v21;
	v7 =	vmul.f32 v7, v60  }
0x374: {  	v63 =	vmul.f32 v22, v18;
	v4 =	vadd.f32 v15, v4;
	v6 =	vadd.f32 v59, v6  }
0x375: {  	v7 =	vadd.f32 v7, v61  }
0x376: {  	v4 =	vmul.f32 v5, v4;
	v5 =	vadd.f32 v62, v63;
	(erf) = vrcp.f32 v6;
	_ =	sdelay $0x1  }
0x377: {  	v4 =	vadd.f32 v4, v7;
	v1 =	vmul.f32 v1, v5  }
0x378: {  	v5 =	vld [tilespmem:s8+$0x4140]  }
0x379: {  	v1 =	vadd.f32 v1, v4;
	_ =	sdelay $0x1  }
0x37a: {  	v1 =	vmul.f32 $1.500000000e+01, v1;
	_ =	sdelay $0x1  }
.Ltmp4:
0x37b: {  	v1 =	vsub.f32 v5, v1;
	(pc) =	sbr.rel @p0 .LBB2_7-.Ltmp4, $3  }
0x37c: {  	v4 =	vpop (erf)  }
0x37d: {  	v1 =	vmul.f32 v4, v1;
	_ =	sdelay $0x1  }
0x37e: {  	p1 =	por $0x0, $0x0;
	[tilespmem:s8+$0x4180] =	vst v1;
	s8 =	simm.s32 $0x20  }
0x37f: {  	s7 =	sadd.s32 $0x1, s7  }
0x380: {  	p0 =	sne.s32 s7, $0x6  }
.Ltmp5:
0x381: {  	_ = 	snop;
	(pc) =	sbr.rel @p0 .LBB2_6-.Ltmp5, $1  }
0x382: {  	_ =	sdelay $0x3  }
0x383: {  	_ =	swait.ge [sflag:s28], $0x640  }
0x384: {  	[sflag:s28] =	ssyncset.done $0x0  }
0x385: {  	s7 =	simm.s32 $0x42A0;
	[sflag:s28] =	ssyncadd.s32 $0xFFFFF9C0  }
0x386: {  	v1 =	vld [tilespmem:s7+$0x10];
	_ =	sdelay $0x1  }
0x387: {  	v4 =	vld [tilespmem:s7+$0xFFFFFFF0]  }
0x388: {  	v5 =	vld [tilespmem:s7+$0xFFFFFFE0]  }
0x389: {  	v8 =	vld [tilespmem:s7+$0x0];
	_ =	sdelay $0x1  }
0x38a: {  	s24 =	simm.s32 $0xCA0  }
0x38b: {  	v9 =	vld [tilespmem:s24+$0x10]  }
0x38c: {  	s9 =	simm.s32 $0x20;
	v1 =	vld.idx.msk [tilespmem:v1+s29+$0x0], $0xffff  }
0x38d: {  	v7 =	vld [tilespmem:s9+$0x10]  }
0x38e: {  	v4 =	vld.idx.msk [tilespmem:v4+s29+$0x0], $0xffff  }
0x38f: {  	v6 =	vld.idx.msk [tilespmem:v5+s29+$0x0], $0xffff  }
0x390: {  	v5 =	vld.idx.msk [tilespmem:v8+s29+$0x0], $0xffff  }
0x391: {  	v8 =	vld [tilespmem:s24+$0xFFFFFFE0];
	v10 =	vmul.f32 v9, v1  }
0x392: {  	s10 =	simm.s32 $0x0;
	s11 =	simm.s32 $0x42E0;
	s23 =	simm.s32 $0x20;
	v9 =	vld [tilespmem:s24+$0xFFFFFFF0]  }
.LBB2_14:
0x393: {  	v1 =	vld [tilespmem:s11+$0x10];
	s10 =	sadd.s32 $0x4, s10;
	v7 =	vadd.f32 v10, v7  }
0x394: {  	v10 =	vld [tilespmem:s11+$0xFFFFFFF0];
	p0 =	slt.u32 s10, $0x10  }
0x395: {  	s8 =	simm.s32 $0x170;
	s22 =	simm.s32 $0xDF0;
	v11 =	vld [tilespmem:s11+$0x0];
	[tilespmem:s9+$0x10] =	vst v7  }
0x396: {  	v12 =	vld [tilespmem:s11+$0xFFFFFFE0];
	v6 =	vmul.f32 v8, v6  }
0x397: {  	v8 =	vmul.f32 v9, v4;
	v4 =	vld [tilespmem:s24+$0x0]  }
0x398: {  	v7 =	vld [tilespmem:s9+$0xFFFFFFE0]  }
0x399: {  	v9 =	vld [tilespmem:s9+$0xFFFFFFF0]  }
0x39a: {  	v13 =	vld [tilespmem:s9+$0x0]  }
0x39b: {  	s24 =	sadd.s32 $0x40, s24;
	v1 =	vld.idx.msk [tilespmem:v1+s29+$0x0], $0xffff  }
0x39c: {  	v14 =	vld [tilespmem:s24+$0x10];
	v5 =	vmul.f32 v4, v5  }
0x39d: {  	s9 =	sadd.s32 $0x40, s9;
	v4 =	vld.idx.msk [tilespmem:v10+s29+$0x0], $0xffff;
	v10 =	vadd.f32 v6, v7  }
.Ltmp6:
0x39e: {  	v7 =	vld [tilespmem:s9+$0x10];
	v8 =	vadd.f32 v8, v9;
	(pc) =	sbr.rel @p0 .LBB2_14-.Ltmp6, $4  }
0x39f: {  	v6 =	vld.idx.msk [tilespmem:v12+s29+$0x0], $0xffff;
	[tilespmem:s23+$0xFFFFFFE0] =	vst v10;
	v9 =	vadd.f32 v5, v13  }
0x3a0: {  	v5 =	vld.idx.msk [tilespmem:v11+s29+$0x0], $0xffff;
	[tilespmem:s23+$0xFFFFFFF0] =	vst v8  }
0x3a1: {  	v8 =	vld [tilespmem:s24+$0xFFFFFFE0];
	v10 =	vmul.f32 v14, v1;
	[tilespmem:s23+$0x0] =	vst v9;
	s23 =	smov.u32 s9  }
0x3a2: {  	s11 =	sadd.s32 $0x40, s11;
	v9 =	vld [tilespmem:s24+$0xFFFFFFF0]  }
0x3a3: {  	v1 =	vld [tilespmem:s24+$0x0]  }
0x3a4: {  	v11 =	vld [tilespmem:s9+$0xFFFFFFE0]  }
0x3a5: {  	v12 =	vld [tilespmem:s9+$0xFFFFFFF0]  }
0x3a6: {  	v13 =	vld [tilespmem:s9+$0x0]  }
0x3a7: {  	v6 =	vmul.f32 v8, v6  }
0x3a8: {  	v7 =	vadd.f32 v10, v7;
	v4 =	vmul.f32 v9, v4  }
0x3a9: {  	v1 =	vmul.f32 v1, v5;
	v5 =	vadd.f32 v6, v11  }
0x3aa: {  	[tilespmem:s9+$0x10] =	vst v7;
	v4 =	vadd.f32 v4, v12  }
0x3ab: {  	[tilespmem:s23+$0xFFFFFFE0] =	vst v5;
	v1 =	vadd.f32 v1, v13  }
0x3ac: {  	[tilespmem:s23+$0xFFFFFFF0] =	vst v4  }
0x3ad: {  	[tilespmem:s23+$0x0] =	vst v1  }
0x3ae: {  	v1 =	vld [tilespmem:s7+$0x10];
	_ =	sdelay $0x1  }
0x3af: {  	v4 =	vld [tilespmem:s7+$0xFFFFFFF0]  }
0x3b0: {  	v5 =	vld [tilespmem:s7+$0xFFFFFFE0]  }
0x3b1: {  	v8 =	vld [tilespmem:s7+$0x0];
	_ =	sdelay $0x2  }
0x3b2: {  	v9 =	vld [tilespmem:s22+$0x0]  }
0x3b3: {  	v1 =	vld.idx.msk [tilespmem:v1+s29+$0x0], $0xffff  }
0x3b4: {  	v7 =	vld [tilespmem:s8+$0x0]  }
0x3b5: {  	v4 =	vld.idx.msk [tilespmem:v4+s29+$0x0], $0xffff  }
0x3b6: {  	v6 =	vld.idx.msk [tilespmem:v5+s29+$0x0], $0xffff  }
0x3b7: {  	v5 =	vld.idx.msk [tilespmem:v8+s29+$0x0], $0xffff  }
0x3b8: {  	v8 =	vld [tilespmem:s22+$0xFFFFFFD0];
	v10 =	vmul.f32 v9, v1  }
0x3b9: {  	s10 =	simm.s32 $0x0;
	s11 =	simm.s32 $0x42E0;
	s24 =	simm.s32 $0x170;
	v9 =	vld [tilespmem:s22+$0xFFFFFFE0]  }
.LBB2_16:
0x3ba: {  	v1 =	vld [tilespmem:s11+$0x10];
	s10 =	sadd.s32 $0x4, s10;
	v7 =	vadd.f32 v10, v7  }
0x3bb: {  	v10 =	vld [tilespmem:s11+$0xFFFFFFF0];
	p0 =	slt.u32 s10, $0x10  }
0x3bc: {  	s7 =	simm.s32 $0x2B0;
	s9 =	simm.s32 $0xF30;
	v11 =	vld [tilespmem:s11+$0x0];
	[tilespmem:s8+$0x0] =	vst v7  }
0x3bd: {  	v12 =	vld [tilespmem:s11+$0xFFFFFFE0];
	v6 =	vmul.f32 v8, v6  }
0x3be: {  	v8 =	vmul.f32 v9, v4;
	v4 =	vld [tilespmem:s22+$0xFFFFFFF0]  }
0x3bf: {  	v7 =	vld [tilespmem:s8+$0xFFFFFFD0]  }
0x3c0: {  	v9 =	vld [tilespmem:s8+$0xFFFFFFE0]  }
0x3c1: {  	v13 =	vld [tilespmem:s8+$0xFFFFFFF0]  }
0x3c2: {  	s22 =	sadd.s32 $0x40, s22;
	v1 =	vld.idx.msk [tilespmem:v1+s29+$0x0], $0xffff  }
0x3c3: {  	v14 =	vld [tilespmem:s22+$0x0];
	v5 =	vmul.f32 v4, v5  }
0x3c4: {  	s8 =	sadd.s32 $0x40, s8;
	v4 =	vld.idx.msk [tilespmem:v10+s29+$0x0], $0xffff;
	v10 =	vadd.f32 v6, v7  }
.Ltmp7:
0x3c5: {  	v7 =	vld [tilespmem:s8+$0x0];
	v8 =	vadd.f32 v8, v9;
	(pc) =	sbr.rel @p0 .LBB2_16-.Ltmp7, $4  }
0x3c6: {  	v6 =	vld.idx.msk [tilespmem:v12+s29+$0x0], $0xffff;
	[tilespmem:s24+$0xFFFFFFD0] =	vst v10;
	v9 =	vadd.f32 v5, v13  }
0x3c7: {  	v5 =	vld.idx.msk [tilespmem:v11+s29+$0x0], $0xffff;
	[tilespmem:s24+$0xFFFFFFE0] =	vst v8  }
0x3c8: {  	v8 =	vld [tilespmem:s22+$0xFFFFFFD0];
	v10 =	vmul.f32 v14, v1;
	[tilespmem:s24+$0xFFFFFFF0] =	vst v9;
	s24 =	smov.u32 s8  }
0x3c9: {  	s11 =	sadd.s32 $0x40, s11;
	v9 =	vld [tilespmem:s22+$0xFFFFFFE0]  }
0x3ca: {  	v1 =	vld [tilespmem:s22+$0xFFFFFFF0]  }
0x3cb: {  	v11 =	vld [tilespmem:s8+$0xFFFFFFD0]  }
0x3cc: {  	v12 =	vld [tilespmem:s8+$0xFFFFFFE0]  }
0x3cd: {  	v13 =	vld [tilespmem:s8+$0xFFFFFFF0]  }
0x3ce: {  	v6 =	vmul.f32 v8, v6  }
0x3cf: {  	v7 =	vadd.f32 v10, v7;
	v4 =	vmul.f32 v9, v4  }
0x3d0: {  	v1 =	vmul.f32 v1, v5;
	v5 =	vadd.f32 v6, v11  }
0x3d1: {  	[tilespmem:s8+$0x0] =	vst v7;
	v4 =	vadd.f32 v4, v12  }
0x3d2: {  	[tilespmem:s24+$0xFFFFFFD0] =	vst v5;
	v1 =	vadd.f32 v1, v13  }
0x3d3: {  	[tilespmem:s24+$0xFFFFFFE0] =	vst v4  }
0x3d4: {  	s23 =	simm.s32 $0x42A0;
	[tilespmem:s24+$0xFFFFFFF0] =	vst v1  }
0x3d5: {  	v1 =	vld [tilespmem:s23+$0x10];
	_ =	sdelay $0x1  }
0x3d6: {  	v4 =	vld [tilespmem:s23+$0xFFFFFFF0]  }
0x3d7: {  	v5 =	vld [tilespmem:s23+$0xFFFFFFE0]  }
0x3d8: {  	v8 =	vld [tilespmem:s23+$0x0];
	_ =	sdelay $0x2  }
0x3d9: {  	v9 =	vld [tilespmem:s9+$0x0]  }
0x3da: {  	v1 =	vld.idx.msk [tilespmem:v1+s29+$0x0], $0xffff  }
0x3db: {  	v7 =	vld [tilespmem:s7+$0x0]  }
0x3dc: {  	v4 =	vld.idx.msk [tilespmem:v4+s29+$0x0], $0xffff  }
0x3dd: {  	v6 =	vld.idx.msk [tilespmem:v5+s29+$0x0], $0xffff  }
0x3de: {  	v5 =	vld.idx.msk [tilespmem:v8+s29+$0x0], $0xffff  }
0x3df: {  	v8 =	vld [tilespmem:s9+$0xFFFFFFD0];
	v10 =	vmul.f32 v9, v1  }
0x3e0: {  	s10 =	simm.s32 $0x0;
	s11 =	simm.s32 $0x42E0;
	s24 =	simm.s32 $0x2B0;
	v9 =	vld [tilespmem:s9+$0xFFFFFFE0]  }
.LBB2_18:
0x3e1: {  	v1 =	vld [tilespmem:s11+$0x10];
	s10 =	sadd.s32 $0x4, s10;
	v7 =	vadd.f32 v10, v7  }
0x3e2: {  	v10 =	vld [tilespmem:s11+$0xFFFFFFF0];
	p0 =	slt.u32 s10, $0x10  }
0x3e3: {  	s8 =	simm.s32 $0x3F0;
	s22 =	simm.s32 $0x1070;
	v11 =	vld [tilespmem:s11+$0x0];
	[tilespmem:s7+$0x0] =	vst v7  }
0x3e4: {  	v12 =	vld [tilespmem:s11+$0xFFFFFFE0];
	v6 =	vmul.f32 v8, v6  }
0x3e5: {  	v8 =	vmul.f32 v9, v4;
	v4 =	vld [tilespmem:s9+$0xFFFFFFF0]  }
0x3e6: {  	v7 =	vld [tilespmem:s7+$0xFFFFFFD0]  }
0x3e7: {  	v9 =	vld [tilespmem:s7+$0xFFFFFFE0]  }
0x3e8: {  	v13 =	vld [tilespmem:s7+$0xFFFFFFF0]  }
0x3e9: {  	s9 =	sadd.s32 $0x40, s9;
	v1 =	vld.idx.msk [tilespmem:v1+s29+$0x0], $0xffff  }
0x3ea: {  	v14 =	vld [tilespmem:s9+$0x0];
	v5 =	vmul.f32 v4, v5  }
0x3eb: {  	s7 =	sadd.s32 $0x40, s7;
	v4 =	vld.idx.msk [tilespmem:v10+s29+$0x0], $0xffff;
	v10 =	vadd.f32 v6, v7  }
.Ltmp8:
0x3ec: {  	v7 =	vld [tilespmem:s7+$0x0];
	v8 =	vadd.f32 v8, v9;
	(pc) =	sbr.rel @p0 .LBB2_18-.Ltmp8, $4  }
0x3ed: {  	v6 =	vld.idx.msk [tilespmem:v12+s29+$0x0], $0xffff;
	[tilespmem:s24+$0xFFFFFFD0] =	vst v10;
	v9 =	vadd.f32 v5, v13  }
0x3ee: {  	v5 =	vld.idx.msk [tilespmem:v11+s29+$0x0], $0xffff;
	[tilespmem:s24+$0xFFFFFFE0] =	vst v8  }
0x3ef: {  	v8 =	vld [tilespmem:s9+$0xFFFFFFD0];
	v10 =	vmul.f32 v14, v1;
	[tilespmem:s24+$0xFFFFFFF0] =	vst v9;
	s24 =	smov.u32 s7  }
0x3f0: {  	s11 =	sadd.s32 $0x40, s11;
	v9 =	vld [tilespmem:s9+$0xFFFFFFE0]  }
0x3f1: {  	v1 =	vld [tilespmem:s9+$0xFFFFFFF0]  }
0x3f2: {  	v11 =	vld [tilespmem:s7+$0xFFFFFFD0]  }
0x3f3: {  	v12 =	vld [tilespmem:s7+$0xFFFFFFE0]  }
0x3f4: {  	v13 =	vld [tilespmem:s7+$0xFFFFFFF0]  }
0x3f5: {  	v6 =	vmul.f32 v8, v6  }
0x3f6: {  	v7 =	vadd.f32 v10, v7;
	v4 =	vmul.f32 v9, v4  }
0x3f7: {  	v1 =	vmul.f32 v1, v5;
	v5 =	vadd.f32 v6, v11  }
0x3f8: {  	[tilespmem:s7+$0x0] =	vst v7;
	v4 =	vadd.f32 v4, v12  }
0x3f9: {  	[tilespmem:s24+$0xFFFFFFD0] =	vst v5;
	v1 =	vadd.f32 v1, v13  }
0x3fa: {  	[tilespmem:s24+$0xFFFFFFE0] =	vst v4  }
0x3fb: {  	[tilespmem:s24+$0xFFFFFFF0] =	vst v1  }
0x3fc: {  	v1 =	vld [tilespmem:s23+$0x10];
	_ =	sdelay $0x1  }
0x3fd: {  	v4 =	vld [tilespmem:s23+$0xFFFFFFF0]  }
0x3fe: {  	v5 =	vld [tilespmem:s23+$0xFFFFFFE0]  }
0x3ff: {  	v8 =	vld [tilespmem:s23+$0x0];
	_ =	sdelay $0x2  }
0x400: {  	v9 =	vld [tilespmem:s22+$0x0]  }
0x401: {  	v1 =	vld.idx.msk [tilespmem:v1+s29+$0x0], $0xffff  }
0x402: {  	v7 =	vld [tilespmem:s8+$0x0]  }
0x403: {  	v4 =	vld.idx.msk [tilespmem:v4+s29+$0x0], $0xffff  }
0x404: {  	v6 =	vld.idx.msk [tilespmem:v5+s29+$0x0], $0xffff  }
0x405: {  	v5 =	vld.idx.msk [tilespmem:v8+s29+$0x0], $0xffff  }
0x406: {  	v8 =	vld [tilespmem:s22+$0xFFFFFFD0];
	v10 =	vmul.f32 v9, v1  }
0x407: {  	s10 =	simm.s32 $0x0;
	s11 =	simm.s32 $0x42E0;
	s23 =	simm.s32 $0x3F0;
	v9 =	vld [tilespmem:s22+$0xFFFFFFE0]  }
.LBB2_20:
0x408: {  	v1 =	vld [tilespmem:s11+$0x10];
	s10 =	sadd.s32 $0x4, s10;
	v7 =	vadd.f32 v10, v7  }
0x409: {  	v10 =	vld [tilespmem:s11+$0xFFFFFFF0];
	p0 =	slt.u32 s10, $0x10  }
0x40a: {  	s7 =	simm.s32 $0x530;
	s9 =	simm.s32 $0x11B0;
	v11 =	vld [tilespmem:s11+$0x0];
	[tilespmem:s8+$0x0] =	vst v7  }
0x40b: {  	v12 =	vld [tilespmem:s11+$0xFFFFFFE0];
	v6 =	vmul.f32 v8, v6  }
0x40c: {  	v8 =	vmul.f32 v9, v4;
	v4 =	vld [tilespmem:s22+$0xFFFFFFF0]  }
0x40d: {  	v7 =	vld [tilespmem:s8+$0xFFFFFFD0]  }
0x40e: {  	v9 =	vld [tilespmem:s8+$0xFFFFFFE0]  }
0x40f: {  	v13 =	vld [tilespmem:s8+$0xFFFFFFF0]  }
0x410: {  	s22 =	sadd.s32 $0x40, s22;
	v1 =	vld.idx.msk [tilespmem:v1+s29+$0x0], $0xffff  }
0x411: {  	v14 =	vld [tilespmem:s22+$0x0];
	v5 =	vmul.f32 v4, v5  }
0x412: {  	s8 =	sadd.s32 $0x40, s8;
	v4 =	vld.idx.msk [tilespmem:v10+s29+$0x0], $0xffff;
	v10 =	vadd.f32 v6, v7  }
.Ltmp9:
0x413: {  	v7 =	vld [tilespmem:s8+$0x0];
	v8 =	vadd.f32 v8, v9;
	(pc) =	sbr.rel @p0 .LBB2_20-.Ltmp9, $4  }
0x414: {  	v6 =	vld.idx.msk [tilespmem:v12+s29+$0x0], $0xffff;
	[tilespmem:s23+$0xFFFFFFD0] =	vst v10;
	v9 =	vadd.f32 v5, v13  }
0x415: {  	v5 =	vld.idx.msk [tilespmem:v11+s29+$0x0], $0xffff;
	[tilespmem:s23+$0xFFFFFFE0] =	vst v8  }
0x416: {  	v8 =	vld [tilespmem:s22+$0xFFFFFFD0];
	v10 =	vmul.f32 v14, v1;
	[tilespmem:s23+$0xFFFFFFF0] =	vst v9;
	s23 =	smov.u32 s8  }
0x417: {  	s11 =	sadd.s32 $0x40, s11;
	v9 =	vld [tilespmem:s22+$0xFFFFFFE0]  }
0x418: {  	v1 =	vld [tilespmem:s22+$0xFFFFFFF0]  }
0x419: {  	v11 =	vld [tilespmem:s8+$0xFFFFFFD0]  }
0x41a: {  	v12 =	vld [tilespmem:s8+$0xFFFFFFE0]  }
0x41b: {  	v13 =	vld [tilespmem:s8+$0xFFFFFFF0]  }
0x41c: {  	v6 =	vmul.f32 v8, v6  }
0x41d: {  	v7 =	vadd.f32 v10, v7;
	v4 =	vmul.f32 v9, v4  }
0x41e: {  	v1 =	vmul.f32 v1, v5;
	v5 =	vadd.f32 v6, v11  }
0x41f: {  	[tilespmem:s8+$0x0] =	vst v7;
	v4 =	vadd.f32 v4, v12  }
0x420: {  	[tilespmem:s23+$0xFFFFFFD0] =	vst v5;
	v1 =	vadd.f32 v1, v13  }
0x421: {  	[tilespmem:s23+$0xFFFFFFE0] =	vst v4  }
0x422: {  	s24 =	simm.s32 $0x42A0;
	[tilespmem:s23+$0xFFFFFFF0] =	vst v1  }
0x423: {  	v1 =	vld [tilespmem:s24+$0x10];
	_ =	sdelay $0x1  }
0x424: {  	v4 =	vld [tilespmem:s24+$0xFFFFFFF0]  }
0x425: {  	v5 =	vld [tilespmem:s24+$0xFFFFFFE0]  }
0x426: {  	v8 =	vld [tilespmem:s24+$0x0];
	_ =	sdelay $0x2  }
0x427: {  	v9 =	vld [tilespmem:s9+$0x0]  }
0x428: {  	v1 =	vld.idx.msk [tilespmem:v1+s29+$0x0], $0xffff  }
0x429: {  	v7 =	vld [tilespmem:s7+$0x0]  }
0x42a: {  	v4 =	vld.idx.msk [tilespmem:v4+s29+$0x0], $0xffff  }
0x42b: {  	v6 =	vld.idx.msk [tilespmem:v5+s29+$0x0], $0xffff  }
0x42c: {  	v5 =	vld.idx.msk [tilespmem:v8+s29+$0x0], $0xffff  }
0x42d: {  	v8 =	vld [tilespmem:s9+$0xFFFFFFD0];
	v10 =	vmul.f32 v9, v1  }
0x42e: {  	s10 =	simm.s32 $0x0;
	s11 =	simm.s32 $0x42E0;
	s8 =	simm.s32 $0x530;
	v9 =	vld [tilespmem:s9+$0xFFFFFFE0]  }
.LBB2_22:
0x42f: {  	v1 =	vld [tilespmem:s11+$0x10];
	s10 =	sadd.s32 $0x4, s10;
	v7 =	vadd.f32 v10, v7  }
0x430: {  	v10 =	vld [tilespmem:s11+$0xFFFFFFF0];
	p0 =	slt.u32 s10, $0x10  }
0x431: {  	v11 =	vld [tilespmem:s11+$0x0];
	[tilespmem:s7+$0x0] =	vst v7  }
0x432: {  	v12 =	vld [tilespmem:s11+$0xFFFFFFE0];
	v6 =	vmul.f32 v8, v6  }
0x433: {  	v8 =	vmul.f32 v9, v4;
	v4 =	vld [tilespmem:s9+$0xFFFFFFF0]  }
0x434: {  	v7 =	vld [tilespmem:s7+$0xFFFFFFD0]  }
0x435: {  	v9 =	vld [tilespmem:s7+$0xFFFFFFE0]  }
0x436: {  	v13 =	vld [tilespmem:s7+$0xFFFFFFF0]  }
0x437: {  	s9 =	sadd.s32 $0x40, s9;
	v1 =	vld.idx.msk [tilespmem:v1+s29+$0x0], $0xffff  }
0x438: {  	v14 =	vld [tilespmem:s9+$0x0];
	v5 =	vmul.f32 v4, v5  }
0x439: {  	s7 =	sadd.s32 $0x40, s7;
	v4 =	vld.idx.msk [tilespmem:v10+s29+$0x0], $0xffff;
	v10 =	vadd.f32 v6, v7  }
.Ltmp10:
0x43a: {  	v7 =	vld [tilespmem:s7+$0x0];
	v8 =	vadd.f32 v8, v9;
	(pc) =	sbr.rel @p0 .LBB2_22-.Ltmp10, $4  }
0x43b: {  	v6 =	vld.idx.msk [tilespmem:v12+s29+$0x0], $0xffff;
	[tilespmem:s8+$0xFFFFFFD0] =	vst v10;
	v9 =	vadd.f32 v5, v13  }
0x43c: {  	v5 =	vld.idx.msk [tilespmem:v11+s29+$0x0], $0xffff;
	[tilespmem:s8+$0xFFFFFFE0] =	vst v8  }
0x43d: {  	v8 =	vld [tilespmem:s9+$0xFFFFFFD0];
	v10 =	vmul.f32 v14, v1;
	[tilespmem:s8+$0xFFFFFFF0] =	vst v9;
	s8 =	smov.u32 s7  }
0x43e: {  	s11 =	sadd.s32 $0x40, s11;
	v9 =	vld [tilespmem:s9+$0xFFFFFFE0]  }
0x43f: {  	v1 =	vld [tilespmem:s9+$0xFFFFFFF0]  }
0x440: {  	v11 =	vld [tilespmem:s7+$0xFFFFFFD0]  }
0x441: {  	v12 =	vld [tilespmem:s7+$0xFFFFFFE0]  }
0x442: {  	v13 =	vld [tilespmem:s7+$0xFFFFFFF0]  }
0x443: {  	v6 =	vmul.f32 v8, v6  }
0x444: {  	v7 =	vadd.f32 v10, v7;
	v4 =	vmul.f32 v9, v4  }
0x445: {  	v1 =	vmul.f32 v1, v5;
	v5 =	vadd.f32 v6, v11  }
0x446: {  	[tilespmem:s7+$0x0] =	vst v7;
	v4 =	vadd.f32 v4, v12  }
0x447: {  	s5 =	sadd.s32 $0x1, s5;
	[tilespmem:s8+$0xFFFFFFD0] =	vst v5;
	v1 =	vadd.f32 v1, v13  }
0x448: {  	p0 =	sne.s32 s5, s15;
	[tilespmem:s8+$0xFFFFFFE0] =	vst v4  }
.Ltmp11:
0x449: {  	[tilespmem:s8+$0xFFFFFFF0] =	vst v1;
	(pc) =	sbr.rel @p0 .LBB2_1-.Ltmp11, $4  }
0x44a: {  	[hbm4b:s14+s18] =	stream.strided.scatter [tilespmem:s2], [sflag:$0x8], $0x640, s19, s18, $0x38;
	[tilespmem:$0x43C0] =	vst v63  }
0x44b: {  	_ =	swait.ge [sflag:s3], $0x640  }
0x44c: {  	[sflag:s3] =	ssyncset.done $0x0  }
0x44d: {  	s22 =	simm.s32 $0x12C0;
	s23 =	simm.s32 $0x15E0;
	[sflag:s3] =	ssyncadd.s32 $0xFFFFF9C0  }
0x44e: {  	_ =	sfence.sel $0x180000  }
0x44f: {  	[bflag:$0x0] =	sbarrier.arrive $0xFFFF  }
0x450: {  	_ =	strace $0x90000047  }
0x451: {  	s0 =	stileid.u32;
	[bflag:$0x2] =	sbarrier.arrive $0xFFFF  }
0x452: {  	p0 =	sne.s32 s0, $0x0;
	s0 =	rddreg [dreg:$0x2]  }
0x453: {  	s0 =	sadd.s32 @!p0 $0x100000, s0  }
0x454: {  	[sflag:s0] =	ssyncadd.tile.s32 @!p0 $0x1;
	_ =	shalt  }
.Lfunc_end2:
_tile_overlayer_lowered:
.L_overlay_start_2:
0x455: {  	(tag) =	ssettag $0x2  }
0x456: {  	s0 =	rddreg [dreg:$0x0];
	s2 =	stileid.u32  }
0x457: {  	s1 =	rddreg [dreg:$0x1];
	p0 =	sne.s32 s2, $0x0  }
0x458: {  	s3 =	rddreg [dreg:$0x2];
	[bflag:$0x3] =	sbarrier.arrive $0xFFFF;
	s2 =	simm.s32 @!p0 $0x1C09  }
0x459: {  	[timem:s3], [sflag:s2] =	dma.local @!p0 [hbm:s0], s1  }
0x45a: {  	s0 =	simm.s32 @!p0 $0x9  }
0x45b: {  	_ =	swait.ge @!p0 [sflag:s0], s1  }
0x45c: {  	s1 =	ssub.s32 @!p0 $0x0, s1;
	[sflag:s0] =	ssyncset.done @!p0 $0x0  }
0x45d: {  	[sflag:s0] =	ssyncadd.s32 @!p0 s1  }
0x45e: {  	[bflag:$0x3] =	sbarrier.arrive $0xFFFF  }
0x45f: {  	_ =	shalt  }

</sc_bundles>
